<compile_context>
chip_gen: v7x
topology: tpu7x:2x2x1
jax: 0.10.2.dev20260603
libtpu: 0.0.44.dev20260713+nightly
codegen_flags: <defaults>
</compile_context>

<pallas_src>
import functools

import jax
import jax.numpy as jnp
from jax import lax
from jax.experimental import pallas as pl
from jax.experimental.pallas import tpu as pltpu
from jax.experimental.pallas import tpu_sc as plsc

_B = 8
_N = 2048
_EMB = 128
_MAXD = 25

_ROWS = _B * _N
_CR = 128
_NSTEP = _ROWS // _CR
_NBUF = 8

_INFO = plsc.get_sparse_core_info()
_NC = _INFO.num_cores
_NS = _INFO.num_subcores
_NW = _NC * _NS
_RPW = _ROWS // _NW
_TBL = (_MAXD + 1) * _EMB
_HROWS = _RPW // 2


def _deg_kernel(adj_hbm, idx_ref, buf, sems):
    def chunk_copy(t, slot):
        return pltpu.make_async_copy(
            adj_hbm.at[pl.ds(t * _CR, _CR), :], buf.at[slot], sems.at[slot]
        )

    for s in range(_NBUF):
        chunk_copy(s, s).start()

    def body(g, _):
        t0 = g * _NBUF
        for s in range(_NBUF):
            t = t0 + s
            chunk_copy(t, s).wait()
            deg = jnp.sum(buf[s], axis=1)
            idx = jnp.minimum(jnp.round(deg), float(_MAXD))
            idx = jnp.maximum(idx, 0.0).astype(jnp.int32)
            idx_ref[pl.ds(t, 1), :] = idx.reshape(1, _CR)

            @pl.when(t + _NBUF < _NSTEP)
            def _():
                chunk_copy(t + _NBUF, s).start()

        return 0

    lax.fori_loop(0, _NSTEP // _NBUF, body, 0)


_deg_call = pl.pallas_call(
    _deg_kernel,
    in_specs=[pl.BlockSpec(memory_space=pltpu.MemorySpace.HBM)],
    out_specs=pl.BlockSpec(memory_space=pltpu.MemorySpace.VMEM),
    out_shape=jax.ShapeDtypeStruct((_NSTEP, _CR), jnp.int32),
    scratch_shapes=[
        pltpu.VMEM((_NBUF, _CR, _N), jnp.float32),
        pltpu.SemaphoreType.DMA((_NBUF,)),
    ],
)


@functools.partial(
    pl.kernel,
    out_type=jax.ShapeDtypeStruct((_ROWS * _EMB,), jnp.float32),
    mesh=plsc.VectorSubcoreMesh(core_axis_name="c", subcore_axis_name="s"),
    compiler_params=pltpu.CompilerParams(needs_layout_passes=False),
    scratch_types=[
        pltpu.VMEM((_RPW,), jnp.int32),
        pltpu.VMEM((_TBL,), jnp.float32),
        pltpu.VMEM((_HROWS * _EMB,), jnp.float32),
    ],
)
def _gather_kernel(idx_hbm, table_hbm, out_hbm, idxs_v, table_v, rows_v):
    wid = lax.axis_index("s") * _NC + lax.axis_index("c")
    row0 = wid * _RPW
    pltpu.sync_copy(table_hbm, table_v)
    pltpu.sync_copy(idx_hbm.at[pl.ds(row0, _RPW)], idxs_v)

    for h in range(2):
        def group_gather(g, _, _h=h):
            idx16 = idxs_v[pl.ds(_h * _HROWS + g * 16, 16)] * _EMB
            for rr in range(16):
                t = idx16[rr]
                d = (g * 16 + rr) * _EMB
                for cg in range(_EMB // 16):
                    rows_v[pl.ds(d + cg * 16, 16)] = table_v[pl.ds(t + cg * 16, 16)]
            return 0

        lax.fori_loop(0, _HROWS // 16, group_gather, 0)
        pltpu.sync_copy(
            rows_v, out_hbm.at[pl.ds((row0 + h * _HROWS) * _EMB, _HROWS * _EMB)]
        )


def kernel(data, adj, dense, emb_weight):
    idx = _deg_call(adj.reshape(_ROWS, _N))
    out = _gather_kernel(idx.reshape(_ROWS), emb_weight.reshape(_TBL))
    return out.reshape(_B, _N, _EMB)

# --- scband reference (transcript-rebuilt; emitter-appended) ---
"""Pipeline reference for scband-degree-encoder-12352325943907 (READ-ONLY COPY).

The authoritative reference and input builder live on the scoring server;
editing this copy changes nothing except your own understanding.
"""

import jax, jax.numpy as jnp
import numpy as np

B = 8
N = 2048
EMB_DIM = 128
MAX_DEG = 25


def setup_inputs(seed: int = 0) -> dict:
    key = jax.random.key(seed)
    k_adj, k_w = jax.random.split(key)
    data = jnp.zeros((1,), dtype=jnp.int64)  # dummy; unused when adj is given and dense=True
    adj = jax.random.uniform(k_adj, (B, N, N), dtype=jnp.float32)
    dense = 1
    # learned parameter: Embedding(max_node_deg + 1, emb_dim).weight
    emb_weight = jax.random.normal(k_w, (MAX_DEG + 1, EMB_DIM), dtype=jnp.float32)
    return {"data": data, "adj": adj, "dense": dense, "emb_weight": emb_weight}


def reference(data, adj, dense, emb_weight):
    # deg = adj.sum(dim=-1)
    deg = jnp.sum(adj, axis=-1)  # [B, N]
    # int_deg = min(round(deg.detach()), max_node_deg)
    deg_sg = jax.lax.stop_gradient(deg)
    int_deg = jnp.minimum(jnp.round(deg_sg), float(MAX_DEG)).astype(jnp.int32)
    # one-hot, then replace the 1-entries with (1 + deg - deg.detach()) (straight-through)
    onehot = jax.nn.one_hot(int_deg, MAX_DEG + 1, dtype=jnp.float32)  # [B, N, 26]
    scale = (1.0 + deg - deg_sg)[..., None]
    onehot = onehot * scale
    # out = onehot @ embedding.weight
    out = onehot @ emb_weight  # [B, N, EMB_DIM]
    # dense=True path: return batched dense output directly
    return out

if __name__ == "__main__":
    import jax
    _d = setup_inputs()
    print(jax.jit(kernel)(*tuple(_d.values())))

</pallas_src>

<mosaic_0001>
#map = affine_map<(d0, d1) -> (0)>
module attributes {stable_mosaic.version = 14 : i64} {
  func.func @_gather_kernel(%arg0: i32, %arg1: i32, %arg2: memref<16384xi32, #tpu.memory_space<hbm>>, %arg3: memref<3328xf32, #tpu.memory_space<hbm>>, %arg4: memref<2097152xf32, #tpu.memory_space<hbm>>, %arg5: memref<512xi32, #tpu.memory_space<vmem>>, %arg6: memref<3328xf32, #tpu.memory_space<vmem>>, %arg7: memref<32768xf32, #tpu.memory_space<vmem>>) attributes {dimension_semantics = [#tpu.dimension_semantics<core_parallel>, #tpu.dimension_semantics<subcore_parallel>], iteration_bounds = array<i64: 2, 16>, scalar_prefetch = 0 : i64, scratch_operands = 3 : i64, tpu.core_type = #tpu.core_type<sc_vector_subcore>, window_params = [{transform_indices = #map}, {transform_indices = #map}, {transform_indices = #map}]} {
    %mul3A = arith.constant 2 : i32
    %mul3A_0 = arith.muli %arg1, %mul3A : i32
    %add3A = arith.addi %mul3A_0, %arg0 : i32
    %mul3A_1 = arith.constant 512 : i32
    %mul3A_2 = arith.muli %add3A, %mul3A_1 : i32
    "tpu.region"() ({
      %run_scoped3A = tpu.sem_alloc : memref<!tpu.dma_semaphore, #tpu.memory_space<semaphore_mem>>
      tpu.enqueue_dma source(%arg3 : memref<3328xf32, #tpu.memory_space<hbm>>) target(%arg6 : memref<3328xf32, #tpu.memory_space<vmem>>) target_semaphore(%run_scoped3A : memref<!tpu.dma_semaphore, #tpu.memory_space<semaphore_mem>>)
      tpu.wait_dma2 semaphore(%run_scoped3A : memref<!tpu.dma_semaphore, #tpu.memory_space<semaphore_mem>>) src(%arg3 : memref<3328xf32, #tpu.memory_space<hbm>>) dst(%arg6 : memref<3328xf32, #tpu.memory_space<vmem>>)
      tpu.yield
    }) : () -> ()
    "tpu.region"() ({
      %run_scoped3A = tpu.sem_alloc : memref<!tpu.dma_semaphore, #tpu.memory_space<semaphore_mem>>
      %dma_start3A = tpu.memref_slice %arg2[%mul3A_2] : memref<16384xi32, #tpu.memory_space<hbm>> -> memref<512xi32, #tpu.memory_space<hbm>>
      %dma_start3A_24 = tpu.memref_slice %arg2[%mul3A_2] : memref<16384xi32, #tpu.memory_space<hbm>> -> memref<512xi32, #tpu.memory_space<hbm>>
      tpu.enqueue_dma source(%dma_start3A_24 : memref<512xi32, #tpu.memory_space<hbm>>) target(%arg5 : memref<512xi32, #tpu.memory_space<vmem>>) target_semaphore(%run_scoped3A : memref<!tpu.dma_semaphore, #tpu.memory_space<semaphore_mem>>)
      %dma_wait3A = tpu.memref_slice %arg2[%mul3A_2] : memref<16384xi32, #tpu.memory_space<hbm>> -> memref<512xi32, #tpu.memory_space<hbm>>
      %dma_wait3A_25 = tpu.memref_slice %arg2[%mul3A_2] : memref<16384xi32, #tpu.memory_space<hbm>> -> memref<512xi32, #tpu.memory_space<hbm>>
      tpu.wait_dma2 semaphore(%run_scoped3A : memref<!tpu.dma_semaphore, #tpu.memory_space<semaphore_mem>>) src(%dma_wait3A_25 : memref<512xi32, #tpu.memory_space<hbm>>) dst(%arg5 : memref<512xi32, #tpu.memory_space<vmem>>)
      tpu.yield
    }) : () -> ()
    %scan3A = arith.constant 0 : i32
    %scan3A_3 = arith.constant 0 : i32
    %scan3A_4 = arith.constant 16 : i32
    %scan3A_5 = arith.addi %scan3A_3, %scan3A_4 : i32
    %scan3A_6 = arith.constant 1 : i32
    %scan3A_7 = scf.for %scan3A_24 = %scan3A_3 to %scan3A_5 step %scan3A_6 iter_args(%scan3A_25 = %scan3A) -> (i32)  : i32 {
      %mul3A_26 = arith.constant 16 : i32
      %mul3A_27 = arith.muli %scan3A_24, %mul3A_26 : i32
      %add3A_28 = arith.constant 0 : i32
      %add3A_29 = arith.addi %add3A_28, %mul3A_27 : i32
      %get3A = arith.index_cast %add3A_29 : i32 to index
      %get3A_30 = tpu.vector_load %arg5[%get3A] {strides = array<i32>} : memref<512xi32, #tpu.memory_space<vmem>>, vector<16xi32>,
      %mul3A_31 = arith.constant 128 : i32
      %mul3A_32 = vector.broadcast %mul3A_31 : i32 to vector<16xi32>
      %mul3A_33 = arith.muli %get3A_30, %mul3A_32 : vector<16xi32>
      %slice3A = vector.extract_strided_slice %mul3A_33 {offsets = [0], sizes = [1], strides = [1]} : vector<16xi32> to vector<1xi32>
      %squeeze3A = vector.extract %slice3A[0] : i32 from vector<1xi32>
      %mul3A_34 = arith.constant 16 : i32
      %mul3A_35 = arith.muli %scan3A_24, %mul3A_34 : i32
      %add3A_36 = arith.constant 0 : i32
      %add3A_37 = arith.addi %mul3A_35, %add3A_36 : i32
      %mul3A_38 = arith.constant 128 : i32
      %mul3A_39 = arith.muli %add3A_37, %mul3A_38 : i32
      %add3A_40 = arith.constant 0 : i32
      %add3A_41 = arith.addi %squeeze3A, %add3A_40 : i32
      %get3A_42 = arith.index_cast %add3A_41 : i32 to index
      %get3A_43 = tpu.vector_load %arg6[%get3A_42] {strides = array<i32>} : memref<3328xf32, #tpu.memory_space<vmem>>, vector<16xf32>,
      %add3A_44 = arith.constant 0 : i32
      %add3A_45 = arith.addi %mul3A_39, %add3A_44 : i32
      %swap3A = arith.index_cast %add3A_45 : i32 to index
      %swap3A_46 = tpu.vector_load %arg7[%swap3A] {strides = array<i32>} : memref<32768xf32, #tpu.memory_space<vmem>>, vector<16xf32>,
      tpu.vector_store %arg7[%swap3A], %get3A_43 {strides = array<i32>} : memref<32768xf32, #tpu.memory_space<vmem>>, vector<16xf32>,
      %add3A_47 = arith.constant 16 : i32
      %add3A_48 = arith.addi %squeeze3A, %add3A_47 : i32
      %get3A_49 = arith.index_cast %add3A_48 : i32 to index
      %get3A_50 = tpu.vector_load %arg6[%get3A_49] {strides = array<i32>} : memref<3328xf32, #tpu.memory_space<vmem>>, vector<16xf32>,
      %add3A_51 = arith.constant 16 : i32
      %add3A_52 = arith.addi %mul3A_39, %add3A_51 : i32
      %swap3A_53 = arith.index_cast %add3A_52 : i32 to index
      %swap3A_54 = tpu.vector_load %arg7[%swap3A_53] {strides = array<i32>} : memref<32768xf32, #tpu.memory_space<vmem>>, vector<16xf32>,
      tpu.vector_store %arg7[%swap3A_53], %get3A_50 {strides = array<i32>} : memref<32768xf32, #tpu.memory_space<vmem>>, vector<16xf32>,
      %add3A_55 = arith.constant 32 : i32
      %add3A_56 = arith.addi %squeeze3A, %add3A_55 : i32
      %get3A_57 = arith.index_cast %add3A_56 : i32 to index
      %get3A_58 = tpu.vector_load %arg6[%get3A_57] {strides = array<i32>} : memref<3328xf32, #tpu.memory_space<vmem>>, vector<16xf32>,
      %add3A_59 = arith.constant 32 : i32
      %add3A_60 = arith.addi %mul3A_39, %add3A_59 : i32
      %swap3A_61 = arith.index_cast %add3A_60 : i32 to index
      %swap3A_62 = tpu.vector_load %arg7[%swap3A_61] {strides = array<i32>} : memref<32768xf32, #tpu.memory_space<vmem>>, vector<16xf32>,
      tpu.vector_store %arg7[%swap3A_61], %get3A_58 {strides = array<i32>} : memref<32768xf32, #tpu.memory_space<vmem>>, vector<16xf32>,
      %add3A_63 = arith.constant 48 : i32
      %add3A_64 = arith.addi %squeeze3A, %add3A_63 : i32
      %get3A_65 = arith.index_cast %add3A_64 : i32 to index
      %get3A_66 = tpu.vector_load %arg6[%get3A_65] {strides = array<i32>} : memref<3328xf32, #tpu.memory_space<vmem>>, vector<16xf32>,
      %add3A_67 = arith.constant 48 : i32
      %add3A_68 = arith.addi %mul3A_39, %add3A_67 : i32
      %swap3A_69 = arith.index_cast %add3A_68 : i32 to index
      %swap3A_70 = tpu.vector_load %arg7[%swap3A_69] {strides = array<i32>} : memref<32768xf32, #tpu.memory_space<vmem>>, vector<16xf32>,
      tpu.vector_store %arg7[%swap3A_69], %get3A_66 {strides = array<i32>} : memref<32768xf32, #tpu.memory_space<vmem>>, vector<16xf32>,
      %add3A_71 = arith.constant 64 : i32
      %add3A_72 = arith.addi %squeeze3A, %add3A_71 : i32
      %get3A_73 = arith.index_cast %add3A_72 : i32 to index
      %get3A_74 = tpu.vector_load %arg6[%get3A_73] {strides = array<i32>} : memref<3328xf32, #tpu.memory_space<vmem>>, vector<16xf32>,
      %add3A_75 = arith.constant 64 : i32
      %add3A_76 = arith.addi %mul3A_39, %add3A_75 : i32
      %swap3A_77 = arith.index_cast %add3A_76 : i32 to index
      %swap3A_78 = tpu.vector_load %arg7[%swap3A_77] {strides = array<i32>} : memref<32768xf32, #tpu.memory_space<vmem>>, vector<16xf32>,
      tpu.vector_store %arg7[%swap3A_77], %get3A_74 {strides = array<i32>} : memref<32768xf32, #tpu.memory_space<vmem>>, vector<16xf32>,
      %add3A_79 = arith.constant 80 : i32
      %add3A_80 = arith.addi %squeeze3A, %add3A_79 : i32
      %get3A_81 = arith.index_cast %add3A_80 : i32 to index
      %get3A_82 = tpu.vector_load %arg6[%get3A_81] {strides = array<i32>} : memref<3328xf32, #tpu.memory_space<vmem>>, vector<16xf32>,
      %add3A_83 = arith.constant 80 : i32
      %add3A_84 = arith.addi %mul3A_39, %add3A_83 : i32
      %swap3A_85 = arith.index_cast %add3A_84 : i32 to index
      %swap3A_86 = tpu.vector_load %arg7[%swap3A_85] {strides = array<i32>} : memref<32768xf32, #tpu.memory_space<vmem>>, vector<16xf32>,
      tpu.vector_store %arg7[%swap3A_85], %get3A_82 {strides = array<i32>} : memref<32768xf32, #tpu.memory_space<vmem>>, vector<16xf32>,
      %add3A_87 = arith.constant 96 : i32
      %add3A_88 = arith.addi %squeeze3A, %add3A_87 : i32
      %get3A_89 = arith.index_cast %add3A_88 : i32 to index
      %get3A_90 = tpu.vector_load %arg6[%get3A_89] {strides = array<i32>} : memref<3328xf32, #tpu.memory_space<vmem>>, vector<16xf32>,
      %add3A_91 = arith.constant 96 : i32
      %add3A_92 = arith.addi %mul3A_39, %add3A_91 : i32
      %swap3A_93 = arith.index_cast %add3A_92 : i32 to index
      %swap3A_94 = tpu.vector_load %arg7[%swap3A_93] {strides = array<i32>} : memref<32768xf32, #tpu.memory_space<vmem>>, vector<16xf32>,
      tpu.vector_store %arg7[%swap3A_93], %get3A_90 {strides = array<i32>} : memref<32768xf32, #tpu.memory_space<vmem>>, vector<16xf32>,
      %add3A_95 = arith.constant 112 : i32
      %add3A_96 = arith.addi %squeeze3A, %add3A_95 : i32
      %get3A_97 = arith.index_cast %add3A_96 : i32 to index
      %get3A_98 = tpu.vector_load %arg6[%get3A_97] {strides = array<i32>} : memref<3328xf32, #tpu.memory_space<vmem>>, vector<16xf32>,
      %add3A_99 = arith.constant 112 : i32
      %add3A_100 = arith.addi %mul3A_39, %add3A_99 : i32
      %swap3A_101 = arith.index_cast %add3A_100 : i32 to index
      %swap3A_102 = tpu.vector_load %arg7[%swap3A_101] {strides = array<i32>} : memref<32768xf32, #tpu.memory_space<vmem>>, vector<16xf32>,
      tpu.vector_store %arg7[%swap3A_101], %get3A_98 {strides = array<i32>} : memref<32768xf32, #tpu.memory_space<vmem>>, vector<16xf32>,
      %slice3A_103 = vector.extract_strided_slice %mul3A_33 {offsets = [1], sizes = [1], strides = [1]} : vector<16xi32> to vector<1xi32>
      %squeeze3A_104 = vector.extract %slice3A_103[0] : i32 from vector<1xi32>
      %mul3A_105 = arith.constant 16 : i32
      %mul3A_106 = arith.muli %scan3A_24, %mul3A_105 : i32
      %add3A_107 = arith.constant 1 : i32
      %add3A_108 = arith.addi %mul3A_106, %add3A_107 : i32
      %mul3A_109 = arith.constant 128 : i32
      %mul3A_110 = arith.muli %add3A_108, %mul3A_109 : i32
      %add3A_111 = arith.constant 0 : i32
      %add3A_112 = arith.addi %squeeze3A_104, %add3A_111 : i32
      %get3A_113 = arith.index_cast %add3A_112 : i32 to index
      %get3A_114 = tpu.vector_load %arg6[%get3A_113] {strides = array<i32>} : memref<3328xf32, #tpu.memory_space<vmem>>, vector<16xf32>,
      %add3A_115 = arith.constant 0 : i32
      %add3A_116 = arith.addi %mul3A_110, %add3A_115 : i32
      %swap3A_117 = arith.index_cast %add3A_116 : i32 to index
      %swap3A_118 = tpu.vector_load %arg7[%swap3A_117] {strides = array<i32>} : memref<32768xf32, #tpu.memory_space<vmem>>, vector<16xf32>,
      tpu.vector_store %arg7[%swap3A_117], %get3A_114 {strides = array<i32>} : memref<32768xf32, #tpu.memory_space<vmem>>, vector<16xf32>,
      %add3A_119 = arith.constant 16 : i32
      %add3A_120 = arith.addi %squeeze3A_104, %add3A_119 : i32
      %get3A_121 = arith.index_cast %add3A_120 : i32 to index
      %get3A_122 = tpu.vector_load %arg6[%get3A_121] {strides = array<i32>} : memref<3328xf32, #tpu.memory_space<vmem>>, vector<16xf32>,
      %add3A_123 = arith.constant 16 : i32
      %add3A_124 = arith.addi %mul3A_110, %add3A_123 : i32
      %swap3A_125 = arith.index_cast %add3A_124 : i32 to index
      %swap3A_126 = tpu.vector_load %arg7[%swap3A_125] {strides = array<i32>} : memref<32768xf32, #tpu.memory_space<vmem>>, vector<16xf32>,
      tpu.vector_store %arg7[%swap3A_125], %get3A_122 {strides = array<i32>} : memref<32768xf32, #tpu.memory_space<vmem>>, vector<16xf32>,
      %add3A_127 = arith.constant 32 : i32
      %add3A_128 = arith.addi %squeeze3A_104, %add3A_127 : i32
      %get3A_129 = arith.index_cast %add3A_128 : i32 to index
      %get3A_130 = tpu.vector_load %arg6[%get3A_129] {strides = array<i32>} : memref<3328xf32, #tpu.memory_space<vmem>>, vector<16xf32>,
      %add3A_131 = arith.constant 32 : i32
      %add3A_132 = arith.addi %mul3A_110, %add3A_131 : i32
      %swap3A_133 = arith.index_cast %add3A_132 : i32 to index
      %swap3A_134 = tpu.vector_load %arg7[%swap3A_133] {strides = array<i32>} : memref<32768xf32, #tpu.memory_space<vmem>>, vector<16xf32>,
      tpu.vector_store %arg7[%swap3A_133], %get3A_130 {strides = array<i32>} : memref<32768xf32, #tpu.memory_space<vmem>>, vector<16xf32>,
      %add3A_135 = arith.constant 48 : i32
      %add3A_136 = arith.addi %squeeze3A_104, %add3A_135 : i32
      %get3A_137 = arith.index_cast %add3A_136 : i32 to index
      %get3A_138 = tpu.vector_load %arg6[%get3A_137] {strides = array<i32>} : memref<3328xf32, #tpu.memory_space<vmem>>, vector<16xf32>,
      %add3A_139 = arith.constant 48 : i32
      %add3A_140 = arith.addi %mul3A_110, %add3A_139 : i32
      %swap3A_141 = arith.index_cast %add3A_140 : i32 to index
      %swap3A_142 = tpu.vector_load %arg7[%swap3A_141] {strides = array<i32>} : memref<32768xf32, #tpu.memory_space<vmem>>, vector<16xf32>,
      tpu.vector_store %arg7[%swap3A_141], %get3A_138 {strides = array<i32>} : memref<32768xf32, #tpu.memory_space<vmem>>, vector<16xf32>,
      %add3A_143 = arith.constant 64 : i32
      %add3A_144 = arith.addi %squeeze3A_104, %add3A_143 : i32
      %get3A_145 = arith.index_cast %add3A_144 : i32 to index
      %get3A_146 = tpu.vector_load %arg6[%get3A_145] {strides = array<i32>} : memref<3328xf32, #tpu.memory_space<vmem>>, vector<16xf32>,
      %add3A_147 = arith.constant 64 : i32
      %add3A_148 = arith.addi %mul3A_110, %add3A_147 : i32
      %swap3A_149 = arith.index_cast %add3A_148 : i32 to index
      %swap3A_150 = tpu.vector_load %arg7[%swap3A_149] {strides = array<i32>} : memref<32768xf32, #tpu.memory_space<vmem>>, vector<16xf32>,
      tpu.vector_store %arg7[%swap3A_149], %get3A_146 {strides = array<i32>} : memref<32768xf32, #tpu.memory_space<vmem>>, vector<16xf32>,
      %add3A_151 = arith.constant 80 : i32
      %add3A_152 = arith.addi %squeeze3A_104, %add3A_151 : i32
      %get3A_153 = arith.index_cast %add3A_152 : i32 to index
      %get3A_154 = tpu.vector_load %arg6[%get3A_153] {strides = array<i32>} : memref<3328xf32, #tpu.memory_space<vmem>>, vector<16xf32>,
      %add3A_155 = arith.constant 80 : i32
      %add3A_156 = arith.addi %mul3A_110, %add3A_155 : i32
      %swap3A_157 = arith.index_cast %add3A_156 : i32 to index
      %swap3A_158 = tpu.vector_load %arg7[%swap3A_157] {strides = array<i32>} : memref<32768xf32, #tpu.memory_space<vmem>>, vector<16xf32>,
      tpu.vector_store %arg7[%swap3A_157], %get3A_154 {strides = array<i32>} : memref<32768xf32, #tpu.memory_space<vmem>>, vector<16xf32>,
      %add3A_159 = arith.constant 96 : i32
      %add3A_160 = arith.addi %squeeze3A_104, %add3A_159 : i32
      %get3A_161 = arith.index_cast %add3A_160 : i32 to index
      %get3A_162 = tpu.vector_load %arg6[%get3A_161] {strides = array<i32>} : memref<3328xf32, #tpu.memory_space<vmem>>, vector<16xf32>,
      %add3A_163 = arith.constant 96 : i32
      %add3A_164 = arith.addi %mul3A_110, %add3A_163 : i32
      %swap3A_165 = arith.index_cast %add3A_164 : i32 to index
      %swap3A_166 = tpu.vector_load %arg7[%swap3A_165] {strides = array<i32>} : memref<32768xf32, #tpu.memory_space<vmem>>, vector<16xf32>,
      tpu.vector_store %arg7[%swap3A_165], %get3A_162 {strides = array<i32>} : memref<32768xf32, #tpu.memory_space<vmem>>, vector<16xf32>,
      %add3A_167 = arith.constant 112 : i32
      %add3A_168 = arith.addi %squeeze3A_104, %add3A_167 : i32
      %get3A_169 = arith.index_cast %add3A_168 : i32 to index
      %get3A_170 = tpu.vector_load %arg6[%get3A_169] {strides = array<i32>} : memref<3328xf32, #tpu.memory_space<vmem>>, vector<16xf32>,
      %add3A_171 = arith.constant 112 : i32
      %add3A_172 = arith.addi %mul3A_110, %add3A_171 : i32
      %swap3A_173 = arith.index_cast %add3A_172 : i32 to index
      %swap3A_174 = tpu.vector_load %arg7[%swap3A_173] {strides = array<i32>} : memref<32768xf32, #tpu.memory_space<vmem>>, vector<16xf32>,
      tpu.vector_store %arg7[%swap3A_173], %get3A_170 {strides = array<i32>} : memref<32768xf32, #tpu.memory_space<vmem>>, vector<16xf32>,
      %slice3A_175 = vector.extract_strided_slice %mul3A_33 {offsets = [2], sizes = [1], strides = [1]} : vector<16xi32> to vector<1xi32>
      %squeeze3A_176 = vector.extract %slice3A_175[0] : i32 from vector<1xi32>
      %mul3A_177 = arith.constant 16 : i32
      %mul3A_178 = arith.muli %scan3A_24, %mul3A_177 : i32
      %add3A_179 = arith.constant 2 : i32
      %add3A_180 = arith.addi %mul3A_178, %add3A_179 : i32
      %mul3A_181 = arith.constant 128 : i32
      %mul3A_182 = arith.muli %add3A_180, %mul3A_181 : i32
      %add3A_183 = arith.constant 0 : i32
      %add3A_184 = arith.addi %squeeze3A_176, %add3A_183 : i32
      %get3A_185 = arith.index_cast %add3A_184 : i32 to index
      %get3A_186 = tpu.vector_load %arg6[%get3A_185] {strides = array<i32>} : memref<3328xf32, #tpu.memory_space<vmem>>, vector<16xf32>,
      %add3A_187 = arith.constant 0 : i32
      %add3A_188 = arith.addi %mul3A_182, %add3A_187 : i32
      %swap3A_189 = arith.index_cast %add3A_188 : i32 to index
      %swap3A_190 = tpu.vector_load %arg7[%swap3A_189] {strides = array<i32>} : memref<32768xf32, #tpu.memory_space<vmem>>, vector<16xf32>,
      tpu.vector_store %arg7[%swap3A_189], %get3A_186 {strides = array<i32>} : memref<32768xf32, #tpu.memory_space<vmem>>, vector<16xf32>,
      %add3A_191 = arith.constant 16 : i32
      %add3A_192 = arith.addi %squeeze3A_176, %add3A_191 : i32
      %get3A_193 = arith.index_cast %add3A_192 : i32 to index
      %get3A_194 = tpu.vector_load %arg6[%get3A_193] {strides = array<i32>} : memref<3328xf32, #tpu.memory_space<vmem>>, vector<16xf32>,
      %add3A_195 = arith.constant 16 : i32
      %add3A_196 = arith.addi %mul3A_182, %add3A_195 : i32
      %swap3A_197 = arith.index_cast %add3A_196 : i32 to index
      %swap3A_198 = tpu.vector_load %arg7[%swap3A_197] {strides = array<i32>} : memref<32768xf32, #tpu.memory_space<vmem>>, vector<16xf32>,
      tpu.vector_store %arg7[%swap3A_197], %get3A_194 {strides = array<i32>} : memref<32768xf32, #tpu.memory_space<vmem>>, vector<16xf32>,
      %add3A_199 = arith.constant 32 : i32
      %add3A_200 = arith.addi %squeeze3A_176, %add3A_199 : i32
      %get3A_201 = arith.index_cast %add3A_200 : i32 to index
      %get3A_202 = tpu.vector_load %arg6[%get3A_201] {strides = array<i32>} : memref<3328xf32, #tpu.memory_space<vmem>>, vector<16xf32>,
      %add3A_203 = arith.constant 32 : i32
      %add3A_204 = arith.addi %mul3A_182, %add3A_203 : i32
      %swap3A_205 = arith.index_cast %add3A_204 : i32 to index
      %swap3A_206 = tpu.vector_load %arg7[%swap3A_205] {strides = array<i32>} : memref<32768xf32, #tpu.memory_space<vmem>>, vector<16xf32>,
      tpu.vector_store %arg7[%swap3A_205], %get3A_202 {strides = array<i32>} : memref<32768xf32, #tpu.memory_space<vmem>>, vector<16xf32>,
      %add3A_207 = arith.constant 48 : i32
      %add3A_208 = arith.addi %squeeze3A_176, %add3A_207 : i32
      %get3A_209 = arith.index_cast %add3A_208 : i32 to index
      %get3A_210 = tpu.vector_load %arg6[%get3A_209] {strides = array<i32>} : memref<3328xf32, #tpu.memory_space<vmem>>, vector<16xf32>,
      %add3A_211 = arith.constant 48 : i32
      %add3A_212 = arith.addi %mul3A_182, %add3A_211 : i32
      %swap3A_213 = arith.index_cast %add3A_212 : i32 to index
      %swap3A_214 = tpu.vector_load %arg7[%swap3A_213] {strides = array<i32>} : memref<32768xf32, #tpu.memory_space<vmem>>, vector<16xf32>,
      tpu.vector_store %arg7[%swap3A_213], %get3A_210 {strides = array<i32>} : memref<32768xf32, #tpu.memory_space<vmem>>, vector<16xf32>,
      %add3A_215 = arith.constant 64 : i32
      %add3A_216 = arith.addi %squeeze3A_176, %add3A_215 : i32
      %get3A_217 = arith.index_cast %add3A_216 : i32 to index
      %get3A_218 = tpu.vector_load %arg6[%get3A_217] {strides = array<i32>} : memref<3328xf32, #tpu.memory_space<vmem>>, vector<16xf32>,
      %add3A_219 = arith.constant 64 : i32
      %add3A_220 = arith.addi %mul3A_182, %add3A_219 : i32
      %swap3A_221 = arith.index_cast %add3A_220 : i32 to index
      %swap3A_222 = tpu.vector_load %arg7[%swap3A_221] {strides = array<i32>} : memref<32768xf32, #tpu.memory_space<vmem>>, vector<16xf32>,
      tpu.vector_store %arg7[%swap3A_221], %get3A_218 {strides = array<i32>} : memref<32768xf32, #tpu.memory_space<vmem>>, vector<16xf32>,
      %add3A_223 = arith.constant 80 : i32
      %add3A_224 = arith.addi %squeeze3A_176, %add3A_223 : i32
      %get3A_225 = arith.index_cast %add3A_224 : i32 to index
      %get3A_226 = tpu.vector_load %arg6[%get3A_225] {strides = array<i32>} : memref<3328xf32, #tpu.memory_space<vmem>>, vector<16xf32>,
      %add3A_227 = arith.constant 80 : i32
      %add3A_228 = arith.addi %mul3A_182, %add3A_227 : i32
      %swap3A_229 = arith.index_cast %add3A_228 : i32 to index
      %swap3A_230 = tpu.vector_load %arg7[%swap3A_229] {strides = array<i32>} : memref<32768xf32, #tpu.memory_space<vmem>>, vector<16xf32>,
      tpu.vector_store %arg7[%swap3A_229], %get3A_226 {strides = array<i32>} : memref<32768xf32, #tpu.memory_space<vmem>>, vector<16xf32>,
      %add3A_231 = arith.constant 96 : i32
      %add3A_232 = arith.addi %squeeze3A_176, %add3A_231 : i32
      %get3A_233 = arith.index_cast %add3A_232 : i32 to index
      %get3A_234 = tpu.vector_load %arg6[%get3A_233] {strides = array<i32>} : memref<3328xf32, #tpu.memory_space<vmem>>, vector<16xf32>,
      %add3A_235 = arith.constant 96 : i32
      %add3A_236 = arith.addi %mul3A_182, %add3A_235 : i32
      %swap3A_237 = arith.index_cast %add3A_236 : i32 to index
      %swap3A_238 = tpu.vector_load %arg7[%swap3A_237] {strides = array<i32>} : memref<32768xf32, #tpu.memory_space<vmem>>, vector<16xf32>,
      tpu.vector_store %arg7[%swap3A_237], %get3A_234 {strides = array<i32>} : memref<32768xf32, #tpu.memory_space<vmem>>, vector<16xf32>,
      %add3A_239 = arith.constant 112 : i32
      %add3A_240 = arith.addi %squeeze3A_176, %add3A_239 : i32
      %get3A_241 = arith.index_cast %add3A_240 : i32 to index
      %get3A_242 = tpu.vector_load %arg6[%get3A_241] {strides = array<i32>} : memref<3328xf32, #tpu.memory_space<vmem>>, vector<16xf32>,
      %add3A_243 = arith.constant 112 : i32
      %add3A_244 = arith.addi %mul3A_182, %add3A_243 : i32
      %swap3A_245 = arith.index_cast %add3A_244 : i32 to index
      %swap3A_246 = tpu.vector_load %arg7[%swap3A_245] {strides = array<i32>} : memref<32768xf32, #tpu.memory_space<vmem>>, vector<16xf32>,
      tpu.vector_store %arg7[%swap3A_245], %get3A_242 {strides = array<i32>} : memref<32768xf32, #tpu.memory_space<vmem>>, vector<16xf32>,
      %slice3A_247 = vector.extract_strided_slice %mul3A_33 {offsets = [3], sizes = [1], strides = [1]} : vector<16xi32> to vector<1xi32>
      %squeeze3A_248 = vector.extract %slice3A_247[0] : i32 from vector<1xi32>
      %mul3A_249 = arith.constant 16 : i32
      %mul3A_250 = arith.muli %scan3A_24, %mul3A_249 : i32
      %add3A_251 = arith.constant 3 : i32
      %add3A_252 = arith.addi %mul3A_250, %add3A_251 : i32
      %mul3A_253 = arith.constant 128 : i32
      %mul3A_254 = arith.muli %add3A_252, %mul3A_253 : i32
      %add3A_255 = arith.constant 0 : i32
      %add3A_256 = arith.addi %squeeze3A_248, %add3A_255 : i32
      %get3A_257 = arith.index_cast %add3A_256 : i32 to index
      %get3A_258 = tpu.vector_load %arg6[%get3A_257] {strides = array<i32>} : memref<3328xf32, #tpu.memory_space<vmem>>, vector<16xf32>,
      %add3A_259 = arith.constant 0 : i32
      %add3A_260 = arith.addi %mul3A_254, %add3A_259 : i32
      %swap3A_261 = arith.index_cast %add3A_260 : i32 to index
      %swap3A_262 = tpu.vector_load %arg7[%swap3A_261] {strides = array<i32>} : memref<32768xf32, #tpu.memory_space<vmem>>, vector<16xf32>,
      tpu.vector_store %arg7[%swap3A_261], %get3A_258 {strides = array<i32>} : memref<32768xf32, #tpu.memory_space<vmem>>, vector<16xf32>,
      %add3A_263 = arith.constant 16 : i32
      %add3A_264 = arith.addi %squeeze3A_248, %add3A_263 : i32
      %get3A_265 = arith.index_cast %add3A_264 : i32 to index
      %get3A_266 = tpu.vector_load %arg6[%get3A_265] {strides = array<i32>} : memref<3328xf32, #tpu.memory_space<vmem>>, vector<16xf32>,
      %add3A_267 = arith.constant 16 : i32
      %add3A_268 = arith.addi %mul3A_254, %add3A_267 : i32
      %swap3A_269 = arith.index_cast %add3A_268 : i32 to index
      %swap3A_270 = tpu.vector_load %arg7[%swap3A_269] {strides = array<i32>} : memref<32768xf32, #tpu.memory_space<vmem>>, vector<16xf32>,
      tpu.vector_store %arg7[%swap3A_269], %get3A_266 {strides = array<i32>} : memref<32768xf32, #tpu.memory_space<vmem>>, vector<16xf32>,
      %add3A_271 = arith.constant 32 : i32
      %add3A_272 = arith.addi %squeeze3A_248, %add3A_271 : i32
      %get3A_273 = arith.index_cast %add3A_272 : i32 to index
      %get3A_274 = tpu.vector_load %arg6[%get3A_273] {strides = array<i32>} : memref<3328xf32, #tpu.memory_space<vmem>>, vector<16xf32>,
      %add3A_275 = arith.constant 32 : i32
      %add3A_276 = arith.addi %mul3A_254, %add3A_275 : i32
      %swap3A_277 = arith.index_cast %add3A_276 : i32 to index
      %swap3A_278 = tpu.vector_load %arg7[%swap3A_277] {strides = array<i32>} : memref<32768xf32, #tpu.memory_space<vmem>>, vector<16xf32>,
      tpu.vector_store %arg7[%swap3A_277], %get3A_274 {strides = array<i32>} : memref<32768xf32, #tpu.memory_space<vmem>>, vector<16xf32>,
      %add3A_279 = arith.constant 48 : i32
      %add3A_280 = arith.addi %squeeze3A_248, %add3A_279 : i32
      %get3A_281 = arith.index_cast %add3A_280 : i32 to index
      %get3A_282 = tpu.vector_load %arg6[%get3A_281] {strides = array<i32>} : memref<3328xf32, #tpu.memory_space<vmem>>, vector<16xf32>,
      %add3A_283 = arith.constant 48 : i32
      %add3A_284 = arith.addi %mul3A_254, %add3A_283 : i32
      %swap3A_285 = arith.index_cast %add3A_284 : i32 to index
      %swap3A_286 = tpu.vector_load %arg7[%swap3A_285] {strides = array<i32>} : memref<32768xf32, #tpu.memory_space<vmem>>, vector<16xf32>,
      tpu.vector_store %arg7[%swap3A_285], %get3A_282 {strides = array<i32>} : memref<32768xf32, #tpu.memory_space<vmem>>, vector<16xf32>,
      %add3A_287 = arith.constant 64 : i32
      %add3A_288 = arith.addi %squeeze3A_248, %add3A_287 : i32
      %get3A_289 = arith.index_cast %add3A_288 : i32 to index
      %get3A_290 = tpu.vector_load %arg6[%get3A_289] {strides = array<i32>} : memref<3328xf32, #tpu.memory_space<vmem>>, vector<16xf32>,
      %add3A_291 = arith.constant 64 : i32
      %add3A_292 = arith.addi %mul3A_254, %add3A_291 : i32
      %swap3A_293 = arith.index_cast %add3A_292 : i32 to index
      %swap3A_294 = tpu.vector_load %arg7[%swap3A_293] {strides = array<i32>} : memref<32768xf32, #tpu.memory_space<vmem>>, vector<16xf32>,
      tpu.vector_store %arg7[%swap3A_293], %get3A_290 {strides = array<i32>} : memref<32768xf32, #tpu.memory_space<vmem>>, vector<16xf32>,
      %add3A_295 = arith.constant 80 : i32
      %add3A_296 = arith.addi %squeeze3A_248, %add3A_295 : i32
      %get3A_297 = arith.index_cast %add3A_296 : i32 to index
      %get3A_298 = tpu.vector_load %arg6[%get3A_297] {strides = array<i32>} : memref<3328xf32, #tpu.memory_space<vmem>>, vector<16xf32>,
      %add3A_299 = arith.constant 80 : i32
      %add3A_300 = arith.addi %mul3A_254, %add3A_299 : i32
      %swap3A_301 = arith.index_cast %add3A_300 : i32 to index
      %swap3A_302 = tpu.vector_load %arg7[%swap3A_301] {strides = array<i32>} : memref<32768xf32, #tpu.memory_space<vmem>>, vector<16xf32>,
      tpu.vector_store %arg7[%swap3A_301], %get3A_298 {strides = array<i32>} : memref<32768xf32, #tpu.memory_space<vmem>>, vector<16xf32>,
      %add3A_303 = arith.constant 96 : i32
      %add3A_304 = arith.addi %squeeze3A_248, %add3A_303 : i32
      %get3A_305 = arith.index_cast %add3A_304 : i32 to index
      %get3A_306 = tpu.vector_load %arg6[%get3A_305] {strides = array<i32>} : memref<3328xf32, #tpu.memory_space<vmem>>, vector<16xf32>,
      %add3A_307 = arith.constant 96 : i32
      %add3A_308 = arith.addi %mul3A_254, %add3A_307 : i32
      %swap3A_309 = arith.index_cast %add3A_308 : i32 to index
      %swap3A_310 = tpu.vector_load %arg7[%swap3A_309] {strides = array<i32>} : memref<32768xf32, #tpu.memory_space<vmem>>, vector<16xf32>,
      tpu.vector_store %arg7[%swap3A_309], %get3A_306 {strides = array<i32>} : memref<32768xf32, #tpu.memory_space<vmem>>, vector<16xf32>,
      %add3A_311 = arith.constant 112 : i32
      %add3A_312 = arith.addi %squeeze3A_248, %add3A_311 : i32
      %get3A_313 = arith.index_cast %add3A_312 : i32 to index
      %get3A_314 = tpu.vector_load %arg6[%get3A_313] {strides = array<i32>} : memref<3328xf32, #tpu.memory_space<vmem>>, vector<16xf32>,
      %add3A_315 = arith.constant 112 : i32
      %add3A_316 = arith.addi %mul3A_254, %add3A_315 : i32
      %swap3A_317 = arith.index_cast %add3A_316 : i32 to index
      %swap3A_318 = tpu.vector_load %arg7[%swap3A_317] {strides = array<i32>} : memref<32768xf32, #tpu.memory_space<vmem>>, vector<16xf32>,
      tpu.vector_store %arg7[%swap3A_317], %get3A_314 {strides = array<i32>} : memref<32768xf32, #tpu.memory_space<vmem>>, vector<16xf32>,
      %slice3A_319 = vector.extract_strided_slice %mul3A_33 {offsets = [4], sizes = [1], strides = [1]} : vector<16xi32> to vector<1xi32>
      %squeeze3A_320 = vector.extract %slice3A_319[0] : i32 from vector<1xi32>
      %mul3A_321 = arith.constant 16 : i32
      %mul3A_322 = arith.muli %scan3A_24, %mul3A_321 : i32
      %add3A_323 = arith.constant 4 : i32
      %add3A_324 = arith.addi %mul3A_322, %add3A_323 : i32
      %mul3A_325 = arith.constant 128 : i32
      %mul3A_326 = arith.muli %add3A_324, %mul3A_325 : i32
      %add3A_327 = arith.constant 0 : i32
      %add3A_328 = arith.addi %squeeze3A_320, %add3A_327 : i32
      %get3A_329 = arith.index_cast %add3A_328 : i32 to index
      %get3A_330 = tpu.vector_load %arg6[%get3A_329] {strides = array<i32>} : memref<3328xf32, #tpu.memory_space<vmem>>, vector<16xf32>,
      %add3A_331 = arith.constant 0 : i32
      %add3A_332 = arith.addi %mul3A_326, %add3A_331 : i32
      %swap3A_333 = arith.index_cast %add3A_332 : i32 to index
      %swap3A_334 = tpu.vector_load %arg7[%swap3A_333] {strides = array<i32>} : memref<32768xf32, #tpu.memory_space<vmem>>, vector<16xf32>,
      tpu.vector_store %arg7[%swap3A_333], %get3A_330 {strides = array<i32>} : memref<32768xf32, #tpu.memory_space<vmem>>, vector<16xf32>,
      %add3A_335 = arith.constant 16 : i32
      %add3A_336 = arith.addi %squeeze3A_320, %add3A_335 : i32
      %get3A_337 = arith.index_cast %add3A_336 : i32 to index
      %get3A_338 = tpu.vector_load %arg6[%get3A_337] {strides = array<i32>} : memref<3328xf32, #tpu.memory_space<vmem>>, vector<16xf32>,
      %add3A_339 = arith.constant 16 : i32
      %add3A_340 = arith.addi %mul3A_326, %add3A_339 : i32
      %swap3A_341 = arith.index_cast %add3A_340 : i32 to index
      %swap3A_342 = tpu.vector_load %arg7[%swap3A_341] {strides = array<i32>} : memref<32768xf32, #tpu.memory_space<vmem>>, vector<16xf32>,
      tpu.vector_store %arg7[%swap3A_341], %get3A_338 {strides = array<i32>} : memref<32768xf32, #tpu.memory_space<vmem>>, vector<16xf32>,
      %add3A_343 = arith.constant 32 : i32
      %add3A_344 = arith.addi %squeeze3A_320, %add3A_343 : i32
      %get3A_345 = arith.index_cast %add3A_344 : i32 to index
      %get3A_346 = tpu.vector_load %arg6[%get3A_345] {strides = array<i32>} : memref<3328xf32, #tpu.memory_space<vmem>>, vector<16xf32>,
      %add3A_347 = arith.constant 32 : i32
      %add3A_348 = arith.addi %mul3A_326, %add3A_347 : i32
      %swap3A_349 = arith.index_cast %add3A_348 : i32 to index
      %swap3A_350 = tpu.vector_load %arg7[%swap3A_349] {strides = array<i32>} : memref<32768xf32, #tpu.memory_space<vmem>>, vector<16xf32>,
      tpu.vector_store %arg7[%swap3A_349], %get3A_346 {strides = array<i32>} : memref<32768xf32, #tpu.memory_space<vmem>>, vector<16xf32>,
      %add3A_351 = arith.constant 48 : i32
      %add3A_352 = arith.addi %squeeze3A_320, %add3A_351 : i32
      %get3A_353 = arith.index_cast %add3A_352 : i32 to index
      %get3A_354 = tpu.vector_load %arg6[%get3A_353] {strides = array<i32>} : memref<3328xf32, #tpu.memory_space<vmem>>, vector<16xf32>,
      %add3A_355 = arith.constant 48 : i32
      %add3A_356 = arith.addi %mul3A_326, %add3A_355 : i32
      %swap3A_357 = arith.index_cast %add3A_356 : i32 to index
      %swap3A_358 = tpu.vector_load %arg7[%swap3A_357] {strides = array<i32>} : memref<32768xf32, #tpu.memory_space<vmem>>, vector<16xf32>,
      tpu.vector_store %arg7[%swap3A_357], %get3A_354 {strides = array<i32>} : memref<32768xf32, #tpu.memory_space<vmem>>, vector<16xf32>,
      %add3A_359 = arith.constant 64 : i32
      %add3A_360 = arith.addi %squeeze3A_320, %add3A_359 : i32
      %get3A_361 = arith.index_cast %add3A_360 : i32 to index
      %get3A_362 = tpu.vector_load %arg6[%get3A_361] {strides = array<i32>} : memref<3328xf32, #tpu.memory_space<vmem>>, vector<16xf32>,
      %add3A_363 = arith.constant 64 : i32
      %add3A_364 = arith.addi %mul3A_326, %add3A_363 : i32
      %swap3A_365 = arith.index_cast %add3A_364 : i32 to index
      %swap3A_366 = tpu.vector_load %arg7[%swap3A_365] {strides = array<i32>} : memref<32768xf32, #tpu.memory_space<vmem>>, vector<16xf32>,
      tpu.vector_store %arg7[%swap3A_365], %get3A_362 {strides = array<i32>} : memref<32768xf32, #tpu.memory_space<vmem>>, vector<16xf32>,
      %add3A_367 = arith.constant 80 : i32
      %add3A_368 = arith.addi %squeeze3A_320, %add3A_367 : i32
      %get3A_369 = arith.index_cast %add3A_368 : i32 to index
      %get3A_370 = tpu.vector_load %arg6[%get3A_369] {strides = array<i32>} : memref<3328xf32, #tpu.memory_space<vmem>>, vector<16xf32>,
      %add3A_371 = arith.constant 80 : i32
      %add3A_372 = arith.addi %mul3A_326, %add3A_371 : i32
      %swap3A_373 = arith.index_cast %add3A_372 : i32 to index
      %swap3A_374 = tpu.vector_load %arg7[%swap3A_373] {strides = array<i32>} : memref<32768xf32, #tpu.memory_space<vmem>>, vector<16xf32>,
      tpu.vector_store %arg7[%swap3A_373], %get3A_370 {strides = array<i32>} : memref<32768xf32, #tpu.memory_space<vmem>>, vector<16xf32>,
      %add3A_375 = arith.constant 96 : i32
      %add3A_376 = arith.addi %squeeze3A_320, %add3A_375 : i32
      %get3A_377 = arith.index_cast %add3A_376 : i32 to index
      %get3A_378 = tpu.vector_load %arg6[%get3A_377] {strides = array<i32>} : memref<3328xf32, #tpu.memory_space<vmem>>, vector<16xf32>,
      %add3A_379 = arith.constant 96 : i32
      %add3A_380 = arith.addi %mul3A_326, %add3A_379 : i32
      %swap3A_381 = arith.index_cast %add3A_380 : i32 to index
      %swap3A_382 = tpu.vector_load %arg7[%swap3A_381] {strides = array<i32>} : memref<32768xf32, #tpu.memory_space<vmem>>, vector<16xf32>,
      tpu.vector_store %arg7[%swap3A_381], %get3A_378 {strides = array<i32>} : memref<32768xf32, #tpu.memory_space<vmem>>, vector<16xf32>,
      %add3A_383 = arith.constant 112 : i32
      %add3A_384 = arith.addi %squeeze3A_320, %add3A_383 : i32
      %get3A_385 = arith.index_cast %add3A_384 : i32 to index
      %get3A_386 = tpu.vector_load %arg6[%get3A_385] {strides = array<i32>} : memref<3328xf32, #tpu.memory_space<vmem>>, vector<16xf32>,
      %add3A_387 = arith.constant 112 : i32
      %add3A_388 = arith.addi %mul3A_326, %add3A_387 : i32
      %swap3A_389 = arith.index_cast %add3A_388 : i32 to index
      %swap3A_390 = tpu.vector_load %arg7[%swap3A_389] {strides = array<i32>} : memref<32768xf32, #tpu.memory_space<vmem>>, vector<16xf32>,
      tpu.vector_store %arg7[%swap3A_389], %get3A_386 {strides = array<i32>} : memref<32768xf32, #tpu.memory_space<vmem>>, vector<16xf32>,
      %slice3A_391 = vector.extract_strided_slice %mul3A_33 {offsets = [5], sizes = [1], strides = [1]} : vector<16xi32> to vector<1xi32>
      %squeeze3A_392 = vector.extract %slice3A_391[0] : i32 from vector<1xi32>
      %mul3A_393 = arith.constant 16 : i32
      %mul3A_394 = arith.muli %scan3A_24, %mul3A_393 : i32
      %add3A_395 = arith.constant 5 : i32
      %add3A_396 = arith.addi %mul3A_394, %add3A_395 : i32
      %mul3A_397 = arith.constant 128 : i32
      %mul3A_398 = arith.muli %add3A_396, %mul3A_397 : i32
      %add3A_399 = arith.constant 0 : i32
      %add3A_400 = arith.addi %squeeze3A_392, %add3A_399 : i32
      %get3A_401 = arith.index_cast %add3A_400 : i32 to index
      %get3A_402 = tpu.vector_load %arg6[%get3A_401] {strides = array<i32>} : memref<3328xf32, #tpu.memory_space<vmem>>, vector<16xf32>,
      %add3A_403 = arith.constant 0 : i32
      %add3A_404 = arith.addi %mul3A_398, %add3A_403 : i32
      %swap3A_405 = arith.index_cast %add3A_404 : i32 to index
      %swap3A_406 = tpu.vector_load %arg7[%swap3A_405] {strides = array<i32>} : memref<32768xf32, #tpu.memory_space<vmem>>, vector<16xf32>,
      tpu.vector_store %arg7[%swap3A_405], %get3A_402 {strides = array<i32>} : memref<32768xf32, #tpu.memory_space<vmem>>, vector<16xf32>,
      %add3A_407 = arith.constant 16 : i32
      %add3A_408 = arith.addi %squeeze3A_392, %add3A_407 : i32
      %get3A_409 = arith.index_cast %add3A_408 : i32 to index
      %get3A_410 = tpu.vector_load %arg6[%get3A_409] {strides = array<i32>} : memref<3328xf32, #tpu.memory_space<vmem>>, vector<16xf32>,
      %add3A_411 = arith.constant 16 : i32
      %add3A_412 = arith.addi %mul3A_398, %add3A_411 : i32
      %swap3A_413 = arith.index_cast %add3A_412 : i32 to index
      %swap3A_414 = tpu.vector_load %arg7[%swap3A_413] {strides = array<i32>} : memref<32768xf32, #tpu.memory_space<vmem>>, vector<16xf32>,
      tpu.vector_store %arg7[%swap3A_413], %get3A_410 {strides = array<i32>} : memref<32768xf32, #tpu.memory_space<vmem>>, vector<16xf32>,
      %add3A_415 = arith.constant 32 : i32
      %add3A_416 = arith.addi %squeeze3A_392, %add3A_415 : i32
      %get3A_417 = arith.index_cast %add3A_416 : i32 to index
      %get3A_418 = tpu.vector_load %arg6[%get3A_417] {strides = array<i32>} : memref<3328xf32, #tpu.memory_space<vmem>>, vector<16xf32>,
      %add3A_419 = arith.constant 32 : i32
      %add3A_420 = arith.addi %mul3A_398, %add3A_419 : i32
      %swap3A_421 = arith.index_cast %add3A_420 : i32 to index
      %swap3A_422 = tpu.vector_load %arg7[%swap3A_421] {strides = array<i32>} : memref<32768xf32, #tpu.memory_space<vmem>>, vector<16xf32>,
      tpu.vector_store %arg7[%swap3A_421], %get3A_418 {strides = array<i32>} : memref<32768xf32, #tpu.memory_space<vmem>>, vector<16xf32>,
      %add3A_423 = arith.constant 48 : i32
      %add3A_424 = arith.addi %squeeze3A_392, %add3A_423 : i32
      %get3A_425 = arith.index_cast %add3A_424 : i32 to index
      %get3A_426 = tpu.vector_load %arg6[%get3A_425] {strides = array<i32>} : memref<3328xf32, #tpu.memory_space<vmem>>, vector<16xf32>,
      %add3A_427 = arith.constant 48 : i32
      %add3A_428 = arith.addi %mul3A_398, %add3A_427 : i32
      %swap3A_429 = arith.index_cast %add3A_428 : i32 to index
      %swap3A_430 = tpu.vector_load %arg7[%swap3A_429] {strides = array<i32>} : memref<32768xf32, #tpu.memory_space<vmem>>, vector<16xf32>,
      tpu.vector_store %arg7[%swap3A_429], %get3A_426 {strides = array<i32>} : memref<32768xf32, #tpu.memory_space<vmem>>, vector<16xf32>,
      %add3A_431 = arith.constant 64 : i32
      %add3A_432 = arith.addi %squeeze3A_392, %add3A_431 : i32
      %get3A_433 = arith.index_cast %add3A_432 : i32 to index
      %get3A_434 = tpu.vector_load %arg6[%get3A_433] {strides = array<i32>} : memref<3328xf32, #tpu.memory_space<vmem>>, vector<16xf32>,
      %add3A_435 = arith.constant 64 : i32
      %add3A_436 = arith.addi %mul3A_398, %add3A_435 : i32
      %swap3A_437 = arith.index_cast %add3A_436 : i32 to index
      %swap3A_438 = tpu.vector_load %arg7[%swap3A_437] {strides = array<i32>} : memref<32768xf32, #tpu.memory_space<vmem>>, vector<16xf32>,
      tpu.vector_store %arg7[%swap3A_437], %get3A_434 {strides = array<i32>} : memref<32768xf32, #tpu.memory_space<vmem>>, vector<16xf32>,
      %add3A_439 = arith.constant 80 : i32
      %add3A_440 = arith.addi %squeeze3A_392, %add3A_439 : i32
      %get3A_441 = arith.index_cast %add3A_440 : i32 to index
      %get3A_442 = tpu.vector_load %arg6[%get3A_441] {strides = array<i32>} : memref<3328xf32, #tpu.memory_space<vmem>>, vector<16xf32>,
      %add3A_443 = arith.constant 80 : i32
      %add3A_444 = arith.addi %mul3A_398, %add3A_443 : i32
      %swap3A_445 = arith.index_cast %add3A_444 : i32 to index
      %swap3A_446 = tpu.vector_load %arg7[%swap3A_445] {strides = array<i32>} : memref<32768xf32, #tpu.memory_space<vmem>>, vector<16xf32>,
      tpu.vector_store %arg7[%swap3A_445], %get3A_442 {strides = array<i32>} : memref<32768xf32, #tpu.memory_space<vmem>>, vector<16xf32>,
      %add3A_447 = arith.constant 96 : i32
      %add3A_448 = arith.addi %squeeze3A_392, %add3A_447 : i32
      %get3A_449 = arith.index_cast %add3A_448 : i32 to index
      %get3A_450 = tpu.vector_load %arg6[%get3A_449] {strides = array<i32>} : memref<3328xf32, #tpu.memory_space<vmem>>, vector<16xf32>,
      %add3A_451 = arith.constant 96 : i32
      %add3A_452 = arith.addi %mul3A_398, %add3A_451 : i32
      %swap3A_453 = arith.index_cast %add3A_452 : i32 to index
      %swap3A_454 = tpu.vector_load %arg7[%swap3A_453] {strides = array<i32>} : memref<32768xf32, #tpu.memory_space<vmem>>, vector<16xf32>,
      tpu.vector_store %arg7[%swap3A_453], %get3A_450 {strides = array<i32>} : memref<32768xf32, #tpu.memory_space<vmem>>, vector<16xf32>,
      %add3A_455 = arith.constant 112 : i32
      %add3A_456 = arith.addi %squeeze3A_392, %add3A_455 : i32
      %get3A_457 = arith.index_cast %add3A_456 : i32 to index
      %get3A_458 = tpu.vector_load %arg6[%get3A_457] {strides = array<i32>} : memref<3328xf32, #tpu.memory_space<vmem>>, vector<16xf32>,
      %add3A_459 = arith.constant 112 : i32
      %add3A_460 = arith.addi %mul3A_398, %add3A_459 : i32
      %swap3A_461 = arith.index_cast %add3A_460 : i32 to index
      %swap3A_462 = tpu.vector_load %arg7[%swap3A_461] {strides = array<i32>} : memref<32768xf32, #tpu.memory_space<vmem>>, vector<16xf32>,
      tpu.vector_store %arg7[%swap3A_461], %get3A_458 {strides = array<i32>} : memref<32768xf32, #tpu.memory_space<vmem>>, vector<16xf32>,
      %slice3A_463 = vector.extract_strided_slice %mul3A_33 {offsets = [6], sizes = [1], strides = [1]} : vector<16xi32> to vector<1xi32>
      %squeeze3A_464 = vector.extract %slice3A_463[0] : i32 from vector<1xi32>
      %mul3A_465 = arith.constant 16 : i32
      %mul3A_466 = arith.muli %scan3A_24, %mul3A_465 : i32
      %add3A_467 = arith.constant 6 : i32
      %add3A_468 = arith.addi %mul3A_466, %add3A_467 : i32
      %mul3A_469 = arith.constant 128 : i32
      %mul3A_470 = arith.muli %add3A_468, %mul3A_469 : i32
      %add3A_471 = arith.constant 0 : i32
      %add3A_472 = arith.addi %squeeze3A_464, %add3A_471 : i32
      %get3A_473 = arith.index_cast %add3A_472 : i32 to index
      %get3A_474 = tpu.vector_load %arg6[%get3A_473] {strides = array<i32>} : memref<3328xf32, #tpu.memory_space<vmem>>, vector<16xf32>,
      %add3A_475 = arith.constant 0 : i32
      %add3A_476 = arith.addi %mul3A_470, %add3A_475 : i32
      %swap3A_477 = arith.index_cast %add3A_476 : i32 to index
      %swap3A_478 = tpu.vector_load %arg7[%swap3A_477] {strides = array<i32>} : memref<32768xf32, #tpu.memory_space<vmem>>, vector<16xf32>,
      tpu.vector_store %arg7[%swap3A_477], %get3A_474 {strides = array<i32>} : memref<32768xf32, #tpu.memory_space<vmem>>, vector<16xf32>,
      %add3A_479 = arith.constant 16 : i32
      %add3A_480 = arith.addi %squeeze3A_464, %add3A_479 : i32
      %get3A_481 = arith.index_cast %add3A_480 : i32 to index
      %get3A_482 = tpu.vector_load %arg6[%get3A_481] {strides = array<i32>} : memref<3328xf32, #tpu.memory_space<vmem>>, vector<16xf32>,
      %add3A_483 = arith.constant 16 : i32
      %add3A_484 = arith.addi %mul3A_470, %add3A_483 : i32
      %swap3A_485 = arith.index_cast %add3A_484 : i32 to index
      %swap3A_486 = tpu.vector_load %arg7[%swap3A_485] {strides = array<i32>} : memref<32768xf32, #tpu.memory_space<vmem>>, vector<16xf32>,
      tpu.vector_store %arg7[%swap3A_485], %get3A_482 {strides = array<i32>} : memref<32768xf32, #tpu.memory_space<vmem>>, vector<16xf32>,
      %add3A_487 = arith.constant 32 : i32
      %add3A_488 = arith.addi %squeeze3A_464, %add3A_487 : i32
      %get3A_489 = arith.index_cast %add3A_488 : i32 to index
      %get3A_490 = tpu.vector_load %arg6[%get3A_489] {strides = array<i32>} : memref<3328xf32, #tpu.memory_space<vmem>>, vector<16xf32>,
      %add3A_491 = arith.constant 32 : i32
      %add3A_492 = arith.addi %mul3A_470, %add3A_491 : i32
      %swap3A_493 = arith.index_cast %add3A_492 : i32 to index
      %swap3A_494 = tpu.vector_load %arg7[%swap3A_493] {strides = array<i32>} : memref<32768xf32, #tpu.memory_space<vmem>>, vector<16xf32>,
      tpu.vector_store %arg7[%swap3A_493], %get3A_490 {strides = array<i32>} : memref<32768xf32, #tpu.memory_space<vmem>>, vector<16xf32>,
      %add3A_495 = arith.constant 48 : i32
      %add3A_496 = arith.addi %squeeze3A_464, %add3A_495 : i32
      %get3A_497 = arith.index_cast %add3A_496 : i32 to index
      %get3A_498 = tpu.vector_load %arg6[%get3A_497] {strides = array<i32>} : memref<3328xf32, #tpu.memory_space<vmem>>, vector<16xf32>,
      %add3A_499 = arith.constant 48 : i32
      %add3A_500 = arith.addi %mul3A_470, %add3A_499 : i32
      %swap3A_501 = arith.index_cast %add3A_500 : i32 to index
      %swap3A_502 = tpu.vector_load %arg7[%swap3A_501] {strides = array<i32>} : memref<32768xf32, #tpu.memory_space<vmem>>, vector<16xf32>,
      tpu.vector_store %arg7[%swap3A_501], %get3A_498 {strides = array<i32>} : memref<32768xf32, #tpu.memory_space<vmem>>, vector<16xf32>,
      %add3A_503 = arith.constant 64 : i32
      %add3A_504 = arith.addi %squeeze3A_464, %add3A_503 : i32
      %get3A_505 = arith.index_cast %add3A_504 : i32 to index
      %get3A_506 = tpu.vector_load %arg6[%get3A_505] {strides = array<i32>} : memref<3328xf32, #tpu.memory_space<vmem>>, vector<16xf32>,
      %add3A_507 = arith.constant 64 : i32
      %add3A_508 = arith.addi %mul3A_470, %add3A_507 : i32
      %swap3A_509 = arith.index_cast %add3A_508 : i32 to index
      %swap3A_510 = tpu.vector_load %arg7[%swap3A_509] {strides = array<i32>} : memref<32768xf32, #tpu.memory_space<vmem>>, vector<16xf32>,
      tpu.vector_store %arg7[%swap3A_509], %get3A_506 {strides = array<i32>} : memref<32768xf32, #tpu.memory_space<vmem>>, vector<16xf32>,
      %add3A_511 = arith.constant 80 : i32
      %add3A_512 = arith.addi %squeeze3A_464, %add3A_511 : i32
      %get3A_513 = arith.index_cast %add3A_512 : i32 to index
      %get3A_514 = tpu.vector_load %arg6[%get3A_513] {strides = array<i32>} : memref<3328xf32, #tpu.memory_space<vmem>>, vector<16xf32>,
      %add3A_515 = arith.constant 80 : i32
      %add3A_516 = arith.addi %mul3A_470, %add3A_515 : i32
      %swap3A_517 = arith.index_cast %add3A_516 : i32 to index
      %swap3A_518 = tpu.vector_load %arg7[%swap3A_517] {strides = array<i32>} : memref<32768xf32, #tpu.memory_space<vmem>>, vector<16xf32>,
      tpu.vector_store %arg7[%swap3A_517], %get3A_514 {strides = array<i32>} : memref<32768xf32, #tpu.memory_space<vmem>>, vector<16xf32>,
      %add3A_519 = arith.constant 96 : i32
      %add3A_520 = arith.addi %squeeze3A_464, %add3A_519 : i32
      %get3A_521 = arith.index_cast %add3A_520 : i32 to index
      %get3A_522 = tpu.vector_load %arg6[%get3A_521] {strides = array<i32>} : memref<3328xf32, #tpu.memory_space<vmem>>, vector<16xf32>,
      %add3A_523 = arith.constant 96 : i32
      %add3A_524 = arith.addi %mul3A_470, %add3A_523 : i32
      %swap3A_525 = arith.index_cast %add3A_524 : i32 to index
      %swap3A_526 = tpu.vector_load %arg7[%swap3A_525] {strides = array<i32>} : memref<32768xf32, #tpu.memory_space<vmem>>, vector<16xf32>,
      tpu.vector_store %arg7[%swap3A_525], %get3A_522 {strides = array<i32>} : memref<32768xf32, #tpu.memory_space<vmem>>, vector<16xf32>,
      %add3A_527 = arith.constant 112 : i32
      %add3A_528 = arith.addi %squeeze3A_464, %add3A_527 : i32
      %get3A_529 = arith.index_cast %add3A_528 : i32 to index
      %get3A_530 = tpu.vector_load %arg6[%get3A_529] {strides = array<i32>} : memref<3328xf32, #tpu.memory_space<vmem>>, vector<16xf32>,
      %add3A_531 = arith.constant 112 : i32
      %add3A_532 = arith.addi %mul3A_470, %add3A_531 : i32
      %swap3A_533 = arith.index_cast %add3A_532 : i32 to index
      %swap3A_534 = tpu.vector_load %arg7[%swap3A_533] {strides = array<i32>} : memref<32768xf32, #tpu.memory_space<vmem>>, vector<16xf32>,
      tpu.vector_store %arg7[%swap3A_533], %get3A_530 {strides = array<i32>} : memref<32768xf32, #tpu.memory_space<vmem>>, vector<16xf32>,
      %slice3A_535 = vector.extract_strided_slice %mul3A_33 {offsets = [7], sizes = [1], strides = [1]} : vector<16xi32> to vector<1xi32>
      %squeeze3A_536 = vector.extract %slice3A_535[0] : i32 from vector<1xi32>
      %mul3A_537 = arith.constant 16 : i32
      %mul3A_538 = arith.muli %scan3A_24, %mul3A_537 : i32
      %add3A_539 = arith.constant 7 : i32
      %add3A_540 = arith.addi %mul3A_538, %add3A_539 : i32
      %mul3A_541 = arith.constant 128 : i32
      %mul3A_542 = arith.muli %add3A_540, %mul3A_541 : i32
      %add3A_543 = arith.constant 0 : i32
      %add3A_544 = arith.addi %squeeze3A_536, %add3A_543 : i32
      %get3A_545 = arith.index_cast %add3A_544 : i32 to index
      %get3A_546 = tpu.vector_load %arg6[%get3A_545] {strides = array<i32>} : memref<3328xf32, #tpu.memory_space<vmem>>, vector<16xf32>,
      %add3A_547 = arith.constant 0 : i32
      %add3A_548 = arith.addi %mul3A_542, %add3A_547 : i32
      %swap3A_549 = arith.index_cast %add3A_548 : i32 to index
      %swap3A_550 = tpu.vector_load %arg7[%swap3A_549] {strides = array<i32>} : memref<32768xf32, #tpu.memory_space<vmem>>, vector<16xf32>,
      tpu.vector_store %arg7[%swap3A_549], %get3A_546 {strides = array<i32>} : memref<32768xf32, #tpu.memory_space<vmem>>, vector<16xf32>,
      %add3A_551 = arith.constant 16 : i32
      %add3A_552 = arith.addi %squeeze3A_536, %add3A_551 : i32
      %get3A_553 = arith.index_cast %add3A_552 : i32 to index
      %get3A_554 = tpu.vector_load %arg6[%get3A_553] {strides = array<i32>} : memref<3328xf32, #tpu.memory_space<vmem>>, vector<16xf32>,
      %add3A_555 = arith.constant 16 : i32
      %add3A_556 = arith.addi %mul3A_542, %add3A_555 : i32
      %swap3A_557 = arith.index_cast %add3A_556 : i32 to index
      %swap3A_558 = tpu.vector_load %arg7[%swap3A_557] {strides = array<i32>} : memref<32768xf32, #tpu.memory_space<vmem>>, vector<16xf32>,
      tpu.vector_store %arg7[%swap3A_557], %get3A_554 {strides = array<i32>} : memref<32768xf32, #tpu.memory_space<vmem>>, vector<16xf32>,
      %add3A_559 = arith.constant 32 : i32
      %add3A_560 = arith.addi %squeeze3A_536, %add3A_559 : i32
      %get3A_561 = arith.index_cast %add3A_560 : i32 to index
      %get3A_562 = tpu.vector_load %arg6[%get3A_561] {strides = array<i32>} : memref<3328xf32, #tpu.memory_space<vmem>>, vector<16xf32>,
      %add3A_563 = arith.constant 32 : i32
      %add3A_564 = arith.addi %mul3A_542, %add3A_563 : i32
      %swap3A_565 = arith.index_cast %add3A_564 : i32 to index
      %swap3A_566 = tpu.vector_load %arg7[%swap3A_565] {strides = array<i32>} : memref<32768xf32, #tpu.memory_space<vmem>>, vector<16xf32>,
      tpu.vector_store %arg7[%swap3A_565], %get3A_562 {strides = array<i32>} : memref<32768xf32, #tpu.memory_space<vmem>>, vector<16xf32>,
      %add3A_567 = arith.constant 48 : i32
      %add3A_568 = arith.addi %squeeze3A_536, %add3A_567 : i32
      %get3A_569 = arith.index_cast %add3A_568 : i32 to index
      %get3A_570 = tpu.vector_load %arg6[%get3A_569] {strides = array<i32>} : memref<3328xf32, #tpu.memory_space<vmem>>, vector<16xf32>,
      %add3A_571 = arith.constant 48 : i32
      %add3A_572 = arith.addi %mul3A_542, %add3A_571 : i32
      %swap3A_573 = arith.index_cast %add3A_572 : i32 to index
      %swap3A_574 = tpu.vector_load %arg7[%swap3A_573] {strides = array<i32>} : memref<32768xf32, #tpu.memory_space<vmem>>, vector<16xf32>,
      tpu.vector_store %arg7[%swap3A_573], %get3A_570 {strides = array<i32>} : memref<32768xf32, #tpu.memory_space<vmem>>, vector<16xf32>,
      %add3A_575 = arith.constant 64 : i32
      %add3A_576 = arith.addi %squeeze3A_536, %add3A_575 : i32
      %get3A_577 = arith.index_cast %add3A_576 : i32 to index
      %get3A_578 = tpu.vector_load %arg6[%get3A_577] {strides = array<i32>} : memref<3328xf32, #tpu.memory_space<vmem>>, vector<16xf32>,
      %add3A_579 = arith.constant 64 : i32
      %add3A_580 = arith.addi %mul3A_542, %add3A_579 : i32
      %swap3A_581 = arith.index_cast %add3A_580 : i32 to index
      %swap3A_582 = tpu.vector_load %arg7[%swap3A_581] {strides = array<i32>} : memref<32768xf32, #tpu.memory_space<vmem>>, vector<16xf32>,
      tpu.vector_store %arg7[%swap3A_581], %get3A_578 {strides = array<i32>} : memref<32768xf32, #tpu.memory_space<vmem>>, vector<16xf32>,
      %add3A_583 = arith.constant 80 : i32
      %add3A_584 = arith.addi %squeeze3A_536, %add3A_583 : i32
      %get3A_585 = arith.index_cast %add3A_584 : i32 to index
      %get3A_586 = tpu.vector_load %arg6[%get3A_585] {strides = array<i32>} : memref<3328xf32, #tpu.memory_space<vmem>>, vector<16xf32>,
      %add3A_587 = arith.constant 80 : i32
      %add3A_588 = arith.addi %mul3A_542, %add3A_587 : i32
      %swap3A_589 = arith.index_cast %add3A_588 : i32 to index
      %swap3A_590 = tpu.vector_load %arg7[%swap3A_589] {strides = array<i32>} : memref<32768xf32, #tpu.memory_space<vmem>>, vector<16xf32>,
      tpu.vector_store %arg7[%swap3A_589], %get3A_586 {strides = array<i32>} : memref<32768xf32, #tpu.memory_space<vmem>>, vector<16xf32>,
      %add3A_591 = arith.constant 96 : i32
      %add3A_592 = arith.addi %squeeze3A_536, %add3A_591 : i32
      %get3A_593 = arith.index_cast %add3A_592 : i32 to index
      %get3A_594 = tpu.vector_load %arg6[%get3A_593] {strides = array<i32>} : memref<3328xf32, #tpu.memory_space<vmem>>, vector<16xf32>,
      %add3A_595 = arith.constant 96 : i32
      %add3A_596 = arith.addi %mul3A_542, %add3A_595 : i32
      %swap3A_597 = arith.index_cast %add3A_596 : i32 to index
      %swap3A_598 = tpu.vector_load %arg7[%swap3A_597] {strides = array<i32>} : memref<32768xf32, #tpu.memory_space<vmem>>, vector<16xf32>,
      tpu.vector_store %arg7[%swap3A_597], %get3A_594 {strides = array<i32>} : memref<32768xf32, #tpu.memory_space<vmem>>, vector<16xf32>,
      %add3A_599 = arith.constant 112 : i32
      %add3A_600 = arith.addi %squeeze3A_536, %add3A_599 : i32
      %get3A_601 = arith.index_cast %add3A_600 : i32 to index
      %get3A_602 = tpu.vector_load %arg6[%get3A_601] {strides = array<i32>} : memref<3328xf32, #tpu.memory_space<vmem>>, vector<16xf32>,
      %add3A_603 = arith.constant 112 : i32
      %add3A_604 = arith.addi %mul3A_542, %add3A_603 : i32
      %swap3A_605 = arith.index_cast %add3A_604 : i32 to index
      %swap3A_606 = tpu.vector_load %arg7[%swap3A_605] {strides = array<i32>} : memref<32768xf32, #tpu.memory_space<vmem>>, vector<16xf32>,
      tpu.vector_store %arg7[%swap3A_605], %get3A_602 {strides = array<i32>} : memref<32768xf32, #tpu.memory_space<vmem>>, vector<16xf32>,
      %slice3A_607 = vector.extract_strided_slice %mul3A_33 {offsets = [8], sizes = [1], strides = [1]} : vector<16xi32> to vector<1xi32>
      %squeeze3A_608 = vector.extract %slice3A_607[0] : i32 from vector<1xi32>
      %mul3A_609 = arith.constant 16 : i32
      %mul3A_610 = arith.muli %scan3A_24, %mul3A_609 : i32
      %add3A_611 = arith.constant 8 : i32
      %add3A_612 = arith.addi %mul3A_610, %add3A_611 : i32
      %mul3A_613 = arith.constant 128 : i32
      %mul3A_614 = arith.muli %add3A_612, %mul3A_613 : i32
      %add3A_615 = arith.constant 0 : i32
      %add3A_616 = arith.addi %squeeze3A_608, %add3A_615 : i32
      %get3A_617 = arith.index_cast %add3A_616 : i32 to index
      %get3A_618 = tpu.vector_load %arg6[%get3A_617] {strides = array<i32>} : memref<3328xf32, #tpu.memory_space<vmem>>, vector<16xf32>,
      %add3A_619 = arith.constant 0 : i32
      %add3A_620 = arith.addi %mul3A_614, %add3A_619 : i32
      %swap3A_621 = arith.index_cast %add3A_620 : i32 to index
      %swap3A_622 = tpu.vector_load %arg7[%swap3A_621] {strides = array<i32>} : memref<32768xf32, #tpu.memory_space<vmem>>, vector<16xf32>,
      tpu.vector_store %arg7[%swap3A_621], %get3A_618 {strides = array<i32>} : memref<32768xf32, #tpu.memory_space<vmem>>, vector<16xf32>,
      %add3A_623 = arith.constant 16 : i32
      %add3A_624 = arith.addi %squeeze3A_608, %add3A_623 : i32
      %get3A_625 = arith.index_cast %add3A_624 : i32 to index
      %get3A_626 = tpu.vector_load %arg6[%get3A_625] {strides = array<i32>} : memref<3328xf32, #tpu.memory_space<vmem>>, vector<16xf32>,
      %add3A_627 = arith.constant 16 : i32
      %add3A_628 = arith.addi %mul3A_614, %add3A_627 : i32
      %swap3A_629 = arith.index_cast %add3A_628 : i32 to index
      %swap3A_630 = tpu.vector_load %arg7[%swap3A_629] {strides = array<i32>} : memref<32768xf32, #tpu.memory_space<vmem>>, vector<16xf32>,
      tpu.vector_store %arg7[%swap3A_629], %get3A_626 {strides = array<i32>} : memref<32768xf32, #tpu.memory_space<vmem>>, vector<16xf32>,
      %add3A_631 = arith.constant 32 : i32
      %add3A_632 = arith.addi %squeeze3A_608, %add3A_631 : i32
      %get3A_633 = arith.index_cast %add3A_632 : i32 to index
      %get3A_634 = tpu.vector_load %arg6[%get3A_633] {strides = array<i32>} : memref<3328xf32, #tpu.memory_space<vmem>>, vector<16xf32>,
      %add3A_635 = arith.constant 32 : i32
      %add3A_636 = arith.addi %mul3A_614, %add3A_635 : i32
      %swap3A_637 = arith.index_cast %add3A_636 : i32 to index
      %swap3A_638 = tpu.vector_load %arg7[%swap3A_637] {strides = array<i32>} : memref<32768xf32, #tpu.memory_space<vmem>>, vector<16xf32>,
      tpu.vector_store %arg7[%swap3A_637], %get3A_634 {strides = array<i32>} : memref<32768xf32, #tpu.memory_space<vmem>>, vector<16xf32>,
      %add3A_639 = arith.constant 48 : i32
      %add3A_640 = arith.addi %squeeze3A_608, %add3A_639 : i32
      %get3A_641 = arith.index_cast %add3A_640 : i32 to index
      %get3A_642 = tpu.vector_load %arg6[%get3A_641] {strides = array<i32>} : memref<3328xf32, #tpu.memory_space<vmem>>, vector<16xf32>,
      %add3A_643 = arith.constant 48 : i32
      %add3A_644 = arith.addi %mul3A_614, %add3A_643 : i32
      %swap3A_645 = arith.index_cast %add3A_644 : i32 to index
      %swap3A_646 = tpu.vector_load %arg7[%swap3A_645] {strides = array<i32>} : memref<32768xf32, #tpu.memory_space<vmem>>, vector<16xf32>,
      tpu.vector_store %arg7[%swap3A_645], %get3A_642 {strides = array<i32>} : memref<32768xf32, #tpu.memory_space<vmem>>, vector<16xf32>,
      %add3A_647 = arith.constant 64 : i32
      %add3A_648 = arith.addi %squeeze3A_608, %add3A_647 : i32
      %get3A_649 = arith.index_cast %add3A_648 : i32 to index
      %get3A_650 = tpu.vector_load %arg6[%get3A_649] {strides = array<i32>} : memref<3328xf32, #tpu.memory_space<vmem>>, vector<16xf32>,
      %add3A_651 = arith.constant 64 : i32
      %add3A_652 = arith.addi %mul3A_614, %add3A_651 : i32
      %swap3A_653 = arith.index_cast %add3A_652 : i32 to index
      %swap3A_654 = tpu.vector_load %arg7[%swap3A_653] {strides = array<i32>} : memref<32768xf32, #tpu.memory_space<vmem>>, vector<16xf32>,
      tpu.vector_store %arg7[%swap3A_653], %get3A_650 {strides = array<i32>} : memref<32768xf32, #tpu.memory_space<vmem>>, vector<16xf32>,
      %add3A_655 = arith.constant 80 : i32
      %add3A_656 = arith.addi %squeeze3A_608, %add3A_655 : i32
      %get3A_657 = arith.index_cast %add3A_656 : i32 to index
      %get3A_658 = tpu.vector_load %arg6[%get3A_657] {strides = array<i32>} : memref<3328xf32, #tpu.memory_space<vmem>>, vector<16xf32>,
      %add3A_659 = arith.constant 80 : i32
      %add3A_660 = arith.addi %mul3A_614, %add3A_659 : i32
      %swap3A_661 = arith.index_cast %add3A_660 : i32 to index
      %swap3A_662 = tpu.vector_load %arg7[%swap3A_661] {strides = array<i32>} : memref<32768xf32, #tpu.memory_space<vmem>>, vector<16xf32>,
      tpu.vector_store %arg7[%swap3A_661], %get3A_658 {strides = array<i32>} : memref<32768xf32, #tpu.memory_space<vmem>>, vector<16xf32>,
      %add3A_663 = arith.constant 96 : i32
      %add3A_664 = arith.addi %squeeze3A_608, %add3A_663 : i32
      %get3A_665 = arith.index_cast %add3A_664 : i32 to index
      %get3A_666 = tpu.vector_load %arg6[%get3A_665] {strides = array<i32>} : memref<3328xf32, #tpu.memory_space<vmem>>, vector<16xf32>,
      %add3A_667 = arith.constant 96 : i32
      %add3A_668 = arith.addi %mul3A_614, %add3A_667 : i32
      %swap3A_669 = arith.index_cast %add3A_668 : i32 to index
      %swap3A_670 = tpu.vector_load %arg7[%swap3A_669] {strides = array<i32>} : memref<32768xf32, #tpu.memory_space<vmem>>, vector<16xf32>,
      tpu.vector_store %arg7[%swap3A_669], %get3A_666 {strides = array<i32>} : memref<32768xf32, #tpu.memory_space<vmem>>, vector<16xf32>,
      %add3A_671 = arith.constant 112 : i32
      %add3A_672 = arith.addi %squeeze3A_608, %add3A_671 : i32
      %get3A_673 = arith.index_cast %add3A_672 : i32 to index
      %get3A_674 = tpu.vector_load %arg6[%get3A_673] {strides = array<i32>} : memref<3328xf32, #tpu.memory_space<vmem>>, vector<16xf32>,
      %add3A_675 = arith.constant 112 : i32
      %add3A_676 = arith.addi %mul3A_614, %add3A_675 : i32
      %swap3A_677 = arith.index_cast %add3A_676 : i32 to index
      %swap3A_678 = tpu.vector_load %arg7[%swap3A_677] {strides = array<i32>} : memref<32768xf32, #tpu.memory_space<vmem>>, vector<16xf32>,
      tpu.vector_store %arg7[%swap3A_677], %get3A_674 {strides = array<i32>} : memref<32768xf32, #tpu.memory_space<vmem>>, vector<16xf32>,
      %slice3A_679 = vector.extract_strided_slice %mul3A_33 {offsets = [9], sizes = [1], strides = [1]} : vector<16xi32> to vector<1xi32>
      %squeeze3A_680 = vector.extract %slice3A_679[0] : i32 from vector<1xi32>
      %mul3A_681 = arith.constant 16 : i32
      %mul3A_682 = arith.muli %scan3A_24, %mul3A_681 : i32
      %add3A_683 = arith.constant 9 : i32
      %add3A_684 = arith.addi %mul3A_682, %add3A_683 : i32
      %mul3A_685 = arith.constant 128 : i32
      %mul3A_686 = arith.muli %add3A_684, %mul3A_685 : i32
      %add3A_687 = arith.constant 0 : i32
      %add3A_688 = arith.addi %squeeze3A_680, %add3A_687 : i32
      %get3A_689 = arith.index_cast %add3A_688 : i32 to index
      %get3A_690 = tpu.vector_load %arg6[%get3A_689] {strides = array<i32>} : memref<3328xf32, #tpu.memory_space<vmem>>, vector<16xf32>,
      %add3A_691 = arith.constant 0 : i32
      %add3A_692 = arith.addi %mul3A_686, %add3A_691 : i32
      %swap3A_693 = arith.index_cast %add3A_692 : i32 to index
      %swap3A_694 = tpu.vector_load %arg7[%swap3A_693] {strides = array<i32>} : memref<32768xf32, #tpu.memory_space<vmem>>, vector<16xf32>,
      tpu.vector_store %arg7[%swap3A_693], %get3A_690 {strides = array<i32>} : memref<32768xf32, #tpu.memory_space<vmem>>, vector<16xf32>,
      %add3A_695 = arith.constant 16 : i32
      %add3A_696 = arith.addi %squeeze3A_680, %add3A_695 : i32
      %get3A_697 = arith.index_cast %add3A_696 : i32 to index
      %get3A_698 = tpu.vector_load %arg6[%get3A_697] {strides = array<i32>} : memref<3328xf32, #tpu.memory_space<vmem>>, vector<16xf32>,
      %add3A_699 = arith.constant 16 : i32
      %add3A_700 = arith.addi %mul3A_686, %add3A_699 : i32
      %swap3A_701 = arith.index_cast %add3A_700 : i32 to index
      %swap3A_702 = tpu.vector_load %arg7[%swap3A_701] {strides = array<i32>} : memref<32768xf32, #tpu.memory_space<vmem>>, vector<16xf32>,
      tpu.vector_store %arg7[%swap3A_701], %get3A_698 {strides = array<i32>} : memref<32768xf32, #tpu.memory_space<vmem>>, vector<16xf32>,
      %add3A_703 = arith.constant 32 : i32
      %add3A_704 = arith.addi %squeeze3A_680, %add3A_703 : i32
      %get3A_705 = arith.index_cast %add3A_704 : i32 to index
      %get3A_706 = tpu.vector_load %arg6[%get3A_705] {strides = array<i32>} : memref<3328xf32, #tpu.memory_space<vmem>>, vector<16xf32>,
      %add3A_707 = arith.constant 32 : i32
      %add3A_708 = arith.addi %mul3A_686, %add3A_707 : i32
      %swap3A_709 = arith.index_cast %add3A_708 : i32 to index
      %swap3A_710 = tpu.vector_load %arg7[%swap3A_709] {strides = array<i32>} : memref<32768xf32, #tpu.memory_space<vmem>>, vector<16xf32>,
      tpu.vector_store %arg7[%swap3A_709], %get3A_706 {strides = array<i32>} : memref<32768xf32, #tpu.memory_space<vmem>>, vector<16xf32>,
      %add3A_711 = arith.constant 48 : i32
      %add3A_712 = arith.addi %squeeze3A_680, %add3A_711 : i32
      %get3A_713 = arith.index_cast %add3A_712 : i32 to index
      %get3A_714 = tpu.vector_load %arg6[%get3A_713] {strides = array<i32>} : memref<3328xf32, #tpu.memory_space<vmem>>, vector<16xf32>,
      %add3A_715 = arith.constant 48 : i32
      %add3A_716 = arith.addi %mul3A_686, %add3A_715 : i32
      %swap3A_717 = arith.index_cast %add3A_716 : i32 to index
      %swap3A_718 = tpu.vector_load %arg7[%swap3A_717] {strides = array<i32>} : memref<32768xf32, #tpu.memory_space<vmem>>, vector<16xf32>,
      tpu.vector_store %arg7[%swap3A_717], %get3A_714 {strides = array<i32>} : memref<32768xf32, #tpu.memory_space<vmem>>, vector<16xf32>,
      %add3A_719 = arith.constant 64 : i32
      %add3A_720 = arith.addi %squeeze3A_680, %add3A_719 : i32
      %get3A_721 = arith.index_cast %add3A_720 : i32 to index
      %get3A_722 = tpu.vector_load %arg6[%get3A_721] {strides = array<i32>} : memref<3328xf32, #tpu.memory_space<vmem>>, vector<16xf32>,
      %add3A_723 = arith.constant 64 : i32
      %add3A_724 = arith.addi %mul3A_686, %add3A_723 : i32
      %swap3A_725 = arith.index_cast %add3A_724 : i32 to index
      %swap3A_726 = tpu.vector_load %arg7[%swap3A_725] {strides = array<i32>} : memref<32768xf32, #tpu.memory_space<vmem>>, vector<16xf32>,
      tpu.vector_store %arg7[%swap3A_725], %get3A_722 {strides = array<i32>} : memref<32768xf32, #tpu.memory_space<vmem>>, vector<16xf32>,
      %add3A_727 = arith.constant 80 : i32
      %add3A_728 = arith.addi %squeeze3A_680, %add3A_727 : i32
      %get3A_729 = arith.index_cast %add3A_728 : i32 to index
      %get3A_730 = tpu.vector_load %arg6[%get3A_729] {strides = array<i32>} : memref<3328xf32, #tpu.memory_space<vmem>>, vector<16xf32>,
      %add3A_731 = arith.constant 80 : i32
      %add3A_732 = arith.addi %mul3A_686, %add3A_731 : i32
      %swap3A_733 = arith.index_cast %add3A_732 : i32 to index
      %swap3A_734 = tpu.vector_load %arg7[%swap3A_733] {strides = array<i32>} : memref<32768xf32, #tpu.memory_space<vmem>>, vector<16xf32>,
      tpu.vector_store %arg7[%swap3A_733], %get3A_730 {strides = array<i32>} : memref<32768xf32, #tpu.memory_space<vmem>>, vector<16xf32>,
      %add3A_735 = arith.constant 96 : i32
      %add3A_736 = arith.addi %squeeze3A_680, %add3A_735 : i32
      %get3A_737 = arith.index_cast %add3A_736 : i32 to index
      %get3A_738 = tpu.vector_load %arg6[%get3A_737] {strides = array<i32>} : memref<3328xf32, #tpu.memory_space<vmem>>, vector<16xf32>,
      %add3A_739 = arith.constant 96 : i32
      %add3A_740 = arith.addi %mul3A_686, %add3A_739 : i32
      %swap3A_741 = arith.index_cast %add3A_740 : i32 to index
      %swap3A_742 = tpu.vector_load %arg7[%swap3A_741] {strides = array<i32>} : memref<32768xf32, #tpu.memory_space<vmem>>, vector<16xf32>,
      tpu.vector_store %arg7[%swap3A_741], %get3A_738 {strides = array<i32>} : memref<32768xf32, #tpu.memory_space<vmem>>, vector<16xf32>,
      %add3A_743 = arith.constant 112 : i32
      %add3A_744 = arith.addi %squeeze3A_680, %add3A_743 : i32
      %get3A_745 = arith.index_cast %add3A_744 : i32 to index
      %get3A_746 = tpu.vector_load %arg6[%get3A_745] {strides = array<i32>} : memref<3328xf32, #tpu.memory_space<vmem>>, vector<16xf32>,
      %add3A_747 = arith.constant 112 : i32
      %add3A_748 = arith.addi %mul3A_686, %add3A_747 : i32
      %swap3A_749 = arith.index_cast %add3A_748 : i32 to index
      %swap3A_750 = tpu.vector_load %arg7[%swap3A_749] {strides = array<i32>} : memref<32768xf32, #tpu.memory_space<vmem>>, vector<16xf32>,
      tpu.vector_store %arg7[%swap3A_749], %get3A_746 {strides = array<i32>} : memref<32768xf32, #tpu.memory_space<vmem>>, vector<16xf32>,
      %slice3A_751 = vector.extract_strided_slice %mul3A_33 {offsets = [10], sizes = [1], strides = [1]} : vector<16xi32> to vector<1xi32>
      %squeeze3A_752 = vector.extract %slice3A_751[0] : i32 from vector<1xi32>
      %mul3A_753 = arith.constant 16 : i32
      %mul3A_754 = arith.muli %scan3A_24, %mul3A_753 : i32
      %add3A_755 = arith.constant 10 : i32
      %add3A_756 = arith.addi %mul3A_754, %add3A_755 : i32
      %mul3A_757 = arith.constant 128 : i32
      %mul3A_758 = arith.muli %add3A_756, %mul3A_757 : i32
      %add3A_759 = arith.constant 0 : i32
      %add3A_760 = arith.addi %squeeze3A_752, %add3A_759 : i32
      %get3A_761 = arith.index_cast %add3A_760 : i32 to index
      %get3A_762 = tpu.vector_load %arg6[%get3A_761] {strides = array<i32>} : memref<3328xf32, #tpu.memory_space<vmem>>, vector<16xf32>,
      %add3A_763 = arith.constant 0 : i32
      %add3A_764 = arith.addi %mul3A_758, %add3A_763 : i32
      %swap3A_765 = arith.index_cast %add3A_764 : i32 to index
      %swap3A_766 = tpu.vector_load %arg7[%swap3A_765] {strides = array<i32>} : memref<32768xf32, #tpu.memory_space<vmem>>, vector<16xf32>,
      tpu.vector_store %arg7[%swap3A_765], %get3A_762 {strides = array<i32>} : memref<32768xf32, #tpu.memory_space<vmem>>, vector<16xf32>,
      %add3A_767 = arith.constant 16 : i32
      %add3A_768 = arith.addi %squeeze3A_752, %add3A_767 : i32
      %get3A_769 = arith.index_cast %add3A_768 : i32 to index
      %get3A_770 = tpu.vector_load %arg6[%get3A_769] {strides = array<i32>} : memref<3328xf32, #tpu.memory_space<vmem>>, vector<16xf32>,
      %add3A_771 = arith.constant 16 : i32
      %add3A_772 = arith.addi %mul3A_758, %add3A_771 : i32
      %swap3A_773 = arith.index_cast %add3A_772 : i32 to index
      %swap3A_774 = tpu.vector_load %arg7[%swap3A_773] {strides = array<i32>} : memref<32768xf32, #tpu.memory_space<vmem>>, vector<16xf32>,
      tpu.vector_store %arg7[%swap3A_773], %get3A_770 {strides = array<i32>} : memref<32768xf32, #tpu.memory_space<vmem>>, vector<16xf32>,
      %add3A_775 = arith.constant 32 : i32
      %add3A_776 = arith.addi %squeeze3A_752, %add3A_775 : i32
      %get3A_777 = arith.index_cast %add3A_776 : i32 to index
      %get3A_778 = tpu.vector_load %arg6[%get3A_777] {strides = array<i32>} : memref<3328xf32, #tpu.memory_space<vmem>>, vector<16xf32>,
      %add3A_779 = arith.constant 32 : i32
      %add3A_780 = arith.addi %mul3A_758, %add3A_779 : i32
      %swap3A_781 = arith.index_cast %add3A_780 : i32 to index
      %swap3A_782 = tpu.vector_load %arg7[%swap3A_781] {strides = array<i32>} : memref<32768xf32, #tpu.memory_space<vmem>>, vector<16xf32>,
      tpu.vector_store %arg7[%swap3A_781], %get3A_778 {strides = array<i32>} : memref<32768xf32, #tpu.memory_space<vmem>>, vector<16xf32>,
      %add3A_783 = arith.constant 48 : i32
      %add3A_784 = arith.addi %squeeze3A_752, %add3A_783 : i32
      %get3A_785 = arith.index_cast %add3A_784 : i32 to index
      %get3A_786 = tpu.vector_load %arg6[%get3A_785] {strides = array<i32>} : memref<3328xf32, #tpu.memory_space<vmem>>, vector<16xf32>,
      %add3A_787 = arith.constant 48 : i32
      %add3A_788 = arith.addi %mul3A_758, %add3A_787 : i32
      %swap3A_789 = arith.index_cast %add3A_788 : i32 to index
      %swap3A_790 = tpu.vector_load %arg7[%swap3A_789] {strides = array<i32>} : memref<32768xf32, #tpu.memory_space<vmem>>, vector<16xf32>,
      tpu.vector_store %arg7[%swap3A_789], %get3A_786 {strides = array<i32>} : memref<32768xf32, #tpu.memory_space<vmem>>, vector<16xf32>,
      %add3A_791 = arith.constant 64 : i32
      %add3A_792 = arith.addi %squeeze3A_752, %add3A_791 : i32
      %get3A_793 = arith.index_cast %add3A_792 : i32 to index
      %get3A_794 = tpu.vector_load %arg6[%get3A_793] {strides = array<i32>} : memref<3328xf32, #tpu.memory_space<vmem>>, vector<16xf32>,
      %add3A_795 = arith.constant 64 : i32
      %add3A_796 = arith.addi %mul3A_758, %add3A_795 : i32
      %swap3A_797 = arith.index_cast %add3A_796 : i32 to index
      %swap3A_798 = tpu.vector_load %arg7[%swap3A_797] {strides = array<i32>} : memref<32768xf32, #tpu.memory_space<vmem>>, vector<16xf32>,
      tpu.vector_store %arg7[%swap3A_797], %get3A_794 {strides = array<i32>} : memref<32768xf32, #tpu.memory_space<vmem>>, vector<16xf32>,
      %add3A_799 = arith.constant 80 : i32
      %add3A_800 = arith.addi %squeeze3A_752, %add3A_799 : i32
      %get3A_801 = arith.index_cast %add3A_800 : i32 to index
      %get3A_802 = tpu.vector_load %arg6[%get3A_801] {strides = array<i32>} : memref<3328xf32, #tpu.memory_space<vmem>>, vector<16xf32>,
      %add3A_803 = arith.constant 80 : i32
      %add3A_804 = arith.addi %mul3A_758, %add3A_803 : i32
      %swap3A_805 = arith.index_cast %add3A_804 : i32 to index
      %swap3A_806 = tpu.vector_load %arg7[%swap3A_805] {strides = array<i32>} : memref<32768xf32, #tpu.memory_space<vmem>>, vector<16xf32>,
      tpu.vector_store %arg7[%swap3A_805], %get3A_802 {strides = array<i32>} : memref<32768xf32, #tpu.memory_space<vmem>>, vector<16xf32>,
      %add3A_807 = arith.constant 96 : i32
      %add3A_808 = arith.addi %squeeze3A_752, %add3A_807 : i32
      %get3A_809 = arith.index_cast %add3A_808 : i32 to index
      %get3A_810 = tpu.vector_load %arg6[%get3A_809] {strides = array<i32>} : memref<3328xf32, #tpu.memory_space<vmem>>, vector<16xf32>,
      %add3A_811 = arith.constant 96 : i32
      %add3A_812 = arith.addi %mul3A_758, %add3A_811 : i32
      %swap3A_813 = arith.index_cast %add3A_812 : i32 to index
      %swap3A_814 = tpu.vector_load %arg7[%swap3A_813] {strides = array<i32>} : memref<32768xf32, #tpu.memory_space<vmem>>, vector<16xf32>,
      tpu.vector_store %arg7[%swap3A_813], %get3A_810 {strides = array<i32>} : memref<32768xf32, #tpu.memory_space<vmem>>, vector<16xf32>,
      %add3A_815 = arith.constant 112 : i32
      %add3A_816 = arith.addi %squeeze3A_752, %add3A_815 : i32
      %get3A_817 = arith.index_cast %add3A_816 : i32 to index
      %get3A_818 = tpu.vector_load %arg6[%get3A_817] {strides = array<i32>} : memref<3328xf32, #tpu.memory_space<vmem>>, vector<16xf32>,
      %add3A_819 = arith.constant 112 : i32
      %add3A_820 = arith.addi %mul3A_758, %add3A_819 : i32
      %swap3A_821 = arith.index_cast %add3A_820 : i32 to index
      %swap3A_822 = tpu.vector_load %arg7[%swap3A_821] {strides = array<i32>} : memref<32768xf32, #tpu.memory_space<vmem>>, vector<16xf32>,
      tpu.vector_store %arg7[%swap3A_821], %get3A_818 {strides = array<i32>} : memref<32768xf32, #tpu.memory_space<vmem>>, vector<16xf32>,
      %slice3A_823 = vector.extract_strided_slice %mul3A_33 {offsets = [11], sizes = [1], strides = [1]} : vector<16xi32> to vector<1xi32>
      %squeeze3A_824 = vector.extract %slice3A_823[0] : i32 from vector<1xi32>
      %mul3A_825 = arith.constant 16 : i32
      %mul3A_826 = arith.muli %scan3A_24, %mul3A_825 : i32
      %add3A_827 = arith.constant 11 : i32
      %add3A_828 = arith.addi %mul3A_826, %add3A_827 : i32
      %mul3A_829 = arith.constant 128 : i32
      %mul3A_830 = arith.muli %add3A_828, %mul3A_829 : i32
      %add3A_831 = arith.constant 0 : i32
      %add3A_832 = arith.addi %squeeze3A_824, %add3A_831 : i32
      %get3A_833 = arith.index_cast %add3A_832 : i32 to index
      %get3A_834 = tpu.vector_load %arg6[%get3A_833] {strides = array<i32>} : memref<3328xf32, #tpu.memory_space<vmem>>, vector<16xf32>,
      %add3A_835 = arith.constant 0 : i32
      %add3A_836 = arith.addi %mul3A_830, %add3A_835 : i32
      %swap3A_837 = arith.index_cast %add3A_836 : i32 to index
      %swap3A_838 = tpu.vector_load %arg7[%swap3A_837] {strides = array<i32>} : memref<32768xf32, #tpu.memory_space<vmem>>, vector<16xf32>,
      tpu.vector_store %arg7[%swap3A_837], %get3A_834 {strides = array<i32>} : memref<32768xf32, #tpu.memory_space<vmem>>, vector<16xf32>,
      %add3A_839 = arith.constant 16 : i32
      %add3A_840 = arith.addi %squeeze3A_824, %add3A_839 : i32
      %get3A_841 = arith.index_cast %add3A_840 : i32 to index
      %get3A_842 = tpu.vector_load %arg6[%get3A_841] {strides = array<i32>} : memref<3328xf32, #tpu.memory_space<vmem>>, vector<16xf32>,
      %add3A_843 = arith.constant 16 : i32
      %add3A_844 = arith.addi %mul3A_830, %add3A_843 : i32
      %swap3A_845 = arith.index_cast %add3A_844 : i32 to index
      %swap3A_846 = tpu.vector_load %arg7[%swap3A_845] {strides = array<i32>} : memref<32768xf32, #tpu.memory_space<vmem>>, vector<16xf32>,
      tpu.vector_store %arg7[%swap3A_845], %get3A_842 {strides = array<i32>} : memref<32768xf32, #tpu.memory_space<vmem>>, vector<16xf32>,
      %add3A_847 = arith.constant 32 : i32
      %add3A_848 = arith.addi %squeeze3A_824, %add3A_847 : i32
      %get3A_849 = arith.index_cast %add3A_848 : i32 to index
      %get3A_850 = tpu.vector_load %arg6[%get3A_849] {strides = array<i32>} : memref<3328xf32, #tpu.memory_space<vmem>>, vector<16xf32>,
      %add3A_851 = arith.constant 32 : i32
      %add3A_852 = arith.addi %mul3A_830, %add3A_851 : i32
      %swap3A_853 = arith.index_cast %add3A_852 : i32 to index
      %swap3A_854 = tpu.vector_load %arg7[%swap3A_853] {strides = array<i32>} : memref<32768xf32, #tpu.memory_space<vmem>>, vector<16xf32>,
      tpu.vector_store %arg7[%swap3A_853], %get3A_850 {strides = array<i32>} : memref<32768xf32, #tpu.memory_space<vmem>>, vector<16xf32>,
      %add3A_855 = arith.constant 48 : i32
      %add3A_856 = arith.addi %squeeze3A_824, %add3A_855 : i32
      %get3A_857 = arith.index_cast %add3A_856 : i32 to index
      %get3A_858 = tpu.vector_load %arg6[%get3A_857] {strides = array<i32>} : memref<3328xf32, #tpu.memory_space<vmem>>, vector<16xf32>,
      %add3A_859 = arith.constant 48 : i32
      %add3A_860 = arith.addi %mul3A_830, %add3A_859 : i32
      %swap3A_861 = arith.index_cast %add3A_860 : i32 to index
      %swap3A_862 = tpu.vector_load %arg7[%swap3A_861] {strides = array<i32>} : memref<32768xf32, #tpu.memory_space<vmem>>, vector<16xf32>,
      tpu.vector_store %arg7[%swap3A_861], %get3A_858 {strides = array<i32>} : memref<32768xf32, #tpu.memory_space<vmem>>, vector<16xf32>,
      %add3A_863 = arith.constant 64 : i32
      %add3A_864 = arith.addi %squeeze3A_824, %add3A_863 : i32
      %get3A_865 = arith.index_cast %add3A_864 : i32 to index
      %get3A_866 = tpu.vector_load %arg6[%get3A_865] {strides = array<i32>} : memref<3328xf32, #tpu.memory_space<vmem>>, vector<16xf32>,
      %add3A_867 = arith.constant 64 : i32
      %add3A_868 = arith.addi %mul3A_830, %add3A_867 : i32
      %swap3A_869 = arith.index_cast %add3A_868 : i32 to index
      %swap3A_870 = tpu.vector_load %arg7[%swap3A_869] {strides = array<i32>} : memref<32768xf32, #tpu.memory_space<vmem>>, vector<16xf32>,
      tpu.vector_store %arg7[%swap3A_869], %get3A_866 {strides = array<i32>} : memref<32768xf32, #tpu.memory_space<vmem>>, vector<16xf32>,
      %add3A_871 = arith.constant 80 : i32
      %add3A_872 = arith.addi %squeeze3A_824, %add3A_871 : i32
      %get3A_873 = arith.index_cast %add3A_872 : i32 to index
      %get3A_874 = tpu.vector_load %arg6[%get3A_873] {strides = array<i32>} : memref<3328xf32, #tpu.memory_space<vmem>>, vector<16xf32>,
      %add3A_875 = arith.constant 80 : i32
      %add3A_876 = arith.addi %mul3A_830, %add3A_875 : i32
      %swap3A_877 = arith.index_cast %add3A_876 : i32 to index
      %swap3A_878 = tpu.vector_load %arg7[%swap3A_877] {strides = array<i32>} : memref<32768xf32, #tpu.memory_space<vmem>>, vector<16xf32>,
      tpu.vector_store %arg7[%swap3A_877], %get3A_874 {strides = array<i32>} : memref<32768xf32, #tpu.memory_space<vmem>>, vector<16xf32>,
      %add3A_879 = arith.constant 96 : i32
      %add3A_880 = arith.addi %squeeze3A_824, %add3A_879 : i32
      %get3A_881 = arith.index_cast %add3A_880 : i32 to index
      %get3A_882 = tpu.vector_load %arg6[%get3A_881] {strides = array<i32>} : memref<3328xf32, #tpu.memory_space<vmem>>, vector<16xf32>,
      %add3A_883 = arith.constant 96 : i32
      %add3A_884 = arith.addi %mul3A_830, %add3A_883 : i32
      %swap3A_885 = arith.index_cast %add3A_884 : i32 to index
      %swap3A_886 = tpu.vector_load %arg7[%swap3A_885] {strides = array<i32>} : memref<32768xf32, #tpu.memory_space<vmem>>, vector<16xf32>,
      tpu.vector_store %arg7[%swap3A_885], %get3A_882 {strides = array<i32>} : memref<32768xf32, #tpu.memory_space<vmem>>, vector<16xf32>,
      %add3A_887 = arith.constant 112 : i32
      %add3A_888 = arith.addi %squeeze3A_824, %add3A_887 : i32
      %get3A_889 = arith.index_cast %add3A_888 : i32 to index
      %get3A_890 = tpu.vector_load %arg6[%get3A_889] {strides = array<i32>} : memref<3328xf32, #tpu.memory_space<vmem>>, vector<16xf32>,
      %add3A_891 = arith.constant 112 : i32
      %add3A_892 = arith.addi %mul3A_830, %add3A_891 : i32
      %swap3A_893 = arith.index_cast %add3A_892 : i32 to index
      %swap3A_894 = tpu.vector_load %arg7[%swap3A_893] {strides = array<i32>} : memref<32768xf32, #tpu.memory_space<vmem>>, vector<16xf32>,
      tpu.vector_store %arg7[%swap3A_893], %get3A_890 {strides = array<i32>} : memref<32768xf32, #tpu.memory_space<vmem>>, vector<16xf32>,
      %slice3A_895 = vector.extract_strided_slice %mul3A_33 {offsets = [12], sizes = [1], strides = [1]} : vector<16xi32> to vector<1xi32>
      %squeeze3A_896 = vector.extract %slice3A_895[0] : i32 from vector<1xi32>
      %mul3A_897 = arith.constant 16 : i32
      %mul3A_898 = arith.muli %scan3A_24, %mul3A_897 : i32
      %add3A_899 = arith.constant 12 : i32
      %add3A_900 = arith.addi %mul3A_898, %add3A_899 : i32
      %mul3A_901 = arith.constant 128 : i32
      %mul3A_902 = arith.muli %add3A_900, %mul3A_901 : i32
      %add3A_903 = arith.constant 0 : i32
      %add3A_904 = arith.addi %squeeze3A_896, %add3A_903 : i32
      %get3A_905 = arith.index_cast %add3A_904 : i32 to index
      %get3A_906 = tpu.vector_load %arg6[%get3A_905] {strides = array<i32>} : memref<3328xf32, #tpu.memory_space<vmem>>, vector<16xf32>,
      %add3A_907 = arith.constant 0 : i32
      %add3A_908 = arith.addi %mul3A_902, %add3A_907 : i32
      %swap3A_909 = arith.index_cast %add3A_908 : i32 to index
      %swap3A_910 = tpu.vector_load %arg7[%swap3A_909] {strides = array<i32>} : memref<32768xf32, #tpu.memory_space<vmem>>, vector<16xf32>,
      tpu.vector_store %arg7[%swap3A_909], %get3A_906 {strides = array<i32>} : memref<32768xf32, #tpu.memory_space<vmem>>, vector<16xf32>,
      %add3A_911 = arith.constant 16 : i32
      %add3A_912 = arith.addi %squeeze3A_896, %add3A_911 : i32
      %get3A_913 = arith.index_cast %add3A_912 : i32 to index
      %get3A_914 = tpu.vector_load %arg6[%get3A_913] {strides = array<i32>} : memref<3328xf32, #tpu.memory_space<vmem>>, vector<16xf32>,
      %add3A_915 = arith.constant 16 : i32
      %add3A_916 = arith.addi %mul3A_902, %add3A_915 : i32
      %swap3A_917 = arith.index_cast %add3A_916 : i32 to index
      %swap3A_918 = tpu.vector_load %arg7[%swap3A_917] {strides = array<i32>} : memref<32768xf32, #tpu.memory_space<vmem>>, vector<16xf32>,
      tpu.vector_store %arg7[%swap3A_917], %get3A_914 {strides = array<i32>} : memref<32768xf32, #tpu.memory_space<vmem>>, vector<16xf32>,
      %add3A_919 = arith.constant 32 : i32
      %add3A_920 = arith.addi %squeeze3A_896, %add3A_919 : i32
      %get3A_921 = arith.index_cast %add3A_920 : i32 to index
      %get3A_922 = tpu.vector_load %arg6[%get3A_921] {strides = array<i32>} : memref<3328xf32, #tpu.memory_space<vmem>>, vector<16xf32>,
      %add3A_923 = arith.constant 32 : i32
      %add3A_924 = arith.addi %mul3A_902, %add3A_923 : i32
      %swap3A_925 = arith.index_cast %add3A_924 : i32 to index
      %swap3A_926 = tpu.vector_load %arg7[%swap3A_925] {strides = array<i32>} : memref<32768xf32, #tpu.memory_space<vmem>>, vector<16xf32>,
      tpu.vector_store %arg7[%swap3A_925], %get3A_922 {strides = array<i32>} : memref<32768xf32, #tpu.memory_space<vmem>>, vector<16xf32>,
      %add3A_927 = arith.constant 48 : i32
      %add3A_928 = arith.addi %squeeze3A_896, %add3A_927 : i32
      %get3A_929 = arith.index_cast %add3A_928 : i32 to index
      %get3A_930 = tpu.vector_load %arg6[%get3A_929] {strides = array<i32>} : memref<3328xf32, #tpu.memory_space<vmem>>, vector<16xf32>,
      %add3A_931 = arith.constant 48 : i32
      %add3A_932 = arith.addi %mul3A_902, %add3A_931 : i32
      %swap3A_933 = arith.index_cast %add3A_932 : i32 to index
      %swap3A_934 = tpu.vector_load %arg7[%swap3A_933] {strides = array<i32>} : memref<32768xf32, #tpu.memory_space<vmem>>, vector<16xf32>,
      tpu.vector_store %arg7[%swap3A_933], %get3A_930 {strides = array<i32>} : memref<32768xf32, #tpu.memory_space<vmem>>, vector<16xf32>,
      %add3A_935 = arith.constant 64 : i32
      %add3A_936 = arith.addi %squeeze3A_896, %add3A_935 : i32
      %get3A_937 = arith.index_cast %add3A_936 : i32 to index
      %get3A_938 = tpu.vector_load %arg6[%get3A_937] {strides = array<i32>} : memref<3328xf32, #tpu.memory_space<vmem>>, vector<16xf32>,
      %add3A_939 = arith.constant 64 : i32
      %add3A_940 = arith.addi %mul3A_902, %add3A_939 : i32
      %swap3A_941 = arith.index_cast %add3A_940 : i32 to index
      %swap3A_942 = tpu.vector_load %arg7[%swap3A_941] {strides = array<i32>} : memref<32768xf32, #tpu.memory_space<vmem>>, vector<16xf32>,
      tpu.vector_store %arg7[%swap3A_941], %get3A_938 {strides = array<i32>} : memref<32768xf32, #tpu.memory_space<vmem>>, vector<16xf32>,
      %add3A_943 = arith.constant 80 : i32
      %add3A_944 = arith.addi %squeeze3A_896, %add3A_943 : i32
      %get3A_945 = arith.index_cast %add3A_944 : i32 to index
      %get3A_946 = tpu.vector_load %arg6[%get3A_945] {strides = array<i32>} : memref<3328xf32, #tpu.memory_space<vmem>>, vector<16xf32>,
      %add3A_947 = arith.constant 80 : i32
      %add3A_948 = arith.addi %mul3A_902, %add3A_947 : i32
      %swap3A_949 = arith.index_cast %add3A_948 : i32 to index
      %swap3A_950 = tpu.vector_load %arg7[%swap3A_949] {strides = array<i32>} : memref<32768xf32, #tpu.memory_space<vmem>>, vector<16xf32>,
      tpu.vector_store %arg7[%swap3A_949], %get3A_946 {strides = array<i32>} : memref<32768xf32, #tpu.memory_space<vmem>>, vector<16xf32>,
      %add3A_951 = arith.constant 96 : i32
      %add3A_952 = arith.addi %squeeze3A_896, %add3A_951 : i32
      %get3A_953 = arith.index_cast %add3A_952 : i32 to index
      %get3A_954 = tpu.vector_load %arg6[%get3A_953] {strides = array<i32>} : memref<3328xf32, #tpu.memory_space<vmem>>, vector<16xf32>,
      %add3A_955 = arith.constant 96 : i32
      %add3A_956 = arith.addi %mul3A_902, %add3A_955 : i32
      %swap3A_957 = arith.index_cast %add3A_956 : i32 to index
      %swap3A_958 = tpu.vector_load %arg7[%swap3A_957] {strides = array<i32>} : memref<32768xf32, #tpu.memory_space<vmem>>, vector<16xf32>,
      tpu.vector_store %arg7[%swap3A_957], %get3A_954 {strides = array<i32>} : memref<32768xf32, #tpu.memory_space<vmem>>, vector<16xf32>,
      %add3A_959 = arith.constant 112 : i32
      %add3A_960 = arith.addi %squeeze3A_896, %add3A_959 : i32
      %get3A_961 = arith.index_cast %add3A_960 : i32 to index
      %get3A_962 = tpu.vector_load %arg6[%get3A_961] {strides = array<i32>} : memref<3328xf32, #tpu.memory_space<vmem>>, vector<16xf32>,
      %add3A_963 = arith.constant 112 : i32
      %add3A_964 = arith.addi %mul3A_902, %add3A_963 : i32
      %swap3A_965 = arith.index_cast %add3A_964 : i32 to index
      %swap3A_966 = tpu.vector_load %arg7[%swap3A_965] {strides = array<i32>} : memref<32768xf32, #tpu.memory_space<vmem>>, vector<16xf32>,
      tpu.vector_store %arg7[%swap3A_965], %get3A_962 {strides = array<i32>} : memref<32768xf32, #tpu.memory_space<vmem>>, vector<16xf32>,
      %slice3A_967 = vector.extract_strided_slice %mul3A_33 {offsets = [13], sizes = [1], strides = [1]} : vector<16xi32> to vector<1xi32>
      %squeeze3A_968 = vector.extract %slice3A_967[0] : i32 from vector<1xi32>
      %mul3A_969 = arith.constant 16 : i32
      %mul3A_970 = arith.muli %scan3A_24, %mul3A_969 : i32
      %add3A_971 = arith.constant 13 : i32
      %add3A_972 = arith.addi %mul3A_970, %add3A_971 : i32
      %mul3A_973 = arith.constant 128 : i32
      %mul3A_974 = arith.muli %add3A_972, %mul3A_973 : i32
      %add3A_975 = arith.constant 0 : i32
      %add3A_976 = arith.addi %squeeze3A_968, %add3A_975 : i32
      %get3A_977 = arith.index_cast %add3A_976 : i32 to index
      %get3A_978 = tpu.vector_load %arg6[%get3A_977] {strides = array<i32>} : memref<3328xf32, #tpu.memory_space<vmem>>, vector<16xf32>,
      %add3A_979 = arith.constant 0 : i32
      %add3A_980 = arith.addi %mul3A_974, %add3A_979 : i32
      %swap3A_981 = arith.index_cast %add3A_980 : i32 to index
      %swap3A_982 = tpu.vector_load %arg7[%swap3A_981] {strides = array<i32>} : memref<32768xf32, #tpu.memory_space<vmem>>, vector<16xf32>,
      tpu.vector_store %arg7[%swap3A_981], %get3A_978 {strides = array<i32>} : memref<32768xf32, #tpu.memory_space<vmem>>, vector<16xf32>,
      %add3A_983 = arith.constant 16 : i32
      %add3A_984 = arith.addi %squeeze3A_968, %add3A_983 : i32
      %get3A_985 = arith.index_cast %add3A_984 : i32 to index
      %get3A_986 = tpu.vector_load %arg6[%get3A_985] {strides = array<i32>} : memref<3328xf32, #tpu.memory_space<vmem>>, vector<16xf32>,
      %add3A_987 = arith.constant 16 : i32
      %add3A_988 = arith.addi %mul3A_974, %add3A_987 : i32
      %swap3A_989 = arith.index_cast %add3A_988 : i32 to index
      %swap3A_990 = tpu.vector_load %arg7[%swap3A_989] {strides = array<i32>} : memref<32768xf32, #tpu.memory_space<vmem>>, vector<16xf32>,
      tpu.vector_store %arg7[%swap3A_989], %get3A_986 {strides = array<i32>} : memref<32768xf32, #tpu.memory_space<vmem>>, vector<16xf32>,
      %add3A_991 = arith.constant 32 : i32
      %add3A_992 = arith.addi %squeeze3A_968, %add3A_991 : i32
      %get3A_993 = arith.index_cast %add3A_992 : i32 to index
      %get3A_994 = tpu.vector_load %arg6[%get3A_993] {strides = array<i32>} : memref<3328xf32, #tpu.memory_space<vmem>>, vector<16xf32>,
      %add3A_995 = arith.constant 32 : i32
      %add3A_996 = arith.addi %mul3A_974, %add3A_995 : i32
      %swap3A_997 = arith.index_cast %add3A_996 : i32 to index
      %swap3A_998 = tpu.vector_load %arg7[%swap3A_997] {strides = array<i32>} : memref<32768xf32, #tpu.memory_space<vmem>>, vector<16xf32>,
      tpu.vector_store %arg7[%swap3A_997], %get3A_994 {strides = array<i32>} : memref<32768xf32, #tpu.memory_space<vmem>>, vector<16xf32>,
      %add3A_999 = arith.constant 48 : i32
      %add3A_1000 = arith.addi %squeeze3A_968, %add3A_999 : i32
      %get3A_1001 = arith.index_cast %add3A_1000 : i32 to index
      %get3A_1002 = tpu.vector_load %arg6[%get3A_1001] {strides = array<i32>} : memref<3328xf32, #tpu.memory_space<vmem>>, vector<16xf32>,
      %add3A_1003 = arith.constant 48 : i32
      %add3A_1004 = arith.addi %mul3A_974, %add3A_1003 : i32
      %swap3A_1005 = arith.index_cast %add3A_1004 : i32 to index
      %swap3A_1006 = tpu.vector_load %arg7[%swap3A_1005] {strides = array<i32>} : memref<32768xf32, #tpu.memory_space<vmem>>, vector<16xf32>,
      tpu.vector_store %arg7[%swap3A_1005], %get3A_1002 {strides = array<i32>} : memref<32768xf32, #tpu.memory_space<vmem>>, vector<16xf32>,
      %add3A_1007 = arith.constant 64 : i32
      %add3A_1008 = arith.addi %squeeze3A_968, %add3A_1007 : i32
      %get3A_1009 = arith.index_cast %add3A_1008 : i32 to index
      %get3A_1010 = tpu.vector_load %arg6[%get3A_1009] {strides = array<i32>} : memref<3328xf32, #tpu.memory_space<vmem>>, vector<16xf32>,
      %add3A_1011 = arith.constant 64 : i32
      %add3A_1012 = arith.addi %mul3A_974, %add3A_1011 : i32
      %swap3A_1013 = arith.index_cast %add3A_1012 : i32 to index
      %swap3A_1014 = tpu.vector_load %arg7[%swap3A_1013] {strides = array<i32>} : memref<32768xf32, #tpu.memory_space<vmem>>, vector<16xf32>,
      tpu.vector_store %arg7[%swap3A_1013], %get3A_1010 {strides = array<i32>} : memref<32768xf32, #tpu.memory_space<vmem>>, vector<16xf32>,
      %add3A_1015 = arith.constant 80 : i32
      %add3A_1016 = arith.addi %squeeze3A_968, %add3A_1015 : i32
      %get3A_1017 = arith.index_cast %add3A_1016 : i32 to index
      %get3A_1018 = tpu.vector_load %arg6[%get3A_1017] {strides = array<i32>} : memref<3328xf32, #tpu.memory_space<vmem>>, vector<16xf32>,
      %add3A_1019 = arith.constant 80 : i32
      %add3A_1020 = arith.addi %mul3A_974, %add3A_1019 : i32
      %swap3A_1021 = arith.index_cast %add3A_1020 : i32 to index
      %swap3A_1022 = tpu.vector_load %arg7[%swap3A_1021] {strides = array<i32>} : memref<32768xf32, #tpu.memory_space<vmem>>, vector<16xf32>,
      tpu.vector_store %arg7[%swap3A_1021], %get3A_1018 {strides = array<i32>} : memref<32768xf32, #tpu.memory_space<vmem>>, vector<16xf32>,
      %add3A_1023 = arith.constant 96 : i32
      %add3A_1024 = arith.addi %squeeze3A_968, %add3A_1023 : i32
      %get3A_1025 = arith.index_cast %add3A_1024 : i32 to index
      %get3A_1026 = tpu.vector_load %arg6[%get3A_1025] {strides = array<i32>} : memref<3328xf32, #tpu.memory_space<vmem>>, vector<16xf32>,
      %add3A_1027 = arith.constant 96 : i32
      %add3A_1028 = arith.addi %mul3A_974, %add3A_1027 : i32
      %swap3A_1029 = arith.index_cast %add3A_1028 : i32 to index
      %swap3A_1030 = tpu.vector_load %arg7[%swap3A_1029] {strides = array<i32>} : memref<32768xf32, #tpu.memory_space<vmem>>, vector<16xf32>,
      tpu.vector_store %arg7[%swap3A_1029], %get3A_1026 {strides = array<i32>} : memref<32768xf32, #tpu.memory_space<vmem>>, vector<16xf32>,
      %add3A_1031 = arith.constant 112 : i32
      %add3A_1032 = arith.addi %squeeze3A_968, %add3A_1031 : i32
      %get3A_1033 = arith.index_cast %add3A_1032 : i32 to index
      %get3A_1034 = tpu.vector_load %arg6[%get3A_1033] {strides = array<i32>} : memref<3328xf32, #tpu.memory_space<vmem>>, vector<16xf32>,
      %add3A_1035 = arith.constant 112 : i32
      %add3A_1036 = arith.addi %mul3A_974, %add3A_1035 : i32
      %swap3A_1037 = arith.index_cast %add3A_1036 : i32 to index
      %swap3A_1038 = tpu.vector_load %arg7[%swap3A_1037] {strides = array<i32>} : memref<32768xf32, #tpu.memory_space<vmem>>, vector<16xf32>,
      tpu.vector_store %arg7[%swap3A_1037], %get3A_1034 {strides = array<i32>} : memref<32768xf32, #tpu.memory_space<vmem>>, vector<16xf32>,
      %slice3A_1039 = vector.extract_strided_slice %mul3A_33 {offsets = [14], sizes = [1], strides = [1]} : vector<16xi32> to vector<1xi32>
      %squeeze3A_1040 = vector.extract %slice3A_1039[0] : i32 from vector<1xi32>
      %mul3A_1041 = arith.constant 16 : i32
      %mul3A_1042 = arith.muli %scan3A_24, %mul3A_1041 : i32
      %add3A_1043 = arith.constant 14 : i32
      %add3A_1044 = arith.addi %mul3A_1042, %add3A_1043 : i32
      %mul3A_1045 = arith.constant 128 : i32
      %mul3A_1046 = arith.muli %add3A_1044, %mul3A_1045 : i32
      %add3A_1047 = arith.constant 0 : i32
      %add3A_1048 = arith.addi %squeeze3A_1040, %add3A_1047 : i32
      %get3A_1049 = arith.index_cast %add3A_1048 : i32 to index
      %get3A_1050 = tpu.vector_load %arg6[%get3A_1049] {strides = array<i32>} : memref<3328xf32, #tpu.memory_space<vmem>>, vector<16xf32>,
      %add3A_1051 = arith.constant 0 : i32
      %add3A_1052 = arith.addi %mul3A_1046, %add3A_1051 : i32
      %swap3A_1053 = arith.index_cast %add3A_1052 : i32 to index
      %swap3A_1054 = tpu.vector_load %arg7[%swap3A_1053] {strides = array<i32>} : memref<32768xf32, #tpu.memory_space<vmem>>, vector<16xf32>,
      tpu.vector_store %arg7[%swap3A_1053], %get3A_1050 {strides = array<i32>} : memref<32768xf32, #tpu.memory_space<vmem>>, vector<16xf32>,
      %add3A_1055 = arith.constant 16 : i32
      %add3A_1056 = arith.addi %squeeze3A_1040, %add3A_1055 : i32
      %get3A_1057 = arith.index_cast %add3A_1056 : i32 to index
      %get3A_1058 = tpu.vector_load %arg6[%get3A_1057] {strides = array<i32>} : memref<3328xf32, #tpu.memory_space<vmem>>, vector<16xf32>,
      %add3A_1059 = arith.constant 16 : i32
      %add3A_1060 = arith.addi %mul3A_1046, %add3A_1059 : i32
      %swap3A_1061 = arith.index_cast %add3A_1060 : i32 to index
      %swap3A_1062 = tpu.vector_load %arg7[%swap3A_1061] {strides = array<i32>} : memref<32768xf32, #tpu.memory_space<vmem>>, vector<16xf32>,
      tpu.vector_store %arg7[%swap3A_1061], %get3A_1058 {strides = array<i32>} : memref<32768xf32, #tpu.memory_space<vmem>>, vector<16xf32>,
      %add3A_1063 = arith.constant 32 : i32
      %add3A_1064 = arith.addi %squeeze3A_1040, %add3A_1063 : i32
      %get3A_1065 = arith.index_cast %add3A_1064 : i32 to index
      %get3A_1066 = tpu.vector_load %arg6[%get3A_1065] {strides = array<i32>} : memref<3328xf32, #tpu.memory_space<vmem>>, vector<16xf32>,
      %add3A_1067 = arith.constant 32 : i32
      %add3A_1068 = arith.addi %mul3A_1046, %add3A_1067 : i32
      %swap3A_1069 = arith.index_cast %add3A_1068 : i32 to index
      %swap3A_1070 = tpu.vector_load %arg7[%swap3A_1069] {strides = array<i32>} : memref<32768xf32, #tpu.memory_space<vmem>>, vector<16xf32>,
      tpu.vector_store %arg7[%swap3A_1069], %get3A_1066 {strides = array<i32>} : memref<32768xf32, #tpu.memory_space<vmem>>, vector<16xf32>,
      %add3A_1071 = arith.constant 48 : i32
      %add3A_1072 = arith.addi %squeeze3A_1040, %add3A_1071 : i32
      %get3A_1073 = arith.index_cast %add3A_1072 : i32 to index
      %get3A_1074 = tpu.vector_load %arg6[%get3A_1073] {strides = array<i32>} : memref<3328xf32, #tpu.memory_space<vmem>>, vector<16xf32>,
      %add3A_1075 = arith.constant 48 : i32
      %add3A_1076 = arith.addi %mul3A_1046, %add3A_1075 : i32
      %swap3A_1077 = arith.index_cast %add3A_1076 : i32 to index
      %swap3A_1078 = tpu.vector_load %arg7[%swap3A_1077] {strides = array<i32>} : memref<32768xf32, #tpu.memory_space<vmem>>, vector<16xf32>,
      tpu.vector_store %arg7[%swap3A_1077], %get3A_1074 {strides = array<i32>} : memref<32768xf32, #tpu.memory_space<vmem>>, vector<16xf32>,
      %add3A_1079 = arith.constant 64 : i32
      %add3A_1080 = arith.addi %squeeze3A_1040, %add3A_1079 : i32
      %get3A_1081 = arith.index_cast %add3A_1080 : i32 to index
      %get3A_1082 = tpu.vector_load %arg6[%get3A_1081] {strides = array<i32>} : memref<3328xf32, #tpu.memory_space<vmem>>, vector<16xf32>,
      %add3A_1083 = arith.constant 64 : i32
      %add3A_1084 = arith.addi %mul3A_1046, %add3A_1083 : i32
      %swap3A_1085 = arith.index_cast %add3A_1084 : i32 to index
      %swap3A_1086 = tpu.vector_load %arg7[%swap3A_1085] {strides = array<i32>} : memref<32768xf32, #tpu.memory_space<vmem>>, vector<16xf32>,
      tpu.vector_store %arg7[%swap3A_1085], %get3A_1082 {strides = array<i32>} : memref<32768xf32, #tpu.memory_space<vmem>>, vector<16xf32>,
      %add3A_1087 = arith.constant 80 : i32
      %add3A_1088 = arith.addi %squeeze3A_1040, %add3A_1087 : i32
      %get3A_1089 = arith.index_cast %add3A_1088 : i32 to index
      %get3A_1090 = tpu.vector_load %arg6[%get3A_1089] {strides = array<i32>} : memref<3328xf32, #tpu.memory_space<vmem>>, vector<16xf32>,
      %add3A_1091 = arith.constant 80 : i32
      %add3A_1092 = arith.addi %mul3A_1046, %add3A_1091 : i32
      %swap3A_1093 = arith.index_cast %add3A_1092 : i32 to index
      %swap3A_1094 = tpu.vector_load %arg7[%swap3A_1093] {strides = array<i32>} : memref<32768xf32, #tpu.memory_space<vmem>>, vector<16xf32>,
      tpu.vector_store %arg7[%swap3A_1093], %get3A_1090 {strides = array<i32>} : memref<32768xf32, #tpu.memory_space<vmem>>, vector<16xf32>,
      %add3A_1095 = arith.constant 96 : i32
      %add3A_1096 = arith.addi %squeeze3A_1040, %add3A_1095 : i32
      %get3A_1097 = arith.index_cast %add3A_1096 : i32 to index
      %get3A_1098 = tpu.vector_load %arg6[%get3A_1097] {strides = array<i32>} : memref<3328xf32, #tpu.memory_space<vmem>>, vector<16xf32>,
      %add3A_1099 = arith.constant 96 : i32
      %add3A_1100 = arith.addi %mul3A_1046, %add3A_1099 : i32
      %swap3A_1101 = arith.index_cast %add3A_1100 : i32 to index
      %swap3A_1102 = tpu.vector_load %arg7[%swap3A_1101] {strides = array<i32>} : memref<32768xf32, #tpu.memory_space<vmem>>, vector<16xf32>,
      tpu.vector_store %arg7[%swap3A_1101], %get3A_1098 {strides = array<i32>} : memref<32768xf32, #tpu.memory_space<vmem>>, vector<16xf32>,
      %add3A_1103 = arith.constant 112 : i32
      %add3A_1104 = arith.addi %squeeze3A_1040, %add3A_1103 : i32
      %get3A_1105 = arith.index_cast %add3A_1104 : i32 to index
      %get3A_1106 = tpu.vector_load %arg6[%get3A_1105] {strides = array<i32>} : memref<3328xf32, #tpu.memory_space<vmem>>, vector<16xf32>,
      %add3A_1107 = arith.constant 112 : i32
      %add3A_1108 = arith.addi %mul3A_1046, %add3A_1107 : i32
      %swap3A_1109 = arith.index_cast %add3A_1108 : i32 to index
      %swap3A_1110 = tpu.vector_load %arg7[%swap3A_1109] {strides = array<i32>} : memref<32768xf32, #tpu.memory_space<vmem>>, vector<16xf32>,
      tpu.vector_store %arg7[%swap3A_1109], %get3A_1106 {strides = array<i32>} : memref<32768xf32, #tpu.memory_space<vmem>>, vector<16xf32>,
      %slice3A_1111 = vector.extract_strided_slice %mul3A_33 {offsets = [15], sizes = [1], strides = [1]} : vector<16xi32> to vector<1xi32>
      %squeeze3A_1112 = vector.extract %slice3A_1111[0] : i32 from vector<1xi32>
      %mul3A_1113 = arith.constant 16 : i32
      %mul3A_1114 = arith.muli %scan3A_24, %mul3A_1113 : i32
      %add3A_1115 = arith.constant 15 : i32
      %add3A_1116 = arith.addi %mul3A_1114, %add3A_1115 : i32
      %mul3A_1117 = arith.constant 128 : i32
      %mul3A_1118 = arith.muli %add3A_1116, %mul3A_1117 : i32
      %add3A_1119 = arith.constant 0 : i32
      %add3A_1120 = arith.addi %squeeze3A_1112, %add3A_1119 : i32
      %get3A_1121 = arith.index_cast %add3A_1120 : i32 to index
      %get3A_1122 = tpu.vector_load %arg6[%get3A_1121] {strides = array<i32>} : memref<3328xf32, #tpu.memory_space<vmem>>, vector<16xf32>,
      %add3A_1123 = arith.constant 0 : i32
      %add3A_1124 = arith.addi %mul3A_1118, %add3A_1123 : i32
      %swap3A_1125 = arith.index_cast %add3A_1124 : i32 to index
      %swap3A_1126 = tpu.vector_load %arg7[%swap3A_1125] {strides = array<i32>} : memref<32768xf32, #tpu.memory_space<vmem>>, vector<16xf32>,
      tpu.vector_store %arg7[%swap3A_1125], %get3A_1122 {strides = array<i32>} : memref<32768xf32, #tpu.memory_space<vmem>>, vector<16xf32>,
      %add3A_1127 = arith.constant 16 : i32
      %add3A_1128 = arith.addi %squeeze3A_1112, %add3A_1127 : i32
      %get3A_1129 = arith.index_cast %add3A_1128 : i32 to index
      %get3A_1130 = tpu.vector_load %arg6[%get3A_1129] {strides = array<i32>} : memref<3328xf32, #tpu.memory_space<vmem>>, vector<16xf32>,
      %add3A_1131 = arith.constant 16 : i32
      %add3A_1132 = arith.addi %mul3A_1118, %add3A_1131 : i32
      %swap3A_1133 = arith.index_cast %add3A_1132 : i32 to index
      %swap3A_1134 = tpu.vector_load %arg7[%swap3A_1133] {strides = array<i32>} : memref<32768xf32, #tpu.memory_space<vmem>>, vector<16xf32>,
      tpu.vector_store %arg7[%swap3A_1133], %get3A_1130 {strides = array<i32>} : memref<32768xf32, #tpu.memory_space<vmem>>, vector<16xf32>,
      %add3A_1135 = arith.constant 32 : i32
      %add3A_1136 = arith.addi %squeeze3A_1112, %add3A_1135 : i32
      %get3A_1137 = arith.index_cast %add3A_1136 : i32 to index
      %get3A_1138 = tpu.vector_load %arg6[%get3A_1137] {strides = array<i32>} : memref<3328xf32, #tpu.memory_space<vmem>>, vector<16xf32>,
      %add3A_1139 = arith.constant 32 : i32
      %add3A_1140 = arith.addi %mul3A_1118, %add3A_1139 : i32
      %swap3A_1141 = arith.index_cast %add3A_1140 : i32 to index
      %swap3A_1142 = tpu.vector_load %arg7[%swap3A_1141] {strides = array<i32>} : memref<32768xf32, #tpu.memory_space<vmem>>, vector<16xf32>,
      tpu.vector_store %arg7[%swap3A_1141], %get3A_1138 {strides = array<i32>} : memref<32768xf32, #tpu.memory_space<vmem>>, vector<16xf32>,
      %add3A_1143 = arith.constant 48 : i32
      %add3A_1144 = arith.addi %squeeze3A_1112, %add3A_1143 : i32
      %get3A_1145 = arith.index_cast %add3A_1144 : i32 to index
      %get3A_1146 = tpu.vector_load %arg6[%get3A_1145] {strides = array<i32>} : memref<3328xf32, #tpu.memory_space<vmem>>, vector<16xf32>,
      %add3A_1147 = arith.constant 48 : i32
      %add3A_1148 = arith.addi %mul3A_1118, %add3A_1147 : i32
      %swap3A_1149 = arith.index_cast %add3A_1148 : i32 to index
      %swap3A_1150 = tpu.vector_load %arg7[%swap3A_1149] {strides = array<i32>} : memref<32768xf32, #tpu.memory_space<vmem>>, vector<16xf32>,
      tpu.vector_store %arg7[%swap3A_1149], %get3A_1146 {strides = array<i32>} : memref<32768xf32, #tpu.memory_space<vmem>>, vector<16xf32>,
      %add3A_1151 = arith.constant 64 : i32
      %add3A_1152 = arith.addi %squeeze3A_1112, %add3A_1151 : i32
      %get3A_1153 = arith.index_cast %add3A_1152 : i32 to index
      %get3A_1154 = tpu.vector_load %arg6[%get3A_1153] {strides = array<i32>} : memref<3328xf32, #tpu.memory_space<vmem>>, vector<16xf32>,
      %add3A_1155 = arith.constant 64 : i32
      %add3A_1156 = arith.addi %mul3A_1118, %add3A_1155 : i32
      %swap3A_1157 = arith.index_cast %add3A_1156 : i32 to index
      %swap3A_1158 = tpu.vector_load %arg7[%swap3A_1157] {strides = array<i32>} : memref<32768xf32, #tpu.memory_space<vmem>>, vector<16xf32>,
      tpu.vector_store %arg7[%swap3A_1157], %get3A_1154 {strides = array<i32>} : memref<32768xf32, #tpu.memory_space<vmem>>, vector<16xf32>,
      %add3A_1159 = arith.constant 80 : i32
      %add3A_1160 = arith.addi %squeeze3A_1112, %add3A_1159 : i32
      %get3A_1161 = arith.index_cast %add3A_1160 : i32 to index
      %get3A_1162 = tpu.vector_load %arg6[%get3A_1161] {strides = array<i32>} : memref<3328xf32, #tpu.memory_space<vmem>>, vector<16xf32>,
      %add3A_1163 = arith.constant 80 : i32
      %add3A_1164 = arith.addi %mul3A_1118, %add3A_1163 : i32
      %swap3A_1165 = arith.index_cast %add3A_1164 : i32 to index
      %swap3A_1166 = tpu.vector_load %arg7[%swap3A_1165] {strides = array<i32>} : memref<32768xf32, #tpu.memory_space<vmem>>, vector<16xf32>,
      tpu.vector_store %arg7[%swap3A_1165], %get3A_1162 {strides = array<i32>} : memref<32768xf32, #tpu.memory_space<vmem>>, vector<16xf32>,
      %add3A_1167 = arith.constant 96 : i32
      %add3A_1168 = arith.addi %squeeze3A_1112, %add3A_1167 : i32
      %get3A_1169 = arith.index_cast %add3A_1168 : i32 to index
      %get3A_1170 = tpu.vector_load %arg6[%get3A_1169] {strides = array<i32>} : memref<3328xf32, #tpu.memory_space<vmem>>, vector<16xf32>,
      %add3A_1171 = arith.constant 96 : i32
      %add3A_1172 = arith.addi %mul3A_1118, %add3A_1171 : i32
      %swap3A_1173 = arith.index_cast %add3A_1172 : i32 to index
      %swap3A_1174 = tpu.vector_load %arg7[%swap3A_1173] {strides = array<i32>} : memref<32768xf32, #tpu.memory_space<vmem>>, vector<16xf32>,
      tpu.vector_store %arg7[%swap3A_1173], %get3A_1170 {strides = array<i32>} : memref<32768xf32, #tpu.memory_space<vmem>>, vector<16xf32>,
      %add3A_1175 = arith.constant 112 : i32
      %add3A_1176 = arith.addi %squeeze3A_1112, %add3A_1175 : i32
      %get3A_1177 = arith.index_cast %add3A_1176 : i32 to index
      %get3A_1178 = tpu.vector_load %arg6[%get3A_1177] {strides = array<i32>} : memref<3328xf32, #tpu.memory_space<vmem>>, vector<16xf32>,
      %add3A_1179 = arith.constant 112 : i32
      %add3A_1180 = arith.addi %mul3A_1118, %add3A_1179 : i32
      %swap3A_1181 = arith.index_cast %add3A_1180 : i32 to index
      %swap3A_1182 = tpu.vector_load %arg7[%swap3A_1181] {strides = array<i32>} : memref<32768xf32, #tpu.memory_space<vmem>>, vector<16xf32>,
      tpu.vector_store %arg7[%swap3A_1181], %get3A_1178 {strides = array<i32>} : memref<32768xf32, #tpu.memory_space<vmem>>, vector<16xf32>,
      %scan3A_1183 = arith.constant 0 : i32
      scf.yield %scan3A_1183 : i32
    }
    %scan3A_8 = arith.constant 16 : i32
    %add3A_9 = arith.constant 0 : i32
    %add3A_10 = arith.addi %mul3A_2, %add3A_9 : i32
    %mul3A_11 = arith.constant 128 : i32
    %mul3A_12 = arith.muli %add3A_10, %mul3A_11 : i32
    "tpu.region"() ({
      %run_scoped3A = tpu.sem_alloc : memref<!tpu.dma_semaphore, #tpu.memory_space<semaphore_mem>>
      %dma_start3A = tpu.memref_slice %arg4[%mul3A_12] : memref<2097152xf32, #tpu.memory_space<hbm>> -> memref<32768xf32, #tpu.memory_space<hbm>>
      %dma_start3A_24 = tpu.memref_slice %arg4[%mul3A_12] : memref<2097152xf32, #tpu.memory_space<hbm>> -> memref<32768xf32, #tpu.memory_space<hbm>>
      tpu.enqueue_dma source(%arg7 : memref<32768xf32, #tpu.memory_space<vmem>>) target(%dma_start3A_24 : memref<32768xf32, #tpu.memory_space<hbm>>) target_semaphore(%run_scoped3A : memref<!tpu.dma_semaphore, #tpu.memory_space<semaphore_mem>>)
      %dma_wait3A = tpu.memref_slice %arg4[%mul3A_12] : memref<2097152xf32, #tpu.memory_space<hbm>> -> memref<32768xf32, #tpu.memory_space<hbm>>
      %dma_wait3A_25 = tpu.memref_slice %arg4[%mul3A_12] : memref<2097152xf32, #tpu.memory_space<hbm>> -> memref<32768xf32, #tpu.memory_space<hbm>>
      tpu.wait_dma2 semaphore(%run_scoped3A : memref<!tpu.dma_semaphore, #tpu.memory_space<semaphore_mem>>) src(%arg7 : memref<32768xf32, #tpu.memory_space<vmem>>) dst(%dma_wait3A_25 : memref<32768xf32, #tpu.memory_space<hbm>>)
      tpu.yield
    }) : () -> ()
    %scan3A_13 = arith.constant 0 : i32
    %scan3A_14 = arith.constant 0 : i32
    %scan3A_15 = arith.constant 16 : i32
    %scan3A_16 = arith.addi %scan3A_14, %scan3A_15 : i32
    %scan3A_17 = arith.constant 1 : i32
    %scan3A_18 = scf.for %scan3A_24 = %scan3A_14 to %scan3A_16 step %scan3A_17 iter_args(%scan3A_25 = %scan3A_13) -> (i32)  : i32 {
      %mul3A_26 = arith.constant 16 : i32
      %mul3A_27 = arith.muli %scan3A_24, %mul3A_26 : i32
      %add3A_28 = arith.constant 256 : i32
      %add3A_29 = arith.addi %add3A_28, %mul3A_27 : i32
      %get3A = arith.index_cast %add3A_29 : i32 to index
      %get3A_30 = tpu.vector_load %arg5[%get3A] {strides = array<i32>} : memref<512xi32, #tpu.memory_space<vmem>>, vector<16xi32>,
      %mul3A_31 = arith.constant 128 : i32
      %mul3A_32 = vector.broadcast %mul3A_31 : i32 to vector<16xi32>
      %mul3A_33 = arith.muli %get3A_30, %mul3A_32 : vector<16xi32>
      %slice3A = vector.extract_strided_slice %mul3A_33 {offsets = [0], sizes = [1], strides = [1]} : vector<16xi32> to vector<1xi32>
      %squeeze3A = vector.extract %slice3A[0] : i32 from vector<1xi32>
      %mul3A_34 = arith.constant 16 : i32
      %mul3A_35 = arith.muli %scan3A_24, %mul3A_34 : i32
      %add3A_36 = arith.constant 0 : i32
      %add3A_37 = arith.addi %mul3A_35, %add3A_36 : i32
      %mul3A_38 = arith.constant 128 : i32
      %mul3A_39 = arith.muli %add3A_37, %mul3A_38 : i32
      %add3A_40 = arith.constant 0 : i32
      %add3A_41 = arith.addi %squeeze3A, %add3A_40 : i32
      %get3A_42 = arith.index_cast %add3A_41 : i32 to index
      %get3A_43 = tpu.vector_load %arg6[%get3A_42] {strides = array<i32>} : memref<3328xf32, #tpu.memory_space<vmem>>, vector<16xf32>,
      %add3A_44 = arith.constant 0 : i32
      %add3A_45 = arith.addi %mul3A_39, %add3A_44 : i32
      %swap3A = arith.index_cast %add3A_45 : i32 to index
      %swap3A_46 = tpu.vector_load %arg7[%swap3A] {strides = array<i32>} : memref<32768xf32, #tpu.memory_space<vmem>>, vector<16xf32>,
      tpu.vector_store %arg7[%swap3A], %get3A_43 {strides = array<i32>} : memref<32768xf32, #tpu.memory_space<vmem>>, vector<16xf32>,
      %add3A_47 = arith.constant 16 : i32
      %add3A_48 = arith.addi %squeeze3A, %add3A_47 : i32
      %get3A_49 = arith.index_cast %add3A_48 : i32 to index
      %get3A_50 = tpu.vector_load %arg6[%get3A_49] {strides = array<i32>} : memref<3328xf32, #tpu.memory_space<vmem>>, vector<16xf32>,
      %add3A_51 = arith.constant 16 : i32
      %add3A_52 = arith.addi %mul3A_39, %add3A_51 : i32
      %swap3A_53 = arith.index_cast %add3A_52 : i32 to index
      %swap3A_54 = tpu.vector_load %arg7[%swap3A_53] {strides = array<i32>} : memref<32768xf32, #tpu.memory_space<vmem>>, vector<16xf32>,
      tpu.vector_store %arg7[%swap3A_53], %get3A_50 {strides = array<i32>} : memref<32768xf32, #tpu.memory_space<vmem>>, vector<16xf32>,
      %add3A_55 = arith.constant 32 : i32
      %add3A_56 = arith.addi %squeeze3A, %add3A_55 : i32
      %get3A_57 = arith.index_cast %add3A_56 : i32 to index
      %get3A_58 = tpu.vector_load %arg6[%get3A_57] {strides = array<i32>} : memref<3328xf32, #tpu.memory_space<vmem>>, vector<16xf32>,
      %add3A_59 = arith.constant 32 : i32
      %add3A_60 = arith.addi %mul3A_39, %add3A_59 : i32
      %swap3A_61 = arith.index_cast %add3A_60 : i32 to index
      %swap3A_62 = tpu.vector_load %arg7[%swap3A_61] {strides = array<i32>} : memref<32768xf32, #tpu.memory_space<vmem>>, vector<16xf32>,
      tpu.vector_store %arg7[%swap3A_61], %get3A_58 {strides = array<i32>} : memref<32768xf32, #tpu.memory_space<vmem>>, vector<16xf32>,
      %add3A_63 = arith.constant 48 : i32
      %add3A_64 = arith.addi %squeeze3A, %add3A_63 : i32
      %get3A_65 = arith.index_cast %add3A_64 : i32 to index
      %get3A_66 = tpu.vector_load %arg6[%get3A_65] {strides = array<i32>} : memref<3328xf32, #tpu.memory_space<vmem>>, vector<16xf32>,
      %add3A_67 = arith.constant 48 : i32
      %add3A_68 = arith.addi %mul3A_39, %add3A_67 : i32
      %swap3A_69 = arith.index_cast %add3A_68 : i32 to index
      %swap3A_70 = tpu.vector_load %arg7[%swap3A_69] {strides = array<i32>} : memref<32768xf32, #tpu.memory_space<vmem>>, vector<16xf32>,
      tpu.vector_store %arg7[%swap3A_69], %get3A_66 {strides = array<i32>} : memref<32768xf32, #tpu.memory_space<vmem>>, vector<16xf32>,
      %add3A_71 = arith.constant 64 : i32
      %add3A_72 = arith.addi %squeeze3A, %add3A_71 : i32
      %get3A_73 = arith.index_cast %add3A_72 : i32 to index
      %get3A_74 = tpu.vector_load %arg6[%get3A_73] {strides = array<i32>} : memref<3328xf32, #tpu.memory_space<vmem>>, vector<16xf32>,
      %add3A_75 = arith.constant 64 : i32
      %add3A_76 = arith.addi %mul3A_39, %add3A_75 : i32
      %swap3A_77 = arith.index_cast %add3A_76 : i32 to index
      %swap3A_78 = tpu.vector_load %arg7[%swap3A_77] {strides = array<i32>} : memref<32768xf32, #tpu.memory_space<vmem>>, vector<16xf32>,
      tpu.vector_store %arg7[%swap3A_77], %get3A_74 {strides = array<i32>} : memref<32768xf32, #tpu.memory_space<vmem>>, vector<16xf32>,
      %add3A_79 = arith.constant 80 : i32
      %add3A_80 = arith.addi %squeeze3A, %add3A_79 : i32
      %get3A_81 = arith.index_cast %add3A_80 : i32 to index
      %get3A_82 = tpu.vector_load %arg6[%get3A_81] {strides = array<i32>} : memref<3328xf32, #tpu.memory_space<vmem>>, vector<16xf32>,
      %add3A_83 = arith.constant 80 : i32
      %add3A_84 = arith.addi %mul3A_39, %add3A_83 : i32
      %swap3A_85 = arith.index_cast %add3A_84 : i32 to index
      %swap3A_86 = tpu.vector_load %arg7[%swap3A_85] {strides = array<i32>} : memref<32768xf32, #tpu.memory_space<vmem>>, vector<16xf32>,
      tpu.vector_store %arg7[%swap3A_85], %get3A_82 {strides = array<i32>} : memref<32768xf32, #tpu.memory_space<vmem>>, vector<16xf32>,
      %add3A_87 = arith.constant 96 : i32
      %add3A_88 = arith.addi %squeeze3A, %add3A_87 : i32
      %get3A_89 = arith.index_cast %add3A_88 : i32 to index
      %get3A_90 = tpu.vector_load %arg6[%get3A_89] {strides = array<i32>} : memref<3328xf32, #tpu.memory_space<vmem>>, vector<16xf32>,
      %add3A_91 = arith.constant 96 : i32
      %add3A_92 = arith.addi %mul3A_39, %add3A_91 : i32
      %swap3A_93 = arith.index_cast %add3A_92 : i32 to index
      %swap3A_94 = tpu.vector_load %arg7[%swap3A_93] {strides = array<i32>} : memref<32768xf32, #tpu.memory_space<vmem>>, vector<16xf32>,
      tpu.vector_store %arg7[%swap3A_93], %get3A_90 {strides = array<i32>} : memref<32768xf32, #tpu.memory_space<vmem>>, vector<16xf32>,
      %add3A_95 = arith.constant 112 : i32
      %add3A_96 = arith.addi %squeeze3A, %add3A_95 : i32
      %get3A_97 = arith.index_cast %add3A_96 : i32 to index
      %get3A_98 = tpu.vector_load %arg6[%get3A_97] {strides = array<i32>} : memref<3328xf32, #tpu.memory_space<vmem>>, vector<16xf32>,
      %add3A_99 = arith.constant 112 : i32
      %add3A_100 = arith.addi %mul3A_39, %add3A_99 : i32
      %swap3A_101 = arith.index_cast %add3A_100 : i32 to index
      %swap3A_102 = tpu.vector_load %arg7[%swap3A_101] {strides = array<i32>} : memref<32768xf32, #tpu.memory_space<vmem>>, vector<16xf32>,
      tpu.vector_store %arg7[%swap3A_101], %get3A_98 {strides = array<i32>} : memref<32768xf32, #tpu.memory_space<vmem>>, vector<16xf32>,
      %slice3A_103 = vector.extract_strided_slice %mul3A_33 {offsets = [1], sizes = [1], strides = [1]} : vector<16xi32> to vector<1xi32>
      %squeeze3A_104 = vector.extract %slice3A_103[0] : i32 from vector<1xi32>
      %mul3A_105 = arith.constant 16 : i32
      %mul3A_106 = arith.muli %scan3A_24, %mul3A_105 : i32
      %add3A_107 = arith.constant 1 : i32
      %add3A_108 = arith.addi %mul3A_106, %add3A_107 : i32
      %mul3A_109 = arith.constant 128 : i32
      %mul3A_110 = arith.muli %add3A_108, %mul3A_109 : i32
      %add3A_111 = arith.constant 0 : i32
      %add3A_112 = arith.addi %squeeze3A_104, %add3A_111 : i32
      %get3A_113 = arith.index_cast %add3A_112 : i32 to index
      %get3A_114 = tpu.vector_load %arg6[%get3A_113] {strides = array<i32>} : memref<3328xf32, #tpu.memory_space<vmem>>, vector<16xf32>,
      %add3A_115 = arith.constant 0 : i32
      %add3A_116 = arith.addi %mul3A_110, %add3A_115 : i32
      %swap3A_117 = arith.index_cast %add3A_116 : i32 to index
      %swap3A_118 = tpu.vector_load %arg7[%swap3A_117] {strides = array<i32>} : memref<32768xf32, #tpu.memory_space<vmem>>, vector<16xf32>,
      tpu.vector_store %arg7[%swap3A_117], %get3A_114 {strides = array<i32>} : memref<32768xf32, #tpu.memory_space<vmem>>, vector<16xf32>,
      %add3A_119 = arith.constant 16 : i32
      %add3A_120 = arith.addi %squeeze3A_104, %add3A_119 : i32
      %get3A_121 = arith.index_cast %add3A_120 : i32 to index
      %get3A_122 = tpu.vector_load %arg6[%get3A_121] {strides = array<i32>} : memref<3328xf32, #tpu.memory_space<vmem>>, vector<16xf32>,
      %add3A_123 = arith.constant 16 : i32
      %add3A_124 = arith.addi %mul3A_110, %add3A_123 : i32
      %swap3A_125 = arith.index_cast %add3A_124 : i32 to index
      %swap3A_126 = tpu.vector_load %arg7[%swap3A_125] {strides = array<i32>} : memref<32768xf32, #tpu.memory_space<vmem>>, vector<16xf32>,
      tpu.vector_store %arg7[%swap3A_125], %get3A_122 {strides = array<i32>} : memref<32768xf32, #tpu.memory_space<vmem>>, vector<16xf32>,
      %add3A_127 = arith.constant 32 : i32
      %add3A_128 = arith.addi %squeeze3A_104, %add3A_127 : i32
      %get3A_129 = arith.index_cast %add3A_128 : i32 to index
      %get3A_130 = tpu.vector_load %arg6[%get3A_129] {strides = array<i32>} : memref<3328xf32, #tpu.memory_space<vmem>>, vector<16xf32>,
      %add3A_131 = arith.constant 32 : i32
      %add3A_132 = arith.addi %mul3A_110, %add3A_131 : i32
      %swap3A_133 = arith.index_cast %add3A_132 : i32 to index
      %swap3A_134 = tpu.vector_load %arg7[%swap3A_133] {strides = array<i32>} : memref<32768xf32, #tpu.memory_space<vmem>>, vector<16xf32>,
      tpu.vector_store %arg7[%swap3A_133], %get3A_130 {strides = array<i32>} : memref<32768xf32, #tpu.memory_space<vmem>>, vector<16xf32>,
      %add3A_135 = arith.constant 48 : i32
      %add3A_136 = arith.addi %squeeze3A_104, %add3A_135 : i32
      %get3A_137 = arith.index_cast %add3A_136 : i32 to index
      %get3A_138 = tpu.vector_load %arg6[%get3A_137] {strides = array<i32>} : memref<3328xf32, #tpu.memory_space<vmem>>, vector<16xf32>,
      %add3A_139 = arith.constant 48 : i32
      %add3A_140 = arith.addi %mul3A_110, %add3A_139 : i32
      %swap3A_141 = arith.index_cast %add3A_140 : i32 to index
      %swap3A_142 = tpu.vector_load %arg7[%swap3A_141] {strides = array<i32>} : memref<32768xf32, #tpu.memory_space<vmem>>, vector<16xf32>,
      tpu.vector_store %arg7[%swap3A_141], %get3A_138 {strides = array<i32>} : memref<32768xf32, #tpu.memory_space<vmem>>, vector<16xf32>,
      %add3A_143 = arith.constant 64 : i32
      %add3A_144 = arith.addi %squeeze3A_104, %add3A_143 : i32
      %get3A_145 = arith.index_cast %add3A_144 : i32 to index
      %get3A_146 = tpu.vector_load %arg6[%get3A_145] {strides = array<i32>} : memref<3328xf32, #tpu.memory_space<vmem>>, vector<16xf32>,
      %add3A_147 = arith.constant 64 : i32
      %add3A_148 = arith.addi %mul3A_110, %add3A_147 : i32
      %swap3A_149 = arith.index_cast %add3A_148 : i32 to index
      %swap3A_150 = tpu.vector_load %arg7[%swap3A_149] {strides = array<i32>} : memref<32768xf32, #tpu.memory_space<vmem>>, vector<16xf32>,
      tpu.vector_store %arg7[%swap3A_149], %get3A_146 {strides = array<i32>} : memref<32768xf32, #tpu.memory_space<vmem>>, vector<16xf32>,
      %add3A_151 = arith.constant 80 : i32
      %add3A_152 = arith.addi %squeeze3A_104, %add3A_151 : i32
      %get3A_153 = arith.index_cast %add3A_152 : i32 to index
      %get3A_154 = tpu.vector_load %arg6[%get3A_153] {strides = array<i32>} : memref<3328xf32, #tpu.memory_space<vmem>>, vector<16xf32>,
      %add3A_155 = arith.constant 80 : i32
      %add3A_156 = arith.addi %mul3A_110, %add3A_155 : i32
      %swap3A_157 = arith.index_cast %add3A_156 : i32 to index
      %swap3A_158 = tpu.vector_load %arg7[%swap3A_157] {strides = array<i32>} : memref<32768xf32, #tpu.memory_space<vmem>>, vector<16xf32>,
      tpu.vector_store %arg7[%swap3A_157], %get3A_154 {strides = array<i32>} : memref<32768xf32, #tpu.memory_space<vmem>>, vector<16xf32>,
      %add3A_159 = arith.constant 96 : i32
      %add3A_160 = arith.addi %squeeze3A_104, %add3A_159 : i32
      %get3A_161 = arith.index_cast %add3A_160 : i32 to index
      %get3A_162 = tpu.vector_load %arg6[%get3A_161] {strides = array<i32>} : memref<3328xf32, #tpu.memory_space<vmem>>, vector<16xf32>,
      %add3A_163 = arith.constant 96 : i32
      %add3A_164 = arith.addi %mul3A_110, %add3A_163 : i32
      %swap3A_165 = arith.index_cast %add3A_164 : i32 to index
      %swap3A_166 = tpu.vector_load %arg7[%swap3A_165] {strides = array<i32>} : memref<32768xf32, #tpu.memory_space<vmem>>, vector<16xf32>,
      tpu.vector_store %arg7[%swap3A_165], %get3A_162 {strides = array<i32>} : memref<32768xf32, #tpu.memory_space<vmem>>, vector<16xf32>,
      %add3A_167 = arith.constant 112 : i32
      %add3A_168 = arith.addi %squeeze3A_104, %add3A_167 : i32
      %get3A_169 = arith.index_cast %add3A_168 : i32 to index
      %get3A_170 = tpu.vector_load %arg6[%get3A_169] {strides = array<i32>} : memref<3328xf32, #tpu.memory_space<vmem>>, vector<16xf32>,
      %add3A_171 = arith.constant 112 : i32
      %add3A_172 = arith.addi %mul3A_110, %add3A_171 : i32
      %swap3A_173 = arith.index_cast %add3A_172 : i32 to index
      %swap3A_174 = tpu.vector_load %arg7[%swap3A_173] {strides = array<i32>} : memref<32768xf32, #tpu.memory_space<vmem>>, vector<16xf32>,
      tpu.vector_store %arg7[%swap3A_173], %get3A_170 {strides = array<i32>} : memref<32768xf32, #tpu.memory_space<vmem>>, vector<16xf32>,
      %slice3A_175 = vector.extract_strided_slice %mul3A_33 {offsets = [2], sizes = [1], strides = [1]} : vector<16xi32> to vector<1xi32>
      %squeeze3A_176 = vector.extract %slice3A_175[0] : i32 from vector<1xi32>
      %mul3A_177 = arith.constant 16 : i32
      %mul3A_178 = arith.muli %scan3A_24, %mul3A_177 : i32
      %add3A_179 = arith.constant 2 : i32
      %add3A_180 = arith.addi %mul3A_178, %add3A_179 : i32
      %mul3A_181 = arith.constant 128 : i32
      %mul3A_182 = arith.muli %add3A_180, %mul3A_181 : i32
      %add3A_183 = arith.constant 0 : i32
      %add3A_184 = arith.addi %squeeze3A_176, %add3A_183 : i32
      %get3A_185 = arith.index_cast %add3A_184 : i32 to index
      %get3A_186 = tpu.vector_load %arg6[%get3A_185] {strides = array<i32>} : memref<3328xf32, #tpu.memory_space<vmem>>, vector<16xf32>,
      %add3A_187 = arith.constant 0 : i32
      %add3A_188 = arith.addi %mul3A_182, %add3A_187 : i32
      %swap3A_189 = arith.index_cast %add3A_188 : i32 to index
      %swap3A_190 = tpu.vector_load %arg7[%swap3A_189] {strides = array<i32>} : memref<32768xf32, #tpu.memory_space<vmem>>, vector<16xf32>,
      tpu.vector_store %arg7[%swap3A_189], %get3A_186 {strides = array<i32>} : memref<32768xf32, #tpu.memory_space<vmem>>, vector<16xf32>,
      %add3A_191 = arith.constant 16 : i32
      %add3A_192 = arith.addi %squeeze3A_176, %add3A_191 : i32
      %get3A_193 = arith.index_cast %add3A_192 : i32 to index
      %get3A_194 = tpu.vector_load %arg6[%get3A_193] {strides = array<i32>} : memref<3328xf32, #tpu.memory_space<vmem>>, vector<16xf32>,
      %add3A_195 = arith.constant 16 : i32
      %add3A_196 = arith.addi %mul3A_182, %add3A_195 : i32
      %swap3A_197 = arith.index_cast %add3A_196 : i32 to index
      %swap3A_198 = tpu.vector_load %arg7[%swap3A_197] {strides = array<i32>} : memref<32768xf32, #tpu.memory_space<vmem>>, vector<16xf32>,
      tpu.vector_store %arg7[%swap3A_197], %get3A_194 {strides = array<i32>} : memref<32768xf32, #tpu.memory_space<vmem>>, vector<16xf32>,
      %add3A_199 = arith.constant 32 : i32
      %add3A_200 = arith.addi %squeeze3A_176, %add3A_199 : i32
      %get3A_201 = arith.index_cast %add3A_200 : i32 to index
      %get3A_202 = tpu.vector_load %arg6[%get3A_201] {strides = array<i32>} : memref<3328xf32, #tpu.memory_space<vmem>>, vector<16xf32>,
      %add3A_203 = arith.constant 32 : i32
      %add3A_204 = arith.addi %mul3A_182, %add3A_203 : i32
      %swap3A_205 = arith.index_cast %add3A_204 : i32 to index
      %swap3A_206 = tpu.vector_load %arg7[%swap3A_205] {strides = array<i32>} : memref<32768xf32, #tpu.memory_space<vmem>>, vector<16xf32>,
      tpu.vector_store %arg7[%swap3A_205], %get3A_202 {strides = array<i32>} : memref<32768xf32, #tpu.memory_space<vmem>>, vector<16xf32>,
      %add3A_207 = arith.constant 48 : i32
      %add3A_208 = arith.addi %squeeze3A_176, %add3A_207 : i32
      %get3A_209 = arith.index_cast %add3A_208 : i32 to index
      %get3A_210 = tpu.vector_load %arg6[%get3A_209] {strides = array<i32>} : memref<3328xf32, #tpu.memory_space<vmem>>, vector<16xf32>,
      %add3A_211 = arith.constant 48 : i32
      %add3A_212 = arith.addi %mul3A_182, %add3A_211 : i32
      %swap3A_213 = arith.index_cast %add3A_212 : i32 to index
      %swap3A_214 = tpu.vector_load %arg7[%swap3A_213] {strides = array<i32>} : memref<32768xf32, #tpu.memory_space<vmem>>, vector<16xf32>,
      tpu.vector_store %arg7[%swap3A_213], %get3A_210 {strides = array<i32>} : memref<32768xf32, #tpu.memory_space<vmem>>, vector<16xf32>,
      %add3A_215 = arith.constant 64 : i32
      %add3A_216 = arith.addi %squeeze3A_176, %add3A_215 : i32
      %get3A_217 = arith.index_cast %add3A_216 : i32 to index
      %get3A_218 = tpu.vector_load %arg6[%get3A_217] {strides = array<i32>} : memref<3328xf32, #tpu.memory_space<vmem>>, vector<16xf32>,
      %add3A_219 = arith.constant 64 : i32
      %add3A_220 = arith.addi %mul3A_182, %add3A_219 : i32
      %swap3A_221 = arith.index_cast %add3A_220 : i32 to index
      %swap3A_222 = tpu.vector_load %arg7[%swap3A_221] {strides = array<i32>} : memref<32768xf32, #tpu.memory_space<vmem>>, vector<16xf32>,
      tpu.vector_store %arg7[%swap3A_221], %get3A_218 {strides = array<i32>} : memref<32768xf32, #tpu.memory_space<vmem>>, vector<16xf32>,
      %add3A_223 = arith.constant 80 : i32
      %add3A_224 = arith.addi %squeeze3A_176, %add3A_223 : i32
      %get3A_225 = arith.index_cast %add3A_224 : i32 to index
      %get3A_226 = tpu.vector_load %arg6[%get3A_225] {strides = array<i32>} : memref<3328xf32, #tpu.memory_space<vmem>>, vector<16xf32>,
      %add3A_227 = arith.constant 80 : i32
      %add3A_228 = arith.addi %mul3A_182, %add3A_227 : i32
      %swap3A_229 = arith.index_cast %add3A_228 : i32 to index
      %swap3A_230 = tpu.vector_load %arg7[%swap3A_229] {strides = array<i32>} : memref<32768xf32, #tpu.memory_space<vmem>>, vector<16xf32>,
      tpu.vector_store %arg7[%swap3A_229], %get3A_226 {strides = array<i32>} : memref<32768xf32, #tpu.memory_space<vmem>>, vector<16xf32>,
      %add3A_231 = arith.constant 96 : i32
      %add3A_232 = arith.addi %squeeze3A_176, %add3A_231 : i32
      %get3A_233 = arith.index_cast %add3A_232 : i32 to index
      %get3A_234 = tpu.vector_load %arg6[%get3A_233] {strides = array<i32>} : memref<3328xf32, #tpu.memory_space<vmem>>, vector<16xf32>,
      %add3A_235 = arith.constant 96 : i32
      %add3A_236 = arith.addi %mul3A_182, %add3A_235 : i32
      %swap3A_237 = arith.index_cast %add3A_236 : i32 to index
      %swap3A_238 = tpu.vector_load %arg7[%swap3A_237] {strides = array<i32>} : memref<32768xf32, #tpu.memory_space<vmem>>, vector<16xf32>,
      tpu.vector_store %arg7[%swap3A_237], %get3A_234 {strides = array<i32>} : memref<32768xf32, #tpu.memory_space<vmem>>, vector<16xf32>,
      %add3A_239 = arith.constant 112 : i32
      %add3A_240 = arith.addi %squeeze3A_176, %add3A_239 : i32
      %get3A_241 = arith.index_cast %add3A_240 : i32 to index
      %get3A_242 = tpu.vector_load %arg6[%get3A_241] {strides = array<i32>} : memref<3328xf32, #tpu.memory_space<vmem>>, vector<16xf32>,
      %add3A_243 = arith.constant 112 : i32
      %add3A_244 = arith.addi %mul3A_182, %add3A_243 : i32
      %swap3A_245 = arith.index_cast %add3A_244 : i32 to index
      %swap3A_246 = tpu.vector_load %arg7[%swap3A_245] {strides = array<i32>} : memref<32768xf32, #tpu.memory_space<vmem>>, vector<16xf32>,
      tpu.vector_store %arg7[%swap3A_245], %get3A_242 {strides = array<i32>} : memref<32768xf32, #tpu.memory_space<vmem>>, vector<16xf32>,
      %slice3A_247 = vector.extract_strided_slice %mul3A_33 {offsets = [3], sizes = [1], strides = [1]} : vector<16xi32> to vector<1xi32>
      %squeeze3A_248 = vector.extract %slice3A_247[0] : i32 from vector<1xi32>
      %mul3A_249 = arith.constant 16 : i32
      %mul3A_250 = arith.muli %scan3A_24, %mul3A_249 : i32
      %add3A_251 = arith.constant 3 : i32
      %add3A_252 = arith.addi %mul3A_250, %add3A_251 : i32
      %mul3A_253 = arith.constant 128 : i32
      %mul3A_254 = arith.muli %add3A_252, %mul3A_253 : i32
      %add3A_255 = arith.constant 0 : i32
      %add3A_256 = arith.addi %squeeze3A_248, %add3A_255 : i32
      %get3A_257 = arith.index_cast %add3A_256 : i32 to index
      %get3A_258 = tpu.vector_load %arg6[%get3A_257] {strides = array<i32>} : memref<3328xf32, #tpu.memory_space<vmem>>, vector<16xf32>,
      %add3A_259 = arith.constant 0 : i32
      %add3A_260 = arith.addi %mul3A_254, %add3A_259 : i32
      %swap3A_261 = arith.index_cast %add3A_260 : i32 to index
      %swap3A_262 = tpu.vector_load %arg7[%swap3A_261] {strides = array<i32>} : memref<32768xf32, #tpu.memory_space<vmem>>, vector<16xf32>,
      tpu.vector_store %arg7[%swap3A_261], %get3A_258 {strides = array<i32>} : memref<32768xf32, #tpu.memory_space<vmem>>, vector<16xf32>,
      %add3A_263 = arith.constant 16 : i32
      %add3A_264 = arith.addi %squeeze3A_248, %add3A_263 : i32
      %get3A_265 = arith.index_cast %add3A_264 : i32 to index
      %get3A_266 = tpu.vector_load %arg6[%get3A_265] {strides = array<i32>} : memref<3328xf32, #tpu.memory_space<vmem>>, vector<16xf32>,
      %add3A_267 = arith.constant 16 : i32
      %add3A_268 = arith.addi %mul3A_254, %add3A_267 : i32
      %swap3A_269 = arith.index_cast %add3A_268 : i32 to index
      %swap3A_270 = tpu.vector_load %arg7[%swap3A_269] {strides = array<i32>} : memref<32768xf32, #tpu.memory_space<vmem>>, vector<16xf32>,
      tpu.vector_store %arg7[%swap3A_269], %get3A_266 {strides = array<i32>} : memref<32768xf32, #tpu.memory_space<vmem>>, vector<16xf32>,
      %add3A_271 = arith.constant 32 : i32
      %add3A_272 = arith.addi %squeeze3A_248, %add3A_271 : i32
      %get3A_273 = arith.index_cast %add3A_272 : i32 to index
      %get3A_274 = tpu.vector_load %arg6[%get3A_273] {strides = array<i32>} : memref<3328xf32, #tpu.memory_space<vmem>>, vector<16xf32>,
      %add3A_275 = arith.constant 32 : i32
      %add3A_276 = arith.addi %mul3A_254, %add3A_275 : i32
      %swap3A_277 = arith.index_cast %add3A_276 : i32 to index
      %swap3A_278 = tpu.vector_load %arg7[%swap3A_277] {strides = array<i32>} : memref<32768xf32, #tpu.memory_space<vmem>>, vector<16xf32>,
      tpu.vector_store %arg7[%swap3A_277], %get3A_274 {strides = array<i32>} : memref<32768xf32, #tpu.memory_space<vmem>>, vector<16xf32>,
      %add3A_279 = arith.constant 48 : i32
      %add3A_280 = arith.addi %squeeze3A_248, %add3A_279 : i32
      %get3A_281 = arith.index_cast %add3A_280 : i32 to index
      %get3A_282 = tpu.vector_load %arg6[%get3A_281] {strides = array<i32>} : memref<3328xf32, #tpu.memory_space<vmem>>, vector<16xf32>,
      %add3A_283 = arith.constant 48 : i32
      %add3A_284 = arith.addi %mul3A_254, %add3A_283 : i32
      %swap3A_285 = arith.index_cast %add3A_284 : i32 to index
      %swap3A_286 = tpu.vector_load %arg7[%swap3A_285] {strides = array<i32>} : memref<32768xf32, #tpu.memory_space<vmem>>, vector<16xf32>,
      tpu.vector_store %arg7[%swap3A_285], %get3A_282 {strides = array<i32>} : memref<32768xf32, #tpu.memory_space<vmem>>, vector<16xf32>,
      %add3A_287 = arith.constant 64 : i32
      %add3A_288 = arith.addi %squeeze3A_248, %add3A_287 : i32
      %get3A_289 = arith.index_cast %add3A_288 : i32 to index
      %get3A_290 = tpu.vector_load %arg6[%get3A_289] {strides = array<i32>} : memref<3328xf32, #tpu.memory_space<vmem>>, vector<16xf32>,
      %add3A_291 = arith.constant 64 : i32
      %add3A_292 = arith.addi %mul3A_254, %add3A_291 : i32
      %swap3A_293 = arith.index_cast %add3A_292 : i32 to index
      %swap3A_294 = tpu.vector_load %arg7[%swap3A_293] {strides = array<i32>} : memref<32768xf32, #tpu.memory_space<vmem>>, vector<16xf32>,
      tpu.vector_store %arg7[%swap3A_293], %get3A_290 {strides = array<i32>} : memref<32768xf32, #tpu.memory_space<vmem>>, vector<16xf32>,
      %add3A_295 = arith.constant 80 : i32
      %add3A_296 = arith.addi %squeeze3A_248, %add3A_295 : i32
      %get3A_297 = arith.index_cast %add3A_296 : i32 to index
      %get3A_298 = tpu.vector_load %arg6[%get3A_297] {strides = array<i32>} : memref<3328xf32, #tpu.memory_space<vmem>>, vector<16xf32>,
      %add3A_299 = arith.constant 80 : i32
      %add3A_300 = arith.addi %mul3A_254, %add3A_299 : i32
      %swap3A_301 = arith.index_cast %add3A_300 : i32 to index
      %swap3A_302 = tpu.vector_load %arg7[%swap3A_301] {strides = array<i32>} : memref<32768xf32, #tpu.memory_space<vmem>>, vector<16xf32>,
      tpu.vector_store %arg7[%swap3A_301], %get3A_298 {strides = array<i32>} : memref<32768xf32, #tpu.memory_space<vmem>>, vector<16xf32>,
      %add3A_303 = arith.constant 96 : i32
      %add3A_304 = arith.addi %squeeze3A_248, %add3A_303 : i32
      %get3A_305 = arith.index_cast %add3A_304 : i32 to index
      %get3A_306 = tpu.vector_load %arg6[%get3A_305] {strides = array<i32>} : memref<3328xf32, #tpu.memory_space<vmem>>, vector<16xf32>,
      %add3A_307 = arith.constant 96 : i32
      %add3A_308 = arith.addi %mul3A_254, %add3A_307 : i32
      %swap3A_309 = arith.index_cast %add3A_308 : i32 to index
      %swap3A_310 = tpu.vector_load %arg7[%swap3A_309] {strides = array<i32>} : memref<32768xf32, #tpu.memory_space<vmem>>, vector<16xf32>,
      tpu.vector_store %arg7[%swap3A_309], %get3A_306 {strides = array<i32>} : memref<32768xf32, #tpu.memory_space<vmem>>, vector<16xf32>,
      %add3A_311 = arith.constant 112 : i32
      %add3A_312 = arith.addi %squeeze3A_248, %add3A_311 : i32
      %get3A_313 = arith.index_cast %add3A_312 : i32 to index
      %get3A_314 = tpu.vector_load %arg6[%get3A_313] {strides = array<i32>} : memref<3328xf32, #tpu.memory_space<vmem>>, vector<16xf32>,
      %add3A_315 = arith.constant 112 : i32
      %add3A_316 = arith.addi %mul3A_254, %add3A_315 : i32
      %swap3A_317 = arith.index_cast %add3A_316 : i32 to index
      %swap3A_318 = tpu.vector_load %arg7[%swap3A_317] {strides = array<i32>} : memref<32768xf32, #tpu.memory_space<vmem>>, vector<16xf32>,
      tpu.vector_store %arg7[%swap3A_317], %get3A_314 {strides = array<i32>} : memref<32768xf32, #tpu.memory_space<vmem>>, vector<16xf32>,
      %slice3A_319 = vector.extract_strided_slice %mul3A_33 {offsets = [4], sizes = [1], strides = [1]} : vector<16xi32> to vector<1xi32>
      %squeeze3A_320 = vector.extract %slice3A_319[0] : i32 from vector<1xi32>
      %mul3A_321 = arith.constant 16 : i32
      %mul3A_322 = arith.muli %scan3A_24, %mul3A_321 : i32
      %add3A_323 = arith.constant 4 : i32
      %add3A_324 = arith.addi %mul3A_322, %add3A_323 : i32
      %mul3A_325 = arith.constant 128 : i32
      %mul3A_326 = arith.muli %add3A_324, %mul3A_325 : i32
      %add3A_327 = arith.constant 0 : i32
      %add3A_328 = arith.addi %squeeze3A_320, %add3A_327 : i32
      %get3A_329 = arith.index_cast %add3A_328 : i32 to index
      %get3A_330 = tpu.vector_load %arg6[%get3A_329] {strides = array<i32>} : memref<3328xf32, #tpu.memory_space<vmem>>, vector<16xf32>,
      %add3A_331 = arith.constant 0 : i32
      %add3A_332 = arith.addi %mul3A_326, %add3A_331 : i32
      %swap3A_333 = arith.index_cast %add3A_332 : i32 to index
      %swap3A_334 = tpu.vector_load %arg7[%swap3A_333] {strides = array<i32>} : memref<32768xf32, #tpu.memory_space<vmem>>, vector<16xf32>,
      tpu.vector_store %arg7[%swap3A_333], %get3A_330 {strides = array<i32>} : memref<32768xf32, #tpu.memory_space<vmem>>, vector<16xf32>,
      %add3A_335 = arith.constant 16 : i32
      %add3A_336 = arith.addi %squeeze3A_320, %add3A_335 : i32
      %get3A_337 = arith.index_cast %add3A_336 : i32 to index
      %get3A_338 = tpu.vector_load %arg6[%get3A_337] {strides = array<i32>} : memref<3328xf32, #tpu.memory_space<vmem>>, vector<16xf32>,
      %add3A_339 = arith.constant 16 : i32
      %add3A_340 = arith.addi %mul3A_326, %add3A_339 : i32
      %swap3A_341 = arith.index_cast %add3A_340 : i32 to index
      %swap3A_342 = tpu.vector_load %arg7[%swap3A_341] {strides = array<i32>} : memref<32768xf32, #tpu.memory_space<vmem>>, vector<16xf32>,
      tpu.vector_store %arg7[%swap3A_341], %get3A_338 {strides = array<i32>} : memref<32768xf32, #tpu.memory_space<vmem>>, vector<16xf32>,
      %add3A_343 = arith.constant 32 : i32
      %add3A_344 = arith.addi %squeeze3A_320, %add3A_343 : i32
      %get3A_345 = arith.index_cast %add3A_344 : i32 to index
      %get3A_346 = tpu.vector_load %arg6[%get3A_345] {strides = array<i32>} : memref<3328xf32, #tpu.memory_space<vmem>>, vector<16xf32>,
      %add3A_347 = arith.constant 32 : i32
      %add3A_348 = arith.addi %mul3A_326, %add3A_347 : i32
      %swap3A_349 = arith.index_cast %add3A_348 : i32 to index
      %swap3A_350 = tpu.vector_load %arg7[%swap3A_349] {strides = array<i32>} : memref<32768xf32, #tpu.memory_space<vmem>>, vector<16xf32>,
      tpu.vector_store %arg7[%swap3A_349], %get3A_346 {strides = array<i32>} : memref<32768xf32, #tpu.memory_space<vmem>>, vector<16xf32>,
      %add3A_351 = arith.constant 48 : i32
      %add3A_352 = arith.addi %squeeze3A_320, %add3A_351 : i32
      %get3A_353 = arith.index_cast %add3A_352 : i32 to index
      %get3A_354 = tpu.vector_load %arg6[%get3A_353] {strides = array<i32>} : memref<3328xf32, #tpu.memory_space<vmem>>, vector<16xf32>,
      %add3A_355 = arith.constant 48 : i32
      %add3A_356 = arith.addi %mul3A_326, %add3A_355 : i32
      %swap3A_357 = arith.index_cast %add3A_356 : i32 to index
      %swap3A_358 = tpu.vector_load %arg7[%swap3A_357] {strides = array<i32>} : memref<32768xf32, #tpu.memory_space<vmem>>, vector<16xf32>,
      tpu.vector_store %arg7[%swap3A_357], %get3A_354 {strides = array<i32>} : memref<32768xf32, #tpu.memory_space<vmem>>, vector<16xf32>,
      %add3A_359 = arith.constant 64 : i32
      %add3A_360 = arith.addi %squeeze3A_320, %add3A_359 : i32
      %get3A_361 = arith.index_cast %add3A_360 : i32 to index
      %get3A_362 = tpu.vector_load %arg6[%get3A_361] {strides = array<i32>} : memref<3328xf32, #tpu.memory_space<vmem>>, vector<16xf32>,
      %add3A_363 = arith.constant 64 : i32
      %add3A_364 = arith.addi %mul3A_326, %add3A_363 : i32
      %swap3A_365 = arith.index_cast %add3A_364 : i32 to index
      %swap3A_366 = tpu.vector_load %arg7[%swap3A_365] {strides = array<i32>} : memref<32768xf32, #tpu.memory_space<vmem>>, vector<16xf32>,
      tpu.vector_store %arg7[%swap3A_365], %get3A_362 {strides = array<i32>} : memref<32768xf32, #tpu.memory_space<vmem>>, vector<16xf32>,
      %add3A_367 = arith.constant 80 : i32
      %add3A_368 = arith.addi %squeeze3A_320, %add3A_367 : i32
      %get3A_369 = arith.index_cast %add3A_368 : i32 to index
      %get3A_370 = tpu.vector_load %arg6[%get3A_369] {strides = array<i32>} : memref<3328xf32, #tpu.memory_space<vmem>>, vector<16xf32>,
      %add3A_371 = arith.constant 80 : i32
      %add3A_372 = arith.addi %mul3A_326, %add3A_371 : i32
      %swap3A_373 = arith.index_cast %add3A_372 : i32 to index
      %swap3A_374 = tpu.vector_load %arg7[%swap3A_373] {strides = array<i32>} : memref<32768xf32, #tpu.memory_space<vmem>>, vector<16xf32>,
      tpu.vector_store %arg7[%swap3A_373], %get3A_370 {strides = array<i32>} : memref<32768xf32, #tpu.memory_space<vmem>>, vector<16xf32>,
      %add3A_375 = arith.constant 96 : i32
      %add3A_376 = arith.addi %squeeze3A_320, %add3A_375 : i32
      %get3A_377 = arith.index_cast %add3A_376 : i32 to index
      %get3A_378 = tpu.vector_load %arg6[%get3A_377] {strides = array<i32>} : memref<3328xf32, #tpu.memory_space<vmem>>, vector<16xf32>,
      %add3A_379 = arith.constant 96 : i32
      %add3A_380 = arith.addi %mul3A_326, %add3A_379 : i32
      %swap3A_381 = arith.index_cast %add3A_380 : i32 to index
      %swap3A_382 = tpu.vector_load %arg7[%swap3A_381] {strides = array<i32>} : memref<32768xf32, #tpu.memory_space<vmem>>, vector<16xf32>,
      tpu.vector_store %arg7[%swap3A_381], %get3A_378 {strides = array<i32>} : memref<32768xf32, #tpu.memory_space<vmem>>, vector<16xf32>,
      %add3A_383 = arith.constant 112 : i32
      %add3A_384 = arith.addi %squeeze3A_320, %add3A_383 : i32
      %get3A_385 = arith.index_cast %add3A_384 : i32 to index
      %get3A_386 = tpu.vector_load %arg6[%get3A_385] {strides = array<i32>} : memref<3328xf32, #tpu.memory_space<vmem>>, vector<16xf32>,
      %add3A_387 = arith.constant 112 : i32
      %add3A_388 = arith.addi %mul3A_326, %add3A_387 : i32
      %swap3A_389 = arith.index_cast %add3A_388 : i32 to index
      %swap3A_390 = tpu.vector_load %arg7[%swap3A_389] {strides = array<i32>} : memref<32768xf32, #tpu.memory_space<vmem>>, vector<16xf32>,
      tpu.vector_store %arg7[%swap3A_389], %get3A_386 {strides = array<i32>} : memref<32768xf32, #tpu.memory_space<vmem>>, vector<16xf32>,
      %slice3A_391 = vector.extract_strided_slice %mul3A_33 {offsets = [5], sizes = [1], strides = [1]} : vector<16xi32> to vector<1xi32>
      %squeeze3A_392 = vector.extract %slice3A_391[0] : i32 from vector<1xi32>
      %mul3A_393 = arith.constant 16 : i32
      %mul3A_394 = arith.muli %scan3A_24, %mul3A_393 : i32
      %add3A_395 = arith.constant 5 : i32
      %add3A_396 = arith.addi %mul3A_394, %add3A_395 : i32
      %mul3A_397 = arith.constant 128 : i32
      %mul3A_398 = arith.muli %add3A_396, %mul3A_397 : i32
      %add3A_399 = arith.constant 0 : i32
      %add3A_400 = arith.addi %squeeze3A_392, %add3A_399 : i32
      %get3A_401 = arith.index_cast %add3A_400 : i32 to index
      %get3A_402 = tpu.vector_load %arg6[%get3A_401] {strides = array<i32>} : memref<3328xf32, #tpu.memory_space<vmem>>, vector<16xf32>,
      %add3A_403 = arith.constant 0 : i32
      %add3A_404 = arith.addi %mul3A_398, %add3A_403 : i32
      %swap3A_405 = arith.index_cast %add3A_404 : i32 to index
      %swap3A_406 = tpu.vector_load %arg7[%swap3A_405] {strides = array<i32>} : memref<32768xf32, #tpu.memory_space<vmem>>, vector<16xf32>,
      tpu.vector_store %arg7[%swap3A_405], %get3A_402 {strides = array<i32>} : memref<32768xf32, #tpu.memory_space<vmem>>, vector<16xf32>,
      %add3A_407 = arith.constant 16 : i32
      %add3A_408 = arith.addi %squeeze3A_392, %add3A_407 : i32
      %get3A_409 = arith.index_cast %add3A_408 : i32 to index
      %get3A_410 = tpu.vector_load %arg6[%get3A_409] {strides = array<i32>} : memref<3328xf32, #tpu.memory_space<vmem>>, vector<16xf32>,
      %add3A_411 = arith.constant 16 : i32
      %add3A_412 = arith.addi %mul3A_398, %add3A_411 : i32
      %swap3A_413 = arith.index_cast %add3A_412 : i32 to index
      %swap3A_414 = tpu.vector_load %arg7[%swap3A_413] {strides = array<i32>} : memref<32768xf32, #tpu.memory_space<vmem>>, vector<16xf32>,
      tpu.vector_store %arg7[%swap3A_413], %get3A_410 {strides = array<i32>} : memref<32768xf32, #tpu.memory_space<vmem>>, vector<16xf32>,
      %add3A_415 = arith.constant 32 : i32
      %add3A_416 = arith.addi %squeeze3A_392, %add3A_415 : i32
      %get3A_417 = arith.index_cast %add3A_416 : i32 to index
      %get3A_418 = tpu.vector_load %arg6[%get3A_417] {strides = array<i32>} : memref<3328xf32, #tpu.memory_space<vmem>>, vector<16xf32>,
      %add3A_419 = arith.constant 32 : i32
      %add3A_420 = arith.addi %mul3A_398, %add3A_419 : i32
      %swap3A_421 = arith.index_cast %add3A_420 : i32 to index
      %swap3A_422 = tpu.vector_load %arg7[%swap3A_421] {strides = array<i32>} : memref<32768xf32, #tpu.memory_space<vmem>>, vector<16xf32>,
      tpu.vector_store %arg7[%swap3A_421], %get3A_418 {strides = array<i32>} : memref<32768xf32, #tpu.memory_space<vmem>>, vector<16xf32>,
      %add3A_423 = arith.constant 48 : i32
      %add3A_424 = arith.addi %squeeze3A_392, %add3A_423 : i32
      %get3A_425 = arith.index_cast %add3A_424 : i32 to index
      %get3A_426 = tpu.vector_load %arg6[%get3A_425] {strides = array<i32>} : memref<3328xf32, #tpu.memory_space<vmem>>, vector<16xf32>,
      %add3A_427 = arith.constant 48 : i32
      %add3A_428 = arith.addi %mul3A_398, %add3A_427 : i32
      %swap3A_429 = arith.index_cast %add3A_428 : i32 to index
      %swap3A_430 = tpu.vector_load %arg7[%swap3A_429] {strides = array<i32>} : memref<32768xf32, #tpu.memory_space<vmem>>, vector<16xf32>,
      tpu.vector_store %arg7[%swap3A_429], %get3A_426 {strides = array<i32>} : memref<32768xf32, #tpu.memory_space<vmem>>, vector<16xf32>,
      %add3A_431 = arith.constant 64 : i32
      %add3A_432 = arith.addi %squeeze3A_392, %add3A_431 : i32
      %get3A_433 = arith.index_cast %add3A_432 : i32 to index
      %get3A_434 = tpu.vector_load %arg6[%get3A_433] {strides = array<i32>} : memref<3328xf32, #tpu.memory_space<vmem>>, vector<16xf32>,
      %add3A_435 = arith.constant 64 : i32
      %add3A_436 = arith.addi %mul3A_398, %add3A_435 : i32
      %swap3A_437 = arith.index_cast %add3A_436 : i32 to index
      %swap3A_438 = tpu.vector_load %arg7[%swap3A_437] {strides = array<i32>} : memref<32768xf32, #tpu.memory_space<vmem>>, vector<16xf32>,
      tpu.vector_store %arg7[%swap3A_437], %get3A_434 {strides = array<i32>} : memref<32768xf32, #tpu.memory_space<vmem>>, vector<16xf32>,
      %add3A_439 = arith.constant 80 : i32
      %add3A_440 = arith.addi %squeeze3A_392, %add3A_439 : i32
      %get3A_441 = arith.index_cast %add3A_440 : i32 to index
      %get3A_442 = tpu.vector_load %arg6[%get3A_441] {strides = array<i32>} : memref<3328xf32, #tpu.memory_space<vmem>>, vector<16xf32>,
      %add3A_443 = arith.constant 80 : i32
      %add3A_444 = arith.addi %mul3A_398, %add3A_443 : i32
      %swap3A_445 = arith.index_cast %add3A_444 : i32 to index
      %swap3A_446 = tpu.vector_load %arg7[%swap3A_445] {strides = array<i32>} : memref<32768xf32, #tpu.memory_space<vmem>>, vector<16xf32>,
      tpu.vector_store %arg7[%swap3A_445], %get3A_442 {strides = array<i32>} : memref<32768xf32, #tpu.memory_space<vmem>>, vector<16xf32>,
      %add3A_447 = arith.constant 96 : i32
      %add3A_448 = arith.addi %squeeze3A_392, %add3A_447 : i32
      %get3A_449 = arith.index_cast %add3A_448 : i32 to index
      %get3A_450 = tpu.vector_load %arg6[%get3A_449] {strides = array<i32>} : memref<3328xf32, #tpu.memory_space<vmem>>, vector<16xf32>,
      %add3A_451 = arith.constant 96 : i32
      %add3A_452 = arith.addi %mul3A_398, %add3A_451 : i32
      %swap3A_453 = arith.index_cast %add3A_452 : i32 to index
      %swap3A_454 = tpu.vector_load %arg7[%swap3A_453] {strides = array<i32>} : memref<32768xf32, #tpu.memory_space<vmem>>, vector<16xf32>,
      tpu.vector_store %arg7[%swap3A_453], %get3A_450 {strides = array<i32>} : memref<32768xf32, #tpu.memory_space<vmem>>, vector<16xf32>,
      %add3A_455 = arith.constant 112 : i32
      %add3A_456 = arith.addi %squeeze3A_392, %add3A_455 : i32
      %get3A_457 = arith.index_cast %add3A_456 : i32 to index
      %get3A_458 = tpu.vector_load %arg6[%get3A_457] {strides = array<i32>} : memref<3328xf32, #tpu.memory_space<vmem>>, vector<16xf32>,
      %add3A_459 = arith.constant 112 : i32
      %add3A_460 = arith.addi %mul3A_398, %add3A_459 : i32
      %swap3A_461 = arith.index_cast %add3A_460 : i32 to index
      %swap3A_462 = tpu.vector_load %arg7[%swap3A_461] {strides = array<i32>} : memref<32768xf32, #tpu.memory_space<vmem>>, vector<16xf32>,
      tpu.vector_store %arg7[%swap3A_461], %get3A_458 {strides = array<i32>} : memref<32768xf32, #tpu.memory_space<vmem>>, vector<16xf32>,
      %slice3A_463 = vector.extract_strided_slice %mul3A_33 {offsets = [6], sizes = [1], strides = [1]} : vector<16xi32> to vector<1xi32>
      %squeeze3A_464 = vector.extract %slice3A_463[0] : i32 from vector<1xi32>
      %mul3A_465 = arith.constant 16 : i32
      %mul3A_466 = arith.muli %scan3A_24, %mul3A_465 : i32
      %add3A_467 = arith.constant 6 : i32
      %add3A_468 = arith.addi %mul3A_466, %add3A_467 : i32
      %mul3A_469 = arith.constant 128 : i32
      %mul3A_470 = arith.muli %add3A_468, %mul3A_469 : i32
      %add3A_471 = arith.constant 0 : i32
      %add3A_472 = arith.addi %squeeze3A_464, %add3A_471 : i32
      %get3A_473 = arith.index_cast %add3A_472 : i32 to index
      %get3A_474 = tpu.vector_load %arg6[%get3A_473] {strides = array<i32>} : memref<3328xf32, #tpu.memory_space<vmem>>, vector<16xf32>,
      %add3A_475 = arith.constant 0 : i32
      %add3A_476 = arith.addi %mul3A_470, %add3A_475 : i32
      %swap3A_477 = arith.index_cast %add3A_476 : i32 to index
      %swap3A_478 = tpu.vector_load %arg7[%swap3A_477] {strides = array<i32>} : memref<32768xf32, #tpu.memory_space<vmem>>, vector<16xf32>,
      tpu.vector_store %arg7[%swap3A_477], %get3A_474 {strides = array<i32>} : memref<32768xf32, #tpu.memory_space<vmem>>, vector<16xf32>,
      %add3A_479 = arith.constant 16 : i32
      %add3A_480 = arith.addi %squeeze3A_464, %add3A_479 : i32
      %get3A_481 = arith.index_cast %add3A_480 : i32 to index
      %get3A_482 = tpu.vector_load %arg6[%get3A_481] {strides = array<i32>} : memref<3328xf32, #tpu.memory_space<vmem>>, vector<16xf32>,
      %add3A_483 = arith.constant 16 : i32
      %add3A_484 = arith.addi %mul3A_470, %add3A_483 : i32
      %swap3A_485 = arith.index_cast %add3A_484 : i32 to index
      %swap3A_486 = tpu.vector_load %arg7[%swap3A_485] {strides = array<i32>} : memref<32768xf32, #tpu.memory_space<vmem>>, vector<16xf32>,
      tpu.vector_store %arg7[%swap3A_485], %get3A_482 {strides = array<i32>} : memref<32768xf32, #tpu.memory_space<vmem>>, vector<16xf32>,
      %add3A_487 = arith.constant 32 : i32
      %add3A_488 = arith.addi %squeeze3A_464, %add3A_487 : i32
      %get3A_489 = arith.index_cast %add3A_488 : i32 to index
      %get3A_490 = tpu.vector_load %arg6[%get3A_489] {strides = array<i32>} : memref<3328xf32, #tpu.memory_space<vmem>>, vector<16xf32>,
      %add3A_491 = arith.constant 32 : i32
      %add3A_492 = arith.addi %mul3A_470, %add3A_491 : i32
      %swap3A_493 = arith.index_cast %add3A_492 : i32 to index
      %swap3A_494 = tpu.vector_load %arg7[%swap3A_493] {strides = array<i32>} : memref<32768xf32, #tpu.memory_space<vmem>>, vector<16xf32>,
      tpu.vector_store %arg7[%swap3A_493], %get3A_490 {strides = array<i32>} : memref<32768xf32, #tpu.memory_space<vmem>>, vector<16xf32>,
      %add3A_495 = arith.constant 48 : i32
      %add3A_496 = arith.addi %squeeze3A_464, %add3A_495 : i32
      %get3A_497 = arith.index_cast %add3A_496 : i32 to index
      %get3A_498 = tpu.vector_load %arg6[%get3A_497] {strides = array<i32>} : memref<3328xf32, #tpu.memory_space<vmem>>, vector<16xf32>,
      %add3A_499 = arith.constant 48 : i32
      %add3A_500 = arith.addi %mul3A_470, %add3A_499 : i32
      %swap3A_501 = arith.index_cast %add3A_500 : i32 to index
      %swap3A_502 = tpu.vector_load %arg7[%swap3A_501] {strides = array<i32>} : memref<32768xf32, #tpu.memory_space<vmem>>, vector<16xf32>,
      tpu.vector_store %arg7[%swap3A_501], %get3A_498 {strides = array<i32>} : memref<32768xf32, #tpu.memory_space<vmem>>, vector<16xf32>,
      %add3A_503 = arith.constant 64 : i32
      %add3A_504 = arith.addi %squeeze3A_464, %add3A_503 : i32
      %get3A_505 = arith.index_cast %add3A_504 : i32 to index
      %get3A_506 = tpu.vector_load %arg6[%get3A_505] {strides = array<i32>} : memref<3328xf32, #tpu.memory_space<vmem>>, vector<16xf32>,
      %add3A_507 = arith.constant 64 : i32
      %add3A_508 = arith.addi %mul3A_470, %add3A_507 : i32
      %swap3A_509 = arith.index_cast %add3A_508 : i32 to index
      %swap3A_510 = tpu.vector_load %arg7[%swap3A_509] {strides = array<i32>} : memref<32768xf32, #tpu.memory_space<vmem>>, vector<16xf32>,
      tpu.vector_store %arg7[%swap3A_509], %get3A_506 {strides = array<i32>} : memref<32768xf32, #tpu.memory_space<vmem>>, vector<16xf32>,
      %add3A_511 = arith.constant 80 : i32
      %add3A_512 = arith.addi %squeeze3A_464, %add3A_511 : i32
      %get3A_513 = arith.index_cast %add3A_512 : i32 to index
      %get3A_514 = tpu.vector_load %arg6[%get3A_513] {strides = array<i32>} : memref<3328xf32, #tpu.memory_space<vmem>>, vector<16xf32>,
      %add3A_515 = arith.constant 80 : i32
      %add3A_516 = arith.addi %mul3A_470, %add3A_515 : i32
      %swap3A_517 = arith.index_cast %add3A_516 : i32 to index
      %swap3A_518 = tpu.vector_load %arg7[%swap3A_517] {strides = array<i32>} : memref<32768xf32, #tpu.memory_space<vmem>>, vector<16xf32>,
      tpu.vector_store %arg7[%swap3A_517], %get3A_514 {strides = array<i32>} : memref<32768xf32, #tpu.memory_space<vmem>>, vector<16xf32>,
      %add3A_519 = arith.constant 96 : i32
      %add3A_520 = arith.addi %squeeze3A_464, %add3A_519 : i32
      %get3A_521 = arith.index_cast %add3A_520 : i32 to index
      %get3A_522 = tpu.vector_load %arg6[%get3A_521] {strides = array<i32>} : memref<3328xf32, #tpu.memory_space<vmem>>, vector<16xf32>,
      %add3A_523 = arith.constant 96 : i32
      %add3A_524 = arith.addi %mul3A_470, %add3A_523 : i32
      %swap3A_525 = arith.index_cast %add3A_524 : i32 to index
      %swap3A_526 = tpu.vector_load %arg7[%swap3A_525] {strides = array<i32>} : memref<32768xf32, #tpu.memory_space<vmem>>, vector<16xf32>,
      tpu.vector_store %arg7[%swap3A_525], %get3A_522 {strides = array<i32>} : memref<32768xf32, #tpu.memory_space<vmem>>, vector<16xf32>,
      %add3A_527 = arith.constant 112 : i32
      %add3A_528 = arith.addi %squeeze3A_464, %add3A_527 : i32
      %get3A_529 = arith.index_cast %add3A_528 : i32 to index
      %get3A_530 = tpu.vector_load %arg6[%get3A_529] {strides = array<i32>} : memref<3328xf32, #tpu.memory_space<vmem>>, vector<16xf32>,
      %add3A_531 = arith.constant 112 : i32
      %add3A_532 = arith.addi %mul3A_470, %add3A_531 : i32
      %swap3A_533 = arith.index_cast %add3A_532 : i32 to index
      %swap3A_534 = tpu.vector_load %arg7[%swap3A_533] {strides = array<i32>} : memref<32768xf32, #tpu.memory_space<vmem>>, vector<16xf32>,
      tpu.vector_store %arg7[%swap3A_533], %get3A_530 {strides = array<i32>} : memref<32768xf32, #tpu.memory_space<vmem>>, vector<16xf32>,
      %slice3A_535 = vector.extract_strided_slice %mul3A_33 {offsets = [7], sizes = [1], strides = [1]} : vector<16xi32> to vector<1xi32>
      %squeeze3A_536 = vector.extract %slice3A_535[0] : i32 from vector<1xi32>
      %mul3A_537 = arith.constant 16 : i32
      %mul3A_538 = arith.muli %scan3A_24, %mul3A_537 : i32
      %add3A_539 = arith.constant 7 : i32
      %add3A_540 = arith.addi %mul3A_538, %add3A_539 : i32
      %mul3A_541 = arith.constant 128 : i32
      %mul3A_542 = arith.muli %add3A_540, %mul3A_541 : i32
      %add3A_543 = arith.constant 0 : i32
      %add3A_544 = arith.addi %squeeze3A_536, %add3A_543 : i32
      %get3A_545 = arith.index_cast %add3A_544 : i32 to index
      %get3A_546 = tpu.vector_load %arg6[%get3A_545] {strides = array<i32>} : memref<3328xf32, #tpu.memory_space<vmem>>, vector<16xf32>,
      %add3A_547 = arith.constant 0 : i32
      %add3A_548 = arith.addi %mul3A_542, %add3A_547 : i32
      %swap3A_549 = arith.index_cast %add3A_548 : i32 to index
      %swap3A_550 = tpu.vector_load %arg7[%swap3A_549] {strides = array<i32>} : memref<32768xf32, #tpu.memory_space<vmem>>, vector<16xf32>,
      tpu.vector_store %arg7[%swap3A_549], %get3A_546 {strides = array<i32>} : memref<32768xf32, #tpu.memory_space<vmem>>, vector<16xf32>,
      %add3A_551 = arith.constant 16 : i32
      %add3A_552 = arith.addi %squeeze3A_536, %add3A_551 : i32
      %get3A_553 = arith.index_cast %add3A_552 : i32 to index
      %get3A_554 = tpu.vector_load %arg6[%get3A_553] {strides = array<i32>} : memref<3328xf32, #tpu.memory_space<vmem>>, vector<16xf32>,
      %add3A_555 = arith.constant 16 : i32
      %add3A_556 = arith.addi %mul3A_542, %add3A_555 : i32
      %swap3A_557 = arith.index_cast %add3A_556 : i32 to index
      %swap3A_558 = tpu.vector_load %arg7[%swap3A_557] {strides = array<i32>} : memref<32768xf32, #tpu.memory_space<vmem>>, vector<16xf32>,
      tpu.vector_store %arg7[%swap3A_557], %get3A_554 {strides = array<i32>} : memref<32768xf32, #tpu.memory_space<vmem>>, vector<16xf32>,
      %add3A_559 = arith.constant 32 : i32
      %add3A_560 = arith.addi %squeeze3A_536, %add3A_559 : i32
      %get3A_561 = arith.index_cast %add3A_560 : i32 to index
      %get3A_562 = tpu.vector_load %arg6[%get3A_561] {strides = array<i32>} : memref<3328xf32, #tpu.memory_space<vmem>>, vector<16xf32>,
      %add3A_563 = arith.constant 32 : i32
      %add3A_564 = arith.addi %mul3A_542, %add3A_563 : i32
      %swap3A_565 = arith.index_cast %add3A_564 : i32 to index
      %swap3A_566 = tpu.vector_load %arg7[%swap3A_565] {strides = array<i32>} : memref<32768xf32, #tpu.memory_space<vmem>>, vector<16xf32>,
      tpu.vector_store %arg7[%swap3A_565], %get3A_562 {strides = array<i32>} : memref<32768xf32, #tpu.memory_space<vmem>>, vector<16xf32>,
      %add3A_567 = arith.constant 48 : i32
      %add3A_568 = arith.addi %squeeze3A_536, %add3A_567 : i32
      %get3A_569 = arith.index_cast %add3A_568 : i32 to index
      %get3A_570 = tpu.vector_load %arg6[%get3A_569] {strides = array<i32>} : memref<3328xf32, #tpu.memory_space<vmem>>, vector<16xf32>,
      %add3A_571 = arith.constant 48 : i32
      %add3A_572 = arith.addi %mul3A_542, %add3A_571 : i32
      %swap3A_573 = arith.index_cast %add3A_572 : i32 to index
      %swap3A_574 = tpu.vector_load %arg7[%swap3A_573] {strides = array<i32>} : memref<32768xf32, #tpu.memory_space<vmem>>, vector<16xf32>,
      tpu.vector_store %arg7[%swap3A_573], %get3A_570 {strides = array<i32>} : memref<32768xf32, #tpu.memory_space<vmem>>, vector<16xf32>,
      %add3A_575 = arith.constant 64 : i32
      %add3A_576 = arith.addi %squeeze3A_536, %add3A_575 : i32
      %get3A_577 = arith.index_cast %add3A_576 : i32 to index
      %get3A_578 = tpu.vector_load %arg6[%get3A_577] {strides = array<i32>} : memref<3328xf32, #tpu.memory_space<vmem>>, vector<16xf32>,
      %add3A_579 = arith.constant 64 : i32
      %add3A_580 = arith.addi %mul3A_542, %add3A_579 : i32
      %swap3A_581 = arith.index_cast %add3A_580 : i32 to index
      %swap3A_582 = tpu.vector_load %arg7[%swap3A_581] {strides = array<i32>} : memref<32768xf32, #tpu.memory_space<vmem>>, vector<16xf32>,
      tpu.vector_store %arg7[%swap3A_581], %get3A_578 {strides = array<i32>} : memref<32768xf32, #tpu.memory_space<vmem>>, vector<16xf32>,
      %add3A_583 = arith.constant 80 : i32
      %add3A_584 = arith.addi %squeeze3A_536, %add3A_583 : i32
      %get3A_585 = arith.index_cast %add3A_584 : i32 to index
      %get3A_586 = tpu.vector_load %arg6[%get3A_585] {strides = array<i32>} : memref<3328xf32, #tpu.memory_space<vmem>>, vector<16xf32>,
      %add3A_587 = arith.constant 80 : i32
      %add3A_588 = arith.addi %mul3A_542, %add3A_587 : i32
      %swap3A_589 = arith.index_cast %add3A_588 : i32 to index
      %swap3A_590 = tpu.vector_load %arg7[%swap3A_589] {strides = array<i32>} : memref<32768xf32, #tpu.memory_space<vmem>>, vector<16xf32>,
      tpu.vector_store %arg7[%swap3A_589], %get3A_586 {strides = array<i32>} : memref<32768xf32, #tpu.memory_space<vmem>>, vector<16xf32>,
      %add3A_591 = arith.constant 96 : i32
      %add3A_592 = arith.addi %squeeze3A_536, %add3A_591 : i32
      %get3A_593 = arith.index_cast %add3A_592 : i32 to index
      %get3A_594 = tpu.vector_load %arg6[%get3A_593] {strides = array<i32>} : memref<3328xf32, #tpu.memory_space<vmem>>, vector<16xf32>,
      %add3A_595 = arith.constant 96 : i32
      %add3A_596 = arith.addi %mul3A_542, %add3A_595 : i32
      %swap3A_597 = arith.index_cast %add3A_596 : i32 to index
      %swap3A_598 = tpu.vector_load %arg7[%swap3A_597] {strides = array<i32>} : memref<32768xf32, #tpu.memory_space<vmem>>, vector<16xf32>,
      tpu.vector_store %arg7[%swap3A_597], %get3A_594 {strides = array<i32>} : memref<32768xf32, #tpu.memory_space<vmem>>, vector<16xf32>,
      %add3A_599 = arith.constant 112 : i32
      %add3A_600 = arith.addi %squeeze3A_536, %add3A_599 : i32
      %get3A_601 = arith.index_cast %add3A_600 : i32 to index
      %get3A_602 = tpu.vector_load %arg6[%get3A_601] {strides = array<i32>} : memref<3328xf32, #tpu.memory_space<vmem>>, vector<16xf32>,
      %add3A_603 = arith.constant 112 : i32
      %add3A_604 = arith.addi %mul3A_542, %add3A_603 : i32
      %swap3A_605 = arith.index_cast %add3A_604 : i32 to index
      %swap3A_606 = tpu.vector_load %arg7[%swap3A_605] {strides = array<i32>} : memref<32768xf32, #tpu.memory_space<vmem>>, vector<16xf32>,
      tpu.vector_store %arg7[%swap3A_605], %get3A_602 {strides = array<i32>} : memref<32768xf32, #tpu.memory_space<vmem>>, vector<16xf32>,
      %slice3A_607 = vector.extract_strided_slice %mul3A_33 {offsets = [8], sizes = [1], strides = [1]} : vector<16xi32> to vector<1xi32>
      %squeeze3A_608 = vector.extract %slice3A_607[0] : i32 from vector<1xi32>
      %mul3A_609 = arith.constant 16 : i32
      %mul3A_610 = arith.muli %scan3A_24, %mul3A_609 : i32
      %add3A_611 = arith.constant 8 : i32
      %add3A_612 = arith.addi %mul3A_610, %add3A_611 : i32
      %mul3A_613 = arith.constant 128 : i32
      %mul3A_614 = arith.muli %add3A_612, %mul3A_613 : i32
      %add3A_615 = arith.constant 0 : i32
      %add3A_616 = arith.addi %squeeze3A_608, %add3A_615 : i32
      %get3A_617 = arith.index_cast %add3A_616 : i32 to index
      %get3A_618 = tpu.vector_load %arg6[%get3A_617] {strides = array<i32>} : memref<3328xf32, #tpu.memory_space<vmem>>, vector<16xf32>,
      %add3A_619 = arith.constant 0 : i32
      %add3A_620 = arith.addi %mul3A_614, %add3A_619 : i32
      %swap3A_621 = arith.index_cast %add3A_620 : i32 to index
      %swap3A_622 = tpu.vector_load %arg7[%swap3A_621] {strides = array<i32>} : memref<32768xf32, #tpu.memory_space<vmem>>, vector<16xf32>,
      tpu.vector_store %arg7[%swap3A_621], %get3A_618 {strides = array<i32>} : memref<32768xf32, #tpu.memory_space<vmem>>, vector<16xf32>,
      %add3A_623 = arith.constant 16 : i32
      %add3A_624 = arith.addi %squeeze3A_608, %add3A_623 : i32
      %get3A_625 = arith.index_cast %add3A_624 : i32 to index
      %get3A_626 = tpu.vector_load %arg6[%get3A_625] {strides = array<i32>} : memref<3328xf32, #tpu.memory_space<vmem>>, vector<16xf32>,
      %add3A_627 = arith.constant 16 : i32
      %add3A_628 = arith.addi %mul3A_614, %add3A_627 : i32
      %swap3A_629 = arith.index_cast %add3A_628 : i32 to index
      %swap3A_630 = tpu.vector_load %arg7[%swap3A_629] {strides = array<i32>} : memref<32768xf32, #tpu.memory_space<vmem>>, vector<16xf32>,
      tpu.vector_store %arg7[%swap3A_629], %get3A_626 {strides = array<i32>} : memref<32768xf32, #tpu.memory_space<vmem>>, vector<16xf32>,
      %add3A_631 = arith.constant 32 : i32
      %add3A_632 = arith.addi %squeeze3A_608, %add3A_631 : i32
      %get3A_633 = arith.index_cast %add3A_632 : i32 to index
      %get3A_634 = tpu.vector_load %arg6[%get3A_633] {strides = array<i32>} : memref<3328xf32, #tpu.memory_space<vmem>>, vector<16xf32>,
      %add3A_635 = arith.constant 32 : i32
      %add3A_636 = arith.addi %mul3A_614, %add3A_635 : i32
      %swap3A_637 = arith.index_cast %add3A_636 : i32 to index
      %swap3A_638 = tpu.vector_load %arg7[%swap3A_637] {strides = array<i32>} : memref<32768xf32, #tpu.memory_space<vmem>>, vector<16xf32>,
      tpu.vector_store %arg7[%swap3A_637], %get3A_634 {strides = array<i32>} : memref<32768xf32, #tpu.memory_space<vmem>>, vector<16xf32>,
      %add3A_639 = arith.constant 48 : i32
      %add3A_640 = arith.addi %squeeze3A_608, %add3A_639 : i32
      %get3A_641 = arith.index_cast %add3A_640 : i32 to index
      %get3A_642 = tpu.vector_load %arg6[%get3A_641] {strides = array<i32>} : memref<3328xf32, #tpu.memory_space<vmem>>, vector<16xf32>,
      %add3A_643 = arith.constant 48 : i32
      %add3A_644 = arith.addi %mul3A_614, %add3A_643 : i32
      %swap3A_645 = arith.index_cast %add3A_644 : i32 to index
      %swap3A_646 = tpu.vector_load %arg7[%swap3A_645] {strides = array<i32>} : memref<32768xf32, #tpu.memory_space<vmem>>, vector<16xf32>,
      tpu.vector_store %arg7[%swap3A_645], %get3A_642 {strides = array<i32>} : memref<32768xf32, #tpu.memory_space<vmem>>, vector<16xf32>,
      %add3A_647 = arith.constant 64 : i32
      %add3A_648 = arith.addi %squeeze3A_608, %add3A_647 : i32
      %get3A_649 = arith.index_cast %add3A_648 : i32 to index
      %get3A_650 = tpu.vector_load %arg6[%get3A_649] {strides = array<i32>} : memref<3328xf32, #tpu.memory_space<vmem>>, vector<16xf32>,
      %add3A_651 = arith.constant 64 : i32
      %add3A_652 = arith.addi %mul3A_614, %add3A_651 : i32
      %swap3A_653 = arith.index_cast %add3A_652 : i32 to index
      %swap3A_654 = tpu.vector_load %arg7[%swap3A_653] {strides = array<i32>} : memref<32768xf32, #tpu.memory_space<vmem>>, vector<16xf32>,
      tpu.vector_store %arg7[%swap3A_653], %get3A_650 {strides = array<i32>} : memref<32768xf32, #tpu.memory_space<vmem>>, vector<16xf32>,
      %add3A_655 = arith.constant 80 : i32
      %add3A_656 = arith.addi %squeeze3A_608, %add3A_655 : i32
      %get3A_657 = arith.index_cast %add3A_656 : i32 to index
      %get3A_658 = tpu.vector_load %arg6[%get3A_657] {strides = array<i32>} : memref<3328xf32, #tpu.memory_space<vmem>>, vector<16xf32>,
      %add3A_659 = arith.constant 80 : i32
      %add3A_660 = arith.addi %mul3A_614, %add3A_659 : i32
      %swap3A_661 = arith.index_cast %add3A_660 : i32 to index
      %swap3A_662 = tpu.vector_load %arg7[%swap3A_661] {strides = array<i32>} : memref<32768xf32, #tpu.memory_space<vmem>>, vector<16xf32>,
      tpu.vector_store %arg7[%swap3A_661], %get3A_658 {strides = array<i32>} : memref<32768xf32, #tpu.memory_space<vmem>>, vector<16xf32>,
      %add3A_663 = arith.constant 96 : i32
      %add3A_664 = arith.addi %squeeze3A_608, %add3A_663 : i32
      %get3A_665 = arith.index_cast %add3A_664 : i32 to index
      %get3A_666 = tpu.vector_load %arg6[%get3A_665] {strides = array<i32>} : memref<3328xf32, #tpu.memory_space<vmem>>, vector<16xf32>,
      %add3A_667 = arith.constant 96 : i32
      %add3A_668 = arith.addi %mul3A_614, %add3A_667 : i32
      %swap3A_669 = arith.index_cast %add3A_668 : i32 to index
      %swap3A_670 = tpu.vector_load %arg7[%swap3A_669] {strides = array<i32>} : memref<32768xf32, #tpu.memory_space<vmem>>, vector<16xf32>,
      tpu.vector_store %arg7[%swap3A_669], %get3A_666 {strides = array<i32>} : memref<32768xf32, #tpu.memory_space<vmem>>, vector<16xf32>,
      %add3A_671 = arith.constant 112 : i32
      %add3A_672 = arith.addi %squeeze3A_608, %add3A_671 : i32
      %get3A_673 = arith.index_cast %add3A_672 : i32 to index
      %get3A_674 = tpu.vector_load %arg6[%get3A_673] {strides = array<i32>} : memref<3328xf32, #tpu.memory_space<vmem>>, vector<16xf32>,
      %add3A_675 = arith.constant 112 : i32
      %add3A_676 = arith.addi %mul3A_614, %add3A_675 : i32
      %swap3A_677 = arith.index_cast %add3A_676 : i32 to index
      %swap3A_678 = tpu.vector_load %arg7[%swap3A_677] {strides = array<i32>} : memref<32768xf32, #tpu.memory_space<vmem>>, vector<16xf32>,
      tpu.vector_store %arg7[%swap3A_677], %get3A_674 {strides = array<i32>} : memref<32768xf32, #tpu.memory_space<vmem>>, vector<16xf32>,
      %slice3A_679 = vector.extract_strided_slice %mul3A_33 {offsets = [9], sizes = [1], strides = [1]} : vector<16xi32> to vector<1xi32>
      %squeeze3A_680 = vector.extract %slice3A_679[0] : i32 from vector<1xi32>
      %mul3A_681 = arith.constant 16 : i32
      %mul3A_682 = arith.muli %scan3A_24, %mul3A_681 : i32
      %add3A_683 = arith.constant 9 : i32
      %add3A_684 = arith.addi %mul3A_682, %add3A_683 : i32
      %mul3A_685 = arith.constant 128 : i32
      %mul3A_686 = arith.muli %add3A_684, %mul3A_685 : i32
      %add3A_687 = arith.constant 0 : i32
      %add3A_688 = arith.addi %squeeze3A_680, %add3A_687 : i32
      %get3A_689 = arith.index_cast %add3A_688 : i32 to index
      %get3A_690 = tpu.vector_load %arg6[%get3A_689] {strides = array<i32>} : memref<3328xf32, #tpu.memory_space<vmem>>, vector<16xf32>,
      %add3A_691 = arith.constant 0 : i32
      %add3A_692 = arith.addi %mul3A_686, %add3A_691 : i32
      %swap3A_693 = arith.index_cast %add3A_692 : i32 to index
      %swap3A_694 = tpu.vector_load %arg7[%swap3A_693] {strides = array<i32>} : memref<32768xf32, #tpu.memory_space<vmem>>, vector<16xf32>,
      tpu.vector_store %arg7[%swap3A_693], %get3A_690 {strides = array<i32>} : memref<32768xf32, #tpu.memory_space<vmem>>, vector<16xf32>,
      %add3A_695 = arith.constant 16 : i32
      %add3A_696 = arith.addi %squeeze3A_680, %add3A_695 : i32
      %get3A_697 = arith.index_cast %add3A_696 : i32 to index
      %get3A_698 = tpu.vector_load %arg6[%get3A_697] {strides = array<i32>} : memref<3328xf32, #tpu.memory_space<vmem>>, vector<16xf32>,
      %add3A_699 = arith.constant 16 : i32
      %add3A_700 = arith.addi %mul3A_686, %add3A_699 : i32
      %swap3A_701 = arith.index_cast %add3A_700 : i32 to index
      %swap3A_702 = tpu.vector_load %arg7[%swap3A_701] {strides = array<i32>} : memref<32768xf32, #tpu.memory_space<vmem>>, vector<16xf32>,
      tpu.vector_store %arg7[%swap3A_701], %get3A_698 {strides = array<i32>} : memref<32768xf32, #tpu.memory_space<vmem>>, vector<16xf32>,
      %add3A_703 = arith.constant 32 : i32
      %add3A_704 = arith.addi %squeeze3A_680, %add3A_703 : i32
      %get3A_705 = arith.index_cast %add3A_704 : i32 to index
      %get3A_706 = tpu.vector_load %arg6[%get3A_705] {strides = array<i32>} : memref<3328xf32, #tpu.memory_space<vmem>>, vector<16xf32>,
      %add3A_707 = arith.constant 32 : i32
      %add3A_708 = arith.addi %mul3A_686, %add3A_707 : i32
      %swap3A_709 = arith.index_cast %add3A_708 : i32 to index
      %swap3A_710 = tpu.vector_load %arg7[%swap3A_709] {strides = array<i32>} : memref<32768xf32, #tpu.memory_space<vmem>>, vector<16xf32>,
      tpu.vector_store %arg7[%swap3A_709], %get3A_706 {strides = array<i32>} : memref<32768xf32, #tpu.memory_space<vmem>>, vector<16xf32>,
      %add3A_711 = arith.constant 48 : i32
      %add3A_712 = arith.addi %squeeze3A_680, %add3A_711 : i32
      %get3A_713 = arith.index_cast %add3A_712 : i32 to index
      %get3A_714 = tpu.vector_load %arg6[%get3A_713] {strides = array<i32>} : memref<3328xf32, #tpu.memory_space<vmem>>, vector<16xf32>,
      %add3A_715 = arith.constant 48 : i32
      %add3A_716 = arith.addi %mul3A_686, %add3A_715 : i32
      %swap3A_717 = arith.index_cast %add3A_716 : i32 to index
      %swap3A_718 = tpu.vector_load %arg7[%swap3A_717] {strides = array<i32>} : memref<32768xf32, #tpu.memory_space<vmem>>, vector<16xf32>,
      tpu.vector_store %arg7[%swap3A_717], %get3A_714 {strides = array<i32>} : memref<32768xf32, #tpu.memory_space<vmem>>, vector<16xf32>,
      %add3A_719 = arith.constant 64 : i32
      %add3A_720 = arith.addi %squeeze3A_680, %add3A_719 : i32
      %get3A_721 = arith.index_cast %add3A_720 : i32 to index
      %get3A_722 = tpu.vector_load %arg6[%get3A_721] {strides = array<i32>} : memref<3328xf32, #tpu.memory_space<vmem>>, vector<16xf32>,
      %add3A_723 = arith.constant 64 : i32
      %add3A_724 = arith.addi %mul3A_686, %add3A_723 : i32
      %swap3A_725 = arith.index_cast %add3A_724 : i32 to index
      %swap3A_726 = tpu.vector_load %arg7[%swap3A_725] {strides = array<i32>} : memref<32768xf32, #tpu.memory_space<vmem>>, vector<16xf32>,
      tpu.vector_store %arg7[%swap3A_725], %get3A_722 {strides = array<i32>} : memref<32768xf32, #tpu.memory_space<vmem>>, vector<16xf32>,
      %add3A_727 = arith.constant 80 : i32
      %add3A_728 = arith.addi %squeeze3A_680, %add3A_727 : i32
      %get3A_729 = arith.index_cast %add3A_728 : i32 to index
      %get3A_730 = tpu.vector_load %arg6[%get3A_729] {strides = array<i32>} : memref<3328xf32, #tpu.memory_space<vmem>>, vector<16xf32>,
      %add3A_731 = arith.constant 80 : i32
      %add3A_732 = arith.addi %mul3A_686, %add3A_731 : i32
      %swap3A_733 = arith.index_cast %add3A_732 : i32 to index
      %swap3A_734 = tpu.vector_load %arg7[%swap3A_733] {strides = array<i32>} : memref<32768xf32, #tpu.memory_space<vmem>>, vector<16xf32>,
      tpu.vector_store %arg7[%swap3A_733], %get3A_730 {strides = array<i32>} : memref<32768xf32, #tpu.memory_space<vmem>>, vector<16xf32>,
      %add3A_735 = arith.constant 96 : i32
      %add3A_736 = arith.addi %squeeze3A_680, %add3A_735 : i32
      %get3A_737 = arith.index_cast %add3A_736 : i32 to index
      %get3A_738 = tpu.vector_load %arg6[%get3A_737] {strides = array<i32>} : memref<3328xf32, #tpu.memory_space<vmem>>, vector<16xf32>,
      %add3A_739 = arith.constant 96 : i32
      %add3A_740 = arith.addi %mul3A_686, %add3A_739 : i32
      %swap3A_741 = arith.index_cast %add3A_740 : i32 to index
      %swap3A_742 = tpu.vector_load %arg7[%swap3A_741] {strides = array<i32>} : memref<32768xf32, #tpu.memory_space<vmem>>, vector<16xf32>,
      tpu.vector_store %arg7[%swap3A_741], %get3A_738 {strides = array<i32>} : memref<32768xf32, #tpu.memory_space<vmem>>, vector<16xf32>,
      %add3A_743 = arith.constant 112 : i32
      %add3A_744 = arith.addi %squeeze3A_680, %add3A_743 : i32
      %get3A_745 = arith.index_cast %add3A_744 : i32 to index
      %get3A_746 = tpu.vector_load %arg6[%get3A_745] {strides = array<i32>} : memref<3328xf32, #tpu.memory_space<vmem>>, vector<16xf32>,
      %add3A_747 = arith.constant 112 : i32
      %add3A_748 = arith.addi %mul3A_686, %add3A_747 : i32
      %swap3A_749 = arith.index_cast %add3A_748 : i32 to index
      %swap3A_750 = tpu.vector_load %arg7[%swap3A_749] {strides = array<i32>} : memref<32768xf32, #tpu.memory_space<vmem>>, vector<16xf32>,
      tpu.vector_store %arg7[%swap3A_749], %get3A_746 {strides = array<i32>} : memref<32768xf32, #tpu.memory_space<vmem>>, vector<16xf32>,
      %slice3A_751 = vector.extract_strided_slice %mul3A_33 {offsets = [10], sizes = [1], strides = [1]} : vector<16xi32> to vector<1xi32>
      %squeeze3A_752 = vector.extract %slice3A_751[0] : i32 from vector<1xi32>
      %mul3A_753 = arith.constant 16 : i32
      %mul3A_754 = arith.muli %scan3A_24, %mul3A_753 : i32
      %add3A_755 = arith.constant 10 : i32
      %add3A_756 = arith.addi %mul3A_754, %add3A_755 : i32
      %mul3A_757 = arith.constant 128 : i32
      %mul3A_758 = arith.muli %add3A_756, %mul3A_757 : i32
      %add3A_759 = arith.constant 0 : i32
      %add3A_760 = arith.addi %squeeze3A_752, %add3A_759 : i32
      %get3A_761 = arith.index_cast %add3A_760 : i32 to index
      %get3A_762 = tpu.vector_load %arg6[%get3A_761] {strides = array<i32>} : memref<3328xf32, #tpu.memory_space<vmem>>, vector<16xf32>,
      %add3A_763 = arith.constant 0 : i32
      %add3A_764 = arith.addi %mul3A_758, %add3A_763 : i32
      %swap3A_765 = arith.index_cast %add3A_764 : i32 to index
      %swap3A_766 = tpu.vector_load %arg7[%swap3A_765] {strides = array<i32>} : memref<32768xf32, #tpu.memory_space<vmem>>, vector<16xf32>,
      tpu.vector_store %arg7[%swap3A_765], %get3A_762 {strides = array<i32>} : memref<32768xf32, #tpu.memory_space<vmem>>, vector<16xf32>,
      %add3A_767 = arith.constant 16 : i32
      %add3A_768 = arith.addi %squeeze3A_752, %add3A_767 : i32
      %get3A_769 = arith.index_cast %add3A_768 : i32 to index
      %get3A_770 = tpu.vector_load %arg6[%get3A_769] {strides = array<i32>} : memref<3328xf32, #tpu.memory_space<vmem>>, vector<16xf32>,
      %add3A_771 = arith.constant 16 : i32
      %add3A_772 = arith.addi %mul3A_758, %add3A_771 : i32
      %swap3A_773 = arith.index_cast %add3A_772 : i32 to index
      %swap3A_774 = tpu.vector_load %arg7[%swap3A_773] {strides = array<i32>} : memref<32768xf32, #tpu.memory_space<vmem>>, vector<16xf32>,
      tpu.vector_store %arg7[%swap3A_773], %get3A_770 {strides = array<i32>} : memref<32768xf32, #tpu.memory_space<vmem>>, vector<16xf32>,
      %add3A_775 = arith.constant 32 : i32
      %add3A_776 = arith.addi %squeeze3A_752, %add3A_775 : i32
      %get3A_777 = arith.index_cast %add3A_776 : i32 to index
      %get3A_778 = tpu.vector_load %arg6[%get3A_777] {strides = array<i32>} : memref<3328xf32, #tpu.memory_space<vmem>>, vector<16xf32>,
      %add3A_779 = arith.constant 32 : i32
      %add3A_780 = arith.addi %mul3A_758, %add3A_779 : i32
      %swap3A_781 = arith.index_cast %add3A_780 : i32 to index
      %swap3A_782 = tpu.vector_load %arg7[%swap3A_781] {strides = array<i32>} : memref<32768xf32, #tpu.memory_space<vmem>>, vector<16xf32>,
      tpu.vector_store %arg7[%swap3A_781], %get3A_778 {strides = array<i32>} : memref<32768xf32, #tpu.memory_space<vmem>>, vector<16xf32>,
      %add3A_783 = arith.constant 48 : i32
      %add3A_784 = arith.addi %squeeze3A_752, %add3A_783 : i32
      %get3A_785 = arith.index_cast %add3A_784 : i32 to index
      %get3A_786 = tpu.vector_load %arg6[%get3A_785] {strides = array<i32>} : memref<3328xf32, #tpu.memory_space<vmem>>, vector<16xf32>,
      %add3A_787 = arith.constant 48 : i32
      %add3A_788 = arith.addi %mul3A_758, %add3A_787 : i32
      %swap3A_789 = arith.index_cast %add3A_788 : i32 to index
      %swap3A_790 = tpu.vector_load %arg7[%swap3A_789] {strides = array<i32>} : memref<32768xf32, #tpu.memory_space<vmem>>, vector<16xf32>,
      tpu.vector_store %arg7[%swap3A_789], %get3A_786 {strides = array<i32>} : memref<32768xf32, #tpu.memory_space<vmem>>, vector<16xf32>,
      %add3A_791 = arith.constant 64 : i32
      %add3A_792 = arith.addi %squeeze3A_752, %add3A_791 : i32
      %get3A_793 = arith.index_cast %add3A_792 : i32 to index
      %get3A_794 = tpu.vector_load %arg6[%get3A_793] {strides = array<i32>} : memref<3328xf32, #tpu.memory_space<vmem>>, vector<16xf32>,
      %add3A_795 = arith.constant 64 : i32
      %add3A_796 = arith.addi %mul3A_758, %add3A_795 : i32
      %swap3A_797 = arith.index_cast %add3A_796 : i32 to index
      %swap3A_798 = tpu.vector_load %arg7[%swap3A_797] {strides = array<i32>} : memref<32768xf32, #tpu.memory_space<vmem>>, vector<16xf32>,
      tpu.vector_store %arg7[%swap3A_797], %get3A_794 {strides = array<i32>} : memref<32768xf32, #tpu.memory_space<vmem>>, vector<16xf32>,
      %add3A_799 = arith.constant 80 : i32
      %add3A_800 = arith.addi %squeeze3A_752, %add3A_799 : i32
      %get3A_801 = arith.index_cast %add3A_800 : i32 to index
      %get3A_802 = tpu.vector_load %arg6[%get3A_801] {strides = array<i32>} : memref<3328xf32, #tpu.memory_space<vmem>>, vector<16xf32>,
      %add3A_803 = arith.constant 80 : i32
      %add3A_804 = arith.addi %mul3A_758, %add3A_803 : i32
      %swap3A_805 = arith.index_cast %add3A_804 : i32 to index
      %swap3A_806 = tpu.vector_load %arg7[%swap3A_805] {strides = array<i32>} : memref<32768xf32, #tpu.memory_space<vmem>>, vector<16xf32>,
      tpu.vector_store %arg7[%swap3A_805], %get3A_802 {strides = array<i32>} : memref<32768xf32, #tpu.memory_space<vmem>>, vector<16xf32>,
      %add3A_807 = arith.constant 96 : i32
      %add3A_808 = arith.addi %squeeze3A_752, %add3A_807 : i32
      %get3A_809 = arith.index_cast %add3A_808 : i32 to index
      %get3A_810 = tpu.vector_load %arg6[%get3A_809] {strides = array<i32>} : memref<3328xf32, #tpu.memory_space<vmem>>, vector<16xf32>,
      %add3A_811 = arith.constant 96 : i32
      %add3A_812 = arith.addi %mul3A_758, %add3A_811 : i32
      %swap3A_813 = arith.index_cast %add3A_812 : i32 to index
      %swap3A_814 = tpu.vector_load %arg7[%swap3A_813] {strides = array<i32>} : memref<32768xf32, #tpu.memory_space<vmem>>, vector<16xf32>,
      tpu.vector_store %arg7[%swap3A_813], %get3A_810 {strides = array<i32>} : memref<32768xf32, #tpu.memory_space<vmem>>, vector<16xf32>,
      %add3A_815 = arith.constant 112 : i32
      %add3A_816 = arith.addi %squeeze3A_752, %add3A_815 : i32
      %get3A_817 = arith.index_cast %add3A_816 : i32 to index
      %get3A_818 = tpu.vector_load %arg6[%get3A_817] {strides = array<i32>} : memref<3328xf32, #tpu.memory_space<vmem>>, vector<16xf32>,
      %add3A_819 = arith.constant 112 : i32
      %add3A_820 = arith.addi %mul3A_758, %add3A_819 : i32
      %swap3A_821 = arith.index_cast %add3A_820 : i32 to index
      %swap3A_822 = tpu.vector_load %arg7[%swap3A_821] {strides = array<i32>} : memref<32768xf32, #tpu.memory_space<vmem>>, vector<16xf32>,
      tpu.vector_store %arg7[%swap3A_821], %get3A_818 {strides = array<i32>} : memref<32768xf32, #tpu.memory_space<vmem>>, vector<16xf32>,
      %slice3A_823 = vector.extract_strided_slice %mul3A_33 {offsets = [11], sizes = [1], strides = [1]} : vector<16xi32> to vector<1xi32>
      %squeeze3A_824 = vector.extract %slice3A_823[0] : i32 from vector<1xi32>
      %mul3A_825 = arith.constant 16 : i32
      %mul3A_826 = arith.muli %scan3A_24, %mul3A_825 : i32
      %add3A_827 = arith.constant 11 : i32
      %add3A_828 = arith.addi %mul3A_826, %add3A_827 : i32
      %mul3A_829 = arith.constant 128 : i32
      %mul3A_830 = arith.muli %add3A_828, %mul3A_829 : i32
      %add3A_831 = arith.constant 0 : i32
      %add3A_832 = arith.addi %squeeze3A_824, %add3A_831 : i32
      %get3A_833 = arith.index_cast %add3A_832 : i32 to index
      %get3A_834 = tpu.vector_load %arg6[%get3A_833] {strides = array<i32>} : memref<3328xf32, #tpu.memory_space<vmem>>, vector<16xf32>,
      %add3A_835 = arith.constant 0 : i32
      %add3A_836 = arith.addi %mul3A_830, %add3A_835 : i32
      %swap3A_837 = arith.index_cast %add3A_836 : i32 to index
      %swap3A_838 = tpu.vector_load %arg7[%swap3A_837] {strides = array<i32>} : memref<32768xf32, #tpu.memory_space<vmem>>, vector<16xf32>,
      tpu.vector_store %arg7[%swap3A_837], %get3A_834 {strides = array<i32>} : memref<32768xf32, #tpu.memory_space<vmem>>, vector<16xf32>,
      %add3A_839 = arith.constant 16 : i32
      %add3A_840 = arith.addi %squeeze3A_824, %add3A_839 : i32
      %get3A_841 = arith.index_cast %add3A_840 : i32 to index
      %get3A_842 = tpu.vector_load %arg6[%get3A_841] {strides = array<i32>} : memref<3328xf32, #tpu.memory_space<vmem>>, vector<16xf32>,
      %add3A_843 = arith.constant 16 : i32
      %add3A_844 = arith.addi %mul3A_830, %add3A_843 : i32
      %swap3A_845 = arith.index_cast %add3A_844 : i32 to index
      %swap3A_846 = tpu.vector_load %arg7[%swap3A_845] {strides = array<i32>} : memref<32768xf32, #tpu.memory_space<vmem>>, vector<16xf32>,
      tpu.vector_store %arg7[%swap3A_845], %get3A_842 {strides = array<i32>} : memref<32768xf32, #tpu.memory_space<vmem>>, vector<16xf32>,
      %add3A_847 = arith.constant 32 : i32
      %add3A_848 = arith.addi %squeeze3A_824, %add3A_847 : i32
      %get3A_849 = arith.index_cast %add3A_848 : i32 to index
      %get3A_850 = tpu.vector_load %arg6[%get3A_849] {strides = array<i32>} : memref<3328xf32, #tpu.memory_space<vmem>>, vector<16xf32>,
      %add3A_851 = arith.constant 32 : i32
      %add3A_852 = arith.addi %mul3A_830, %add3A_851 : i32
      %swap3A_853 = arith.index_cast %add3A_852 : i32 to index
      %swap3A_854 = tpu.vector_load %arg7[%swap3A_853] {strides = array<i32>} : memref<32768xf32, #tpu.memory_space<vmem>>, vector<16xf32>,
      tpu.vector_store %arg7[%swap3A_853], %get3A_850 {strides = array<i32>} : memref<32768xf32, #tpu.memory_space<vmem>>, vector<16xf32>,
      %add3A_855 = arith.constant 48 : i32
      %add3A_856 = arith.addi %squeeze3A_824, %add3A_855 : i32
      %get3A_857 = arith.index_cast %add3A_856 : i32 to index
      %get3A_858 = tpu.vector_load %arg6[%get3A_857] {strides = array<i32>} : memref<3328xf32, #tpu.memory_space<vmem>>, vector<16xf32>,
      %add3A_859 = arith.constant 48 : i32
      %add3A_860 = arith.addi %mul3A_830, %add3A_859 : i32
      %swap3A_861 = arith.index_cast %add3A_860 : i32 to index
      %swap3A_862 = tpu.vector_load %arg7[%swap3A_861] {strides = array<i32>} : memref<32768xf32, #tpu.memory_space<vmem>>, vector<16xf32>,
      tpu.vector_store %arg7[%swap3A_861], %get3A_858 {strides = array<i32>} : memref<32768xf32, #tpu.memory_space<vmem>>, vector<16xf32>,
      %add3A_863 = arith.constant 64 : i32
      %add3A_864 = arith.addi %squeeze3A_824, %add3A_863 : i32
      %get3A_865 = arith.index_cast %add3A_864 : i32 to index
      %get3A_866 = tpu.vector_load %arg6[%get3A_865] {strides = array<i32>} : memref<3328xf32, #tpu.memory_space<vmem>>, vector<16xf32>,
      %add3A_867 = arith.constant 64 : i32
      %add3A_868 = arith.addi %mul3A_830, %add3A_867 : i32
      %swap3A_869 = arith.index_cast %add3A_868 : i32 to index
      %swap3A_870 = tpu.vector_load %arg7[%swap3A_869] {strides = array<i32>} : memref<32768xf32, #tpu.memory_space<vmem>>, vector<16xf32>,
      tpu.vector_store %arg7[%swap3A_869], %get3A_866 {strides = array<i32>} : memref<32768xf32, #tpu.memory_space<vmem>>, vector<16xf32>,
      %add3A_871 = arith.constant 80 : i32
      %add3A_872 = arith.addi %squeeze3A_824, %add3A_871 : i32
      %get3A_873 = arith.index_cast %add3A_872 : i32 to index
      %get3A_874 = tpu.vector_load %arg6[%get3A_873] {strides = array<i32>} : memref<3328xf32, #tpu.memory_space<vmem>>, vector<16xf32>,
      %add3A_875 = arith.constant 80 : i32
      %add3A_876 = arith.addi %mul3A_830, %add3A_875 : i32
      %swap3A_877 = arith.index_cast %add3A_876 : i32 to index
      %swap3A_878 = tpu.vector_load %arg7[%swap3A_877] {strides = array<i32>} : memref<32768xf32, #tpu.memory_space<vmem>>, vector<16xf32>,
      tpu.vector_store %arg7[%swap3A_877], %get3A_874 {strides = array<i32>} : memref<32768xf32, #tpu.memory_space<vmem>>, vector<16xf32>,
      %add3A_879 = arith.constant 96 : i32
      %add3A_880 = arith.addi %squeeze3A_824, %add3A_879 : i32
      %get3A_881 = arith.index_cast %add3A_880 : i32 to index
      %get3A_882 = tpu.vector_load %arg6[%get3A_881] {strides = array<i32>} : memref<3328xf32, #tpu.memory_space<vmem>>, vector<16xf32>,
      %add3A_883 = arith.constant 96 : i32
      %add3A_884 = arith.addi %mul3A_830, %add3A_883 : i32
      %swap3A_885 = arith.index_cast %add3A_884 : i32 to index
      %swap3A_886 = tpu.vector_load %arg7[%swap3A_885] {strides = array<i32>} : memref<32768xf32, #tpu.memory_space<vmem>>, vector<16xf32>,
      tpu.vector_store %arg7[%swap3A_885], %get3A_882 {strides = array<i32>} : memref<32768xf32, #tpu.memory_space<vmem>>, vector<16xf32>,
      %add3A_887 = arith.constant 112 : i32
      %add3A_888 = arith.addi %squeeze3A_824, %add3A_887 : i32
      %get3A_889 = arith.index_cast %add3A_888 : i32 to index
      %get3A_890 = tpu.vector_load %arg6[%get3A_889] {strides = array<i32>} : memref<3328xf32, #tpu.memory_space<vmem>>, vector<16xf32>,
      %add3A_891 = arith.constant 112 : i32
      %add3A_892 = arith.addi %mul3A_830, %add3A_891 : i32
      %swap3A_893 = arith.index_cast %add3A_892 : i32 to index
      %swap3A_894 = tpu.vector_load %arg7[%swap3A_893] {strides = array<i32>} : memref<32768xf32, #tpu.memory_space<vmem>>, vector<16xf32>,
      tpu.vector_store %arg7[%swap3A_893], %get3A_890 {strides = array<i32>} : memref<32768xf32, #tpu.memory_space<vmem>>, vector<16xf32>,
      %slice3A_895 = vector.extract_strided_slice %mul3A_33 {offsets = [12], sizes = [1], strides = [1]} : vector<16xi32> to vector<1xi32>
      %squeeze3A_896 = vector.extract %slice3A_895[0] : i32 from vector<1xi32>
      %mul3A_897 = arith.constant 16 : i32
      %mul3A_898 = arith.muli %scan3A_24, %mul3A_897 : i32
      %add3A_899 = arith.constant 12 : i32
      %add3A_900 = arith.addi %mul3A_898, %add3A_899 : i32
      %mul3A_901 = arith.constant 128 : i32
      %mul3A_902 = arith.muli %add3A_900, %mul3A_901 : i32
      %add3A_903 = arith.constant 0 : i32
      %add3A_904 = arith.addi %squeeze3A_896, %add3A_903 : i32
      %get3A_905 = arith.index_cast %add3A_904 : i32 to index
      %get3A_906 = tpu.vector_load %arg6[%get3A_905] {strides = array<i32>} : memref<3328xf32, #tpu.memory_space<vmem>>, vector<16xf32>,
      %add3A_907 = arith.constant 0 : i32
      %add3A_908 = arith.addi %mul3A_902, %add3A_907 : i32
      %swap3A_909 = arith.index_cast %add3A_908 : i32 to index
      %swap3A_910 = tpu.vector_load %arg7[%swap3A_909] {strides = array<i32>} : memref<32768xf32, #tpu.memory_space<vmem>>, vector<16xf32>,
      tpu.vector_store %arg7[%swap3A_909], %get3A_906 {strides = array<i32>} : memref<32768xf32, #tpu.memory_space<vmem>>, vector<16xf32>,
      %add3A_911 = arith.constant 16 : i32
      %add3A_912 = arith.addi %squeeze3A_896, %add3A_911 : i32
      %get3A_913 = arith.index_cast %add3A_912 : i32 to index
      %get3A_914 = tpu.vector_load %arg6[%get3A_913] {strides = array<i32>} : memref<3328xf32, #tpu.memory_space<vmem>>, vector<16xf32>,
      %add3A_915 = arith.constant 16 : i32
      %add3A_916 = arith.addi %mul3A_902, %add3A_915 : i32
      %swap3A_917 = arith.index_cast %add3A_916 : i32 to index
      %swap3A_918 = tpu.vector_load %arg7[%swap3A_917] {strides = array<i32>} : memref<32768xf32, #tpu.memory_space<vmem>>, vector<16xf32>,
      tpu.vector_store %arg7[%swap3A_917], %get3A_914 {strides = array<i32>} : memref<32768xf32, #tpu.memory_space<vmem>>, vector<16xf32>,
      %add3A_919 = arith.constant 32 : i32
      %add3A_920 = arith.addi %squeeze3A_896, %add3A_919 : i32
      %get3A_921 = arith.index_cast %add3A_920 : i32 to index
      %get3A_922 = tpu.vector_load %arg6[%get3A_921] {strides = array<i32>} : memref<3328xf32, #tpu.memory_space<vmem>>, vector<16xf32>,
      %add3A_923 = arith.constant 32 : i32
      %add3A_924 = arith.addi %mul3A_902, %add3A_923 : i32
      %swap3A_925 = arith.index_cast %add3A_924 : i32 to index
      %swap3A_926 = tpu.vector_load %arg7[%swap3A_925] {strides = array<i32>} : memref<32768xf32, #tpu.memory_space<vmem>>, vector<16xf32>,
      tpu.vector_store %arg7[%swap3A_925], %get3A_922 {strides = array<i32>} : memref<32768xf32, #tpu.memory_space<vmem>>, vector<16xf32>,
      %add3A_927 = arith.constant 48 : i32
      %add3A_928 = arith.addi %squeeze3A_896, %add3A_927 : i32
      %get3A_929 = arith.index_cast %add3A_928 : i32 to index
      %get3A_930 = tpu.vector_load %arg6[%get3A_929] {strides = array<i32>} : memref<3328xf32, #tpu.memory_space<vmem>>, vector<16xf32>,
      %add3A_931 = arith.constant 48 : i32
      %add3A_932 = arith.addi %mul3A_902, %add3A_931 : i32
      %swap3A_933 = arith.index_cast %add3A_932 : i32 to index
      %swap3A_934 = tpu.vector_load %arg7[%swap3A_933] {strides = array<i32>} : memref<32768xf32, #tpu.memory_space<vmem>>, vector<16xf32>,
      tpu.vector_store %arg7[%swap3A_933], %get3A_930 {strides = array<i32>} : memref<32768xf32, #tpu.memory_space<vmem>>, vector<16xf32>,
      %add3A_935 = arith.constant 64 : i32
      %add3A_936 = arith.addi %squeeze3A_896, %add3A_935 : i32
      %get3A_937 = arith.index_cast %add3A_936 : i32 to index
      %get3A_938 = tpu.vector_load %arg6[%get3A_937] {strides = array<i32>} : memref<3328xf32, #tpu.memory_space<vmem>>, vector<16xf32>,
      %add3A_939 = arith.constant 64 : i32
      %add3A_940 = arith.addi %mul3A_902, %add3A_939 : i32
      %swap3A_941 = arith.index_cast %add3A_940 : i32 to index
      %swap3A_942 = tpu.vector_load %arg7[%swap3A_941] {strides = array<i32>} : memref<32768xf32, #tpu.memory_space<vmem>>, vector<16xf32>,
      tpu.vector_store %arg7[%swap3A_941], %get3A_938 {strides = array<i32>} : memref<32768xf32, #tpu.memory_space<vmem>>, vector<16xf32>,
      %add3A_943 = arith.constant 80 : i32
      %add3A_944 = arith.addi %squeeze3A_896, %add3A_943 : i32
      %get3A_945 = arith.index_cast %add3A_944 : i32 to index
      %get3A_946 = tpu.vector_load %arg6[%get3A_945] {strides = array<i32>} : memref<3328xf32, #tpu.memory_space<vmem>>, vector<16xf32>,
      %add3A_947 = arith.constant 80 : i32
      %add3A_948 = arith.addi %mul3A_902, %add3A_947 : i32
      %swap3A_949 = arith.index_cast %add3A_948 : i32 to index
      %swap3A_950 = tpu.vector_load %arg7[%swap3A_949] {strides = array<i32>} : memref<32768xf32, #tpu.memory_space<vmem>>, vector<16xf32>,
      tpu.vector_store %arg7[%swap3A_949], %get3A_946 {strides = array<i32>} : memref<32768xf32, #tpu.memory_space<vmem>>, vector<16xf32>,
      %add3A_951 = arith.constant 96 : i32
      %add3A_952 = arith.addi %squeeze3A_896, %add3A_951 : i32
      %get3A_953 = arith.index_cast %add3A_952 : i32 to index
      %get3A_954 = tpu.vector_load %arg6[%get3A_953] {strides = array<i32>} : memref<3328xf32, #tpu.memory_space<vmem>>, vector<16xf32>,
      %add3A_955 = arith.constant 96 : i32
      %add3A_956 = arith.addi %mul3A_902, %add3A_955 : i32
      %swap3A_957 = arith.index_cast %add3A_956 : i32 to index
      %swap3A_958 = tpu.vector_load %arg7[%swap3A_957] {strides = array<i32>} : memref<32768xf32, #tpu.memory_space<vmem>>, vector<16xf32>,
      tpu.vector_store %arg7[%swap3A_957], %get3A_954 {strides = array<i32>} : memref<32768xf32, #tpu.memory_space<vmem>>, vector<16xf32>,
      %add3A_959 = arith.constant 112 : i32
      %add3A_960 = arith.addi %squeeze3A_896, %add3A_959 : i32
      %get3A_961 = arith.index_cast %add3A_960 : i32 to index
      %get3A_962 = tpu.vector_load %arg6[%get3A_961] {strides = array<i32>} : memref<3328xf32, #tpu.memory_space<vmem>>, vector<16xf32>,
      %add3A_963 = arith.constant 112 : i32
      %add3A_964 = arith.addi %mul3A_902, %add3A_963 : i32
      %swap3A_965 = arith.index_cast %add3A_964 : i32 to index
      %swap3A_966 = tpu.vector_load %arg7[%swap3A_965] {strides = array<i32>} : memref<32768xf32, #tpu.memory_space<vmem>>, vector<16xf32>,
      tpu.vector_store %arg7[%swap3A_965], %get3A_962 {strides = array<i32>} : memref<32768xf32, #tpu.memory_space<vmem>>, vector<16xf32>,
      %slice3A_967 = vector.extract_strided_slice %mul3A_33 {offsets = [13], sizes = [1], strides = [1]} : vector<16xi32> to vector<1xi32>
      %squeeze3A_968 = vector.extract %slice3A_967[0] : i32 from vector<1xi32>
      %mul3A_969 = arith.constant 16 : i32
      %mul3A_970 = arith.muli %scan3A_24, %mul3A_969 : i32
      %add3A_971 = arith.constant 13 : i32
      %add3A_972 = arith.addi %mul3A_970, %add3A_971 : i32
      %mul3A_973 = arith.constant 128 : i32
      %mul3A_974 = arith.muli %add3A_972, %mul3A_973 : i32
      %add3A_975 = arith.constant 0 : i32
      %add3A_976 = arith.addi %squeeze3A_968, %add3A_975 : i32
      %get3A_977 = arith.index_cast %add3A_976 : i32 to index
      %get3A_978 = tpu.vector_load %arg6[%get3A_977] {strides = array<i32>} : memref<3328xf32, #tpu.memory_space<vmem>>, vector<16xf32>,
      %add3A_979 = arith.constant 0 : i32
      %add3A_980 = arith.addi %mul3A_974, %add3A_979 : i32
      %swap3A_981 = arith.index_cast %add3A_980 : i32 to index
      %swap3A_982 = tpu.vector_load %arg7[%swap3A_981] {strides = array<i32>} : memref<32768xf32, #tpu.memory_space<vmem>>, vector<16xf32>,
      tpu.vector_store %arg7[%swap3A_981], %get3A_978 {strides = array<i32>} : memref<32768xf32, #tpu.memory_space<vmem>>, vector<16xf32>,
      %add3A_983 = arith.constant 16 : i32
      %add3A_984 = arith.addi %squeeze3A_968, %add3A_983 : i32
      %get3A_985 = arith.index_cast %add3A_984 : i32 to index
      %get3A_986 = tpu.vector_load %arg6[%get3A_985] {strides = array<i32>} : memref<3328xf32, #tpu.memory_space<vmem>>, vector<16xf32>,
      %add3A_987 = arith.constant 16 : i32
      %add3A_988 = arith.addi %mul3A_974, %add3A_987 : i32
      %swap3A_989 = arith.index_cast %add3A_988 : i32 to index
      %swap3A_990 = tpu.vector_load %arg7[%swap3A_989] {strides = array<i32>} : memref<32768xf32, #tpu.memory_space<vmem>>, vector<16xf32>,
      tpu.vector_store %arg7[%swap3A_989], %get3A_986 {strides = array<i32>} : memref<32768xf32, #tpu.memory_space<vmem>>, vector<16xf32>,
      %add3A_991 = arith.constant 32 : i32
      %add3A_992 = arith.addi %squeeze3A_968, %add3A_991 : i32
      %get3A_993 = arith.index_cast %add3A_992 : i32 to index
      %get3A_994 = tpu.vector_load %arg6[%get3A_993] {strides = array<i32>} : memref<3328xf32, #tpu.memory_space<vmem>>, vector<16xf32>,
      %add3A_995 = arith.constant 32 : i32
      %add3A_996 = arith.addi %mul3A_974, %add3A_995 : i32
      %swap3A_997 = arith.index_cast %add3A_996 : i32 to index
      %swap3A_998 = tpu.vector_load %arg7[%swap3A_997] {strides = array<i32>} : memref<32768xf32, #tpu.memory_space<vmem>>, vector<16xf32>,
      tpu.vector_store %arg7[%swap3A_997], %get3A_994 {strides = array<i32>} : memref<32768xf32, #tpu.memory_space<vmem>>, vector<16xf32>,
      %add3A_999 = arith.constant 48 : i32
      %add3A_1000 = arith.addi %squeeze3A_968, %add3A_999 : i32
      %get3A_1001 = arith.index_cast %add3A_1000 : i32 to index
      %get3A_1002 = tpu.vector_load %arg6[%get3A_1001] {strides = array<i32>} : memref<3328xf32, #tpu.memory_space<vmem>>, vector<16xf32>,
      %add3A_1003 = arith.constant 48 : i32
      %add3A_1004 = arith.addi %mul3A_974, %add3A_1003 : i32
      %swap3A_1005 = arith.index_cast %add3A_1004 : i32 to index
      %swap3A_1006 = tpu.vector_load %arg7[%swap3A_1005] {strides = array<i32>} : memref<32768xf32, #tpu.memory_space<vmem>>, vector<16xf32>,
      tpu.vector_store %arg7[%swap3A_1005], %get3A_1002 {strides = array<i32>} : memref<32768xf32, #tpu.memory_space<vmem>>, vector<16xf32>,
      %add3A_1007 = arith.constant 64 : i32
      %add3A_1008 = arith.addi %squeeze3A_968, %add3A_1007 : i32
      %get3A_1009 = arith.index_cast %add3A_1008 : i32 to index
      %get3A_1010 = tpu.vector_load %arg6[%get3A_1009] {strides = array<i32>} : memref<3328xf32, #tpu.memory_space<vmem>>, vector<16xf32>,
      %add3A_1011 = arith.constant 64 : i32
      %add3A_1012 = arith.addi %mul3A_974, %add3A_1011 : i32
      %swap3A_1013 = arith.index_cast %add3A_1012 : i32 to index
      %swap3A_1014 = tpu.vector_load %arg7[%swap3A_1013] {strides = array<i32>} : memref<32768xf32, #tpu.memory_space<vmem>>, vector<16xf32>,
      tpu.vector_store %arg7[%swap3A_1013], %get3A_1010 {strides = array<i32>} : memref<32768xf32, #tpu.memory_space<vmem>>, vector<16xf32>,
      %add3A_1015 = arith.constant 80 : i32
      %add3A_1016 = arith.addi %squeeze3A_968, %add3A_1015 : i32
      %get3A_1017 = arith.index_cast %add3A_1016 : i32 to index
      %get3A_1018 = tpu.vector_load %arg6[%get3A_1017] {strides = array<i32>} : memref<3328xf32, #tpu.memory_space<vmem>>, vector<16xf32>,
      %add3A_1019 = arith.constant 80 : i32
      %add3A_1020 = arith.addi %mul3A_974, %add3A_1019 : i32
      %swap3A_1021 = arith.index_cast %add3A_1020 : i32 to index
      %swap3A_1022 = tpu.vector_load %arg7[%swap3A_1021] {strides = array<i32>} : memref<32768xf32, #tpu.memory_space<vmem>>, vector<16xf32>,
      tpu.vector_store %arg7[%swap3A_1021], %get3A_1018 {strides = array<i32>} : memref<32768xf32, #tpu.memory_space<vmem>>, vector<16xf32>,
      %add3A_1023 = arith.constant 96 : i32
      %add3A_1024 = arith.addi %squeeze3A_968, %add3A_1023 : i32
      %get3A_1025 = arith.index_cast %add3A_1024 : i32 to index
      %get3A_1026 = tpu.vector_load %arg6[%get3A_1025] {strides = array<i32>} : memref<3328xf32, #tpu.memory_space<vmem>>, vector<16xf32>,
      %add3A_1027 = arith.constant 96 : i32
      %add3A_1028 = arith.addi %mul3A_974, %add3A_1027 : i32
      %swap3A_1029 = arith.index_cast %add3A_1028 : i32 to index
      %swap3A_1030 = tpu.vector_load %arg7[%swap3A_1029] {strides = array<i32>} : memref<32768xf32, #tpu.memory_space<vmem>>, vector<16xf32>,
      tpu.vector_store %arg7[%swap3A_1029], %get3A_1026 {strides = array<i32>} : memref<32768xf32, #tpu.memory_space<vmem>>, vector<16xf32>,
      %add3A_1031 = arith.constant 112 : i32
      %add3A_1032 = arith.addi %squeeze3A_968, %add3A_1031 : i32
      %get3A_1033 = arith.index_cast %add3A_1032 : i32 to index
      %get3A_1034 = tpu.vector_load %arg6[%get3A_1033] {strides = array<i32>} : memref<3328xf32, #tpu.memory_space<vmem>>, vector<16xf32>,
      %add3A_1035 = arith.constant 112 : i32
      %add3A_1036 = arith.addi %mul3A_974, %add3A_1035 : i32
      %swap3A_1037 = arith.index_cast %add3A_1036 : i32 to index
      %swap3A_1038 = tpu.vector_load %arg7[%swap3A_1037] {strides = array<i32>} : memref<32768xf32, #tpu.memory_space<vmem>>, vector<16xf32>,
      tpu.vector_store %arg7[%swap3A_1037], %get3A_1034 {strides = array<i32>} : memref<32768xf32, #tpu.memory_space<vmem>>, vector<16xf32>,
      %slice3A_1039 = vector.extract_strided_slice %mul3A_33 {offsets = [14], sizes = [1], strides = [1]} : vector<16xi32> to vector<1xi32>
      %squeeze3A_1040 = vector.extract %slice3A_1039[0] : i32 from vector<1xi32>
      %mul3A_1041 = arith.constant 16 : i32
      %mul3A_1042 = arith.muli %scan3A_24, %mul3A_1041 : i32
      %add3A_1043 = arith.constant 14 : i32
      %add3A_1044 = arith.addi %mul3A_1042, %add3A_1043 : i32
      %mul3A_1045 = arith.constant 128 : i32
      %mul3A_1046 = arith.muli %add3A_1044, %mul3A_1045 : i32
      %add3A_1047 = arith.constant 0 : i32
      %add3A_1048 = arith.addi %squeeze3A_1040, %add3A_1047 : i32
      %get3A_1049 = arith.index_cast %add3A_1048 : i32 to index
      %get3A_1050 = tpu.vector_load %arg6[%get3A_1049] {strides = array<i32>} : memref<3328xf32, #tpu.memory_space<vmem>>, vector<16xf32>,
      %add3A_1051 = arith.constant 0 : i32
      %add3A_1052 = arith.addi %mul3A_1046, %add3A_1051 : i32
      %swap3A_1053 = arith.index_cast %add3A_1052 : i32 to index
      %swap3A_1054 = tpu.vector_load %arg7[%swap3A_1053] {strides = array<i32>} : memref<32768xf32, #tpu.memory_space<vmem>>, vector<16xf32>,
      tpu.vector_store %arg7[%swap3A_1053], %get3A_1050 {strides = array<i32>} : memref<32768xf32, #tpu.memory_space<vmem>>, vector<16xf32>,
      %add3A_1055 = arith.constant 16 : i32
      %add3A_1056 = arith.addi %squeeze3A_1040, %add3A_1055 : i32
      %get3A_1057 = arith.index_cast %add3A_1056 : i32 to index
      %get3A_1058 = tpu.vector_load %arg6[%get3A_1057] {strides = array<i32>} : memref<3328xf32, #tpu.memory_space<vmem>>, vector<16xf32>,
      %add3A_1059 = arith.constant 16 : i32
      %add3A_1060 = arith.addi %mul3A_1046, %add3A_1059 : i32
      %swap3A_1061 = arith.index_cast %add3A_1060 : i32 to index
      %swap3A_1062 = tpu.vector_load %arg7[%swap3A_1061] {strides = array<i32>} : memref<32768xf32, #tpu.memory_space<vmem>>, vector<16xf32>,
      tpu.vector_store %arg7[%swap3A_1061], %get3A_1058 {strides = array<i32>} : memref<32768xf32, #tpu.memory_space<vmem>>, vector<16xf32>,
      %add3A_1063 = arith.constant 32 : i32
      %add3A_1064 = arith.addi %squeeze3A_1040, %add3A_1063 : i32
      %get3A_1065 = arith.index_cast %add3A_1064 : i32 to index
      %get3A_1066 = tpu.vector_load %arg6[%get3A_1065] {strides = array<i32>} : memref<3328xf32, #tpu.memory_space<vmem>>, vector<16xf32>,
      %add3A_1067 = arith.constant 32 : i32
      %add3A_1068 = arith.addi %mul3A_1046, %add3A_1067 : i32
      %swap3A_1069 = arith.index_cast %add3A_1068 : i32 to index
      %swap3A_1070 = tpu.vector_load %arg7[%swap3A_1069] {strides = array<i32>} : memref<32768xf32, #tpu.memory_space<vmem>>, vector<16xf32>,
      tpu.vector_store %arg7[%swap3A_1069], %get3A_1066 {strides = array<i32>} : memref<32768xf32, #tpu.memory_space<vmem>>, vector<16xf32>,
      %add3A_1071 = arith.constant 48 : i32
      %add3A_1072 = arith.addi %squeeze3A_1040, %add3A_1071 : i32
      %get3A_1073 = arith.index_cast %add3A_1072 : i32 to index
      %get3A_1074 = tpu.vector_load %arg6[%get3A_1073] {strides = array<i32>} : memref<3328xf32, #tpu.memory_space<vmem>>, vector<16xf32>,
      %add3A_1075 = arith.constant 48 : i32
      %add3A_1076 = arith.addi %mul3A_1046, %add3A_1075 : i32
      %swap3A_1077 = arith.index_cast %add3A_1076 : i32 to index
      %swap3A_1078 = tpu.vector_load %arg7[%swap3A_1077] {strides = array<i32>} : memref<32768xf32, #tpu.memory_space<vmem>>, vector<16xf32>,
      tpu.vector_store %arg7[%swap3A_1077], %get3A_1074 {strides = array<i32>} : memref<32768xf32, #tpu.memory_space<vmem>>, vector<16xf32>,
      %add3A_1079 = arith.constant 64 : i32
      %add3A_1080 = arith.addi %squeeze3A_1040, %add3A_1079 : i32
      %get3A_1081 = arith.index_cast %add3A_1080 : i32 to index
      %get3A_1082 = tpu.vector_load %arg6[%get3A_1081] {strides = array<i32>} : memref<3328xf32, #tpu.memory_space<vmem>>, vector<16xf32>,
      %add3A_1083 = arith.constant 64 : i32
      %add3A_1084 = arith.addi %mul3A_1046, %add3A_1083 : i32
      %swap3A_1085 = arith.index_cast %add3A_1084 : i32 to index
      %swap3A_1086 = tpu.vector_load %arg7[%swap3A_1085] {strides = array<i32>} : memref<32768xf32, #tpu.memory_space<vmem>>, vector<16xf32>,
      tpu.vector_store %arg7[%swap3A_1085], %get3A_1082 {strides = array<i32>} : memref<32768xf32, #tpu.memory_space<vmem>>, vector<16xf32>,
      %add3A_1087 = arith.constant 80 : i32
      %add3A_1088 = arith.addi %squeeze3A_1040, %add3A_1087 : i32
      %get3A_1089 = arith.index_cast %add3A_1088 : i32 to index
      %get3A_1090 = tpu.vector_load %arg6[%get3A_1089] {strides = array<i32>} : memref<3328xf32, #tpu.memory_space<vmem>>, vector<16xf32>,
      %add3A_1091 = arith.constant 80 : i32
      %add3A_1092 = arith.addi %mul3A_1046, %add3A_1091 : i32
      %swap3A_1093 = arith.index_cast %add3A_1092 : i32 to index
      %swap3A_1094 = tpu.vector_load %arg7[%swap3A_1093] {strides = array<i32>} : memref<32768xf32, #tpu.memory_space<vmem>>, vector<16xf32>,
      tpu.vector_store %arg7[%swap3A_1093], %get3A_1090 {strides = array<i32>} : memref<32768xf32, #tpu.memory_space<vmem>>, vector<16xf32>,
      %add3A_1095 = arith.constant 96 : i32
      %add3A_1096 = arith.addi %squeeze3A_1040, %add3A_1095 : i32
      %get3A_1097 = arith.index_cast %add3A_1096 : i32 to index
      %get3A_1098 = tpu.vector_load %arg6[%get3A_1097] {strides = array<i32>} : memref<3328xf32, #tpu.memory_space<vmem>>, vector<16xf32>,
      %add3A_1099 = arith.constant 96 : i32
      %add3A_1100 = arith.addi %mul3A_1046, %add3A_1099 : i32
      %swap3A_1101 = arith.index_cast %add3A_1100 : i32 to index
      %swap3A_1102 = tpu.vector_load %arg7[%swap3A_1101] {strides = array<i32>} : memref<32768xf32, #tpu.memory_space<vmem>>, vector<16xf32>,
      tpu.vector_store %arg7[%swap3A_1101], %get3A_1098 {strides = array<i32>} : memref<32768xf32, #tpu.memory_space<vmem>>, vector<16xf32>,
      %add3A_1103 = arith.constant 112 : i32
      %add3A_1104 = arith.addi %squeeze3A_1040, %add3A_1103 : i32
      %get3A_1105 = arith.index_cast %add3A_1104 : i32 to index
      %get3A_1106 = tpu.vector_load %arg6[%get3A_1105] {strides = array<i32>} : memref<3328xf32, #tpu.memory_space<vmem>>, vector<16xf32>,
      %add3A_1107 = arith.constant 112 : i32
      %add3A_1108 = arith.addi %mul3A_1046, %add3A_1107 : i32
      %swap3A_1109 = arith.index_cast %add3A_1108 : i32 to index
      %swap3A_1110 = tpu.vector_load %arg7[%swap3A_1109] {strides = array<i32>} : memref<32768xf32, #tpu.memory_space<vmem>>, vector<16xf32>,
      tpu.vector_store %arg7[%swap3A_1109], %get3A_1106 {strides = array<i32>} : memref<32768xf32, #tpu.memory_space<vmem>>, vector<16xf32>,
      %slice3A_1111 = vector.extract_strided_slice %mul3A_33 {offsets = [15], sizes = [1], strides = [1]} : vector<16xi32> to vector<1xi32>
      %squeeze3A_1112 = vector.extract %slice3A_1111[0] : i32 from vector<1xi32>
      %mul3A_1113 = arith.constant 16 : i32
      %mul3A_1114 = arith.muli %scan3A_24, %mul3A_1113 : i32
      %add3A_1115 = arith.constant 15 : i32
      %add3A_1116 = arith.addi %mul3A_1114, %add3A_1115 : i32
      %mul3A_1117 = arith.constant 128 : i32
      %mul3A_1118 = arith.muli %add3A_1116, %mul3A_1117 : i32
      %add3A_1119 = arith.constant 0 : i32
      %add3A_1120 = arith.addi %squeeze3A_1112, %add3A_1119 : i32
      %get3A_1121 = arith.index_cast %add3A_1120 : i32 to index
      %get3A_1122 = tpu.vector_load %arg6[%get3A_1121] {strides = array<i32>} : memref<3328xf32, #tpu.memory_space<vmem>>, vector<16xf32>,
      %add3A_1123 = arith.constant 0 : i32
      %add3A_1124 = arith.addi %mul3A_1118, %add3A_1123 : i32
      %swap3A_1125 = arith.index_cast %add3A_1124 : i32 to index
      %swap3A_1126 = tpu.vector_load %arg7[%swap3A_1125] {strides = array<i32>} : memref<32768xf32, #tpu.memory_space<vmem>>, vector<16xf32>,
      tpu.vector_store %arg7[%swap3A_1125], %get3A_1122 {strides = array<i32>} : memref<32768xf32, #tpu.memory_space<vmem>>, vector<16xf32>,
      %add3A_1127 = arith.constant 16 : i32
      %add3A_1128 = arith.addi %squeeze3A_1112, %add3A_1127 : i32
      %get3A_1129 = arith.index_cast %add3A_1128 : i32 to index
      %get3A_1130 = tpu.vector_load %arg6[%get3A_1129] {strides = array<i32>} : memref<3328xf32, #tpu.memory_space<vmem>>, vector<16xf32>,
      %add3A_1131 = arith.constant 16 : i32
      %add3A_1132 = arith.addi %mul3A_1118, %add3A_1131 : i32
      %swap3A_1133 = arith.index_cast %add3A_1132 : i32 to index
      %swap3A_1134 = tpu.vector_load %arg7[%swap3A_1133] {strides = array<i32>} : memref<32768xf32, #tpu.memory_space<vmem>>, vector<16xf32>,
      tpu.vector_store %arg7[%swap3A_1133], %get3A_1130 {strides = array<i32>} : memref<32768xf32, #tpu.memory_space<vmem>>, vector<16xf32>,
      %add3A_1135 = arith.constant 32 : i32
      %add3A_1136 = arith.addi %squeeze3A_1112, %add3A_1135 : i32
      %get3A_1137 = arith.index_cast %add3A_1136 : i32 to index
      %get3A_1138 = tpu.vector_load %arg6[%get3A_1137] {strides = array<i32>} : memref<3328xf32, #tpu.memory_space<vmem>>, vector<16xf32>,
      %add3A_1139 = arith.constant 32 : i32
      %add3A_1140 = arith.addi %mul3A_1118, %add3A_1139 : i32
      %swap3A_1141 = arith.index_cast %add3A_1140 : i32 to index
      %swap3A_1142 = tpu.vector_load %arg7[%swap3A_1141] {strides = array<i32>} : memref<32768xf32, #tpu.memory_space<vmem>>, vector<16xf32>,
      tpu.vector_store %arg7[%swap3A_1141], %get3A_1138 {strides = array<i32>} : memref<32768xf32, #tpu.memory_space<vmem>>, vector<16xf32>,
      %add3A_1143 = arith.constant 48 : i32
      %add3A_1144 = arith.addi %squeeze3A_1112, %add3A_1143 : i32
      %get3A_1145 = arith.index_cast %add3A_1144 : i32 to index
      %get3A_1146 = tpu.vector_load %arg6[%get3A_1145] {strides = array<i32>} : memref<3328xf32, #tpu.memory_space<vmem>>, vector<16xf32>,
      %add3A_1147 = arith.constant 48 : i32
      %add3A_1148 = arith.addi %mul3A_1118, %add3A_1147 : i32
      %swap3A_1149 = arith.index_cast %add3A_1148 : i32 to index
      %swap3A_1150 = tpu.vector_load %arg7[%swap3A_1149] {strides = array<i32>} : memref<32768xf32, #tpu.memory_space<vmem>>, vector<16xf32>,
      tpu.vector_store %arg7[%swap3A_1149], %get3A_1146 {strides = array<i32>} : memref<32768xf32, #tpu.memory_space<vmem>>, vector<16xf32>,
      %add3A_1151 = arith.constant 64 : i32
      %add3A_1152 = arith.addi %squeeze3A_1112, %add3A_1151 : i32
      %get3A_1153 = arith.index_cast %add3A_1152 : i32 to index
      %get3A_1154 = tpu.vector_load %arg6[%get3A_1153] {strides = array<i32>} : memref<3328xf32, #tpu.memory_space<vmem>>, vector<16xf32>,
      %add3A_1155 = arith.constant 64 : i32
      %add3A_1156 = arith.addi %mul3A_1118, %add3A_1155 : i32
      %swap3A_1157 = arith.index_cast %add3A_1156 : i32 to index
      %swap3A_1158 = tpu.vector_load %arg7[%swap3A_1157] {strides = array<i32>} : memref<32768xf32, #tpu.memory_space<vmem>>, vector<16xf32>,
      tpu.vector_store %arg7[%swap3A_1157], %get3A_1154 {strides = array<i32>} : memref<32768xf32, #tpu.memory_space<vmem>>, vector<16xf32>,
      %add3A_1159 = arith.constant 80 : i32
      %add3A_1160 = arith.addi %squeeze3A_1112, %add3A_1159 : i32
      %get3A_1161 = arith.index_cast %add3A_1160 : i32 to index
      %get3A_1162 = tpu.vector_load %arg6[%get3A_1161] {strides = array<i32>} : memref<3328xf32, #tpu.memory_space<vmem>>, vector<16xf32>,
      %add3A_1163 = arith.constant 80 : i32
      %add3A_1164 = arith.addi %mul3A_1118, %add3A_1163 : i32
      %swap3A_1165 = arith.index_cast %add3A_1164 : i32 to index
      %swap3A_1166 = tpu.vector_load %arg7[%swap3A_1165] {strides = array<i32>} : memref<32768xf32, #tpu.memory_space<vmem>>, vector<16xf32>,
      tpu.vector_store %arg7[%swap3A_1165], %get3A_1162 {strides = array<i32>} : memref<32768xf32, #tpu.memory_space<vmem>>, vector<16xf32>,
      %add3A_1167 = arith.constant 96 : i32
      %add3A_1168 = arith.addi %squeeze3A_1112, %add3A_1167 : i32
      %get3A_1169 = arith.index_cast %add3A_1168 : i32 to index
      %get3A_1170 = tpu.vector_load %arg6[%get3A_1169] {strides = array<i32>} : memref<3328xf32, #tpu.memory_space<vmem>>, vector<16xf32>,
      %add3A_1171 = arith.constant 96 : i32
      %add3A_1172 = arith.addi %mul3A_1118, %add3A_1171 : i32
      %swap3A_1173 = arith.index_cast %add3A_1172 : i32 to index
      %swap3A_1174 = tpu.vector_load %arg7[%swap3A_1173] {strides = array<i32>} : memref<32768xf32, #tpu.memory_space<vmem>>, vector<16xf32>,
      tpu.vector_store %arg7[%swap3A_1173], %get3A_1170 {strides = array<i32>} : memref<32768xf32, #tpu.memory_space<vmem>>, vector<16xf32>,
      %add3A_1175 = arith.constant 112 : i32
      %add3A_1176 = arith.addi %squeeze3A_1112, %add3A_1175 : i32
      %get3A_1177 = arith.index_cast %add3A_1176 : i32 to index
      %get3A_1178 = tpu.vector_load %arg6[%get3A_1177] {strides = array<i32>} : memref<3328xf32, #tpu.memory_space<vmem>>, vector<16xf32>,
      %add3A_1179 = arith.constant 112 : i32
      %add3A_1180 = arith.addi %mul3A_1118, %add3A_1179 : i32
      %swap3A_1181 = arith.index_cast %add3A_1180 : i32 to index
      %swap3A_1182 = tpu.vector_load %arg7[%swap3A_1181] {strides = array<i32>} : memref<32768xf32, #tpu.memory_space<vmem>>, vector<16xf32>,
      tpu.vector_store %arg7[%swap3A_1181], %get3A_1178 {strides = array<i32>} : memref<32768xf32, #tpu.memory_space<vmem>>, vector<16xf32>,
      %scan3A_1183 = arith.constant 0 : i32
      scf.yield %scan3A_1183 : i32
    }
    %scan3A_19 = arith.constant 16 : i32
    %add3A_20 = arith.constant 256 : i32
    %add3A_21 = arith.addi %mul3A_2, %add3A_20 : i32
    %mul3A_22 = arith.constant 128 : i32
    %mul3A_23 = arith.muli %add3A_21, %mul3A_22 : i32
    "tpu.region"() ({
      %run_scoped3A = tpu.sem_alloc : memref<!tpu.dma_semaphore, #tpu.memory_space<semaphore_mem>>
      %dma_start3A = tpu.memref_slice %arg4[%mul3A_23] : memref<2097152xf32, #tpu.memory_space<hbm>> -> memref<32768xf32, #tpu.memory_space<hbm>>
      %dma_start3A_24 = tpu.memref_slice %arg4[%mul3A_23] : memref<2097152xf32, #tpu.memory_space<hbm>> -> memref<32768xf32, #tpu.memory_space<hbm>>
      tpu.enqueue_dma source(%arg7 : memref<32768xf32, #tpu.memory_space<vmem>>) target(%dma_start3A_24 : memref<32768xf32, #tpu.memory_space<hbm>>) target_semaphore(%run_scoped3A : memref<!tpu.dma_semaphore, #tpu.memory_space<semaphore_mem>>)
      %dma_wait3A = tpu.memref_slice %arg4[%mul3A_23] : memref<2097152xf32, #tpu.memory_space<hbm>> -> memref<32768xf32, #tpu.memory_space<hbm>>
      %dma_wait3A_25 = tpu.memref_slice %arg4[%mul3A_23] : memref<2097152xf32, #tpu.memory_space<hbm>> -> memref<32768xf32, #tpu.memory_space<hbm>>
      tpu.wait_dma2 semaphore(%run_scoped3A : memref<!tpu.dma_semaphore, #tpu.memory_space<semaphore_mem>>) src(%arg7 : memref<32768xf32, #tpu.memory_space<vmem>>) dst(%dma_wait3A_25 : memref<32768xf32, #tpu.memory_space<hbm>>)
      tpu.yield
    }) : () -> ()
    return
  }
}

module attributes {stable_mosaic.version = 14 : i64} {
  func.func @_deg_kernel(%arg0: memref<16384x2048xf32, #tpu.memory_space<hbm>>, %arg1: memref<128x128xi32, #tpu.memory_space<vmem>>, %arg2: memref<8x128x2048xf32, #tpu.memory_space<vmem>>, %arg3: memref<8x!tpu.dma_semaphore, #tpu.memory_space<semaphore_mem>>) attributes {dimension_semantics = [], scalar_prefetch = 0 : i64, scratch_operands = 2 : i64, tpu.core_type = #tpu.core_type<tc>} {
    %dma_start3A = arith.constant 0 : i32
    %dma_start3A_0 = arith.constant 0 : i32
    %dma_start3A_1 = tpu.memref_slice %arg3[%dma_start3A_0] : memref<8x!tpu.dma_semaphore, #tpu.memory_space<semaphore_mem>> -> memref<1x!tpu.dma_semaphore, #tpu.memory_space<semaphore_mem>>
    %dma_start3A_2 = tpu.memref_squeeze %dma_start3A_1 : memref<1x!tpu.dma_semaphore, #tpu.memory_space<semaphore_mem>> -> memref<!tpu.dma_semaphore, #tpu.memory_space<semaphore_mem>>
    %dma_start3A_3 = arith.constant 0 : i32
    %dma_start3A_4 = arith.constant 0 : i32
    %dma_start3A_5 = tpu.memref_slice %arg2[%dma_start3A, %dma_start3A_3, %dma_start3A_4] : memref<8x128x2048xf32, #tpu.memory_space<vmem>> -> memref<1x128x2048xf32, #tpu.memory_space<vmem>>
    %dma_start3A_6 = tpu.memref_squeeze %dma_start3A_5 : memref<1x128x2048xf32, #tpu.memory_space<vmem>> -> memref<128x2048xf32, #tpu.memory_space<vmem>>
    %dma_start3A_7 = arith.constant 0 : i32
    %dma_start3A_8 = arith.constant 0 : i32
    %dma_start3A_9 = tpu.memref_slice %arg0[%dma_start3A_7, %dma_start3A_8] : memref<16384x2048xf32, #tpu.memory_space<hbm>> -> memref<128x2048xf32, #tpu.memory_space<hbm>>
    tpu.enqueue_dma source(%dma_start3A_9 : memref<128x2048xf32, #tpu.memory_space<hbm>>) target(%dma_start3A_6 : memref<128x2048xf32, #tpu.memory_space<vmem>>) target_semaphore(%dma_start3A_2 : memref<!tpu.dma_semaphore, #tpu.memory_space<semaphore_mem>>)
    %dma_start3A_10 = arith.constant 1 : i32
    %dma_start3A_11 = arith.constant 1 : i32
    %dma_start3A_12 = tpu.memref_slice %arg3[%dma_start3A_11] : memref<8x!tpu.dma_semaphore, #tpu.memory_space<semaphore_mem>> -> memref<1x!tpu.dma_semaphore, #tpu.memory_space<semaphore_mem>>
    %dma_start3A_13 = tpu.memref_squeeze %dma_start3A_12 : memref<1x!tpu.dma_semaphore, #tpu.memory_space<semaphore_mem>> -> memref<!tpu.dma_semaphore, #tpu.memory_space<semaphore_mem>>
    %dma_start3A_14 = arith.constant 0 : i32
    %dma_start3A_15 = arith.constant 0 : i32
    %dma_start3A_16 = tpu.memref_slice %arg2[%dma_start3A_10, %dma_start3A_14, %dma_start3A_15] : memref<8x128x2048xf32, #tpu.memory_space<vmem>> -> memref<1x128x2048xf32, #tpu.memory_space<vmem>>
    %dma_start3A_17 = tpu.memref_squeeze %dma_start3A_16 : memref<1x128x2048xf32, #tpu.memory_space<vmem>> -> memref<128x2048xf32, #tpu.memory_space<vmem>>
    %dma_start3A_18 = arith.constant 128 : i32
    %dma_start3A_19 = arith.constant 0 : i32
    %dma_start3A_20 = tpu.memref_slice %arg0[%dma_start3A_18, %dma_start3A_19] : memref<16384x2048xf32, #tpu.memory_space<hbm>> -> memref<128x2048xf32, #tpu.memory_space<hbm>>
    tpu.enqueue_dma source(%dma_start3A_20 : memref<128x2048xf32, #tpu.memory_space<hbm>>) target(%dma_start3A_17 : memref<128x2048xf32, #tpu.memory_space<vmem>>) target_semaphore(%dma_start3A_13 : memref<!tpu.dma_semaphore, #tpu.memory_space<semaphore_mem>>)
    %dma_start3A_21 = arith.constant 2 : i32
    %dma_start3A_22 = arith.constant 2 : i32
    %dma_start3A_23 = tpu.memref_slice %arg3[%dma_start3A_22] : memref<8x!tpu.dma_semaphore, #tpu.memory_space<semaphore_mem>> -> memref<1x!tpu.dma_semaphore, #tpu.memory_space<semaphore_mem>>
    %dma_start3A_24 = tpu.memref_squeeze %dma_start3A_23 : memref<1x!tpu.dma_semaphore, #tpu.memory_space<semaphore_mem>> -> memref<!tpu.dma_semaphore, #tpu.memory_space<semaphore_mem>>
    %dma_start3A_25 = arith.constant 0 : i32
    %dma_start3A_26 = arith.constant 0 : i32
    %dma_start3A_27 = tpu.memref_slice %arg2[%dma_start3A_21, %dma_start3A_25, %dma_start3A_26] : memref<8x128x2048xf32, #tpu.memory_space<vmem>> -> memref<1x128x2048xf32, #tpu.memory_space<vmem>>
    %dma_start3A_28 = tpu.memref_squeeze %dma_start3A_27 : memref<1x128x2048xf32, #tpu.memory_space<vmem>> -> memref<128x2048xf32, #tpu.memory_space<vmem>>
    %dma_start3A_29 = arith.constant 256 : i32
    %dma_start3A_30 = arith.constant 0 : i32
    %dma_start3A_31 = tpu.memref_slice %arg0[%dma_start3A_29, %dma_start3A_30] : memref<16384x2048xf32, #tpu.memory_space<hbm>> -> memref<128x2048xf32, #tpu.memory_space<hbm>>
    tpu.enqueue_dma source(%dma_start3A_31 : memref<128x2048xf32, #tpu.memory_space<hbm>>) target(%dma_start3A_28 : memref<128x2048xf32, #tpu.memory_space<vmem>>) target_semaphore(%dma_start3A_24 : memref<!tpu.dma_semaphore, #tpu.memory_space<semaphore_mem>>)
    %dma_start3A_32 = arith.constant 3 : i32
    %dma_start3A_33 = arith.constant 3 : i32
    %dma_start3A_34 = tpu.memref_slice %arg3[%dma_start3A_33] : memref<8x!tpu.dma_semaphore, #tpu.memory_space<semaphore_mem>> -> memref<1x!tpu.dma_semaphore, #tpu.memory_space<semaphore_mem>>
    %dma_start3A_35 = tpu.memref_squeeze %dma_start3A_34 : memref<1x!tpu.dma_semaphore, #tpu.memory_space<semaphore_mem>> -> memref<!tpu.dma_semaphore, #tpu.memory_space<semaphore_mem>>
    %dma_start3A_36 = arith.constant 0 : i32
    %dma_start3A_37 = arith.constant 0 : i32
    %dma_start3A_38 = tpu.memref_slice %arg2[%dma_start3A_32, %dma_start3A_36, %dma_start3A_37] : memref<8x128x2048xf32, #tpu.memory_space<vmem>> -> memref<1x128x2048xf32, #tpu.memory_space<vmem>>
    %dma_start3A_39 = tpu.memref_squeeze %dma_start3A_38 : memref<1x128x2048xf32, #tpu.memory_space<vmem>> -> memref<128x2048xf32, #tpu.memory_space<vmem>>
    %dma_start3A_40 = arith.constant 384 : i32
    %dma_start3A_41 = arith.constant 0 : i32
    %dma_start3A_42 = tpu.memref_slice %arg0[%dma_start3A_40, %dma_start3A_41] : memref<16384x2048xf32, #tpu.memory_space<hbm>> -> memref<128x2048xf32, #tpu.memory_space<hbm>>
    tpu.enqueue_dma source(%dma_start3A_42 : memref<128x2048xf32, #tpu.memory_space<hbm>>) target(%dma_start3A_39 : memref<128x2048xf32, #tpu.memory_space<vmem>>) target_semaphore(%dma_start3A_35 : memref<!tpu.dma_semaphore, #tpu.memory_space<semaphore_mem>>)
    %dma_start3A_43 = arith.constant 4 : i32
    %dma_start3A_44 = arith.constant 4 : i32
    %dma_start3A_45 = tpu.memref_slice %arg3[%dma_start3A_44] : memref<8x!tpu.dma_semaphore, #tpu.memory_space<semaphore_mem>> -> memref<1x!tpu.dma_semaphore, #tpu.memory_space<semaphore_mem>>
    %dma_start3A_46 = tpu.memref_squeeze %dma_start3A_45 : memref<1x!tpu.dma_semaphore, #tpu.memory_space<semaphore_mem>> -> memref<!tpu.dma_semaphore, #tpu.memory_space<semaphore_mem>>
    %dma_start3A_47 = arith.constant 0 : i32
    %dma_start3A_48 = arith.constant 0 : i32
    %dma_start3A_49 = tpu.memref_slice %arg2[%dma_start3A_43, %dma_start3A_47, %dma_start3A_48] : memref<8x128x2048xf32, #tpu.memory_space<vmem>> -> memref<1x128x2048xf32, #tpu.memory_space<vmem>>
    %dma_start3A_50 = tpu.memref_squeeze %dma_start3A_49 : memref<1x128x2048xf32, #tpu.memory_space<vmem>> -> memref<128x2048xf32, #tpu.memory_space<vmem>>
    %dma_start3A_51 = arith.constant 512 : i32
    %dma_start3A_52 = arith.constant 0 : i32
    %dma_start3A_53 = tpu.memref_slice %arg0[%dma_start3A_51, %dma_start3A_52] : memref<16384x2048xf32, #tpu.memory_space<hbm>> -> memref<128x2048xf32, #tpu.memory_space<hbm>>
    tpu.enqueue_dma source(%dma_start3A_53 : memref<128x2048xf32, #tpu.memory_space<hbm>>) target(%dma_start3A_50 : memref<128x2048xf32, #tpu.memory_space<vmem>>) target_semaphore(%dma_start3A_46 : memref<!tpu.dma_semaphore, #tpu.memory_space<semaphore_mem>>)
    %dma_start3A_54 = arith.constant 5 : i32
    %dma_start3A_55 = arith.constant 5 : i32
    %dma_start3A_56 = tpu.memref_slice %arg3[%dma_start3A_55] : memref<8x!tpu.dma_semaphore, #tpu.memory_space<semaphore_mem>> -> memref<1x!tpu.dma_semaphore, #tpu.memory_space<semaphore_mem>>
    %dma_start3A_57 = tpu.memref_squeeze %dma_start3A_56 : memref<1x!tpu.dma_semaphore, #tpu.memory_space<semaphore_mem>> -> memref<!tpu.dma_semaphore, #tpu.memory_space<semaphore_mem>>
    %dma_start3A_58 = arith.constant 0 : i32
    %dma_start3A_59 = arith.constant 0 : i32
    %dma_start3A_60 = tpu.memref_slice %arg2[%dma_start3A_54, %dma_start3A_58, %dma_start3A_59] : memref<8x128x2048xf32, #tpu.memory_space<vmem>> -> memref<1x128x2048xf32, #tpu.memory_space<vmem>>
    %dma_start3A_61 = tpu.memref_squeeze %dma_start3A_60 : memref<1x128x2048xf32, #tpu.memory_space<vmem>> -> memref<128x2048xf32, #tpu.memory_space<vmem>>
    %dma_start3A_62 = arith.constant 640 : i32
    %dma_start3A_63 = arith.constant 0 : i32
    %dma_start3A_64 = tpu.memref_slice %arg0[%dma_start3A_62, %dma_start3A_63] : memref<16384x2048xf32, #tpu.memory_space<hbm>> -> memref<128x2048xf32, #tpu.memory_space<hbm>>
    tpu.enqueue_dma source(%dma_start3A_64 : memref<128x2048xf32, #tpu.memory_space<hbm>>) target(%dma_start3A_61 : memref<128x2048xf32, #tpu.memory_space<vmem>>) target_semaphore(%dma_start3A_57 : memref<!tpu.dma_semaphore, #tpu.memory_space<semaphore_mem>>)
    %dma_start3A_65 = arith.constant 6 : i32
    %dma_start3A_66 = arith.constant 6 : i32
    %dma_start3A_67 = tpu.memref_slice %arg3[%dma_start3A_66] : memref<8x!tpu.dma_semaphore, #tpu.memory_space<semaphore_mem>> -> memref<1x!tpu.dma_semaphore, #tpu.memory_space<semaphore_mem>>
    %dma_start3A_68 = tpu.memref_squeeze %dma_start3A_67 : memref<1x!tpu.dma_semaphore, #tpu.memory_space<semaphore_mem>> -> memref<!tpu.dma_semaphore, #tpu.memory_space<semaphore_mem>>
    %dma_start3A_69 = arith.constant 0 : i32
    %dma_start3A_70 = arith.constant 0 : i32
    %dma_start3A_71 = tpu.memref_slice %arg2[%dma_start3A_65, %dma_start3A_69, %dma_start3A_70] : memref<8x128x2048xf32, #tpu.memory_space<vmem>> -> memref<1x128x2048xf32, #tpu.memory_space<vmem>>
    %dma_start3A_72 = tpu.memref_squeeze %dma_start3A_71 : memref<1x128x2048xf32, #tpu.memory_space<vmem>> -> memref<128x2048xf32, #tpu.memory_space<vmem>>
    %dma_start3A_73 = arith.constant 768 : i32
    %dma_start3A_74 = arith.constant 0 : i32
    %dma_start3A_75 = tpu.memref_slice %arg0[%dma_start3A_73, %dma_start3A_74] : memref<16384x2048xf32, #tpu.memory_space<hbm>> -> memref<128x2048xf32, #tpu.memory_space<hbm>>
    tpu.enqueue_dma source(%dma_start3A_75 : memref<128x2048xf32, #tpu.memory_space<hbm>>) target(%dma_start3A_72 : memref<128x2048xf32, #tpu.memory_space<vmem>>) target_semaphore(%dma_start3A_68 : memref<!tpu.dma_semaphore, #tpu.memory_space<semaphore_mem>>)
    %dma_start3A_76 = arith.constant 7 : i32
    %dma_start3A_77 = arith.constant 7 : i32
    %dma_start3A_78 = tpu.memref_slice %arg3[%dma_start3A_77] : memref<8x!tpu.dma_semaphore, #tpu.memory_space<semaphore_mem>> -> memref<1x!tpu.dma_semaphore, #tpu.memory_space<semaphore_mem>>
    %dma_start3A_79 = tpu.memref_squeeze %dma_start3A_78 : memref<1x!tpu.dma_semaphore, #tpu.memory_space<semaphore_mem>> -> memref<!tpu.dma_semaphore, #tpu.memory_space<semaphore_mem>>
    %dma_start3A_80 = arith.constant 0 : i32
    %dma_start3A_81 = arith.constant 0 : i32
    %dma_start3A_82 = tpu.memref_slice %arg2[%dma_start3A_76, %dma_start3A_80, %dma_start3A_81] : memref<8x128x2048xf32, #tpu.memory_space<vmem>> -> memref<1x128x2048xf32, #tpu.memory_space<vmem>>
    %dma_start3A_83 = tpu.memref_squeeze %dma_start3A_82 : memref<1x128x2048xf32, #tpu.memory_space<vmem>> -> memref<128x2048xf32, #tpu.memory_space<vmem>>
    %dma_start3A_84 = arith.constant 896 : i32
    %dma_start3A_85 = arith.constant 0 : i32
    %dma_start3A_86 = tpu.memref_slice %arg0[%dma_start3A_84, %dma_start3A_85] : memref<16384x2048xf32, #tpu.memory_space<hbm>> -> memref<128x2048xf32, #tpu.memory_space<hbm>>
    tpu.enqueue_dma source(%dma_start3A_86 : memref<128x2048xf32, #tpu.memory_space<hbm>>) target(%dma_start3A_83 : memref<128x2048xf32, #tpu.memory_space<vmem>>) target_semaphore(%dma_start3A_79 : memref<!tpu.dma_semaphore, #tpu.memory_space<semaphore_mem>>)
    %scan3A = arith.constant 0 : i32
    %scan3A_87 = arith.constant 16 : i32
    %scan3A_88 = arith.addi %scan3A, %scan3A_87 : i32
    %scan3A_89 = arith.constant 1 : i32
    scf.for %scan3A_91 = %scan3A to %scan3A_88 step %scan3A_89  : i32 {
      %mul3A = arith.constant 8 : i32
      %mul3A_92 = arith.muli %scan3A_91, %mul3A : i32
      %add3A = arith.constant 0 : i32
      %add3A_93 = arith.addi %mul3A_92, %add3A : i32
      %mul3A_94 = arith.constant 128 : i32
      %mul3A_95 = arith.muli %add3A_93, %mul3A_94 : i32
      %dma_wait3A = arith.constant 0 : i32
      %dma_wait3A_96 = arith.constant 0 : i32
      %dma_wait3A_97 = tpu.memref_slice %arg3[%dma_wait3A_96] : memref<8x!tpu.dma_semaphore, #tpu.memory_space<semaphore_mem>> -> memref<1x!tpu.dma_semaphore, #tpu.memory_space<semaphore_mem>>
      %dma_wait3A_98 = tpu.memref_squeeze %dma_wait3A_97 : memref<1x!tpu.dma_semaphore, #tpu.memory_space<semaphore_mem>> -> memref<!tpu.dma_semaphore, #tpu.memory_space<semaphore_mem>>
      %dma_wait3A_99 = arith.constant 0 : i32
      %dma_wait3A_100 = arith.constant 0 : i32
      %dma_wait3A_101 = tpu.memref_slice %arg2[%dma_wait3A, %dma_wait3A_99, %dma_wait3A_100] : memref<8x128x2048xf32, #tpu.memory_space<vmem>> -> memref<1x128x2048xf32, #tpu.memory_space<vmem>>
      %dma_wait3A_102 = tpu.memref_squeeze %dma_wait3A_101 : memref<1x128x2048xf32, #tpu.memory_space<vmem>> -> memref<128x2048xf32, #tpu.memory_space<vmem>>
      %dma_wait3A_103 = arith.constant 0 : i32
      %dma_wait3A_104 = tpu.memref_slice %arg0[%mul3A_95, %dma_wait3A_103] : memref<16384x2048xf32, #tpu.memory_space<hbm>> -> memref<128x2048xf32, #tpu.memory_space<hbm>>
      tpu.wait_dma2 semaphore(%dma_wait3A_98 : memref<!tpu.dma_semaphore, #tpu.memory_space<semaphore_mem>>) src(%dma_wait3A_104 : memref<128x2048xf32, #tpu.memory_space<hbm>>) dst(%dma_wait3A_102 : memref<128x2048xf32, #tpu.memory_space<vmem>>)
      %get3A = arith.constant 0 : index
      %get3A_105 = arith.constant 0 : index
      %get3A_106 = arith.constant 0 : index
      %get3A_107 = vector.load %arg2[%get3A, %get3A_105, %get3A_106] : memref<8x128x2048xf32, #tpu.memory_space<vmem>>, vector<1x128x2048xf32>
      %get3A_108 = vector.shape_cast %get3A_107 : vector<1x128x2048xf32> to vector<128x2048xf32>
      %reduce_sum3A = arith.constant dense<0.000000e+00> : vector<128xf32>
      %reduce_sum3A_109 = vector.multi_reduction <add>, %get3A_108, %reduce_sum3A [1] : vector<128x2048xf32> to vector<128xf32>
      %round3A = math.roundeven %reduce_sum3A_109 : vector<128xf32>
      %min3A = arith.constant 2.500000e+01 : f32
      %min3A_110 = vector.broadcast %min3A : f32 to vector<128xf32>
      %min3A_111 = arith.minimumf %round3A, %min3A_110 : vector<128xf32>
      %max3A = arith.constant 0.000000e+00 : f32
      %max3A_112 = vector.broadcast %max3A : f32 to vector<128xf32>
      %max3A_113 = arith.maximumf %min3A_111, %max3A_112 : vector<128xf32>
      %convert_element_type3A = arith.fptosi %max3A_113 : vector<128xf32> to vector<128xi32>
      %reshape3A = vector.shape_cast %convert_element_type3A : vector<128xi32> to vector<1x128xi32>
      %swap3A = arith.index_cast %add3A_93 : i32 to index
      %swap3A_114 = arith.constant 0 : index
      %swap3A_115 = vector.load %arg1[%swap3A, %swap3A_114] : memref<128x128xi32, #tpu.memory_space<vmem>>, vector<1x128xi32>
      tpu.vector_store %arg1[%swap3A, %swap3A_114], %reshape3A {strides = array<i32>} : memref<128x128xi32, #tpu.memory_space<vmem>>, vector<1x128xi32>,
      %add3A_116 = arith.constant 8 : i32
      %add3A_117 = arith.addi %add3A_93, %add3A_116 : i32
      %lt3A = arith.constant 128 : i32
      %lt3A_118 = arith.cmpi slt, %add3A_117, %lt3A : i32
      %convert_element_type3A_119 = arith.extui %lt3A_118 : i1 to i32
      %cond3A = arith.constant 0 : i32
      %cond3A_120 = arith.cmpi ne, %convert_element_type3A_119, %cond3A : i32
      scf.if %cond3A_120 {
        %add3A_401 = arith.constant 8 : i32
        %add3A_402 = arith.addi %add3A_93, %add3A_401 : i32
        %mul3A_403 = arith.constant 128 : i32
        %mul3A_404 = arith.muli %add3A_402, %mul3A_403 : i32
        %dma_start3A_405 = arith.constant 0 : i32
        %dma_start3A_406 = arith.constant 0 : i32
        %dma_start3A_407 = tpu.memref_slice %arg3[%dma_start3A_406] : memref<8x!tpu.dma_semaphore, #tpu.memory_space<semaphore_mem>> -> memref<1x!tpu.dma_semaphore, #tpu.memory_space<semaphore_mem>>
        %dma_start3A_408 = tpu.memref_squeeze %dma_start3A_407 : memref<1x!tpu.dma_semaphore, #tpu.memory_space<semaphore_mem>> -> memref<!tpu.dma_semaphore, #tpu.memory_space<semaphore_mem>>
        %dma_start3A_409 = arith.constant 0 : i32
        %dma_start3A_410 = arith.constant 0 : i32
        %dma_start3A_411 = tpu.memref_slice %arg2[%dma_start3A_405, %dma_start3A_409, %dma_start3A_410] : memref<8x128x2048xf32, #tpu.memory_space<vmem>> -> memref<1x128x2048xf32, #tpu.memory_space<vmem>>
        %dma_start3A_412 = tpu.memref_squeeze %dma_start3A_411 : memref<1x128x2048xf32, #tpu.memory_space<vmem>> -> memref<128x2048xf32, #tpu.memory_space<vmem>>
        %dma_start3A_413 = arith.constant 0 : i32
        %dma_start3A_414 = tpu.memref_slice %arg0[%mul3A_404, %dma_start3A_413] : memref<16384x2048xf32, #tpu.memory_space<hbm>> -> memref<128x2048xf32, #tpu.memory_space<hbm>>
        tpu.enqueue_dma source(%dma_start3A_414 : memref<128x2048xf32, #tpu.memory_space<hbm>>) target(%dma_start3A_412 : memref<128x2048xf32, #tpu.memory_space<vmem>>) target_semaphore(%dma_start3A_408 : memref<!tpu.dma_semaphore, #tpu.memory_space<semaphore_mem>>)
      } else {
      }
      %add3A_121 = arith.constant 1 : i32
      %add3A_122 = arith.addi %mul3A_92, %add3A_121 : i32
      %mul3A_123 = arith.constant 128 : i32
      %mul3A_124 = arith.muli %add3A_122, %mul3A_123 : i32
      %dma_wait3A_125 = arith.constant 1 : i32
      %dma_wait3A_126 = arith.constant 1 : i32
      %dma_wait3A_127 = tpu.memref_slice %arg3[%dma_wait3A_126] : memref<8x!tpu.dma_semaphore, #tpu.memory_space<semaphore_mem>> -> memref<1x!tpu.dma_semaphore, #tpu.memory_space<semaphore_mem>>
      %dma_wait3A_128 = tpu.memref_squeeze %dma_wait3A_127 : memref<1x!tpu.dma_semaphore, #tpu.memory_space<semaphore_mem>> -> memref<!tpu.dma_semaphore, #tpu.memory_space<semaphore_mem>>
      %dma_wait3A_129 = arith.constant 0 : i32
      %dma_wait3A_130 = arith.constant 0 : i32
      %dma_wait3A_131 = tpu.memref_slice %arg2[%dma_wait3A_125, %dma_wait3A_129, %dma_wait3A_130] : memref<8x128x2048xf32, #tpu.memory_space<vmem>> -> memref<1x128x2048xf32, #tpu.memory_space<vmem>>
      %dma_wait3A_132 = tpu.memref_squeeze %dma_wait3A_131 : memref<1x128x2048xf32, #tpu.memory_space<vmem>> -> memref<128x2048xf32, #tpu.memory_space<vmem>>
      %dma_wait3A_133 = arith.constant 0 : i32
      %dma_wait3A_134 = tpu.memref_slice %arg0[%mul3A_124, %dma_wait3A_133] : memref<16384x2048xf32, #tpu.memory_space<hbm>> -> memref<128x2048xf32, #tpu.memory_space<hbm>>
      tpu.wait_dma2 semaphore(%dma_wait3A_128 : memref<!tpu.dma_semaphore, #tpu.memory_space<semaphore_mem>>) src(%dma_wait3A_134 : memref<128x2048xf32, #tpu.memory_space<hbm>>) dst(%dma_wait3A_132 : memref<128x2048xf32, #tpu.memory_space<vmem>>)
      %get3A_135 = arith.constant 1 : index
      %get3A_136 = arith.constant 0 : index
      %get3A_137 = arith.constant 0 : index
      %get3A_138 = vector.load %arg2[%get3A_135, %get3A_136, %get3A_137] : memref<8x128x2048xf32, #tpu.memory_space<vmem>>, vector<1x128x2048xf32>
      %get3A_139 = vector.shape_cast %get3A_138 : vector<1x128x2048xf32> to vector<128x2048xf32>
      %reduce_sum3A_140 = arith.constant dense<0.000000e+00> : vector<128xf32>
      %reduce_sum3A_141 = vector.multi_reduction <add>, %get3A_139, %reduce_sum3A_140 [1] : vector<128x2048xf32> to vector<128xf32>
      %round3A_142 = math.roundeven %reduce_sum3A_141 : vector<128xf32>
      %min3A_143 = arith.constant 2.500000e+01 : f32
      %min3A_144 = vector.broadcast %min3A_143 : f32 to vector<128xf32>
      %min3A_145 = arith.minimumf %round3A_142, %min3A_144 : vector<128xf32>
      %max3A_146 = arith.constant 0.000000e+00 : f32
      %max3A_147 = vector.broadcast %max3A_146 : f32 to vector<128xf32>
      %max3A_148 = arith.maximumf %min3A_145, %max3A_147 : vector<128xf32>
      %convert_element_type3A_149 = arith.fptosi %max3A_148 : vector<128xf32> to vector<128xi32>
      %reshape3A_150 = vector.shape_cast %convert_element_type3A_149 : vector<128xi32> to vector<1x128xi32>
      %swap3A_151 = arith.index_cast %add3A_122 : i32 to index
      %swap3A_152 = arith.constant 0 : index
      %swap3A_153 = vector.load %arg1[%swap3A_151, %swap3A_152] : memref<128x128xi32, #tpu.memory_space<vmem>>, vector<1x128xi32>
      tpu.vector_store %arg1[%swap3A_151, %swap3A_152], %reshape3A_150 {strides = array<i32>} : memref<128x128xi32, #tpu.memory_space<vmem>>, vector<1x128xi32>,
      %add3A_154 = arith.constant 8 : i32
      %add3A_155 = arith.addi %add3A_122, %add3A_154 : i32
      %lt3A_156 = arith.constant 128 : i32
      %lt3A_157 = arith.cmpi slt, %add3A_155, %lt3A_156 : i32
      %convert_element_type3A_158 = arith.extui %lt3A_157 : i1 to i32
      %cond3A_159 = arith.constant 0 : i32
      %cond3A_160 = arith.cmpi ne, %convert_element_type3A_158, %cond3A_159 : i32
      scf.if %cond3A_160 {
        %add3A_401 = arith.constant 8 : i32
        %add3A_402 = arith.addi %add3A_122, %add3A_401 : i32
        %mul3A_403 = arith.constant 128 : i32
        %mul3A_404 = arith.muli %add3A_402, %mul3A_403 : i32
        %dma_start3A_405 = arith.constant 1 : i32
        %dma_start3A_406 = arith.constant 1 : i32
        %dma_start3A_407 = tpu.memref_slice %arg3[%dma_start3A_406] : memref<8x!tpu.dma_semaphore, #tpu.memory_space<semaphore_mem>> -> memref<1x!tpu.dma_semaphore, #tpu.memory_space<semaphore_mem>>
        %dma_start3A_408 = tpu.memref_squeeze %dma_start3A_407 : memref<1x!tpu.dma_semaphore, #tpu.memory_space<semaphore_mem>> -> memref<!tpu.dma_semaphore, #tpu.memory_space<semaphore_mem>>
        %dma_start3A_409 = arith.constant 0 : i32
        %dma_start3A_410 = arith.constant 0 : i32
        %dma_start3A_411 = tpu.memref_slice %arg2[%dma_start3A_405, %dma_start3A_409, %dma_start3A_410] : memref<8x128x2048xf32, #tpu.memory_space<vmem>> -> memref<1x128x2048xf32, #tpu.memory_space<vmem>>
        %dma_start3A_412 = tpu.memref_squeeze %dma_start3A_411 : memref<1x128x2048xf32, #tpu.memory_space<vmem>> -> memref<128x2048xf32, #tpu.memory_space<vmem>>
        %dma_start3A_413 = arith.constant 0 : i32
        %dma_start3A_414 = tpu.memref_slice %arg0[%mul3A_404, %dma_start3A_413] : memref<16384x2048xf32, #tpu.memory_space<hbm>> -> memref<128x2048xf32, #tpu.memory_space<hbm>>
        tpu.enqueue_dma source(%dma_start3A_414 : memref<128x2048xf32, #tpu.memory_space<hbm>>) target(%dma_start3A_412 : memref<128x2048xf32, #tpu.memory_space<vmem>>) target_semaphore(%dma_start3A_408 : memref<!tpu.dma_semaphore, #tpu.memory_space<semaphore_mem>>)
      } else {
      }
      %add3A_161 = arith.constant 2 : i32
      %add3A_162 = arith.addi %mul3A_92, %add3A_161 : i32
      %mul3A_163 = arith.constant 128 : i32
      %mul3A_164 = arith.muli %add3A_162, %mul3A_163 : i32
      %dma_wait3A_165 = arith.constant 2 : i32
      %dma_wait3A_166 = arith.constant 2 : i32
      %dma_wait3A_167 = tpu.memref_slice %arg3[%dma_wait3A_166] : memref<8x!tpu.dma_semaphore, #tpu.memory_space<semaphore_mem>> -> memref<1x!tpu.dma_semaphore, #tpu.memory_space<semaphore_mem>>
      %dma_wait3A_168 = tpu.memref_squeeze %dma_wait3A_167 : memref<1x!tpu.dma_semaphore, #tpu.memory_space<semaphore_mem>> -> memref<!tpu.dma_semaphore, #tpu.memory_space<semaphore_mem>>
      %dma_wait3A_169 = arith.constant 0 : i32
      %dma_wait3A_170 = arith.constant 0 : i32
      %dma_wait3A_171 = tpu.memref_slice %arg2[%dma_wait3A_165, %dma_wait3A_169, %dma_wait3A_170] : memref<8x128x2048xf32, #tpu.memory_space<vmem>> -> memref<1x128x2048xf32, #tpu.memory_space<vmem>>
      %dma_wait3A_172 = tpu.memref_squeeze %dma_wait3A_171 : memref<1x128x2048xf32, #tpu.memory_space<vmem>> -> memref<128x2048xf32, #tpu.memory_space<vmem>>
      %dma_wait3A_173 = arith.constant 0 : i32
      %dma_wait3A_174 = tpu.memref_slice %arg0[%mul3A_164, %dma_wait3A_173] : memref<16384x2048xf32, #tpu.memory_space<hbm>> -> memref<128x2048xf32, #tpu.memory_space<hbm>>
      tpu.wait_dma2 semaphore(%dma_wait3A_168 : memref<!tpu.dma_semaphore, #tpu.memory_space<semaphore_mem>>) src(%dma_wait3A_174 : memref<128x2048xf32, #tpu.memory_space<hbm>>) dst(%dma_wait3A_172 : memref<128x2048xf32, #tpu.memory_space<vmem>>)
      %get3A_175 = arith.constant 2 : index
      %get3A_176 = arith.constant 0 : index
      %get3A_177 = arith.constant 0 : index
      %get3A_178 = vector.load %arg2[%get3A_175, %get3A_176, %get3A_177] : memref<8x128x2048xf32, #tpu.memory_space<vmem>>, vector<1x128x2048xf32>
      %get3A_179 = vector.shape_cast %get3A_178 : vector<1x128x2048xf32> to vector<128x2048xf32>
      %reduce_sum3A_180 = arith.constant dense<0.000000e+00> : vector<128xf32>
      %reduce_sum3A_181 = vector.multi_reduction <add>, %get3A_179, %reduce_sum3A_180 [1] : vector<128x2048xf32> to vector<128xf32>
      %round3A_182 = math.roundeven %reduce_sum3A_181 : vector<128xf32>
      %min3A_183 = arith.constant 2.500000e+01 : f32
      %min3A_184 = vector.broadcast %min3A_183 : f32 to vector<128xf32>
      %min3A_185 = arith.minimumf %round3A_182, %min3A_184 : vector<128xf32>
      %max3A_186 = arith.constant 0.000000e+00 : f32
      %max3A_187 = vector.broadcast %max3A_186 : f32 to vector<128xf32>
      %max3A_188 = arith.maximumf %min3A_185, %max3A_187 : vector<128xf32>
      %convert_element_type3A_189 = arith.fptosi %max3A_188 : vector<128xf32> to vector<128xi32>
      %reshape3A_190 = vector.shape_cast %convert_element_type3A_189 : vector<128xi32> to vector<1x128xi32>
      %swap3A_191 = arith.index_cast %add3A_162 : i32 to index
      %swap3A_192 = arith.constant 0 : index
      %swap3A_193 = vector.load %arg1[%swap3A_191, %swap3A_192] : memref<128x128xi32, #tpu.memory_space<vmem>>, vector<1x128xi32>
      tpu.vector_store %arg1[%swap3A_191, %swap3A_192], %reshape3A_190 {strides = array<i32>} : memref<128x128xi32, #tpu.memory_space<vmem>>, vector<1x128xi32>,
      %add3A_194 = arith.constant 8 : i32
      %add3A_195 = arith.addi %add3A_162, %add3A_194 : i32
      %lt3A_196 = arith.constant 128 : i32
      %lt3A_197 = arith.cmpi slt, %add3A_195, %lt3A_196 : i32
      %convert_element_type3A_198 = arith.extui %lt3A_197 : i1 to i32
      %cond3A_199 = arith.constant 0 : i32
      %cond3A_200 = arith.cmpi ne, %convert_element_type3A_198, %cond3A_199 : i32
      scf.if %cond3A_200 {
        %add3A_401 = arith.constant 8 : i32
        %add3A_402 = arith.addi %add3A_162, %add3A_401 : i32
        %mul3A_403 = arith.constant 128 : i32
        %mul3A_404 = arith.muli %add3A_402, %mul3A_403 : i32
        %dma_start3A_405 = arith.constant 2 : i32
        %dma_start3A_406 = arith.constant 2 : i32
        %dma_start3A_407 = tpu.memref_slice %arg3[%dma_start3A_406] : memref<8x!tpu.dma_semaphore, #tpu.memory_space<semaphore_mem>> -> memref<1x!tpu.dma_semaphore, #tpu.memory_space<semaphore_mem>>
        %dma_start3A_408 = tpu.memref_squeeze %dma_start3A_407 : memref<1x!tpu.dma_semaphore, #tpu.memory_space<semaphore_mem>> -> memref<!tpu.dma_semaphore, #tpu.memory_space<semaphore_mem>>
        %dma_start3A_409 = arith.constant 0 : i32
        %dma_start3A_410 = arith.constant 0 : i32
        %dma_start3A_411 = tpu.memref_slice %arg2[%dma_start3A_405, %dma_start3A_409, %dma_start3A_410] : memref<8x128x2048xf32, #tpu.memory_space<vmem>> -> memref<1x128x2048xf32, #tpu.memory_space<vmem>>
        %dma_start3A_412 = tpu.memref_squeeze %dma_start3A_411 : memref<1x128x2048xf32, #tpu.memory_space<vmem>> -> memref<128x2048xf32, #tpu.memory_space<vmem>>
        %dma_start3A_413 = arith.constant 0 : i32
        %dma_start3A_414 = tpu.memref_slice %arg0[%mul3A_404, %dma_start3A_413] : memref<16384x2048xf32, #tpu.memory_space<hbm>> -> memref<128x2048xf32, #tpu.memory_space<hbm>>
        tpu.enqueue_dma source(%dma_start3A_414 : memref<128x2048xf32, #tpu.memory_space<hbm>>) target(%dma_start3A_412 : memref<128x2048xf32, #tpu.memory_space<vmem>>) target_semaphore(%dma_start3A_408 : memref<!tpu.dma_semaphore, #tpu.memory_space<semaphore_mem>>)
      } else {
      }
      %add3A_201 = arith.constant 3 : i32
      %add3A_202 = arith.addi %mul3A_92, %add3A_201 : i32
      %mul3A_203 = arith.constant 128 : i32
      %mul3A_204 = arith.muli %add3A_202, %mul3A_203 : i32
      %dma_wait3A_205 = arith.constant 3 : i32
      %dma_wait3A_206 = arith.constant 3 : i32
      %dma_wait3A_207 = tpu.memref_slice %arg3[%dma_wait3A_206] : memref<8x!tpu.dma_semaphore, #tpu.memory_space<semaphore_mem>> -> memref<1x!tpu.dma_semaphore, #tpu.memory_space<semaphore_mem>>
      %dma_wait3A_208 = tpu.memref_squeeze %dma_wait3A_207 : memref<1x!tpu.dma_semaphore, #tpu.memory_space<semaphore_mem>> -> memref<!tpu.dma_semaphore, #tpu.memory_space<semaphore_mem>>
      %dma_wait3A_209 = arith.constant 0 : i32
      %dma_wait3A_210 = arith.constant 0 : i32
      %dma_wait3A_211 = tpu.memref_slice %arg2[%dma_wait3A_205, %dma_wait3A_209, %dma_wait3A_210] : memref<8x128x2048xf32, #tpu.memory_space<vmem>> -> memref<1x128x2048xf32, #tpu.memory_space<vmem>>
      %dma_wait3A_212 = tpu.memref_squeeze %dma_wait3A_211 : memref<1x128x2048xf32, #tpu.memory_space<vmem>> -> memref<128x2048xf32, #tpu.memory_space<vmem>>
      %dma_wait3A_213 = arith.constant 0 : i32
      %dma_wait3A_214 = tpu.memref_slice %arg0[%mul3A_204, %dma_wait3A_213] : memref<16384x2048xf32, #tpu.memory_space<hbm>> -> memref<128x2048xf32, #tpu.memory_space<hbm>>
      tpu.wait_dma2 semaphore(%dma_wait3A_208 : memref<!tpu.dma_semaphore, #tpu.memory_space<semaphore_mem>>) src(%dma_wait3A_214 : memref<128x2048xf32, #tpu.memory_space<hbm>>) dst(%dma_wait3A_212 : memref<128x2048xf32, #tpu.memory_space<vmem>>)
      %get3A_215 = arith.constant 3 : index
      %get3A_216 = arith.constant 0 : index
      %get3A_217 = arith.constant 0 : index
      %get3A_218 = vector.load %arg2[%get3A_215, %get3A_216, %get3A_217] : memref<8x128x2048xf32, #tpu.memory_space<vmem>>, vector<1x128x2048xf32>
      %get3A_219 = vector.shape_cast %get3A_218 : vector<1x128x2048xf32> to vector<128x2048xf32>
      %reduce_sum3A_220 = arith.constant dense<0.000000e+00> : vector<128xf32>
      %reduce_sum3A_221 = vector.multi_reduction <add>, %get3A_219, %reduce_sum3A_220 [1] : vector<128x2048xf32> to vector<128xf32>
      %round3A_222 = math.roundeven %reduce_sum3A_221 : vector<128xf32>
      %min3A_223 = arith.constant 2.500000e+01 : f32
      %min3A_224 = vector.broadcast %min3A_223 : f32 to vector<128xf32>
      %min3A_225 = arith.minimumf %round3A_222, %min3A_224 : vector<128xf32>
      %max3A_226 = arith.constant 0.000000e+00 : f32
      %max3A_227 = vector.broadcast %max3A_226 : f32 to vector<128xf32>
      %max3A_228 = arith.maximumf %min3A_225, %max3A_227 : vector<128xf32>
      %convert_element_type3A_229 = arith.fptosi %max3A_228 : vector<128xf32> to vector<128xi32>
      %reshape3A_230 = vector.shape_cast %convert_element_type3A_229 : vector<128xi32> to vector<1x128xi32>
      %swap3A_231 = arith.index_cast %add3A_202 : i32 to index
      %swap3A_232 = arith.constant 0 : index
      %swap3A_233 = vector.load %arg1[%swap3A_231, %swap3A_232] : memref<128x128xi32, #tpu.memory_space<vmem>>, vector<1x128xi32>
      tpu.vector_store %arg1[%swap3A_231, %swap3A_232], %reshape3A_230 {strides = array<i32>} : memref<128x128xi32, #tpu.memory_space<vmem>>, vector<1x128xi32>,
      %add3A_234 = arith.constant 8 : i32
      %add3A_235 = arith.addi %add3A_202, %add3A_234 : i32
      %lt3A_236 = arith.constant 128 : i32
      %lt3A_237 = arith.cmpi slt, %add3A_235, %lt3A_236 : i32
      %convert_element_type3A_238 = arith.extui %lt3A_237 : i1 to i32
      %cond3A_239 = arith.constant 0 : i32
      %cond3A_240 = arith.cmpi ne, %convert_element_type3A_238, %cond3A_239 : i32
      scf.if %cond3A_240 {
        %add3A_401 = arith.constant 8 : i32
        %add3A_402 = arith.addi %add3A_202, %add3A_401 : i32
        %mul3A_403 = arith.constant 128 : i32
        %mul3A_404 = arith.muli %add3A_402, %mul3A_403 : i32
        %dma_start3A_405 = arith.constant 3 : i32
        %dma_start3A_406 = arith.constant 3 : i32
        %dma_start3A_407 = tpu.memref_slice %arg3[%dma_start3A_406] : memref<8x!tpu.dma_semaphore, #tpu.memory_space<semaphore_mem>> -> memref<1x!tpu.dma_semaphore, #tpu.memory_space<semaphore_mem>>
        %dma_start3A_408 = tpu.memref_squeeze %dma_start3A_407 : memref<1x!tpu.dma_semaphore, #tpu.memory_space<semaphore_mem>> -> memref<!tpu.dma_semaphore, #tpu.memory_space<semaphore_mem>>
        %dma_start3A_409 = arith.constant 0 : i32
        %dma_start3A_410 = arith.constant 0 : i32
        %dma_start3A_411 = tpu.memref_slice %arg2[%dma_start3A_405, %dma_start3A_409, %dma_start3A_410] : memref<8x128x2048xf32, #tpu.memory_space<vmem>> -> memref<1x128x2048xf32, #tpu.memory_space<vmem>>
        %dma_start3A_412 = tpu.memref_squeeze %dma_start3A_411 : memref<1x128x2048xf32, #tpu.memory_space<vmem>> -> memref<128x2048xf32, #tpu.memory_space<vmem>>
        %dma_start3A_413 = arith.constant 0 : i32
        %dma_start3A_414 = tpu.memref_slice %arg0[%mul3A_404, %dma_start3A_413] : memref<16384x2048xf32, #tpu.memory_space<hbm>> -> memref<128x2048xf32, #tpu.memory_space<hbm>>
        tpu.enqueue_dma source(%dma_start3A_414 : memref<128x2048xf32, #tpu.memory_space<hbm>>) target(%dma_start3A_412 : memref<128x2048xf32, #tpu.memory_space<vmem>>) target_semaphore(%dma_start3A_408 : memref<!tpu.dma_semaphore, #tpu.memory_space<semaphore_mem>>)
      } else {
      }
      %add3A_241 = arith.constant 4 : i32
      %add3A_242 = arith.addi %mul3A_92, %add3A_241 : i32
      %mul3A_243 = arith.constant 128 : i32
      %mul3A_244 = arith.muli %add3A_242, %mul3A_243 : i32
      %dma_wait3A_245 = arith.constant 4 : i32
      %dma_wait3A_246 = arith.constant 4 : i32
      %dma_wait3A_247 = tpu.memref_slice %arg3[%dma_wait3A_246] : memref<8x!tpu.dma_semaphore, #tpu.memory_space<semaphore_mem>> -> memref<1x!tpu.dma_semaphore, #tpu.memory_space<semaphore_mem>>
      %dma_wait3A_248 = tpu.memref_squeeze %dma_wait3A_247 : memref<1x!tpu.dma_semaphore, #tpu.memory_space<semaphore_mem>> -> memref<!tpu.dma_semaphore, #tpu.memory_space<semaphore_mem>>
      %dma_wait3A_249 = arith.constant 0 : i32
      %dma_wait3A_250 = arith.constant 0 : i32
      %dma_wait3A_251 = tpu.memref_slice %arg2[%dma_wait3A_245, %dma_wait3A_249, %dma_wait3A_250] : memref<8x128x2048xf32, #tpu.memory_space<vmem>> -> memref<1x128x2048xf32, #tpu.memory_space<vmem>>
      %dma_wait3A_252 = tpu.memref_squeeze %dma_wait3A_251 : memref<1x128x2048xf32, #tpu.memory_space<vmem>> -> memref<128x2048xf32, #tpu.memory_space<vmem>>
      %dma_wait3A_253 = arith.constant 0 : i32
      %dma_wait3A_254 = tpu.memref_slice %arg0[%mul3A_244, %dma_wait3A_253] : memref<16384x2048xf32, #tpu.memory_space<hbm>> -> memref<128x2048xf32, #tpu.memory_space<hbm>>
      tpu.wait_dma2 semaphore(%dma_wait3A_248 : memref<!tpu.dma_semaphore, #tpu.memory_space<semaphore_mem>>) src(%dma_wait3A_254 : memref<128x2048xf32, #tpu.memory_space<hbm>>) dst(%dma_wait3A_252 : memref<128x2048xf32, #tpu.memory_space<vmem>>)
      %get3A_255 = arith.constant 4 : index
      %get3A_256 = arith.constant 0 : index
      %get3A_257 = arith.constant 0 : index
      %get3A_258 = vector.load %arg2[%get3A_255, %get3A_256, %get3A_257] : memref<8x128x2048xf32, #tpu.memory_space<vmem>>, vector<1x128x2048xf32>
      %get3A_259 = vector.shape_cast %get3A_258 : vector<1x128x2048xf32> to vector<128x2048xf32>
      %reduce_sum3A_260 = arith.constant dense<0.000000e+00> : vector<128xf32>
      %reduce_sum3A_261 = vector.multi_reduction <add>, %get3A_259, %reduce_sum3A_260 [1] : vector<128x2048xf32> to vector<128xf32>
      %round3A_262 = math.roundeven %reduce_sum3A_261 : vector<128xf32>
      %min3A_263 = arith.constant 2.500000e+01 : f32
      %min3A_264 = vector.broadcast %min3A_263 : f32 to vector<128xf32>
      %min3A_265 = arith.minimumf %round3A_262, %min3A_264 : vector<128xf32>
      %max3A_266 = arith.constant 0.000000e+00 : f32
      %max3A_267 = vector.broadcast %max3A_266 : f32 to vector<128xf32>
      %max3A_268 = arith.maximumf %min3A_265, %max3A_267 : vector<128xf32>
      %convert_element_type3A_269 = arith.fptosi %max3A_268 : vector<128xf32> to vector<128xi32>
      %reshape3A_270 = vector.shape_cast %convert_element_type3A_269 : vector<128xi32> to vector<1x128xi32>
      %swap3A_271 = arith.index_cast %add3A_242 : i32 to index
      %swap3A_272 = arith.constant 0 : index
      %swap3A_273 = vector.load %arg1[%swap3A_271, %swap3A_272] : memref<128x128xi32, #tpu.memory_space<vmem>>, vector<1x128xi32>
      tpu.vector_store %arg1[%swap3A_271, %swap3A_272], %reshape3A_270 {strides = array<i32>} : memref<128x128xi32, #tpu.memory_space<vmem>>, vector<1x128xi32>,
      %add3A_274 = arith.constant 8 : i32
      %add3A_275 = arith.addi %add3A_242, %add3A_274 : i32
      %lt3A_276 = arith.constant 128 : i32
      %lt3A_277 = arith.cmpi slt, %add3A_275, %lt3A_276 : i32
      %convert_element_type3A_278 = arith.extui %lt3A_277 : i1 to i32
      %cond3A_279 = arith.constant 0 : i32
      %cond3A_280 = arith.cmpi ne, %convert_element_type3A_278, %cond3A_279 : i32
      scf.if %cond3A_280 {
        %add3A_401 = arith.constant 8 : i32
        %add3A_402 = arith.addi %add3A_242, %add3A_401 : i32
        %mul3A_403 = arith.constant 128 : i32
        %mul3A_404 = arith.muli %add3A_402, %mul3A_403 : i32
        %dma_start3A_405 = arith.constant 4 : i32
        %dma_start3A_406 = arith.constant 4 : i32
        %dma_start3A_407 = tpu.memref_slice %arg3[%dma_start3A_406] : memref<8x!tpu.dma_semaphore, #tpu.memory_space<semaphore_mem>> -> memref<1x!tpu.dma_semaphore, #tpu.memory_space<semaphore_mem>>
        %dma_start3A_408 = tpu.memref_squeeze %dma_start3A_407 : memref<1x!tpu.dma_semaphore, #tpu.memory_space<semaphore_mem>> -> memref<!tpu.dma_semaphore, #tpu.memory_space<semaphore_mem>>
        %dma_start3A_409 = arith.constant 0 : i32
        %dma_start3A_410 = arith.constant 0 : i32
        %dma_start3A_411 = tpu.memref_slice %arg2[%dma_start3A_405, %dma_start3A_409, %dma_start3A_410] : memref<8x128x2048xf32, #tpu.memory_space<vmem>> -> memref<1x128x2048xf32, #tpu.memory_space<vmem>>
        %dma_start3A_412 = tpu.memref_squeeze %dma_start3A_411 : memref<1x128x2048xf32, #tpu.memory_space<vmem>> -> memref<128x2048xf32, #tpu.memory_space<vmem>>
        %dma_start3A_413 = arith.constant 0 : i32
        %dma_start3A_414 = tpu.memref_slice %arg0[%mul3A_404, %dma_start3A_413] : memref<16384x2048xf32, #tpu.memory_space<hbm>> -> memref<128x2048xf32, #tpu.memory_space<hbm>>
        tpu.enqueue_dma source(%dma_start3A_414 : memref<128x2048xf32, #tpu.memory_space<hbm>>) target(%dma_start3A_412 : memref<128x2048xf32, #tpu.memory_space<vmem>>) target_semaphore(%dma_start3A_408 : memref<!tpu.dma_semaphore, #tpu.memory_space<semaphore_mem>>)
      } else {
      }
      %add3A_281 = arith.constant 5 : i32
      %add3A_282 = arith.addi %mul3A_92, %add3A_281 : i32
      %mul3A_283 = arith.constant 128 : i32
      %mul3A_284 = arith.muli %add3A_282, %mul3A_283 : i32
      %dma_wait3A_285 = arith.constant 5 : i32
      %dma_wait3A_286 = arith.constant 5 : i32
      %dma_wait3A_287 = tpu.memref_slice %arg3[%dma_wait3A_286] : memref<8x!tpu.dma_semaphore, #tpu.memory_space<semaphore_mem>> -> memref<1x!tpu.dma_semaphore, #tpu.memory_space<semaphore_mem>>
      %dma_wait3A_288 = tpu.memref_squeeze %dma_wait3A_287 : memref<1x!tpu.dma_semaphore, #tpu.memory_space<semaphore_mem>> -> memref<!tpu.dma_semaphore, #tpu.memory_space<semaphore_mem>>
      %dma_wait3A_289 = arith.constant 0 : i32
      %dma_wait3A_290 = arith.constant 0 : i32
      %dma_wait3A_291 = tpu.memref_slice %arg2[%dma_wait3A_285, %dma_wait3A_289, %dma_wait3A_290] : memref<8x128x2048xf32, #tpu.memory_space<vmem>> -> memref<1x128x2048xf32, #tpu.memory_space<vmem>>
      %dma_wait3A_292 = tpu.memref_squeeze %dma_wait3A_291 : memref<1x128x2048xf32, #tpu.memory_space<vmem>> -> memref<128x2048xf32, #tpu.memory_space<vmem>>
      %dma_wait3A_293 = arith.constant 0 : i32
      %dma_wait3A_294 = tpu.memref_slice %arg0[%mul3A_284, %dma_wait3A_293] : memref<16384x2048xf32, #tpu.memory_space<hbm>> -> memref<128x2048xf32, #tpu.memory_space<hbm>>
      tpu.wait_dma2 semaphore(%dma_wait3A_288 : memref<!tpu.dma_semaphore, #tpu.memory_space<semaphore_mem>>) src(%dma_wait3A_294 : memref<128x2048xf32, #tpu.memory_space<hbm>>) dst(%dma_wait3A_292 : memref<128x2048xf32, #tpu.memory_space<vmem>>)
      %get3A_295 = arith.constant 5 : index
      %get3A_296 = arith.constant 0 : index
      %get3A_297 = arith.constant 0 : index
      %get3A_298 = vector.load %arg2[%get3A_295, %get3A_296, %get3A_297] : memref<8x128x2048xf32, #tpu.memory_space<vmem>>, vector<1x128x2048xf32>
      %get3A_299 = vector.shape_cast %get3A_298 : vector<1x128x2048xf32> to vector<128x2048xf32>
      %reduce_sum3A_300 = arith.constant dense<0.000000e+00> : vector<128xf32>
      %reduce_sum3A_301 = vector.multi_reduction <add>, %get3A_299, %reduce_sum3A_300 [1] : vector<128x2048xf32> to vector<128xf32>
      %round3A_302 = math.roundeven %reduce_sum3A_301 : vector<128xf32>
      %min3A_303 = arith.constant 2.500000e+01 : f32
      %min3A_304 = vector.broadcast %min3A_303 : f32 to vector<128xf32>
      %min3A_305 = arith.minimumf %round3A_302, %min3A_304 : vector<128xf32>
      %max3A_306 = arith.constant 0.000000e+00 : f32
      %max3A_307 = vector.broadcast %max3A_306 : f32 to vector<128xf32>
      %max3A_308 = arith.maximumf %min3A_305, %max3A_307 : vector<128xf32>
      %convert_element_type3A_309 = arith.fptosi %max3A_308 : vector<128xf32> to vector<128xi32>
      %reshape3A_310 = vector.shape_cast %convert_element_type3A_309 : vector<128xi32> to vector<1x128xi32>
      %swap3A_311 = arith.index_cast %add3A_282 : i32 to index
      %swap3A_312 = arith.constant 0 : index
      %swap3A_313 = vector.load %arg1[%swap3A_311, %swap3A_312] : memref<128x128xi32, #tpu.memory_space<vmem>>, vector<1x128xi32>
      tpu.vector_store %arg1[%swap3A_311, %swap3A_312], %reshape3A_310 {strides = array<i32>} : memref<128x128xi32, #tpu.memory_space<vmem>>, vector<1x128xi32>,
      %add3A_314 = arith.constant 8 : i32
      %add3A_315 = arith.addi %add3A_282, %add3A_314 : i32
      %lt3A_316 = arith.constant 128 : i32
      %lt3A_317 = arith.cmpi slt, %add3A_315, %lt3A_316 : i32
      %convert_element_type3A_318 = arith.extui %lt3A_317 : i1 to i32
      %cond3A_319 = arith.constant 0 : i32
      %cond3A_320 = arith.cmpi ne, %convert_element_type3A_318, %cond3A_319 : i32
      scf.if %cond3A_320 {
        %add3A_401 = arith.constant 8 : i32
        %add3A_402 = arith.addi %add3A_282, %add3A_401 : i32
        %mul3A_403 = arith.constant 128 : i32
        %mul3A_404 = arith.muli %add3A_402, %mul3A_403 : i32
        %dma_start3A_405 = arith.constant 5 : i32
        %dma_start3A_406 = arith.constant 5 : i32
        %dma_start3A_407 = tpu.memref_slice %arg3[%dma_start3A_406] : memref<8x!tpu.dma_semaphore, #tpu.memory_space<semaphore_mem>> -> memref<1x!tpu.dma_semaphore, #tpu.memory_space<semaphore_mem>>
        %dma_start3A_408 = tpu.memref_squeeze %dma_start3A_407 : memref<1x!tpu.dma_semaphore, #tpu.memory_space<semaphore_mem>> -> memref<!tpu.dma_semaphore, #tpu.memory_space<semaphore_mem>>
        %dma_start3A_409 = arith.constant 0 : i32
        %dma_start3A_410 = arith.constant 0 : i32
        %dma_start3A_411 = tpu.memref_slice %arg2[%dma_start3A_405, %dma_start3A_409, %dma_start3A_410] : memref<8x128x2048xf32, #tpu.memory_space<vmem>> -> memref<1x128x2048xf32, #tpu.memory_space<vmem>>
        %dma_start3A_412 = tpu.memref_squeeze %dma_start3A_411 : memref<1x128x2048xf32, #tpu.memory_space<vmem>> -> memref<128x2048xf32, #tpu.memory_space<vmem>>
        %dma_start3A_413 = arith.constant 0 : i32
        %dma_start3A_414 = tpu.memref_slice %arg0[%mul3A_404, %dma_start3A_413] : memref<16384x2048xf32, #tpu.memory_space<hbm>> -> memref<128x2048xf32, #tpu.memory_space<hbm>>
        tpu.enqueue_dma source(%dma_start3A_414 : memref<128x2048xf32, #tpu.memory_space<hbm>>) target(%dma_start3A_412 : memref<128x2048xf32, #tpu.memory_space<vmem>>) target_semaphore(%dma_start3A_408 : memref<!tpu.dma_semaphore, #tpu.memory_space<semaphore_mem>>)
      } else {
      }
      %add3A_321 = arith.constant 6 : i32
      %add3A_322 = arith.addi %mul3A_92, %add3A_321 : i32
      %mul3A_323 = arith.constant 128 : i32
      %mul3A_324 = arith.muli %add3A_322, %mul3A_323 : i32
      %dma_wait3A_325 = arith.constant 6 : i32
      %dma_wait3A_326 = arith.constant 6 : i32
      %dma_wait3A_327 = tpu.memref_slice %arg3[%dma_wait3A_326] : memref<8x!tpu.dma_semaphore, #tpu.memory_space<semaphore_mem>> -> memref<1x!tpu.dma_semaphore, #tpu.memory_space<semaphore_mem>>
      %dma_wait3A_328 = tpu.memref_squeeze %dma_wait3A_327 : memref<1x!tpu.dma_semaphore, #tpu.memory_space<semaphore_mem>> -> memref<!tpu.dma_semaphore, #tpu.memory_space<semaphore_mem>>
      %dma_wait3A_329 = arith.constant 0 : i32
      %dma_wait3A_330 = arith.constant 0 : i32
      %dma_wait3A_331 = tpu.memref_slice %arg2[%dma_wait3A_325, %dma_wait3A_329, %dma_wait3A_330] : memref<8x128x2048xf32, #tpu.memory_space<vmem>> -> memref<1x128x2048xf32, #tpu.memory_space<vmem>>
      %dma_wait3A_332 = tpu.memref_squeeze %dma_wait3A_331 : memref<1x128x2048xf32, #tpu.memory_space<vmem>> -> memref<128x2048xf32, #tpu.memory_space<vmem>>
      %dma_wait3A_333 = arith.constant 0 : i32
      %dma_wait3A_334 = tpu.memref_slice %arg0[%mul3A_324, %dma_wait3A_333] : memref<16384x2048xf32, #tpu.memory_space<hbm>> -> memref<128x2048xf32, #tpu.memory_space<hbm>>
      tpu.wait_dma2 semaphore(%dma_wait3A_328 : memref<!tpu.dma_semaphore, #tpu.memory_space<semaphore_mem>>) src(%dma_wait3A_334 : memref<128x2048xf32, #tpu.memory_space<hbm>>) dst(%dma_wait3A_332 : memref<128x2048xf32, #tpu.memory_space<vmem>>)
      %get3A_335 = arith.constant 6 : index
      %get3A_336 = arith.constant 0 : index
      %get3A_337 = arith.constant 0 : index
      %get3A_338 = vector.load %arg2[%get3A_335, %get3A_336, %get3A_337] : memref<8x128x2048xf32, #tpu.memory_space<vmem>>, vector<1x128x2048xf32>
      %get3A_339 = vector.shape_cast %get3A_338 : vector<1x128x2048xf32> to vector<128x2048xf32>
      %reduce_sum3A_340 = arith.constant dense<0.000000e+00> : vector<128xf32>
      %reduce_sum3A_341 = vector.multi_reduction <add>, %get3A_339, %reduce_sum3A_340 [1] : vector<128x2048xf32> to vector<128xf32>
      %round3A_342 = math.roundeven %reduce_sum3A_341 : vector<128xf32>
      %min3A_343 = arith.constant 2.500000e+01 : f32
      %min3A_344 = vector.broadcast %min3A_343 : f32 to vector<128xf32>
      %min3A_345 = arith.minimumf %round3A_342, %min3A_344 : vector<128xf32>
      %max3A_346 = arith.constant 0.000000e+00 : f32
      %max3A_347 = vector.broadcast %max3A_346 : f32 to vector<128xf32>
      %max3A_348 = arith.maximumf %min3A_345, %max3A_347 : vector<128xf32>
      %convert_element_type3A_349 = arith.fptosi %max3A_348 : vector<128xf32> to vector<128xi32>
      %reshape3A_350 = vector.shape_cast %convert_element_type3A_349 : vector<128xi32> to vector<1x128xi32>
      %swap3A_351 = arith.index_cast %add3A_322 : i32 to index
      %swap3A_352 = arith.constant 0 : index
      %swap3A_353 = vector.load %arg1[%swap3A_351, %swap3A_352] : memref<128x128xi32, #tpu.memory_space<vmem>>, vector<1x128xi32>
      tpu.vector_store %arg1[%swap3A_351, %swap3A_352], %reshape3A_350 {strides = array<i32>} : memref<128x128xi32, #tpu.memory_space<vmem>>, vector<1x128xi32>,
      %add3A_354 = arith.constant 8 : i32
      %add3A_355 = arith.addi %add3A_322, %add3A_354 : i32
      %lt3A_356 = arith.constant 128 : i32
      %lt3A_357 = arith.cmpi slt, %add3A_355, %lt3A_356 : i32
      %convert_element_type3A_358 = arith.extui %lt3A_357 : i1 to i32
      %cond3A_359 = arith.constant 0 : i32
      %cond3A_360 = arith.cmpi ne, %convert_element_type3A_358, %cond3A_359 : i32
      scf.if %cond3A_360 {
        %add3A_401 = arith.constant 8 : i32
        %add3A_402 = arith.addi %add3A_322, %add3A_401 : i32
        %mul3A_403 = arith.constant 128 : i32
        %mul3A_404 = arith.muli %add3A_402, %mul3A_403 : i32
        %dma_start3A_405 = arith.constant 6 : i32
        %dma_start3A_406 = arith.constant 6 : i32
        %dma_start3A_407 = tpu.memref_slice %arg3[%dma_start3A_406] : memref<8x!tpu.dma_semaphore, #tpu.memory_space<semaphore_mem>> -> memref<1x!tpu.dma_semaphore, #tpu.memory_space<semaphore_mem>>
        %dma_start3A_408 = tpu.memref_squeeze %dma_start3A_407 : memref<1x!tpu.dma_semaphore, #tpu.memory_space<semaphore_mem>> -> memref<!tpu.dma_semaphore, #tpu.memory_space<semaphore_mem>>
        %dma_start3A_409 = arith.constant 0 : i32
        %dma_start3A_410 = arith.constant 0 : i32
        %dma_start3A_411 = tpu.memref_slice %arg2[%dma_start3A_405, %dma_start3A_409, %dma_start3A_410] : memref<8x128x2048xf32, #tpu.memory_space<vmem>> -> memref<1x128x2048xf32, #tpu.memory_space<vmem>>
        %dma_start3A_412 = tpu.memref_squeeze %dma_start3A_411 : memref<1x128x2048xf32, #tpu.memory_space<vmem>> -> memref<128x2048xf32, #tpu.memory_space<vmem>>
        %dma_start3A_413 = arith.constant 0 : i32
        %dma_start3A_414 = tpu.memref_slice %arg0[%mul3A_404, %dma_start3A_413] : memref<16384x2048xf32, #tpu.memory_space<hbm>> -> memref<128x2048xf32, #tpu.memory_space<hbm>>
        tpu.enqueue_dma source(%dma_start3A_414 : memref<128x2048xf32, #tpu.memory_space<hbm>>) target(%dma_start3A_412 : memref<128x2048xf32, #tpu.memory_space<vmem>>) target_semaphore(%dma_start3A_408 : memref<!tpu.dma_semaphore, #tpu.memory_space<semaphore_mem>>)
      } else {
      }
      %add3A_361 = arith.constant 7 : i32
      %add3A_362 = arith.addi %mul3A_92, %add3A_361 : i32
      %mul3A_363 = arith.constant 128 : i32
      %mul3A_364 = arith.muli %add3A_362, %mul3A_363 : i32
      %dma_wait3A_365 = arith.constant 7 : i32
      %dma_wait3A_366 = arith.constant 7 : i32
      %dma_wait3A_367 = tpu.memref_slice %arg3[%dma_wait3A_366] : memref<8x!tpu.dma_semaphore, #tpu.memory_space<semaphore_mem>> -> memref<1x!tpu.dma_semaphore, #tpu.memory_space<semaphore_mem>>
      %dma_wait3A_368 = tpu.memref_squeeze %dma_wait3A_367 : memref<1x!tpu.dma_semaphore, #tpu.memory_space<semaphore_mem>> -> memref<!tpu.dma_semaphore, #tpu.memory_space<semaphore_mem>>
      %dma_wait3A_369 = arith.constant 0 : i32
      %dma_wait3A_370 = arith.constant 0 : i32
      %dma_wait3A_371 = tpu.memref_slice %arg2[%dma_wait3A_365, %dma_wait3A_369, %dma_wait3A_370] : memref<8x128x2048xf32, #tpu.memory_space<vmem>> -> memref<1x128x2048xf32, #tpu.memory_space<vmem>>
      %dma_wait3A_372 = tpu.memref_squeeze %dma_wait3A_371 : memref<1x128x2048xf32, #tpu.memory_space<vmem>> -> memref<128x2048xf32, #tpu.memory_space<vmem>>
      %dma_wait3A_373 = arith.constant 0 : i32
      %dma_wait3A_374 = tpu.memref_slice %arg0[%mul3A_364, %dma_wait3A_373] : memref<16384x2048xf32, #tpu.memory_space<hbm>> -> memref<128x2048xf32, #tpu.memory_space<hbm>>
      tpu.wait_dma2 semaphore(%dma_wait3A_368 : memref<!tpu.dma_semaphore, #tpu.memory_space<semaphore_mem>>) src(%dma_wait3A_374 : memref<128x2048xf32, #tpu.memory_space<hbm>>) dst(%dma_wait3A_372 : memref<128x2048xf32, #tpu.memory_space<vmem>>)
      %get3A_375 = arith.constant 7 : index
      %get3A_376 = arith.constant 0 : index
      %get3A_377 = arith.constant 0 : index
      %get3A_378 = vector.load %arg2[%get3A_375, %get3A_376, %get3A_377] : memref<8x128x2048xf32, #tpu.memory_space<vmem>>, vector<1x128x2048xf32>
      %get3A_379 = vector.shape_cast %get3A_378 : vector<1x128x2048xf32> to vector<128x2048xf32>
      %reduce_sum3A_380 = arith.constant dense<0.000000e+00> : vector<128xf32>
      %reduce_sum3A_381 = vector.multi_reduction <add>, %get3A_379, %reduce_sum3A_380 [1] : vector<128x2048xf32> to vector<128xf32>
      %round3A_382 = math.roundeven %reduce_sum3A_381 : vector<128xf32>
      %min3A_383 = arith.constant 2.500000e+01 : f32
      %min3A_384 = vector.broadcast %min3A_383 : f32 to vector<128xf32>
      %min3A_385 = arith.minimumf %round3A_382, %min3A_384 : vector<128xf32>
      %max3A_386 = arith.constant 0.000000e+00 : f32
      %max3A_387 = vector.broadcast %max3A_386 : f32 to vector<128xf32>
      %max3A_388 = arith.maximumf %min3A_385, %max3A_387 : vector<128xf32>
      %convert_element_type3A_389 = arith.fptosi %max3A_388 : vector<128xf32> to vector<128xi32>
      %reshape3A_390 = vector.shape_cast %convert_element_type3A_389 : vector<128xi32> to vector<1x128xi32>
      %swap3A_391 = arith.index_cast %add3A_362 : i32 to index
      %swap3A_392 = arith.constant 0 : index
      %swap3A_393 = vector.load %arg1[%swap3A_391, %swap3A_392] : memref<128x128xi32, #tpu.memory_space<vmem>>, vector<1x128xi32>
      tpu.vector_store %arg1[%swap3A_391, %swap3A_392], %reshape3A_390 {strides = array<i32>} : memref<128x128xi32, #tpu.memory_space<vmem>>, vector<1x128xi32>,
      %add3A_394 = arith.constant 8 : i32
      %add3A_395 = arith.addi %add3A_362, %add3A_394 : i32
      %lt3A_396 = arith.constant 128 : i32
      %lt3A_397 = arith.cmpi slt, %add3A_395, %lt3A_396 : i32
      %convert_element_type3A_398 = arith.extui %lt3A_397 : i1 to i32
      %cond3A_399 = arith.constant 0 : i32
      %cond3A_400 = arith.cmpi ne, %convert_element_type3A_398, %cond3A_399 : i32
      scf.if %cond3A_400 {
        %add3A_401 = arith.constant 8 : i32
        %add3A_402 = arith.addi %add3A_362, %add3A_401 : i32
        %mul3A_403 = arith.constant 128 : i32
        %mul3A_404 = arith.muli %add3A_402, %mul3A_403 : i32
        %dma_start3A_405 = arith.constant 7 : i32
        %dma_start3A_406 = arith.constant 7 : i32
        %dma_start3A_407 = tpu.memref_slice %arg3[%dma_start3A_406] : memref<8x!tpu.dma_semaphore, #tpu.memory_space<semaphore_mem>> -> memref<1x!tpu.dma_semaphore, #tpu.memory_space<semaphore_mem>>
        %dma_start3A_408 = tpu.memref_squeeze %dma_start3A_407 : memref<1x!tpu.dma_semaphore, #tpu.memory_space<semaphore_mem>> -> memref<!tpu.dma_semaphore, #tpu.memory_space<semaphore_mem>>
        %dma_start3A_409 = arith.constant 0 : i32
        %dma_start3A_410 = arith.constant 0 : i32
        %dma_start3A_411 = tpu.memref_slice %arg2[%dma_start3A_405, %dma_start3A_409, %dma_start3A_410] : memref<8x128x2048xf32, #tpu.memory_space<vmem>> -> memref<1x128x2048xf32, #tpu.memory_space<vmem>>
        %dma_start3A_412 = tpu.memref_squeeze %dma_start3A_411 : memref<1x128x2048xf32, #tpu.memory_space<vmem>> -> memref<128x2048xf32, #tpu.memory_space<vmem>>
        %dma_start3A_413 = arith.constant 0 : i32
        %dma_start3A_414 = tpu.memref_slice %arg0[%mul3A_404, %dma_start3A_413] : memref<16384x2048xf32, #tpu.memory_space<hbm>> -> memref<128x2048xf32, #tpu.memory_space<hbm>>
        tpu.enqueue_dma source(%dma_start3A_414 : memref<128x2048xf32, #tpu.memory_space<hbm>>) target(%dma_start3A_412 : memref<128x2048xf32, #tpu.memory_space<vmem>>) target_semaphore(%dma_start3A_408 : memref<!tpu.dma_semaphore, #tpu.memory_space<semaphore_mem>>)
      } else {
      }
    }
    %scan3A_90 = arith.constant 16 : i32
    return
  }
}

</mosaic_0001>

<sc_bundles>
// kernel: kernel.4.cloned.1.call-start
scs
__scs_entry_jumppad:
0x0: {  	(pc) =	sbr.rel $0x88, $3  }
0x1: {  	(tag) =	ssettag $0x0;
	lr =	simm.s32 $0x1  }
0x2: {  	[smem:$0x3F9F] =	sst lr;
	_ =	strace $0xD0000000  }
0x3: {  	_ = 	snop  }
0x4: {  	_ = 	snop  }
0x5: {  	_ = 	snop  }
0x6: {  	_ = 	snop  }
0x7: {  	_ = 	snop  }
__scs_overlays_trampoline_lowered:
0x8: {  	[smem:$0x3FAE] =	sst s0  }
0x9: {  	[smem:$0x3FAF] =	sst s1  }
0xa: {  	[smem:$0x3FB0] =	sst s2  }
0xb: {  	[smem:$0x3FB1] =	sst s3  }
0xc: {  	[smem:$0x3FB2] =	sst s4  }
0xd: {  	[smem:$0x3FB3] =	sst s5  }
0xe: {  	[smem:$0x3FB4] =	sst s6  }
0xf: {  	[smem:$0x3FB5] =	sst s7  }
0x10: {  	[smem:$0x3FB6] =	sst s8  }
0x11: {  	[smem:$0x3FB7] =	sst s9;
	s0 =	simm.s32 @!p0 $0x0  }
0x12: {  	s1 =	sld [smem:$0x3F9D];
	s0 =	simm.s32 @p0 $0x1  }
0x13: {  	[smem:$0x3FB8] =	sst s0;
	s0 =	simm.s32 @!p1 $0x0  }
0x14: {  	s2 =	sld [smem:$0x3F9C];
	s0 =	simm.s32 @p1 $0x1  }
0x15: {  	[smem:$0x3FB9] =	sst s0;
	s0 =	simm.s32 @!p2 $0x0  }
0x16: {  	s3 =	sld [smem:$0x3FDB];
	s0 =	simm.s32 @p2 $0x1  }
0x17: {  	s4 =	simm.s32 $0x1BF5;
	[smem:$0x3FBB] =	sst s0  }
0x18: {  	s0 =	sld [smem:$0x3F9E];
	_ =	swait.ge [sflag:s4], $0x0  }
0x19: {  	s7 =	sld [smem:$0x3F9F]  }
0x1a: {  	s8 =	sadd.s32 $0xFFFFE003, lr  }
0x1b: {  	s9 =	sadd.s32 $0xFFFFFEF7, lr;
	s5 =	simm.s32 $0xFFFFFFFF;
	p2 =	slt.u32 s8, $0xFFFFF086  }
0x1c: {  	p1 =	slt.u32 s9, $0xF7A;
	s5 =	simm.s32 @!p2 $0x0  }
0x1d: {  	s5 =	simm.s32 @p1 $0x1;
	p0 =	seq.s32 s7, s2  }
0x1e: {  	s7 =	smul.u32 @!p0 $0xF7A, s2;
	p2 =	seq.s32 @!p0 s5, $0x0  }
0x1f: {  	s9 =	smul.u32 $0xF7A, s1;
	s8 =	simm.s32 @!p0 $0x1BF5;
	p2 =	por !p2, p0  }
0x20: {  	[sflag:s8] =	ssyncset.s32 @!p0 $0xFFFFF086;
	s6 =	sadd.s32 @!p0 s3, s7;
	s7 =	simm.s32 @!p0 $0x108  }
0x21: {  	s3 =	sadd.s32 s3, s9;
	s6 =	sadd.s32 @!p0 $0x88, s6;
	s7 =	simm.s32 @p2 $0x1082  }
0x22: {  	[simem:s7], [sflag:s8] =	dma.local @!p0 [hbm:s6], $0xF7A  }
0x23: {  	s9 =	sor.u32 $0xD0000000, s2;
	s6 =	simm.s32 $0x108;
	_ =	swait.ge @!p0 [sflag:s8], $0x0  }
0x24: {  	s3 =	sadd.s32 $0x88, s3;
	s6 =	simm.s32 @!p1 $0x1082;
	[sflag:s4] =	ssyncset.s32 $0xFFFFF086  }
0x25: {  	[simem:s6], [sflag:s4] =	dma.local [hbm:s3], $0xF7A  }
0x26: {  	[smem:$0x3F9F] =	sst s1;
	(tag) =	ssettag s2;
	_ =	strace s9  }
0x27: {  	s1 =	sld [smem:$0x3FAF]  }
0x28: {  	s2 =	sld [smem:$0x3FB0]  }
0x29: {  	s4 =	sld [smem:$0x3FB2]  }
0x2a: {  	p0 =	seq.s32 s5, $0x0;
	s5 =	sld [smem:$0x3FB3]  }
0x2b: {  	s6 =	sld [smem:$0x3FB4]  }
0x2c: {  	s7 =	sld [smem:$0x3FB5]  }
0x2d: {  	s3 =	simm.s32 $0x108;
	s8 =	sld [smem:$0x3FB6]  }
0x2e: {  	s3 =	simm.s32 @!p0 $0x1082;
	s9 =	sld [smem:$0x3FB7]  }
0x2f: {  	lr =	sadd.s32 s0, s3;
	s0 =	sld [smem:$0x3FAE]  }
0x30: {  	s3 =	sld [smem:$0x3FB1]  }
0x31: {  	[smem:$0x3FBA] =	sst s10  }
0x32: {  	s10 =	sld [smem:$0x3FB8];
	_ =	sdelay $0x3  }
0x33: {  	p0 =	seq.s32 s10, $0x1;
	s10 =	sld [smem:$0x3FBA];
	_ =	sdelay $0x3  }
0x34: {  	[smem:$0x3FBA] =	sst s10  }
0x35: {  	s10 =	sld [smem:$0x3FB9];
	_ =	sdelay $0x3  }
0x36: {  	p1 =	seq.s32 s10, $0x1;
	s10 =	sld [smem:$0x3FBA];
	_ =	sdelay $0x3  }
0x37: {  	[smem:$0x3FBA] =	sst s10  }
0x38: {  	s10 =	sld [smem:$0x3FBB]  }
0x39: {  	_ = 	snop;
	(pc) =	sbr.ind lr, $3  }
0x3a: {  	_ = 	snop  }
0x3b: {  	_ = 	snop  }
0x3c: {  	p2 =	seq.s32 s10, $0x1;
	s10 =	sld [smem:$0x3FBA]  }
0x3d: {  	_ =	shalt  }
0x3e: {  	_ =	shalt  }
0x3f: {  	_ =	shalt  }
0x40: {  	_ =	shalt  }
0x41: {  	_ =	shalt  }
0x42: {  	_ =	shalt  }
0x43: {  	_ =	shalt  }
0x44: {  	_ =	shalt  }
0x45: {  	_ =	shalt  }
0x46: {  	_ =	shalt  }
0x47: {  	_ =	shalt  }
0x48: {  	_ =	shalt  }
0x49: {  	_ =	shalt  }
0x4a: {  	_ =	shalt  }
0x4b: {  	_ =	shalt  }
0x4c: {  	_ =	shalt  }
0x4d: {  	_ =	shalt  }
0x4e: {  	_ =	shalt  }
0x4f: {  	_ =	shalt  }
0x50: {  	_ =	shalt  }
0x51: {  	_ =	shalt  }
0x52: {  	_ =	shalt  }
0x53: {  	_ =	shalt  }
0x54: {  	_ =	shalt  }
0x55: {  	_ =	shalt  }
0x56: {  	_ =	shalt  }
0x57: {  	_ =	shalt  }
0x58: {  	_ =	shalt  }
0x59: {  	_ =	shalt  }
0x5a: {  	_ =	shalt  }
0x5b: {  	_ =	shalt  }
0x5c: {  	_ =	shalt  }
0x5d: {  	_ =	shalt  }
0x5e: {  	_ =	shalt  }
0x5f: {  	_ =	shalt  }
0x60: {  	_ =	shalt  }
0x61: {  	_ =	shalt  }
0x62: {  	_ =	shalt  }
0x63: {  	_ =	shalt  }
0x64: {  	_ =	shalt  }
0x65: {  	_ =	shalt  }
0x66: {  	_ =	shalt  }
0x67: {  	_ =	shalt  }
0x68: {  	_ =	shalt  }
0x69: {  	_ =	shalt  }
0x6a: {  	_ =	shalt  }
0x6b: {  	_ =	shalt  }
0x6c: {  	_ =	shalt  }
0x6d: {  	_ =	shalt  }
0x6e: {  	_ =	shalt  }
0x6f: {  	_ =	shalt  }
0x70: {  	_ =	shalt  }
0x71: {  	_ =	shalt  }
0x72: {  	_ =	shalt  }
0x73: {  	_ =	shalt  }
0x74: {  	_ =	shalt  }
0x75: {  	_ =	shalt  }
0x76: {  	_ =	shalt  }
0x77: {  	_ =	shalt  }
0x78: {  	_ =	shalt  }
0x79: {  	_ =	shalt  }
0x7a: {  	_ =	shalt  }
0x7b: {  	_ =	shalt  }
0x7c: {  	_ =	shalt  }
0x7d: {  	_ =	shalt  }
0x7e: {  	_ =	shalt  }
0x7f: {  	_ =	shalt  }
0x80: {  	_ =	shalt  }
0x81: {  	_ =	shalt  }
0x82: {  	_ =	shalt  }
0x83: {  	_ =	shalt  }
0x84: {  	_ =	shalt  }
0x85: {  	_ =	shalt  }
0x86: {  	_ =	shalt  }
0x87: {  	_ =	shalt  }
.Lfunc_end0:
.L_simem_size_0:
called_computation_lowered:
.L_overlay_start_0:
0x88: {  	s2 =	sld [smem:$0x3FD9]  }
0x89: {  	s3 =	sld [smem:$0x3FFE];
	_ =	sdelay $0x1  }
0x8a: {  	s1 =	srdreg.scid  }
0x8b: {  	s0 =	sand.u32 $0x1, s1  }
0x8c: {  	s17 =	sshll.u32 s0, $0xA;
	s2 =	sadd.s32 s3, s2  }
0x8d: {  	s2 =	sadd.s32 s2, s17  }
0x8e: {  	[smem:$0x3FC6] =	sst s2  }
0x8f: {  	_ = 	snop  }
0x90: {  	s2 =	sld [smem:$0x3FC8]  }
0x91: {  	s18 =	sld [smem:$0x3FD0];
	(tm) =	ssettm $0x1  }
0x92: {  	s4 =	sld [smem:$0x3FFB];
	_ =	sdelay $0x3  }
0x93: {  	_ =	strace s4  }
0x94: {  	s4 =	sld [smem:$0x3FFC];
	_ =	sdelay $0x3  }
0x95: {  	_ =	strace s4  }
0x96: {  	s4 =	sld [smem:$0x3FFD];
	_ =	sdelay $0x3  }
0x97: {  	_ =	strace s4  }
0x98: {  	_ =	strace $0x8FFFFFFF  }
0x99: {  	s19 =	sld [smem:$0x3FDB];
	_ =	sdelay $0x1  }
0x9a: {  	s5 =	simm.s32 $_scs_section_size  }
0x9b: {  	s6 =	simm.s32 $_size__tile_overlayer_lowered;
	s7 =	simm.s32 $_tile_overlayer_lowered  }
0x9c: {  	s22 =	simm.s32 $0x1BFF;
	s21 =	sshll.u32 s7, $0x1;
	s4 =	sadd.s32 s5, s19  }
0x9d: {  	s8 =	simm.s32 $0x0;
	s20 =	sshll.u32 s6, $0x1;
	s6 =	sadd.s32 s21, s4  }
0x9e: {  	[timem:s8], [sflag:s22] =	dma.local [hbm:s6], s20  }
0x9f: {  	_ =	swait.ge [sflag:s22], s20  }
0xa0: {  	s5 =	ssub.s32 $0x0, s20;
	[sflag:s22] =	ssyncset.done $0x0  }
0xa1: {  	[sflag:s22] =	ssyncadd.s32 s5;
	_ =	sdelay $0x1  }
0xa2: {  	s23 =	simm.s32 $0x1B8B  }
0xa3: {  	_ =	swait.ge [sflag:s23], $0x1  }
0xa4: {  	[sflag:s23] =	ssyncset.done $0x0  }
0xa5: {  	s25 =	simm.s32 $0x1B8E;
	s24 =	sld [smem:$0x3FFE];
	[sflag:s23] =	ssyncadd.s32 $0xFFFFFFFF  }
0xa6: {  	s26 =	simm.s32 $execute0_lowered;
	[smem:$0x3FD2] =	sst s25  }
0xa7: {  	s6 =	sshll.u32 s26, $0x1;
	_ =	strace $0x80000046;
	[dreg:$0x1] =	wrdreg $0xFFFFFFFF  }
0xa8: {  	s28 =	simm.s32 $_size_execute0_lowered;
	s4 =	sadd.s32 s4, s6;
	[dreg:$0x0] =	wrdreg $0x0  }
0xa9: {  	s6 =	sshll.u32 s28, $0x1;
	[dreg:$0x2] =	wrdreg s4  }
0xaa: {  	[dreg:$0x3] =	wrdreg s6  }
0xab: {  	[dreg:$0x4] =	wrdreg $0xC0  }
0xac: {  	_ =	task [dreg:s8], $0x5FFFF  }
0xad: {  	[dreg:$0x1] =	wrdreg $0xFFFFFFFF  }
0xae: {  	[dreg:$0x0] =	wrdreg $0x60  }
0xaf: {  	[dreg:$0x2] =	wrdreg s24  }
0xb0: {  	[dreg:$0x3] =	wrdreg s2  }
0xb1: {  	[dreg:$0x4] =	wrdreg s18  }
0xb2: {  	[dreg:$0x5] =	wrdreg $0x9  }
0xb3: {  	_ =	task.clear_ibuf [dreg:s8], $0x6FFFF;
	_ =	strace $0x90000046  }
0xb4: {  	s29 =	simm.s32 $0x9;
	_ =	strace $0x80000048  }
0xb5: {  	_ =	swait.ge [sflag:s29], $0x1  }
0xb6: {  	[sflag:s29] =	ssyncadd.s32 $0xFFFFFFFF  }
0xb7: {  	_ =	strace $0x90000048  }
0xb8: {  	_ =	sfence  }
0xb9: {  	s30 =	sld [smem:$0x0];
	_ =	sdelay $0x2  }
0xba: {  	s31 =	sshll.u32 s1, $0xD;
	s1 =	sshrl.u32 s1, $0x2  }
0xbb: {  	s3 =	sand.u32 $0x4000, s31;
	s1 =	sadd.s32 s1, s30  }
0xbc: {  	s0 =	sor.u32 s3, s0;
	s1 =	sshll.u32 s1, $0x11  }
0xbd: {  	s0 =	sor.u32 s1, s0  }
0xbe: {  	s0 =	sadd.s32 $0x8F2B, s0  }
0xbf: {  	[sflag:s0] =	ssyncadd.remote.s32 $0x1  }
0xc0: {  	_ =	sfence.sel $0xFFFF  }
0xc1: {  	[dreg:$0x0] =	wrdreg $0xFFFFFFFF;
	(pc) =	sbr.abs _section_cstart, $3  }
0xc2: {  	[dreg:$0x1] =	wrdreg $0xFFFFFFFF  }
0xc3: {  	_ =	task.clear_ibuf [dreg:s8], $0x2FFFF;
	_ =	strace $0x9FFFFFFF  }
0xc4: {  	(tm) =	ssettm $0x7FFFFFFF  }
0xc5: {  	_ =	shalt  }
tec
execute0_lowered:
.L_overlay_start_1:
0x0: {  	(tag) =	ssettag $0x1  }
0x1: {  	s4 =	rddreg [dreg:$0x0]  }
0x2: {  	s2 =	rddreg [dreg:$0x1]  }
0x3: {  	s5 =	rddreg [dreg:$0x2]  }
0x4: {  	s0 =	rddreg [dreg:$0x3];
	s6 =	srdreg.scid  }
0x5: {  	s1 =	stileid.u32;
	s3 =	simm.s32 $0x0;
	s9 =	simm.s32 $0x1  }
0x6: {  	s10 =	simm.s32 $0xF00;
	s6 =	sand.u32 $0x1, s6;
	s7 =	sshll.u32 s1, $0x1  }
0x7: {  	s11 =	simm.s32 $0x0;
	[smem:$0x7FF] =	sst s3;
	s7 =	sor.u32 s6, s7  }
0x8: {  	_ =	strace $0x80000047;
	s6 =	ssub.s32 $0x2, s6;
	s8 =	sshll.u32 s7, $0x6  }
0x9: {  	s31 =	sshrl.u32 s6, $0x1;
	s7 =	sshll.u32 s7, $0xD;
	s4 =	sadd.s32 s8, s4  }
0xa: {  	s8 =	ssub.s32 s6, s31;
	s5 =	sadd.s32 s5, s7;
	s4 =	sadd.s32 $0x600, s4  }
0xb: {  	s6 =	sadd.s32 $0x1000, s5;
	s7 =	smax.u32 s8, $0x1;
	s8 =	simm.s32 $0x200  }
.LBB2_1:
0xc: {  	[tilespmem:s8], [sflag:$0x1] =	stream.linear.gather [hbm4b:s2+s3], $0xD00, $0x38;
	[tilespmem:$0x8F00] =	vst v63  }
0xd: {  	_ =	swait.ge [sflag:s9], $0xD00  }
0xe: {  	[sflag:s9] =	ssyncset.done $0x0  }
0xf: {  	[sflag:s9] =	ssyncadd.s32 $0xFFFFF300  }
0x10: {  	[tilespmem:s3], [sflag:$0x1] =	stream.linear.gather [hbm4b:s4+s3], $0x200, $0x38;
	[tilespmem:$0x8F00] =	vst v63  }
0x11: {  	_ =	swait.ge [sflag:s9], $0x200  }
0x12: {  	[sflag:s9] =	ssyncset.done $0x0  }
0x13: {  	s12 =	simm.s32 $0x0;
	[sflag:s9] =	ssyncadd.s32 $0xFFFFFE00  }
0x14: {  	v0 =	vld [tilespmem:s12+$0x0];
	_ =	sdelay $0x4  }
0x15: {  	v0 =	vshll.u32 v0, $0x7  }
0x16: {  	(v2sf) =	vpush v0, $0x0;
	_ =	sdelay $0xe  }
0x17: {  	s13 =	spop (v2sf)  }
0x18: {  	v1 =	vld [tilespmem:s13+$0x200];
	_ =	sdelay $0x3  }
0x19: {  	s12 =	simm.s32 $0x1300  }
0x1a: {  	[tilespmem:s12+$0xFFFFFC00] =	vst v1  }
0x1b: {  	v1 =	vld [tilespmem:s13+$0x210];
	_ =	sdelay $0x4  }
0x1c: {  	[tilespmem:s12+$0xFFFFFC10] =	vst v1  }
0x1d: {  	v1 =	vld [tilespmem:s13+$0x220];
	_ =	sdelay $0x4  }
0x1e: {  	[tilespmem:s12+$0xFFFFFC20] =	vst v1  }
0x1f: {  	v1 =	vld [tilespmem:s13+$0x230];
	_ =	sdelay $0x4  }
0x20: {  	[tilespmem:s12+$0xFFFFFC30] =	vst v1  }
0x21: {  	v1 =	vld [tilespmem:s13+$0x240];
	_ =	sdelay $0x4  }
0x22: {  	[tilespmem:s12+$0xFFFFFC40] =	vst v1  }
0x23: {  	v1 =	vld [tilespmem:s13+$0x250];
	_ =	sdelay $0x1  }
0x24: {  	(v2sf) =	vpush v0, $0x1;
	_ =	sdelay $0x2  }
0x25: {  	[tilespmem:s12+$0xFFFFFC50] =	vst v1  }
0x26: {  	v1 =	vld [tilespmem:s13+$0x260];
	_ =	sdelay $0x4  }
0x27: {  	[tilespmem:s12+$0xFFFFFC60] =	vst v1  }
0x28: {  	v1 =	vld [tilespmem:s13+$0x270];
	_ =	sdelay $0x4  }
0x29: {  	s16 =	spop (v2sf);
	[tilespmem:s12+$0xFFFFFC70] =	vst v1  }
0x2a: {  	v1 =	vld [tilespmem:s16+$0x200];
	_ =	sdelay $0x4  }
0x2b: {  	[tilespmem:s12+$0xFFFFFC80] =	vst v1  }
0x2c: {  	v1 =	vld [tilespmem:s16+$0x210];
	_ =	sdelay $0x4  }
0x2d: {  	[tilespmem:s12+$0xFFFFFC90] =	vst v1  }
0x2e: {  	v1 =	vld [tilespmem:s16+$0x220];
	_ =	sdelay $0x4  }
0x2f: {  	[tilespmem:s12+$0xFFFFFCA0] =	vst v1  }
0x30: {  	v1 =	vld [tilespmem:s16+$0x230];
	_ =	sdelay $0x4  }
0x31: {  	[tilespmem:s12+$0xFFFFFCB0] =	vst v1  }
0x32: {  	v1 =	vld [tilespmem:s16+$0x240];
	_ =	sdelay $0x4  }
0x33: {  	[tilespmem:s12+$0xFFFFFCC0] =	vst v1  }
0x34: {  	v1 =	vld [tilespmem:s16+$0x250];
	_ =	sdelay $0x1  }
0x35: {  	(v2sf) =	vpush v0, $0x2;
	_ =	sdelay $0x2  }
0x36: {  	[tilespmem:s12+$0xFFFFFCD0] =	vst v1  }
0x37: {  	v1 =	vld [tilespmem:s16+$0x260];
	_ =	sdelay $0x4  }
0x38: {  	[tilespmem:s12+$0xFFFFFCE0] =	vst v1  }
0x39: {  	v1 =	vld [tilespmem:s16+$0x270];
	_ =	sdelay $0x4  }
0x3a: {  	s17 =	spop (v2sf);
	[tilespmem:s12+$0xFFFFFCF0] =	vst v1  }
0x3b: {  	v1 =	vld [tilespmem:s17+$0x200];
	_ =	sdelay $0x4  }
0x3c: {  	[tilespmem:s12+$0xFFFFFD00] =	vst v1  }
0x3d: {  	v1 =	vld [tilespmem:s17+$0x210];
	_ =	sdelay $0x4  }
0x3e: {  	[tilespmem:s12+$0xFFFFFD10] =	vst v1  }
0x3f: {  	v1 =	vld [tilespmem:s17+$0x220];
	_ =	sdelay $0x4  }
0x40: {  	[tilespmem:s12+$0xFFFFFD20] =	vst v1  }
0x41: {  	v1 =	vld [tilespmem:s17+$0x230];
	_ =	sdelay $0x4  }
0x42: {  	[tilespmem:s12+$0xFFFFFD30] =	vst v1  }
0x43: {  	v1 =	vld [tilespmem:s17+$0x240];
	_ =	sdelay $0x4  }
0x44: {  	[tilespmem:s12+$0xFFFFFD40] =	vst v1  }
0x45: {  	v1 =	vld [tilespmem:s17+$0x250];
	_ =	sdelay $0x1  }
0x46: {  	(v2sf) =	vpush v0, $0x3;
	_ =	sdelay $0x2  }
0x47: {  	[tilespmem:s12+$0xFFFFFD50] =	vst v1  }
0x48: {  	v1 =	vld [tilespmem:s17+$0x260];
	_ =	sdelay $0x4  }
0x49: {  	[tilespmem:s12+$0xFFFFFD60] =	vst v1  }
0x4a: {  	v1 =	vld [tilespmem:s17+$0x270];
	_ =	sdelay $0x4  }
0x4b: {  	s18 =	spop (v2sf);
	[tilespmem:s12+$0xFFFFFD70] =	vst v1  }
0x4c: {  	v1 =	vld [tilespmem:s18+$0x200];
	_ =	sdelay $0x4  }
0x4d: {  	[tilespmem:s12+$0xFFFFFD80] =	vst v1  }
0x4e: {  	v1 =	vld [tilespmem:s18+$0x210];
	_ =	sdelay $0x4  }
0x4f: {  	[tilespmem:s12+$0xFFFFFD90] =	vst v1  }
0x50: {  	v1 =	vld [tilespmem:s18+$0x220];
	_ =	sdelay $0x4  }
0x51: {  	[tilespmem:s12+$0xFFFFFDA0] =	vst v1  }
0x52: {  	v1 =	vld [tilespmem:s18+$0x230];
	_ =	sdelay $0x4  }
0x53: {  	[tilespmem:s12+$0xFFFFFDB0] =	vst v1  }
0x54: {  	v1 =	vld [tilespmem:s18+$0x240];
	_ =	sdelay $0x4  }
0x55: {  	[tilespmem:s12+$0xFFFFFDC0] =	vst v1  }
0x56: {  	v1 =	vld [tilespmem:s18+$0x250];
	_ =	sdelay $0x1  }
0x57: {  	(v2sf) =	vpush v0, $0x4;
	_ =	sdelay $0x2  }
0x58: {  	[tilespmem:s12+$0xFFFFFDD0] =	vst v1  }
0x59: {  	v1 =	vld [tilespmem:s18+$0x260];
	_ =	sdelay $0x4  }
0x5a: {  	[tilespmem:s12+$0xFFFFFDE0] =	vst v1  }
0x5b: {  	v1 =	vld [tilespmem:s18+$0x270];
	_ =	sdelay $0x4  }
0x5c: {  	s19 =	spop (v2sf);
	[tilespmem:s12+$0xFFFFFDF0] =	vst v1  }
0x5d: {  	v1 =	vld [tilespmem:s19+$0x200];
	_ =	sdelay $0x4  }
0x5e: {  	[tilespmem:s12+$0xFFFFFE00] =	vst v1  }
0x5f: {  	v1 =	vld [tilespmem:s19+$0x210];
	_ =	sdelay $0x4  }
0x60: {  	[tilespmem:s12+$0xFFFFFE10] =	vst v1  }
0x61: {  	v1 =	vld [tilespmem:s19+$0x220];
	_ =	sdelay $0x4  }
0x62: {  	[tilespmem:s12+$0xFFFFFE20] =	vst v1  }
0x63: {  	v1 =	vld [tilespmem:s19+$0x230];
	_ =	sdelay $0x4  }
0x64: {  	[tilespmem:s12+$0xFFFFFE30] =	vst v1  }
0x65: {  	v1 =	vld [tilespmem:s19+$0x240];
	_ =	sdelay $0x4  }
0x66: {  	[tilespmem:s12+$0xFFFFFE40] =	vst v1  }
0x67: {  	v1 =	vld [tilespmem:s19+$0x250];
	_ =	sdelay $0x1  }
0x68: {  	(v2sf) =	vpush v0, $0x5;
	_ =	sdelay $0x2  }
0x69: {  	[tilespmem:s12+$0xFFFFFE50] =	vst v1  }
0x6a: {  	v1 =	vld [tilespmem:s19+$0x260];
	_ =	sdelay $0x4  }
0x6b: {  	[tilespmem:s12+$0xFFFFFE60] =	vst v1  }
0x6c: {  	v1 =	vld [tilespmem:s19+$0x270];
	_ =	sdelay $0x4  }
0x6d: {  	s20 =	spop (v2sf);
	[tilespmem:s12+$0xFFFFFE70] =	vst v1  }
0x6e: {  	v1 =	vld [tilespmem:s20+$0x200];
	_ =	sdelay $0x4  }
0x6f: {  	[tilespmem:s12+$0xFFFFFE80] =	vst v1  }
0x70: {  	v1 =	vld [tilespmem:s20+$0x210];
	_ =	sdelay $0x4  }
0x71: {  	[tilespmem:s12+$0xFFFFFE90] =	vst v1  }
0x72: {  	v1 =	vld [tilespmem:s20+$0x220];
	_ =	sdelay $0x4  }
0x73: {  	[tilespmem:s12+$0xFFFFFEA0] =	vst v1  }
0x74: {  	v1 =	vld [tilespmem:s20+$0x230];
	_ =	sdelay $0x4  }
0x75: {  	[tilespmem:s12+$0xFFFFFEB0] =	vst v1  }
0x76: {  	v1 =	vld [tilespmem:s20+$0x240];
	_ =	sdelay $0x4  }
0x77: {  	[tilespmem:s12+$0xFFFFFEC0] =	vst v1  }
0x78: {  	v1 =	vld [tilespmem:s20+$0x250];
	_ =	sdelay $0x1  }
0x79: {  	(v2sf) =	vpush v0, $0x6;
	_ =	sdelay $0x2  }
0x7a: {  	[tilespmem:s12+$0xFFFFFED0] =	vst v1  }
0x7b: {  	v1 =	vld [tilespmem:s20+$0x260];
	_ =	sdelay $0x4  }
0x7c: {  	[tilespmem:s12+$0xFFFFFEE0] =	vst v1  }
0x7d: {  	v1 =	vld [tilespmem:s20+$0x270];
	_ =	sdelay $0x4  }
0x7e: {  	s21 =	spop (v2sf);
	[tilespmem:s12+$0xFFFFFEF0] =	vst v1  }
0x7f: {  	v1 =	vld [tilespmem:s21+$0x200];
	_ =	sdelay $0x4  }
0x80: {  	[tilespmem:s12+$0xFFFFFF00] =	vst v1  }
0x81: {  	v1 =	vld [tilespmem:s21+$0x210];
	_ =	sdelay $0x4  }
0x82: {  	[tilespmem:s12+$0xFFFFFF10] =	vst v1  }
0x83: {  	v1 =	vld [tilespmem:s21+$0x220];
	_ =	sdelay $0x4  }
0x84: {  	[tilespmem:s12+$0xFFFFFF20] =	vst v1  }
0x85: {  	v1 =	vld [tilespmem:s21+$0x230];
	_ =	sdelay $0x4  }
0x86: {  	[tilespmem:s12+$0xFFFFFF30] =	vst v1  }
0x87: {  	v1 =	vld [tilespmem:s21+$0x240];
	_ =	sdelay $0x4  }
0x88: {  	[tilespmem:s12+$0xFFFFFF40] =	vst v1  }
0x89: {  	v1 =	vld [tilespmem:s21+$0x250];
	_ =	sdelay $0x1  }
0x8a: {  	(v2sf) =	vpush v0, $0x7;
	_ =	sdelay $0x2  }
0x8b: {  	[tilespmem:s12+$0xFFFFFF50] =	vst v1  }
0x8c: {  	v1 =	vld [tilespmem:s21+$0x260];
	_ =	sdelay $0x4  }
0x8d: {  	[tilespmem:s12+$0xFFFFFF60] =	vst v1  }
0x8e: {  	v1 =	vld [tilespmem:s21+$0x270];
	_ =	sdelay $0x4  }
0x8f: {  	s22 =	spop (v2sf);
	[tilespmem:s12+$0xFFFFFF70] =	vst v1  }
0x90: {  	v1 =	vld [tilespmem:s22+$0x200];
	_ =	sdelay $0x4  }
0x91: {  	[tilespmem:s12+$0xFFFFFF80] =	vst v1  }
0x92: {  	v1 =	vld [tilespmem:s22+$0x210];
	_ =	sdelay $0x4  }
0x93: {  	[tilespmem:s12+$0xFFFFFF90] =	vst v1  }
0x94: {  	v1 =	vld [tilespmem:s22+$0x220];
	_ =	sdelay $0x4  }
0x95: {  	[tilespmem:s12+$0xFFFFFFA0] =	vst v1  }
0x96: {  	v1 =	vld [tilespmem:s22+$0x230];
	_ =	sdelay $0x4  }
0x97: {  	[tilespmem:s12+$0xFFFFFFB0] =	vst v1  }
0x98: {  	v1 =	vld [tilespmem:s22+$0x240];
	_ =	sdelay $0x4  }
0x99: {  	[tilespmem:s12+$0xFFFFFFC0] =	vst v1  }
0x9a: {  	v1 =	vld [tilespmem:s22+$0x250];
	_ =	sdelay $0x1  }
0x9b: {  	(v2sf) =	vpush v0, $0x8;
	_ =	sdelay $0x2  }
0x9c: {  	[tilespmem:s12+$0xFFFFFFD0] =	vst v1  }
0x9d: {  	v1 =	vld [tilespmem:s22+$0x260];
	_ =	sdelay $0x4  }
0x9e: {  	[tilespmem:s12+$0xFFFFFFE0] =	vst v1  }
0x9f: {  	v1 =	vld [tilespmem:s22+$0x270];
	_ =	sdelay $0x4  }
0xa0: {  	s23 =	spop (v2sf);
	[tilespmem:s12+$0xFFFFFFF0] =	vst v1  }
0xa1: {  	v1 =	vld [tilespmem:s23+$0x200];
	_ =	sdelay $0x4  }
0xa2: {  	[tilespmem:s12+$0x0] =	vst v1  }
0xa3: {  	v1 =	vld [tilespmem:s23+$0x210];
	_ =	sdelay $0x4  }
0xa4: {  	[tilespmem:s12+$0x10] =	vst v1  }
0xa5: {  	v1 =	vld [tilespmem:s23+$0x220];
	_ =	sdelay $0x4  }
0xa6: {  	[tilespmem:s12+$0x20] =	vst v1  }
0xa7: {  	v1 =	vld [tilespmem:s23+$0x230];
	_ =	sdelay $0x4  }
0xa8: {  	[tilespmem:s12+$0x30] =	vst v1  }
0xa9: {  	v1 =	vld [tilespmem:s23+$0x240];
	_ =	sdelay $0x4  }
0xaa: {  	[tilespmem:s12+$0x40] =	vst v1  }
0xab: {  	v1 =	vld [tilespmem:s23+$0x250];
	_ =	sdelay $0x1  }
0xac: {  	(v2sf) =	vpush v0, $0x9;
	_ =	sdelay $0x2  }
0xad: {  	[tilespmem:s12+$0x50] =	vst v1  }
0xae: {  	v1 =	vld [tilespmem:s23+$0x260];
	_ =	sdelay $0x4  }
0xaf: {  	[tilespmem:s12+$0x60] =	vst v1  }
0xb0: {  	v1 =	vld [tilespmem:s23+$0x270];
	_ =	sdelay $0x4  }
0xb1: {  	s24 =	spop (v2sf);
	[tilespmem:s12+$0x70] =	vst v1  }
0xb2: {  	v1 =	vld [tilespmem:s24+$0x200];
	_ =	sdelay $0x4  }
0xb3: {  	[tilespmem:s12+$0x80] =	vst v1  }
0xb4: {  	v1 =	vld [tilespmem:s24+$0x210];
	_ =	sdelay $0x4  }
0xb5: {  	[tilespmem:s12+$0x90] =	vst v1  }
0xb6: {  	v1 =	vld [tilespmem:s24+$0x220];
	_ =	sdelay $0x4  }
0xb7: {  	[tilespmem:s12+$0xA0] =	vst v1  }
0xb8: {  	v1 =	vld [tilespmem:s24+$0x230];
	_ =	sdelay $0x4  }
0xb9: {  	[tilespmem:s12+$0xB0] =	vst v1  }
0xba: {  	v1 =	vld [tilespmem:s24+$0x240];
	_ =	sdelay $0x4  }
0xbb: {  	[tilespmem:s12+$0xC0] =	vst v1  }
0xbc: {  	v1 =	vld [tilespmem:s24+$0x250];
	_ =	sdelay $0x1  }
0xbd: {  	(v2sf) =	vpush v0, $0xA;
	_ =	sdelay $0x2  }
0xbe: {  	[tilespmem:s12+$0xD0] =	vst v1  }
0xbf: {  	v1 =	vld [tilespmem:s24+$0x260];
	_ =	sdelay $0x4  }
0xc0: {  	[tilespmem:s12+$0xE0] =	vst v1  }
0xc1: {  	v1 =	vld [tilespmem:s24+$0x270];
	_ =	sdelay $0x4  }
0xc2: {  	s25 =	spop (v2sf);
	[tilespmem:s12+$0xF0] =	vst v1  }
0xc3: {  	v1 =	vld [tilespmem:s25+$0x200];
	_ =	sdelay $0x4  }
0xc4: {  	[tilespmem:s12+$0x100] =	vst v1  }
0xc5: {  	v1 =	vld [tilespmem:s25+$0x210];
	_ =	sdelay $0x4  }
0xc6: {  	[tilespmem:s12+$0x110] =	vst v1  }
0xc7: {  	v1 =	vld [tilespmem:s25+$0x220];
	_ =	sdelay $0x4  }
0xc8: {  	[tilespmem:s12+$0x120] =	vst v1  }
0xc9: {  	v1 =	vld [tilespmem:s25+$0x230];
	_ =	sdelay $0x4  }
0xca: {  	[tilespmem:s12+$0x130] =	vst v1  }
0xcb: {  	v1 =	vld [tilespmem:s25+$0x240];
	_ =	sdelay $0x4  }
0xcc: {  	[tilespmem:s12+$0x140] =	vst v1  }
0xcd: {  	v1 =	vld [tilespmem:s25+$0x250];
	_ =	sdelay $0x1  }
0xce: {  	(v2sf) =	vpush v0, $0xB;
	_ =	sdelay $0x2  }
0xcf: {  	[tilespmem:s12+$0x150] =	vst v1  }
0xd0: {  	v1 =	vld [tilespmem:s25+$0x260];
	_ =	sdelay $0x4  }
0xd1: {  	[tilespmem:s12+$0x160] =	vst v1  }
0xd2: {  	v1 =	vld [tilespmem:s25+$0x270];
	_ =	sdelay $0x4  }
0xd3: {  	s26 =	spop (v2sf);
	[tilespmem:s12+$0x170] =	vst v1  }
0xd4: {  	v1 =	vld [tilespmem:s26+$0x200];
	_ =	sdelay $0x4  }
0xd5: {  	[tilespmem:s12+$0x180] =	vst v1  }
0xd6: {  	v1 =	vld [tilespmem:s26+$0x210];
	_ =	sdelay $0x4  }
0xd7: {  	[tilespmem:s12+$0x190] =	vst v1  }
0xd8: {  	v1 =	vld [tilespmem:s26+$0x220];
	_ =	sdelay $0x4  }
0xd9: {  	[tilespmem:s12+$0x1A0] =	vst v1  }
0xda: {  	v1 =	vld [tilespmem:s26+$0x230];
	_ =	sdelay $0x4  }
0xdb: {  	[tilespmem:s12+$0x1B0] =	vst v1  }
0xdc: {  	v1 =	vld [tilespmem:s26+$0x240];
	_ =	sdelay $0x4  }
0xdd: {  	[tilespmem:s12+$0x1C0] =	vst v1  }
0xde: {  	v1 =	vld [tilespmem:s26+$0x250];
	_ =	sdelay $0x1  }
0xdf: {  	(v2sf) =	vpush v0, $0xC;
	_ =	sdelay $0x2  }
0xe0: {  	[tilespmem:s12+$0x1D0] =	vst v1  }
0xe1: {  	v1 =	vld [tilespmem:s26+$0x260];
	_ =	sdelay $0x4  }
0xe2: {  	[tilespmem:s12+$0x1E0] =	vst v1  }
0xe3: {  	v1 =	vld [tilespmem:s26+$0x270];
	_ =	sdelay $0x4  }
0xe4: {  	s28 =	spop (v2sf);
	[tilespmem:s12+$0x1F0] =	vst v1  }
0xe5: {  	v1 =	vld [tilespmem:s28+$0x200];
	_ =	sdelay $0x4  }
0xe6: {  	[tilespmem:s12+$0x200] =	vst v1  }
0xe7: {  	v1 =	vld [tilespmem:s28+$0x210];
	_ =	sdelay $0x4  }
0xe8: {  	[tilespmem:s12+$0x210] =	vst v1  }
0xe9: {  	v1 =	vld [tilespmem:s28+$0x220];
	_ =	sdelay $0x4  }
0xea: {  	[tilespmem:s12+$0x220] =	vst v1  }
0xeb: {  	v1 =	vld [tilespmem:s28+$0x230];
	_ =	sdelay $0x4  }
0xec: {  	[tilespmem:s12+$0x230] =	vst v1  }
0xed: {  	v1 =	vld [tilespmem:s28+$0x240];
	_ =	sdelay $0x4  }
0xee: {  	[tilespmem:s12+$0x240] =	vst v1  }
0xef: {  	v1 =	vld [tilespmem:s28+$0x250];
	_ =	sdelay $0x1  }
0xf0: {  	(v2sf) =	vpush v0, $0xD;
	_ =	sdelay $0x2  }
0xf1: {  	[tilespmem:s12+$0x250] =	vst v1  }
0xf2: {  	v1 =	vld [tilespmem:s28+$0x260];
	_ =	sdelay $0x4  }
0xf3: {  	[tilespmem:s12+$0x260] =	vst v1  }
0xf4: {  	v1 =	vld [tilespmem:s28+$0x270];
	_ =	sdelay $0x4  }
0xf5: {  	s29 =	spop (v2sf);
	[tilespmem:s12+$0x270] =	vst v1  }
0xf6: {  	v1 =	vld [tilespmem:s29+$0x200];
	_ =	sdelay $0x4  }
0xf7: {  	[tilespmem:s12+$0x280] =	vst v1  }
0xf8: {  	v1 =	vld [tilespmem:s29+$0x210];
	_ =	sdelay $0x4  }
0xf9: {  	[tilespmem:s12+$0x290] =	vst v1  }
0xfa: {  	v1 =	vld [tilespmem:s29+$0x220];
	_ =	sdelay $0x4  }
0xfb: {  	[tilespmem:s12+$0x2A0] =	vst v1  }
0xfc: {  	v1 =	vld [tilespmem:s29+$0x230];
	_ =	sdelay $0x4  }
0xfd: {  	[tilespmem:s12+$0x2B0] =	vst v1  }
0xfe: {  	v1 =	vld [tilespmem:s29+$0x240];
	_ =	sdelay $0x4  }
0xff: {  	[tilespmem:s12+$0x2C0] =	vst v1  }
0x100: {  	v1 =	vld [tilespmem:s29+$0x250];
	_ =	sdelay $0x1  }
0x101: {  	(v2sf) =	vpush v0, $0xE;
	_ =	sdelay $0x2  }
0x102: {  	[tilespmem:s12+$0x2D0] =	vst v1  }
0x103: {  	v1 =	vld [tilespmem:s29+$0x260];
	_ =	sdelay $0x4  }
0x104: {  	[tilespmem:s12+$0x2E0] =	vst v1  }
0x105: {  	v1 =	vld [tilespmem:s29+$0x270];
	_ =	sdelay $0x4  }
0x106: {  	s30 =	spop (v2sf);
	[tilespmem:s12+$0x2F0] =	vst v1  }
0x107: {  	v1 =	vld [tilespmem:s30+$0x200];
	_ =	sdelay $0x4  }
0x108: {  	[tilespmem:s12+$0x300] =	vst v1  }
0x109: {  	v1 =	vld [tilespmem:s30+$0x210];
	_ =	sdelay $0x4  }
0x10a: {  	[tilespmem:s12+$0x310] =	vst v1  }
0x10b: {  	v1 =	vld [tilespmem:s30+$0x220];
	_ =	sdelay $0x4  }
0x10c: {  	[tilespmem:s12+$0x320] =	vst v1  }
0x10d: {  	v1 =	vld [tilespmem:s30+$0x230];
	_ =	sdelay $0x4  }
0x10e: {  	[tilespmem:s12+$0x330] =	vst v1  }
0x10f: {  	v1 =	vld [tilespmem:s30+$0x240];
	_ =	sdelay $0x4  }
0x110: {  	[tilespmem:s12+$0x340] =	vst v1  }
0x111: {  	v1 =	vld [tilespmem:s30+$0x250];
	_ =	sdelay $0x1  }
0x112: {  	(v2sf) =	vpush v0, $0xF;
	_ =	sdelay $0x2  }
0x113: {  	[tilespmem:s12+$0x350] =	vst v1  }
0x114: {  	v63 =	vld [tilespmem:s30+$0x260];
	_ =	sdelay $0x4  }
0x115: {  	[tilespmem:s12+$0x360] =	vst v63  }
0x116: {  	v0 =	vld [tilespmem:s30+$0x270];
	_ =	sdelay $0x4  }
0x117: {  	s31 =	spop (v2sf);
	[tilespmem:s12+$0x370] =	vst v0  }
0x118: {  	v0 =	vld [tilespmem:s31+$0x200];
	_ =	sdelay $0x4  }
0x119: {  	[tilespmem:s12+$0x380] =	vst v0  }
0x11a: {  	v0 =	vld [tilespmem:s31+$0x210];
	_ =	sdelay $0x4  }
0x11b: {  	[tilespmem:s12+$0x390] =	vst v0  }
0x11c: {  	v0 =	vld [tilespmem:s31+$0x220];
	_ =	sdelay $0x4  }
0x11d: {  	[tilespmem:s12+$0x3A0] =	vst v0  }
0x11e: {  	v0 =	vld [tilespmem:s31+$0x230];
	_ =	sdelay $0x4  }
0x11f: {  	[tilespmem:s12+$0x3B0] =	vst v0  }
0x120: {  	v0 =	vld [tilespmem:s31+$0x240];
	_ =	sdelay $0x4  }
0x121: {  	[tilespmem:s12+$0x3C0] =	vst v0  }
0x122: {  	v0 =	vld [tilespmem:s31+$0x250];
	_ =	sdelay $0x4  }
0x123: {  	[tilespmem:s12+$0x3D0] =	vst v0  }
0x124: {  	v0 =	vld [tilespmem:s31+$0x260];
	_ =	sdelay $0x4  }
0x125: {  	[tilespmem:s12+$0x3E0] =	vst v0  }
0x126: {  	v0 =	vld [tilespmem:s31+$0x270];
	_ =	sdelay $0x4  }
0x127: {  	s14 =	simm.s32 $0x10;
	s13 =	simm.s32 $0x80;
	[tilespmem:s12+$0x3F0] =	vst v0  }
.LBB2_2:
0x128: {  	p0 =	sne.s32 s13, $0x3C0;
	v0 =	vld [tilespmem:s14+$0x0];
	_ =	sdelay $0x4  }
0x129: {  	v0 =	vshll.u32 v0, $0x7  }
0x12a: {  	(v2sf) =	vpush v0, $0x0  }
0x12b: {  	(v2sf) =	vpush v0, $0x1  }
0x12c: {  	(v2sf) =	vpush v0, $0x2  }
0x12d: {  	(v2sf) =	vpush v0, $0x3  }
0x12e: {  	(v2sf) =	vpush v0, $0x4  }
0x12f: {  	(v2sf) =	vpush v0, $0x5  }
0x130: {  	(v2sf) =	vpush v0, $0x6  }
0x131: {  	(v2sf) =	vpush v0, $0x7  }
0x132: {  	(v2sf) =	vpush v0, $0x8  }
0x133: {  	(v2sf) =	vpush v0, $0x9  }
0x134: {  	(v2sf) =	vpush v0, $0xA  }
0x135: {  	(v2sf) =	vpush v0, $0xB  }
0x136: {  	(v2sf) =	vpush v0, $0xC  }
0x137: {  	(v2sf) =	vpush v0, $0xD  }
0x138: {  	(v2sf) =	vpush v0, $0xE  }
0x139: {  	s30 =	spop (v2sf);
	(v2sf) =	vpush v0, $0xF  }
0x13a: {  	v0 =	vld [tilespmem:s30+$0x200];
	s29 =	spop (v2sf)  }
0x13b: {  	s28 =	spop (v2sf)  }
0x13c: {  	s26 =	spop (v2sf)  }
0x13d: {  	s25 =	spop (v2sf)  }
0x13e: {  	s12 =	sadd.s32 $0x800, s12;
	s24 =	spop (v2sf)  }
0x13f: {  	[tilespmem:s12+$0xFFFFFC00] =	vst v0;
	s23 =	spop (v2sf)  }
0x140: {  	v0 =	vld [tilespmem:s30+$0x210];
	s22 =	spop (v2sf)  }
0x141: {  	s21 =	spop (v2sf)  }
0x142: {  	s20 =	spop (v2sf)  }
0x143: {  	s19 =	spop (v2sf)  }
0x144: {  	s18 =	spop (v2sf)  }
0x145: {  	[tilespmem:s12+$0xFFFFFC10] =	vst v0;
	s17 =	spop (v2sf)  }
0x146: {  	v0 =	vld [tilespmem:s30+$0x220];
	s16 =	spop (v2sf)  }
0x147: {  	s15 =	spop (v2sf)  }
0x148: {  	s14 =	spop (v2sf);
	_ =	sdelay $0x2  }
0x149: {  	[tilespmem:s12+$0xFFFFFC20] =	vst v0  }
0x14a: {  	v0 =	vld [tilespmem:s30+$0x230];
	_ =	sdelay $0x4  }
0x14b: {  	[tilespmem:s12+$0xFFFFFC30] =	vst v0  }
0x14c: {  	v0 =	vld [tilespmem:s30+$0x240];
	_ =	sdelay $0x4  }
0x14d: {  	[tilespmem:s12+$0xFFFFFC40] =	vst v0  }
0x14e: {  	v0 =	vld [tilespmem:s30+$0x250];
	_ =	sdelay $0x4  }
0x14f: {  	[tilespmem:s12+$0xFFFFFC50] =	vst v0  }
0x150: {  	v0 =	vld [tilespmem:s30+$0x260];
	_ =	sdelay $0x4  }
0x151: {  	[tilespmem:s12+$0xFFFFFC60] =	vst v0  }
0x152: {  	v0 =	vld [tilespmem:s30+$0x270];
	_ =	sdelay $0x4  }
0x153: {  	[tilespmem:s12+$0xFFFFFC70] =	vst v0  }
0x154: {  	v0 =	vld [tilespmem:s29+$0x200];
	_ =	sdelay $0x4  }
0x155: {  	[tilespmem:s12+$0xFFFFFC80] =	vst v0  }
0x156: {  	v0 =	vld [tilespmem:s29+$0x210];
	_ =	sdelay $0x4  }
0x157: {  	[tilespmem:s12+$0xFFFFFC90] =	vst v0  }
0x158: {  	v0 =	vld [tilespmem:s29+$0x220];
	_ =	sdelay $0x4  }
0x159: {  	[tilespmem:s12+$0xFFFFFCA0] =	vst v0  }
0x15a: {  	v0 =	vld [tilespmem:s29+$0x230];
	_ =	sdelay $0x4  }
0x15b: {  	[tilespmem:s12+$0xFFFFFCB0] =	vst v0  }
0x15c: {  	v0 =	vld [tilespmem:s29+$0x240];
	_ =	sdelay $0x4  }
0x15d: {  	[tilespmem:s12+$0xFFFFFCC0] =	vst v0  }
0x15e: {  	v0 =	vld [tilespmem:s29+$0x250];
	_ =	sdelay $0x4  }
0x15f: {  	[tilespmem:s12+$0xFFFFFCD0] =	vst v0  }
0x160: {  	v0 =	vld [tilespmem:s29+$0x260];
	_ =	sdelay $0x4  }
0x161: {  	[tilespmem:s12+$0xFFFFFCE0] =	vst v0  }
0x162: {  	v0 =	vld [tilespmem:s29+$0x270];
	_ =	sdelay $0x4  }
0x163: {  	[tilespmem:s12+$0xFFFFFCF0] =	vst v0  }
0x164: {  	v0 =	vld [tilespmem:s28+$0x200];
	_ =	sdelay $0x4  }
0x165: {  	[tilespmem:s12+$0xFFFFFD00] =	vst v0  }
0x166: {  	v0 =	vld [tilespmem:s28+$0x210];
	_ =	sdelay $0x4  }
0x167: {  	[tilespmem:s12+$0xFFFFFD10] =	vst v0  }
0x168: {  	v0 =	vld [tilespmem:s28+$0x220];
	_ =	sdelay $0x4  }
0x169: {  	[tilespmem:s12+$0xFFFFFD20] =	vst v0  }
0x16a: {  	v0 =	vld [tilespmem:s28+$0x230];
	_ =	sdelay $0x4  }
0x16b: {  	[tilespmem:s12+$0xFFFFFD30] =	vst v0  }
0x16c: {  	v0 =	vld [tilespmem:s28+$0x240];
	_ =	sdelay $0x4  }
0x16d: {  	[tilespmem:s12+$0xFFFFFD40] =	vst v0  }
0x16e: {  	v0 =	vld [tilespmem:s28+$0x250];
	_ =	sdelay $0x4  }
0x16f: {  	[tilespmem:s12+$0xFFFFFD50] =	vst v0  }
0x170: {  	v0 =	vld [tilespmem:s28+$0x260];
	_ =	sdelay $0x4  }
0x171: {  	[tilespmem:s12+$0xFFFFFD60] =	vst v0  }
0x172: {  	v0 =	vld [tilespmem:s28+$0x270];
	_ =	sdelay $0x4  }
0x173: {  	[tilespmem:s12+$0xFFFFFD70] =	vst v0  }
0x174: {  	v0 =	vld [tilespmem:s26+$0x200];
	_ =	sdelay $0x4  }
0x175: {  	[tilespmem:s12+$0xFFFFFD80] =	vst v0  }
0x176: {  	v0 =	vld [tilespmem:s26+$0x210];
	_ =	sdelay $0x4  }
0x177: {  	[tilespmem:s12+$0xFFFFFD90] =	vst v0  }
0x178: {  	v0 =	vld [tilespmem:s26+$0x220];
	_ =	sdelay $0x4  }
0x179: {  	[tilespmem:s12+$0xFFFFFDA0] =	vst v0  }
0x17a: {  	v0 =	vld [tilespmem:s26+$0x230];
	_ =	sdelay $0x4  }
0x17b: {  	[tilespmem:s12+$0xFFFFFDB0] =	vst v0  }
0x17c: {  	v0 =	vld [tilespmem:s26+$0x240];
	_ =	sdelay $0x4  }
0x17d: {  	[tilespmem:s12+$0xFFFFFDC0] =	vst v0  }
0x17e: {  	v0 =	vld [tilespmem:s26+$0x250];
	_ =	sdelay $0x4  }
0x17f: {  	[tilespmem:s12+$0xFFFFFDD0] =	vst v0  }
0x180: {  	v0 =	vld [tilespmem:s26+$0x260];
	_ =	sdelay $0x4  }
0x181: {  	[tilespmem:s12+$0xFFFFFDE0] =	vst v0  }
0x182: {  	v0 =	vld [tilespmem:s26+$0x270];
	_ =	sdelay $0x4  }
0x183: {  	[tilespmem:s12+$0xFFFFFDF0] =	vst v0  }
0x184: {  	v0 =	vld [tilespmem:s25+$0x200];
	_ =	sdelay $0x4  }
0x185: {  	[tilespmem:s12+$0xFFFFFE00] =	vst v0  }
0x186: {  	v0 =	vld [tilespmem:s25+$0x210];
	_ =	sdelay $0x4  }
0x187: {  	[tilespmem:s12+$0xFFFFFE10] =	vst v0  }
0x188: {  	v0 =	vld [tilespmem:s25+$0x220];
	_ =	sdelay $0x4  }
0x189: {  	[tilespmem:s12+$0xFFFFFE20] =	vst v0  }
0x18a: {  	v0 =	vld [tilespmem:s25+$0x230];
	_ =	sdelay $0x4  }
0x18b: {  	[tilespmem:s12+$0xFFFFFE30] =	vst v0  }
0x18c: {  	v0 =	vld [tilespmem:s25+$0x240];
	_ =	sdelay $0x4  }
0x18d: {  	[tilespmem:s12+$0xFFFFFE40] =	vst v0  }
0x18e: {  	v0 =	vld [tilespmem:s25+$0x250];
	_ =	sdelay $0x4  }
0x18f: {  	[tilespmem:s12+$0xFFFFFE50] =	vst v0  }
0x190: {  	v0 =	vld [tilespmem:s25+$0x260];
	_ =	sdelay $0x4  }
0x191: {  	[tilespmem:s12+$0xFFFFFE60] =	vst v0  }
0x192: {  	v0 =	vld [tilespmem:s25+$0x270];
	_ =	sdelay $0x4  }
0x193: {  	[tilespmem:s12+$0xFFFFFE70] =	vst v0  }
0x194: {  	v0 =	vld [tilespmem:s24+$0x200];
	_ =	sdelay $0x4  }
0x195: {  	[tilespmem:s12+$0xFFFFFE80] =	vst v0  }
0x196: {  	v0 =	vld [tilespmem:s24+$0x210];
	_ =	sdelay $0x4  }
0x197: {  	[tilespmem:s12+$0xFFFFFE90] =	vst v0  }
0x198: {  	v0 =	vld [tilespmem:s24+$0x220];
	_ =	sdelay $0x4  }
0x199: {  	[tilespmem:s12+$0xFFFFFEA0] =	vst v0  }
0x19a: {  	v0 =	vld [tilespmem:s24+$0x230];
	_ =	sdelay $0x4  }
0x19b: {  	[tilespmem:s12+$0xFFFFFEB0] =	vst v0  }
0x19c: {  	v0 =	vld [tilespmem:s24+$0x240];
	_ =	sdelay $0x4  }
0x19d: {  	[tilespmem:s12+$0xFFFFFEC0] =	vst v0  }
0x19e: {  	v0 =	vld [tilespmem:s24+$0x250];
	_ =	sdelay $0x4  }
0x19f: {  	[tilespmem:s12+$0xFFFFFED0] =	vst v0  }
0x1a0: {  	v0 =	vld [tilespmem:s24+$0x260];
	_ =	sdelay $0x4  }
0x1a1: {  	[tilespmem:s12+$0xFFFFFEE0] =	vst v0  }
0x1a2: {  	v0 =	vld [tilespmem:s24+$0x270];
	_ =	sdelay $0x4  }
0x1a3: {  	[tilespmem:s12+$0xFFFFFEF0] =	vst v0  }
0x1a4: {  	v0 =	vld [tilespmem:s23+$0x200];
	_ =	sdelay $0x4  }
0x1a5: {  	[tilespmem:s12+$0xFFFFFF00] =	vst v0  }
0x1a6: {  	v0 =	vld [tilespmem:s23+$0x210];
	_ =	sdelay $0x4  }
0x1a7: {  	[tilespmem:s12+$0xFFFFFF10] =	vst v0  }
0x1a8: {  	v0 =	vld [tilespmem:s23+$0x220];
	_ =	sdelay $0x4  }
0x1a9: {  	[tilespmem:s12+$0xFFFFFF20] =	vst v0  }
0x1aa: {  	v0 =	vld [tilespmem:s23+$0x230];
	_ =	sdelay $0x4  }
0x1ab: {  	[tilespmem:s12+$0xFFFFFF30] =	vst v0  }
0x1ac: {  	v0 =	vld [tilespmem:s23+$0x240];
	_ =	sdelay $0x4  }
0x1ad: {  	[tilespmem:s12+$0xFFFFFF40] =	vst v0  }
0x1ae: {  	v0 =	vld [tilespmem:s23+$0x250];
	_ =	sdelay $0x4  }
0x1af: {  	[tilespmem:s12+$0xFFFFFF50] =	vst v0  }
0x1b0: {  	v0 =	vld [tilespmem:s23+$0x260];
	_ =	sdelay $0x4  }
0x1b1: {  	[tilespmem:s12+$0xFFFFFF60] =	vst v0  }
0x1b2: {  	v0 =	vld [tilespmem:s23+$0x270];
	_ =	sdelay $0x4  }
0x1b3: {  	[tilespmem:s12+$0xFFFFFF70] =	vst v0  }
0x1b4: {  	v0 =	vld [tilespmem:s22+$0x200];
	_ =	sdelay $0x4  }
0x1b5: {  	[tilespmem:s12+$0xFFFFFF80] =	vst v0  }
0x1b6: {  	v0 =	vld [tilespmem:s22+$0x210];
	_ =	sdelay $0x4  }
0x1b7: {  	[tilespmem:s12+$0xFFFFFF90] =	vst v0  }
0x1b8: {  	v0 =	vld [tilespmem:s22+$0x220];
	_ =	sdelay $0x4  }
0x1b9: {  	[tilespmem:s12+$0xFFFFFFA0] =	vst v0  }
0x1ba: {  	v0 =	vld [tilespmem:s22+$0x230];
	_ =	sdelay $0x4  }
0x1bb: {  	[tilespmem:s12+$0xFFFFFFB0] =	vst v0  }
0x1bc: {  	v0 =	vld [tilespmem:s22+$0x240];
	_ =	sdelay $0x4  }
0x1bd: {  	[tilespmem:s12+$0xFFFFFFC0] =	vst v0  }
0x1be: {  	v0 =	vld [tilespmem:s22+$0x250];
	_ =	sdelay $0x4  }
0x1bf: {  	[tilespmem:s12+$0xFFFFFFD0] =	vst v0  }
0x1c0: {  	v0 =	vld [tilespmem:s22+$0x260];
	_ =	sdelay $0x4  }
0x1c1: {  	[tilespmem:s12+$0xFFFFFFE0] =	vst v0  }
0x1c2: {  	v0 =	vld [tilespmem:s22+$0x270];
	_ =	sdelay $0x4  }
0x1c3: {  	[tilespmem:s12+$0xFFFFFFF0] =	vst v0  }
0x1c4: {  	v0 =	vld [tilespmem:s21+$0x200];
	_ =	sdelay $0x4  }
0x1c5: {  	[tilespmem:s12+$0x0] =	vst v0  }
0x1c6: {  	v0 =	vld [tilespmem:s21+$0x210];
	_ =	sdelay $0x4  }
0x1c7: {  	[tilespmem:s12+$0x10] =	vst v0  }
0x1c8: {  	v0 =	vld [tilespmem:s21+$0x220];
	_ =	sdelay $0x4  }
0x1c9: {  	[tilespmem:s12+$0x20] =	vst v0  }
0x1ca: {  	v0 =	vld [tilespmem:s21+$0x230];
	_ =	sdelay $0x4  }
0x1cb: {  	[tilespmem:s12+$0x30] =	vst v0  }
0x1cc: {  	v0 =	vld [tilespmem:s21+$0x240];
	_ =	sdelay $0x4  }
0x1cd: {  	[tilespmem:s12+$0x40] =	vst v0  }
0x1ce: {  	v0 =	vld [tilespmem:s21+$0x250];
	_ =	sdelay $0x4  }
0x1cf: {  	[tilespmem:s12+$0x50] =	vst v0  }
0x1d0: {  	v0 =	vld [tilespmem:s21+$0x260];
	_ =	sdelay $0x4  }
0x1d1: {  	[tilespmem:s12+$0x60] =	vst v0  }
0x1d2: {  	v0 =	vld [tilespmem:s21+$0x270];
	_ =	sdelay $0x4  }
0x1d3: {  	[tilespmem:s12+$0x70] =	vst v0  }
0x1d4: {  	v0 =	vld [tilespmem:s20+$0x200];
	_ =	sdelay $0x4  }
0x1d5: {  	[tilespmem:s12+$0x80] =	vst v0  }
0x1d6: {  	v0 =	vld [tilespmem:s20+$0x210];
	_ =	sdelay $0x4  }
0x1d7: {  	[tilespmem:s12+$0x90] =	vst v0  }
0x1d8: {  	v0 =	vld [tilespmem:s20+$0x220];
	_ =	sdelay $0x4  }
0x1d9: {  	[tilespmem:s12+$0xA0] =	vst v0  }
0x1da: {  	v0 =	vld [tilespmem:s20+$0x230];
	_ =	sdelay $0x4  }
0x1db: {  	[tilespmem:s12+$0xB0] =	vst v0  }
0x1dc: {  	v0 =	vld [tilespmem:s20+$0x240];
	_ =	sdelay $0x4  }
0x1dd: {  	[tilespmem:s12+$0xC0] =	vst v0  }
0x1de: {  	v0 =	vld [tilespmem:s20+$0x250];
	_ =	sdelay $0x4  }
0x1df: {  	[tilespmem:s12+$0xD0] =	vst v0  }
0x1e0: {  	v0 =	vld [tilespmem:s20+$0x260];
	_ =	sdelay $0x4  }
0x1e1: {  	[tilespmem:s12+$0xE0] =	vst v0  }
0x1e2: {  	v0 =	vld [tilespmem:s20+$0x270];
	_ =	sdelay $0x4  }
0x1e3: {  	[tilespmem:s12+$0xF0] =	vst v0  }
0x1e4: {  	v0 =	vld [tilespmem:s19+$0x200];
	_ =	sdelay $0x4  }
0x1e5: {  	[tilespmem:s12+$0x100] =	vst v0  }
0x1e6: {  	v0 =	vld [tilespmem:s19+$0x210];
	_ =	sdelay $0x4  }
0x1e7: {  	[tilespmem:s12+$0x110] =	vst v0  }
0x1e8: {  	v0 =	vld [tilespmem:s19+$0x220];
	_ =	sdelay $0x4  }
0x1e9: {  	[tilespmem:s12+$0x120] =	vst v0  }
0x1ea: {  	v0 =	vld [tilespmem:s19+$0x230];
	_ =	sdelay $0x4  }
0x1eb: {  	[tilespmem:s12+$0x130] =	vst v0  }
0x1ec: {  	v0 =	vld [tilespmem:s19+$0x240];
	_ =	sdelay $0x4  }
0x1ed: {  	[tilespmem:s12+$0x140] =	vst v0  }
0x1ee: {  	v0 =	vld [tilespmem:s19+$0x250];
	_ =	sdelay $0x4  }
0x1ef: {  	[tilespmem:s12+$0x150] =	vst v0  }
0x1f0: {  	v0 =	vld [tilespmem:s19+$0x260];
	_ =	sdelay $0x4  }
0x1f1: {  	[tilespmem:s12+$0x160] =	vst v0  }
0x1f2: {  	v0 =	vld [tilespmem:s19+$0x270];
	_ =	sdelay $0x4  }
0x1f3: {  	[tilespmem:s12+$0x170] =	vst v0  }
0x1f4: {  	v0 =	vld [tilespmem:s18+$0x200];
	_ =	sdelay $0x4  }
0x1f5: {  	[tilespmem:s12+$0x180] =	vst v0  }
0x1f6: {  	v0 =	vld [tilespmem:s18+$0x210];
	_ =	sdelay $0x4  }
0x1f7: {  	[tilespmem:s12+$0x190] =	vst v0  }
0x1f8: {  	v0 =	vld [tilespmem:s18+$0x220];
	_ =	sdelay $0x4  }
0x1f9: {  	[tilespmem:s12+$0x1A0] =	vst v0  }
0x1fa: {  	v0 =	vld [tilespmem:s18+$0x230];
	_ =	sdelay $0x4  }
0x1fb: {  	[tilespmem:s12+$0x1B0] =	vst v0  }
0x1fc: {  	v0 =	vld [tilespmem:s18+$0x240];
	_ =	sdelay $0x4  }
0x1fd: {  	[tilespmem:s12+$0x1C0] =	vst v0  }
0x1fe: {  	v0 =	vld [tilespmem:s18+$0x250];
	_ =	sdelay $0x4  }
0x1ff: {  	[tilespmem:s12+$0x1D0] =	vst v0  }
0x200: {  	v0 =	vld [tilespmem:s18+$0x260];
	_ =	sdelay $0x4  }
0x201: {  	[tilespmem:s12+$0x1E0] =	vst v0  }
0x202: {  	v0 =	vld [tilespmem:s18+$0x270];
	_ =	sdelay $0x4  }
0x203: {  	[tilespmem:s12+$0x1F0] =	vst v0  }
0x204: {  	v0 =	vld [tilespmem:s17+$0x200];
	_ =	sdelay $0x4  }
0x205: {  	[tilespmem:s12+$0x200] =	vst v0  }
0x206: {  	v0 =	vld [tilespmem:s17+$0x210];
	_ =	sdelay $0x4  }
0x207: {  	[tilespmem:s12+$0x210] =	vst v0  }
0x208: {  	v0 =	vld [tilespmem:s17+$0x220];
	_ =	sdelay $0x4  }
0x209: {  	[tilespmem:s12+$0x220] =	vst v0  }
0x20a: {  	v0 =	vld [tilespmem:s17+$0x230];
	_ =	sdelay $0x4  }
0x20b: {  	[tilespmem:s12+$0x230] =	vst v0  }
0x20c: {  	v0 =	vld [tilespmem:s17+$0x240];
	_ =	sdelay $0x4  }
0x20d: {  	[tilespmem:s12+$0x240] =	vst v0  }
0x20e: {  	v0 =	vld [tilespmem:s17+$0x250];
	_ =	sdelay $0x4  }
0x20f: {  	[tilespmem:s12+$0x250] =	vst v0  }
0x210: {  	v0 =	vld [tilespmem:s17+$0x260];
	_ =	sdelay $0x4  }
0x211: {  	[tilespmem:s12+$0x260] =	vst v0  }
0x212: {  	v0 =	vld [tilespmem:s17+$0x270];
	_ =	sdelay $0x4  }
0x213: {  	[tilespmem:s12+$0x270] =	vst v0  }
0x214: {  	v0 =	vld [tilespmem:s16+$0x200];
	_ =	sdelay $0x4  }
0x215: {  	[tilespmem:s12+$0x280] =	vst v0  }
0x216: {  	v0 =	vld [tilespmem:s16+$0x210];
	_ =	sdelay $0x4  }
0x217: {  	[tilespmem:s12+$0x290] =	vst v0  }
0x218: {  	v0 =	vld [tilespmem:s16+$0x220];
	_ =	sdelay $0x4  }
0x219: {  	[tilespmem:s12+$0x2A0] =	vst v0  }
0x21a: {  	v0 =	vld [tilespmem:s16+$0x230];
	_ =	sdelay $0x4  }
0x21b: {  	[tilespmem:s12+$0x2B0] =	vst v0  }
0x21c: {  	v0 =	vld [tilespmem:s16+$0x240];
	_ =	sdelay $0x4  }
0x21d: {  	[tilespmem:s12+$0x2C0] =	vst v0  }
0x21e: {  	v0 =	vld [tilespmem:s16+$0x250];
	_ =	sdelay $0x4  }
0x21f: {  	[tilespmem:s12+$0x2D0] =	vst v0  }
0x220: {  	v0 =	vld [tilespmem:s16+$0x260];
	_ =	sdelay $0x4  }
0x221: {  	[tilespmem:s12+$0x2E0] =	vst v0  }
0x222: {  	v0 =	vld [tilespmem:s16+$0x270];
	_ =	sdelay $0x4  }
0x223: {  	[tilespmem:s12+$0x2F0] =	vst v0  }
0x224: {  	v0 =	vld [tilespmem:s15+$0x200];
	_ =	sdelay $0x4  }
0x225: {  	[tilespmem:s12+$0x300] =	vst v0  }
0x226: {  	v0 =	vld [tilespmem:s15+$0x210];
	_ =	sdelay $0x4  }
0x227: {  	[tilespmem:s12+$0x310] =	vst v0  }
0x228: {  	v0 =	vld [tilespmem:s15+$0x220];
	_ =	sdelay $0x4  }
0x229: {  	[tilespmem:s12+$0x320] =	vst v0  }
0x22a: {  	v0 =	vld [tilespmem:s15+$0x230];
	_ =	sdelay $0x4  }
0x22b: {  	[tilespmem:s12+$0x330] =	vst v0  }
0x22c: {  	v0 =	vld [tilespmem:s15+$0x240];
	_ =	sdelay $0x4  }
0x22d: {  	[tilespmem:s12+$0x340] =	vst v0  }
0x22e: {  	v0 =	vld [tilespmem:s15+$0x250];
	_ =	sdelay $0x4  }
0x22f: {  	[tilespmem:s12+$0x350] =	vst v0  }
0x230: {  	v0 =	vld [tilespmem:s15+$0x260];
	_ =	sdelay $0x4  }
0x231: {  	[tilespmem:s12+$0x360] =	vst v0  }
0x232: {  	v0 =	vld [tilespmem:s15+$0x270];
	_ =	sdelay $0x4  }
0x233: {  	[tilespmem:s12+$0x370] =	vst v0  }
0x234: {  	v0 =	vld [tilespmem:s14+$0x200];
	_ =	sdelay $0x4  }
0x235: {  	[tilespmem:s12+$0x380] =	vst v0  }
0x236: {  	v0 =	vld [tilespmem:s14+$0x210];
	_ =	sdelay $0x4  }
0x237: {  	[tilespmem:s12+$0x390] =	vst v0  }
0x238: {  	v0 =	vld [tilespmem:s14+$0x220];
	_ =	sdelay $0x4  }
0x239: {  	[tilespmem:s12+$0x3A0] =	vst v0  }
0x23a: {  	v0 =	vld [tilespmem:s14+$0x230];
	_ =	sdelay $0x4  }
0x23b: {  	[tilespmem:s12+$0x3B0] =	vst v0  }
0x23c: {  	v0 =	vld [tilespmem:s14+$0x240];
	_ =	sdelay $0x4  }
0x23d: {  	[tilespmem:s12+$0x3C0] =	vst v0  }
0x23e: {  	v0 =	vld [tilespmem:s14+$0x250];
	_ =	sdelay $0x4  }
0x23f: {  	[tilespmem:s12+$0x3D0] =	vst v0  }
0x240: {  	v0 =	vld [tilespmem:s14+$0x260];
	_ =	sdelay $0x4  }
0x241: {  	[tilespmem:s12+$0x3E0] =	vst v0  }
0x242: {  	v0 =	vld [tilespmem:s14+$0x270]  }
.Ltmp0:
0x243: {  	(pc) =	sbr.rel @p0 .LBB2_2-.Ltmp0, $2  }
0x244: {  	_ =	sdelay $0x2  }
0x245: {  	s14 =	sshra.s32 s13, $0x2;
	s13 =	sadd.s32 $0x40, s13;
	[tilespmem:s12+$0x3F0] =	vst v0  }
0x246: {  	v0 =	vld [tilespmem:s14+$0x0];
	_ =	sdelay $0x4  }
0x247: {  	v0 =	vshll.u32 v0, $0x7  }
0x248: {  	(v2sf) =	vpush v0, $0x0;
	_ =	sdelay $0xe  }
0x249: {  	s13 =	spop (v2sf)  }
0x24a: {  	v1 =	vld [tilespmem:s13+$0x200];
	_ =	sdelay $0x3  }
0x24b: {  	s12 =	sadd.s32 $0x800, s12  }
0x24c: {  	[tilespmem:s12+$0xFFFFFC00] =	vst v1  }
0x24d: {  	v1 =	vld [tilespmem:s13+$0x210];
	_ =	sdelay $0x4  }
0x24e: {  	[tilespmem:s12+$0xFFFFFC10] =	vst v1  }
0x24f: {  	v1 =	vld [tilespmem:s13+$0x220];
	_ =	sdelay $0x4  }
0x250: {  	[tilespmem:s12+$0xFFFFFC20] =	vst v1  }
0x251: {  	v1 =	vld [tilespmem:s13+$0x230];
	_ =	sdelay $0x4  }
0x252: {  	[tilespmem:s12+$0xFFFFFC30] =	vst v1  }
0x253: {  	v1 =	vld [tilespmem:s13+$0x240];
	_ =	sdelay $0x4  }
0x254: {  	[tilespmem:s12+$0xFFFFFC40] =	vst v1  }
0x255: {  	v1 =	vld [tilespmem:s13+$0x250];
	_ =	sdelay $0x1  }
0x256: {  	(v2sf) =	vpush v0, $0x1;
	_ =	sdelay $0x2  }
0x257: {  	[tilespmem:s12+$0xFFFFFC50] =	vst v1  }
0x258: {  	v1 =	vld [tilespmem:s13+$0x260];
	_ =	sdelay $0x4  }
0x259: {  	[tilespmem:s12+$0xFFFFFC60] =	vst v1  }
0x25a: {  	v1 =	vld [tilespmem:s13+$0x270];
	_ =	sdelay $0x4  }
0x25b: {  	s28 =	spop (v2sf);
	[tilespmem:s12+$0xFFFFFC70] =	vst v1  }
0x25c: {  	v1 =	vld [tilespmem:s28+$0x200];
	_ =	sdelay $0x4  }
0x25d: {  	[tilespmem:s12+$0xFFFFFC80] =	vst v1  }
0x25e: {  	v1 =	vld [tilespmem:s28+$0x210];
	_ =	sdelay $0x4  }
0x25f: {  	[tilespmem:s12+$0xFFFFFC90] =	vst v1  }
0x260: {  	v1 =	vld [tilespmem:s28+$0x220];
	_ =	sdelay $0x4  }
0x261: {  	[tilespmem:s12+$0xFFFFFCA0] =	vst v1  }
0x262: {  	v1 =	vld [tilespmem:s28+$0x230];
	_ =	sdelay $0x4  }
0x263: {  	[tilespmem:s12+$0xFFFFFCB0] =	vst v1  }
0x264: {  	v1 =	vld [tilespmem:s28+$0x240];
	_ =	sdelay $0x4  }
0x265: {  	[tilespmem:s12+$0xFFFFFCC0] =	vst v1  }
0x266: {  	v1 =	vld [tilespmem:s28+$0x250];
	_ =	sdelay $0x1  }
0x267: {  	(v2sf) =	vpush v0, $0x2;
	_ =	sdelay $0x2  }
0x268: {  	[tilespmem:s12+$0xFFFFFCD0] =	vst v1  }
0x269: {  	v1 =	vld [tilespmem:s28+$0x260];
	_ =	sdelay $0x4  }
0x26a: {  	[tilespmem:s12+$0xFFFFFCE0] =	vst v1  }
0x26b: {  	v1 =	vld [tilespmem:s28+$0x270];
	_ =	sdelay $0x4  }
0x26c: {  	s29 =	spop (v2sf);
	[tilespmem:s12+$0xFFFFFCF0] =	vst v1  }
0x26d: {  	v1 =	vld [tilespmem:s29+$0x200];
	_ =	sdelay $0x4  }
0x26e: {  	[tilespmem:s12+$0xFFFFFD00] =	vst v1  }
0x26f: {  	v1 =	vld [tilespmem:s29+$0x210];
	_ =	sdelay $0x4  }
0x270: {  	[tilespmem:s12+$0xFFFFFD10] =	vst v1  }
0x271: {  	v1 =	vld [tilespmem:s29+$0x220];
	_ =	sdelay $0x4  }
0x272: {  	[tilespmem:s12+$0xFFFFFD20] =	vst v1  }
0x273: {  	v1 =	vld [tilespmem:s29+$0x230];
	_ =	sdelay $0x1  }
0x274: {  	(v2sf) =	vpush v0, $0x3  }
0x275: {  	(v2sf) =	vpush v0, $0x4  }
0x276: {  	(v2sf) =	vpush v0, $0x5  }
0x277: {  	(v2sf) =	vpush v0, $0x6;
	[tilespmem:s12+$0xFFFFFD30] =	vst v1  }
0x278: {  	(v2sf) =	vpush v0, $0x7;
	v1 =	vld [tilespmem:s29+$0x240]  }
0x279: {  	(v2sf) =	vpush v0, $0x8  }
0x27a: {  	(v2sf) =	vpush v0, $0x9  }
0x27b: {  	(v2sf) =	vpush v0, $0xA  }
0x27c: {  	(v2sf) =	vpush v0, $0xB  }
0x27d: {  	(v2sf) =	vpush v0, $0xC;
	[tilespmem:s12+$0xFFFFFD40] =	vst v1  }
0x27e: {  	(v2sf) =	vpush v0, $0xD;
	v1 =	vld [tilespmem:s29+$0x250]  }
0x27f: {  	(v2sf) =	vpush v0, $0xE  }
0x280: {  	(v2sf) =	vpush v0, $0xF;
	_ =	sdelay $0x2  }
0x281: {  	s23 =	spop (v2sf);
	[tilespmem:s12+$0xFFFFFD50] =	vst v1  }
0x282: {  	s24 =	spop (v2sf);
	v60 =	vld [tilespmem:s29+$0x260]  }
0x283: {  	s25 =	spop (v2sf)  }
0x284: {  	s22 =	spop (v2sf)  }
0x285: {  	s21 =	spop (v2sf)  }
0x286: {  	s20 =	spop (v2sf)  }
0x287: {  	s19 =	spop (v2sf);
	[tilespmem:s12+$0xFFFFFD60] =	vst v60  }
0x288: {  	s18 =	spop (v2sf);
	v0 =	vld [tilespmem:s29+$0x270]  }
0x289: {  	s17 =	spop (v2sf)  }
0x28a: {  	s16 =	spop (v2sf)  }
0x28b: {  	s15 =	spop (v2sf)  }
0x28c: {  	s30 =	spop (v2sf)  }
0x28d: {  	s31 =	spop (v2sf);
	[tilespmem:s12+$0xFFFFFD70] =	vst v0  }
0x28e: {  	v0 =	vld [tilespmem:s23+$0x200];
	_ =	sdelay $0x4  }
0x28f: {  	[tilespmem:s12+$0xFFFFFD80] =	vst v0  }
0x290: {  	v0 =	vld [tilespmem:s23+$0x210];
	_ =	sdelay $0x4  }
0x291: {  	[tilespmem:s12+$0xFFFFFD90] =	vst v0  }
0x292: {  	v0 =	vld [tilespmem:s23+$0x220];
	_ =	sdelay $0x4  }
0x293: {  	[tilespmem:s12+$0xFFFFFDA0] =	vst v0  }
0x294: {  	v0 =	vld [tilespmem:s23+$0x230];
	_ =	sdelay $0x4  }
0x295: {  	[tilespmem:s12+$0xFFFFFDB0] =	vst v0  }
0x296: {  	v0 =	vld [tilespmem:s23+$0x240];
	_ =	sdelay $0x4  }
0x297: {  	[tilespmem:s12+$0xFFFFFDC0] =	vst v0  }
0x298: {  	v0 =	vld [tilespmem:s23+$0x250];
	_ =	sdelay $0x4  }
0x299: {  	[tilespmem:s12+$0xFFFFFDD0] =	vst v0  }
0x29a: {  	v0 =	vld [tilespmem:s23+$0x260];
	_ =	sdelay $0x4  }
0x29b: {  	[tilespmem:s12+$0xFFFFFDE0] =	vst v0  }
0x29c: {  	v0 =	vld [tilespmem:s23+$0x270];
	_ =	sdelay $0x4  }
0x29d: {  	[tilespmem:s12+$0xFFFFFDF0] =	vst v0  }
0x29e: {  	v0 =	vld [tilespmem:s24+$0x200];
	_ =	sdelay $0x4  }
0x29f: {  	[tilespmem:s12+$0xFFFFFE00] =	vst v0  }
0x2a0: {  	v0 =	vld [tilespmem:s24+$0x210];
	_ =	sdelay $0x4  }
0x2a1: {  	[tilespmem:s12+$0xFFFFFE10] =	vst v0  }
0x2a2: {  	v0 =	vld [tilespmem:s24+$0x220];
	_ =	sdelay $0x4  }
0x2a3: {  	[tilespmem:s12+$0xFFFFFE20] =	vst v0  }
0x2a4: {  	v0 =	vld [tilespmem:s24+$0x230];
	_ =	sdelay $0x4  }
0x2a5: {  	[tilespmem:s12+$0xFFFFFE30] =	vst v0  }
0x2a6: {  	v0 =	vld [tilespmem:s24+$0x240];
	_ =	sdelay $0x4  }
0x2a7: {  	[tilespmem:s12+$0xFFFFFE40] =	vst v0  }
0x2a8: {  	v0 =	vld [tilespmem:s24+$0x250];
	_ =	sdelay $0x4  }
0x2a9: {  	[tilespmem:s12+$0xFFFFFE50] =	vst v0  }
0x2aa: {  	v0 =	vld [tilespmem:s24+$0x260];
	_ =	sdelay $0x4  }
0x2ab: {  	[tilespmem:s12+$0xFFFFFE60] =	vst v0  }
0x2ac: {  	v0 =	vld [tilespmem:s24+$0x270];
	_ =	sdelay $0x4  }
0x2ad: {  	[tilespmem:s12+$0xFFFFFE70] =	vst v0  }
0x2ae: {  	v0 =	vld [tilespmem:s25+$0x200];
	_ =	sdelay $0x4  }
0x2af: {  	[tilespmem:s12+$0xFFFFFE80] =	vst v0  }
0x2b0: {  	v0 =	vld [tilespmem:s25+$0x210];
	_ =	sdelay $0x4  }
0x2b1: {  	[tilespmem:s12+$0xFFFFFE90] =	vst v0  }
0x2b2: {  	v0 =	vld [tilespmem:s25+$0x220];
	_ =	sdelay $0x4  }
0x2b3: {  	[tilespmem:s12+$0xFFFFFEA0] =	vst v0  }
0x2b4: {  	v0 =	vld [tilespmem:s25+$0x230];
	_ =	sdelay $0x4  }
0x2b5: {  	[tilespmem:s12+$0xFFFFFEB0] =	vst v0  }
0x2b6: {  	v0 =	vld [tilespmem:s25+$0x240];
	_ =	sdelay $0x4  }
0x2b7: {  	[tilespmem:s12+$0xFFFFFEC0] =	vst v0  }
0x2b8: {  	v0 =	vld [tilespmem:s25+$0x250];
	_ =	sdelay $0x4  }
0x2b9: {  	[tilespmem:s12+$0xFFFFFED0] =	vst v0  }
0x2ba: {  	v0 =	vld [tilespmem:s25+$0x260];
	_ =	sdelay $0x4  }
0x2bb: {  	[tilespmem:s12+$0xFFFFFEE0] =	vst v0  }
0x2bc: {  	v0 =	vld [tilespmem:s25+$0x270];
	_ =	sdelay $0x4  }
0x2bd: {  	[tilespmem:s12+$0xFFFFFEF0] =	vst v0  }
0x2be: {  	v0 =	vld [tilespmem:s22+$0x200];
	_ =	sdelay $0x4  }
0x2bf: {  	[tilespmem:s12+$0xFFFFFF00] =	vst v0  }
0x2c0: {  	v0 =	vld [tilespmem:s22+$0x210];
	_ =	sdelay $0x4  }
0x2c1: {  	[tilespmem:s12+$0xFFFFFF10] =	vst v0  }
0x2c2: {  	v0 =	vld [tilespmem:s22+$0x220];
	_ =	sdelay $0x4  }
0x2c3: {  	[tilespmem:s12+$0xFFFFFF20] =	vst v0  }
0x2c4: {  	v0 =	vld [tilespmem:s22+$0x230];
	_ =	sdelay $0x4  }
0x2c5: {  	[tilespmem:s12+$0xFFFFFF30] =	vst v0  }
0x2c6: {  	v0 =	vld [tilespmem:s22+$0x240];
	_ =	sdelay $0x4  }
0x2c7: {  	[tilespmem:s12+$0xFFFFFF40] =	vst v0  }
0x2c8: {  	v0 =	vld [tilespmem:s22+$0x250];
	_ =	sdelay $0x4  }
0x2c9: {  	[tilespmem:s12+$0xFFFFFF50] =	vst v0  }
0x2ca: {  	v0 =	vld [tilespmem:s22+$0x260];
	_ =	sdelay $0x4  }
0x2cb: {  	[tilespmem:s12+$0xFFFFFF60] =	vst v0  }
0x2cc: {  	v0 =	vld [tilespmem:s22+$0x270];
	_ =	sdelay $0x4  }
0x2cd: {  	[tilespmem:s12+$0xFFFFFF70] =	vst v0  }
0x2ce: {  	v0 =	vld [tilespmem:s21+$0x200];
	_ =	sdelay $0x4  }
0x2cf: {  	[tilespmem:s12+$0xFFFFFF80] =	vst v0  }
0x2d0: {  	v0 =	vld [tilespmem:s21+$0x210];
	_ =	sdelay $0x4  }
0x2d1: {  	[tilespmem:s12+$0xFFFFFF90] =	vst v0  }
0x2d2: {  	v0 =	vld [tilespmem:s21+$0x220];
	_ =	sdelay $0x4  }
0x2d3: {  	[tilespmem:s12+$0xFFFFFFA0] =	vst v0  }
0x2d4: {  	v0 =	vld [tilespmem:s21+$0x230];
	_ =	sdelay $0x4  }
0x2d5: {  	[tilespmem:s12+$0xFFFFFFB0] =	vst v0  }
0x2d6: {  	v0 =	vld [tilespmem:s21+$0x240];
	_ =	sdelay $0x4  }
0x2d7: {  	[tilespmem:s12+$0xFFFFFFC0] =	vst v0  }
0x2d8: {  	v0 =	vld [tilespmem:s21+$0x250];
	_ =	sdelay $0x4  }
0x2d9: {  	[tilespmem:s12+$0xFFFFFFD0] =	vst v0  }
0x2da: {  	v0 =	vld [tilespmem:s21+$0x260];
	_ =	sdelay $0x4  }
0x2db: {  	[tilespmem:s12+$0xFFFFFFE0] =	vst v0  }
0x2dc: {  	v0 =	vld [tilespmem:s21+$0x270];
	_ =	sdelay $0x4  }
0x2dd: {  	[tilespmem:s12+$0xFFFFFFF0] =	vst v0  }
0x2de: {  	v0 =	vld [tilespmem:s20+$0x200];
	_ =	sdelay $0x4  }
0x2df: {  	[tilespmem:s12+$0x0] =	vst v0  }
0x2e0: {  	v0 =	vld [tilespmem:s20+$0x210];
	_ =	sdelay $0x4  }
0x2e1: {  	[tilespmem:s12+$0x10] =	vst v0  }
0x2e2: {  	v0 =	vld [tilespmem:s20+$0x220];
	_ =	sdelay $0x4  }
0x2e3: {  	[tilespmem:s12+$0x20] =	vst v0  }
0x2e4: {  	v0 =	vld [tilespmem:s20+$0x230];
	_ =	sdelay $0x4  }
0x2e5: {  	[tilespmem:s12+$0x30] =	vst v0  }
0x2e6: {  	v0 =	vld [tilespmem:s20+$0x240];
	_ =	sdelay $0x4  }
0x2e7: {  	[tilespmem:s12+$0x40] =	vst v0  }
0x2e8: {  	v0 =	vld [tilespmem:s20+$0x250];
	_ =	sdelay $0x4  }
0x2e9: {  	[tilespmem:s12+$0x50] =	vst v0  }
0x2ea: {  	v0 =	vld [tilespmem:s20+$0x260];
	_ =	sdelay $0x4  }
0x2eb: {  	[tilespmem:s12+$0x60] =	vst v0  }
0x2ec: {  	v0 =	vld [tilespmem:s20+$0x270];
	_ =	sdelay $0x4  }
0x2ed: {  	[tilespmem:s12+$0x70] =	vst v0  }
0x2ee: {  	v0 =	vld [tilespmem:s19+$0x200];
	_ =	sdelay $0x4  }
0x2ef: {  	[tilespmem:s12+$0x80] =	vst v0  }
0x2f0: {  	v0 =	vld [tilespmem:s19+$0x210];
	_ =	sdelay $0x4  }
0x2f1: {  	[tilespmem:s12+$0x90] =	vst v0  }
0x2f2: {  	v0 =	vld [tilespmem:s19+$0x220];
	_ =	sdelay $0x4  }
0x2f3: {  	[tilespmem:s12+$0xA0] =	vst v0  }
0x2f4: {  	v0 =	vld [tilespmem:s19+$0x230];
	_ =	sdelay $0x4  }
0x2f5: {  	[tilespmem:s12+$0xB0] =	vst v0  }
0x2f6: {  	v0 =	vld [tilespmem:s19+$0x240];
	_ =	sdelay $0x4  }
0x2f7: {  	[tilespmem:s12+$0xC0] =	vst v0  }
0x2f8: {  	v0 =	vld [tilespmem:s19+$0x250];
	_ =	sdelay $0x4  }
0x2f9: {  	[tilespmem:s12+$0xD0] =	vst v0  }
0x2fa: {  	v0 =	vld [tilespmem:s19+$0x260];
	_ =	sdelay $0x4  }
0x2fb: {  	[tilespmem:s12+$0xE0] =	vst v0  }
0x2fc: {  	v0 =	vld [tilespmem:s19+$0x270];
	_ =	sdelay $0x4  }
0x2fd: {  	[tilespmem:s12+$0xF0] =	vst v0  }
0x2fe: {  	v0 =	vld [tilespmem:s18+$0x200];
	_ =	sdelay $0x4  }
0x2ff: {  	[tilespmem:s12+$0x100] =	vst v0  }
0x300: {  	v0 =	vld [tilespmem:s18+$0x210];
	_ =	sdelay $0x4  }
0x301: {  	[tilespmem:s12+$0x110] =	vst v0  }
0x302: {  	v0 =	vld [tilespmem:s18+$0x220];
	_ =	sdelay $0x4  }
0x303: {  	[tilespmem:s12+$0x120] =	vst v0  }
0x304: {  	v0 =	vld [tilespmem:s18+$0x230];
	_ =	sdelay $0x4  }
0x305: {  	[tilespmem:s12+$0x130] =	vst v0  }
0x306: {  	v0 =	vld [tilespmem:s18+$0x240];
	_ =	sdelay $0x4  }
0x307: {  	[tilespmem:s12+$0x140] =	vst v0  }
0x308: {  	v0 =	vld [tilespmem:s18+$0x250];
	_ =	sdelay $0x4  }
0x309: {  	[tilespmem:s12+$0x150] =	vst v0  }
0x30a: {  	v0 =	vld [tilespmem:s18+$0x260];
	_ =	sdelay $0x4  }
0x30b: {  	[tilespmem:s12+$0x160] =	vst v0  }
0x30c: {  	v0 =	vld [tilespmem:s18+$0x270];
	_ =	sdelay $0x4  }
0x30d: {  	[tilespmem:s12+$0x170] =	vst v0  }
0x30e: {  	v0 =	vld [tilespmem:s17+$0x200];
	_ =	sdelay $0x4  }
0x30f: {  	[tilespmem:s12+$0x180] =	vst v0  }
0x310: {  	v0 =	vld [tilespmem:s17+$0x210];
	_ =	sdelay $0x4  }
0x311: {  	[tilespmem:s12+$0x190] =	vst v0  }
0x312: {  	v0 =	vld [tilespmem:s17+$0x220];
	_ =	sdelay $0x4  }
0x313: {  	[tilespmem:s12+$0x1A0] =	vst v0  }
0x314: {  	v0 =	vld [tilespmem:s17+$0x230];
	_ =	sdelay $0x4  }
0x315: {  	[tilespmem:s12+$0x1B0] =	vst v0  }
0x316: {  	v0 =	vld [tilespmem:s17+$0x240];
	_ =	sdelay $0x4  }
0x317: {  	[tilespmem:s12+$0x1C0] =	vst v0  }
0x318: {  	v0 =	vld [tilespmem:s17+$0x250];
	_ =	sdelay $0x4  }
0x319: {  	[tilespmem:s12+$0x1D0] =	vst v0  }
0x31a: {  	v0 =	vld [tilespmem:s17+$0x260];
	_ =	sdelay $0x4  }
0x31b: {  	[tilespmem:s12+$0x1E0] =	vst v0  }
0x31c: {  	v0 =	vld [tilespmem:s17+$0x270];
	_ =	sdelay $0x4  }
0x31d: {  	[tilespmem:s12+$0x1F0] =	vst v0  }
0x31e: {  	v0 =	vld [tilespmem:s16+$0x200];
	_ =	sdelay $0x4  }
0x31f: {  	[tilespmem:s12+$0x200] =	vst v0  }
0x320: {  	v0 =	vld [tilespmem:s16+$0x210];
	_ =	sdelay $0x4  }
0x321: {  	[tilespmem:s12+$0x210] =	vst v0  }
0x322: {  	v0 =	vld [tilespmem:s16+$0x220];
	_ =	sdelay $0x4  }
0x323: {  	[tilespmem:s12+$0x220] =	vst v0  }
0x324: {  	v0 =	vld [tilespmem:s16+$0x230];
	_ =	sdelay $0x4  }
0x325: {  	[tilespmem:s12+$0x230] =	vst v0  }
0x326: {  	v0 =	vld [tilespmem:s16+$0x240];
	_ =	sdelay $0x4  }
0x327: {  	[tilespmem:s12+$0x240] =	vst v0  }
0x328: {  	v0 =	vld [tilespmem:s16+$0x250];
	_ =	sdelay $0x4  }
0x329: {  	[tilespmem:s12+$0x250] =	vst v0  }
0x32a: {  	v0 =	vld [tilespmem:s16+$0x260];
	_ =	sdelay $0x4  }
0x32b: {  	[tilespmem:s12+$0x260] =	vst v0  }
0x32c: {  	v0 =	vld [tilespmem:s16+$0x270];
	_ =	sdelay $0x4  }
0x32d: {  	[tilespmem:s12+$0x270] =	vst v0  }
0x32e: {  	v0 =	vld [tilespmem:s15+$0x200];
	_ =	sdelay $0x4  }
0x32f: {  	[tilespmem:s12+$0x280] =	vst v0  }
0x330: {  	v0 =	vld [tilespmem:s15+$0x210];
	_ =	sdelay $0x4  }
0x331: {  	[tilespmem:s12+$0x290] =	vst v0  }
0x332: {  	v0 =	vld [tilespmem:s15+$0x220];
	_ =	sdelay $0x4  }
0x333: {  	[tilespmem:s12+$0x2A0] =	vst v0  }
0x334: {  	v0 =	vld [tilespmem:s15+$0x230];
	_ =	sdelay $0x4  }
0x335: {  	[tilespmem:s12+$0x2B0] =	vst v0  }
0x336: {  	v0 =	vld [tilespmem:s15+$0x240];
	_ =	sdelay $0x4  }
0x337: {  	[tilespmem:s12+$0x2C0] =	vst v0  }
0x338: {  	v0 =	vld [tilespmem:s15+$0x250];
	_ =	sdelay $0x4  }
0x339: {  	[tilespmem:s12+$0x2D0] =	vst v0  }
0x33a: {  	v0 =	vld [tilespmem:s15+$0x260];
	_ =	sdelay $0x4  }
0x33b: {  	[tilespmem:s12+$0x2E0] =	vst v0  }
0x33c: {  	v0 =	vld [tilespmem:s15+$0x270];
	_ =	sdelay $0x4  }
0x33d: {  	[tilespmem:s12+$0x2F0] =	vst v0  }
0x33e: {  	v0 =	vld [tilespmem:s30+$0x200];
	_ =	sdelay $0x4  }
0x33f: {  	[tilespmem:s12+$0x300] =	vst v0  }
0x340: {  	v0 =	vld [tilespmem:s30+$0x210];
	_ =	sdelay $0x4  }
0x341: {  	[tilespmem:s12+$0x310] =	vst v0  }
0x342: {  	v0 =	vld [tilespmem:s30+$0x220];
	_ =	sdelay $0x4  }
0x343: {  	[tilespmem:s12+$0x320] =	vst v0  }
0x344: {  	v0 =	vld [tilespmem:s30+$0x230];
	_ =	sdelay $0x4  }
0x345: {  	[tilespmem:s12+$0x330] =	vst v0  }
0x346: {  	v0 =	vld [tilespmem:s30+$0x240];
	_ =	sdelay $0x4  }
0x347: {  	[tilespmem:s12+$0x340] =	vst v0  }
0x348: {  	v0 =	vld [tilespmem:s30+$0x250];
	_ =	sdelay $0x4  }
0x349: {  	[tilespmem:s12+$0x350] =	vst v0  }
0x34a: {  	v0 =	vld [tilespmem:s30+$0x260];
	_ =	sdelay $0x4  }
0x34b: {  	[tilespmem:s12+$0x360] =	vst v0  }
0x34c: {  	v0 =	vld [tilespmem:s30+$0x270];
	_ =	sdelay $0x4  }
0x34d: {  	[tilespmem:s12+$0x370] =	vst v0  }
0x34e: {  	v0 =	vld [tilespmem:s31+$0x200];
	_ =	sdelay $0x4  }
0x34f: {  	[tilespmem:s12+$0x380] =	vst v0  }
0x350: {  	v0 =	vld [tilespmem:s31+$0x210];
	_ =	sdelay $0x4  }
0x351: {  	[tilespmem:s12+$0x390] =	vst v0  }
0x352: {  	v0 =	vld [tilespmem:s31+$0x220];
	_ =	sdelay $0x4  }
0x353: {  	[tilespmem:s12+$0x3A0] =	vst v0  }
0x354: {  	v0 =	vld [tilespmem:s31+$0x230];
	_ =	sdelay $0x4  }
0x355: {  	[tilespmem:s12+$0x3B0] =	vst v0  }
0x356: {  	v0 =	vld [tilespmem:s31+$0x240];
	_ =	sdelay $0x4  }
0x357: {  	[tilespmem:s12+$0x3C0] =	vst v0  }
0x358: {  	v0 =	vld [tilespmem:s31+$0x250];
	_ =	sdelay $0x4  }
0x359: {  	[tilespmem:s12+$0x3D0] =	vst v0  }
0x35a: {  	v0 =	vld [tilespmem:s31+$0x260];
	_ =	sdelay $0x4  }
0x35b: {  	[tilespmem:s12+$0x3E0] =	vst v0  }
0x35c: {  	v0 =	vld [tilespmem:s31+$0x270];
	_ =	sdelay $0x4  }
0x35d: {  	s13 =	simm.s32 $0x0;
	[tilespmem:s12+$0x3F0] =	vst v0  }
0x35e: {  	[hbm4b:s5+s13] =	stream.linear.scatter [tilespmem:s10], [sflag:$0x1], $0x8000, $0x38;
	[tilespmem:$0x8F00] =	vst v63  }
0x35f: {  	_ =	swait.ge [sflag:s9], $0x8000  }
0x360: {  	[sflag:s9] =	ssyncset.done $0x0  }
0x361: {  	s12 =	sand.u32 $0xF0, s13;
	[sflag:s9] =	ssyncadd.s32 $0xFFFF8000  }
0x362: {  	v61 =	vld [tilespmem:s12+$0x100];
	_ =	sdelay $0x4  }
0x363: {  	v0 =	vshll.u32 v61, $0x7  }
0x364: {  	(v2sf) =	vpush v0, $0x0;
	_ =	sdelay $0xe  }
0x365: {  	s14 =	spop (v2sf)  }
0x366: {  	v62 =	vld [tilespmem:s14+$0x200];
	_ =	sdelay $0x3  }
0x367: {  	s12 =	simm.s32 $0x1300  }
0x368: {  	[tilespmem:s12+$0xFFFFFC00] =	vst v62  }
0x369: {  	v1 =	vld [tilespmem:s14+$0x210];
	_ =	sdelay $0x4  }
0x36a: {  	[tilespmem:s12+$0xFFFFFC10] =	vst v1  }
0x36b: {  	v1 =	vld [tilespmem:s14+$0x220];
	_ =	sdelay $0x4  }
0x36c: {  	[tilespmem:s12+$0xFFFFFC20] =	vst v1  }
0x36d: {  	v1 =	vld [tilespmem:s14+$0x230];
	_ =	sdelay $0x4  }
0x36e: {  	[tilespmem:s12+$0xFFFFFC30] =	vst v1  }
0x36f: {  	v1 =	vld [tilespmem:s14+$0x240];
	_ =	sdelay $0x4  }
0x370: {  	[tilespmem:s12+$0xFFFFFC40] =	vst v1  }
0x371: {  	v1 =	vld [tilespmem:s14+$0x250];
	_ =	sdelay $0x1  }
0x372: {  	(v2sf) =	vpush v0, $0x1;
	_ =	sdelay $0x2  }
0x373: {  	[tilespmem:s12+$0xFFFFFC50] =	vst v1  }
0x374: {  	v1 =	vld [tilespmem:s14+$0x260];
	_ =	sdelay $0x4  }
0x375: {  	[tilespmem:s12+$0xFFFFFC60] =	vst v1  }
0x376: {  	v1 =	vld [tilespmem:s14+$0x270];
	_ =	sdelay $0x4  }
0x377: {  	s15 =	spop (v2sf);
	[tilespmem:s12+$0xFFFFFC70] =	vst v1  }
0x378: {  	v1 =	vld [tilespmem:s15+$0x200];
	_ =	sdelay $0x4  }
0x379: {  	[tilespmem:s12+$0xFFFFFC80] =	vst v1  }
0x37a: {  	v1 =	vld [tilespmem:s15+$0x210];
	_ =	sdelay $0x4  }
0x37b: {  	[tilespmem:s12+$0xFFFFFC90] =	vst v1  }
0x37c: {  	v1 =	vld [tilespmem:s15+$0x220];
	_ =	sdelay $0x4  }
0x37d: {  	[tilespmem:s12+$0xFFFFFCA0] =	vst v1  }
0x37e: {  	v1 =	vld [tilespmem:s15+$0x230];
	_ =	sdelay $0x4  }
0x37f: {  	[tilespmem:s12+$0xFFFFFCB0] =	vst v1  }
0x380: {  	v1 =	vld [tilespmem:s15+$0x240];
	_ =	sdelay $0x4  }
0x381: {  	[tilespmem:s12+$0xFFFFFCC0] =	vst v1  }
0x382: {  	v1 =	vld [tilespmem:s15+$0x250];
	_ =	sdelay $0x1  }
0x383: {  	(v2sf) =	vpush v0, $0x2;
	_ =	sdelay $0x2  }
0x384: {  	[tilespmem:s12+$0xFFFFFCD0] =	vst v1  }
0x385: {  	v1 =	vld [tilespmem:s15+$0x260];
	_ =	sdelay $0x4  }
0x386: {  	[tilespmem:s12+$0xFFFFFCE0] =	vst v1  }
0x387: {  	v1 =	vld [tilespmem:s15+$0x270];
	_ =	sdelay $0x4  }
0x388: {  	s16 =	spop (v2sf);
	[tilespmem:s12+$0xFFFFFCF0] =	vst v1  }
0x389: {  	v1 =	vld [tilespmem:s16+$0x200];
	_ =	sdelay $0x4  }
0x38a: {  	[tilespmem:s12+$0xFFFFFD00] =	vst v1  }
0x38b: {  	v1 =	vld [tilespmem:s16+$0x210];
	_ =	sdelay $0x4  }
0x38c: {  	[tilespmem:s12+$0xFFFFFD10] =	vst v1  }
0x38d: {  	v1 =	vld [tilespmem:s16+$0x220];
	_ =	sdelay $0x4  }
0x38e: {  	[tilespmem:s12+$0xFFFFFD20] =	vst v1  }
0x38f: {  	v1 =	vld [tilespmem:s16+$0x230];
	_ =	sdelay $0x4  }
0x390: {  	[tilespmem:s12+$0xFFFFFD30] =	vst v1  }
0x391: {  	v1 =	vld [tilespmem:s16+$0x240];
	_ =	sdelay $0x4  }
0x392: {  	[tilespmem:s12+$0xFFFFFD40] =	vst v1  }
0x393: {  	v1 =	vld [tilespmem:s16+$0x250];
	_ =	sdelay $0x1  }
0x394: {  	(v2sf) =	vpush v0, $0x3;
	_ =	sdelay $0x2  }
0x395: {  	[tilespmem:s12+$0xFFFFFD50] =	vst v1  }
0x396: {  	v1 =	vld [tilespmem:s16+$0x260];
	_ =	sdelay $0x4  }
0x397: {  	[tilespmem:s12+$0xFFFFFD60] =	vst v1  }
0x398: {  	v1 =	vld [tilespmem:s16+$0x270];
	_ =	sdelay $0x4  }
0x399: {  	s17 =	spop (v2sf);
	[tilespmem:s12+$0xFFFFFD70] =	vst v1  }
0x39a: {  	v1 =	vld [tilespmem:s17+$0x200];
	_ =	sdelay $0x4  }
0x39b: {  	[tilespmem:s12+$0xFFFFFD80] =	vst v1  }
0x39c: {  	v1 =	vld [tilespmem:s17+$0x210];
	_ =	sdelay $0x4  }
0x39d: {  	[tilespmem:s12+$0xFFFFFD90] =	vst v1  }
0x39e: {  	v1 =	vld [tilespmem:s17+$0x220];
	_ =	sdelay $0x4  }
0x39f: {  	[tilespmem:s12+$0xFFFFFDA0] =	vst v1  }
0x3a0: {  	v1 =	vld [tilespmem:s17+$0x230];
	_ =	sdelay $0x4  }
0x3a1: {  	[tilespmem:s12+$0xFFFFFDB0] =	vst v1  }
0x3a2: {  	v1 =	vld [tilespmem:s17+$0x240];
	_ =	sdelay $0x4  }
0x3a3: {  	[tilespmem:s12+$0xFFFFFDC0] =	vst v1  }
0x3a4: {  	v1 =	vld [tilespmem:s17+$0x250];
	_ =	sdelay $0x1  }
0x3a5: {  	(v2sf) =	vpush v0, $0x4;
	_ =	sdelay $0x2  }
0x3a6: {  	[tilespmem:s12+$0xFFFFFDD0] =	vst v1  }
0x3a7: {  	v1 =	vld [tilespmem:s17+$0x260];
	_ =	sdelay $0x4  }
0x3a8: {  	[tilespmem:s12+$0xFFFFFDE0] =	vst v1  }
0x3a9: {  	v1 =	vld [tilespmem:s17+$0x270];
	_ =	sdelay $0x4  }
0x3aa: {  	s18 =	spop (v2sf);
	[tilespmem:s12+$0xFFFFFDF0] =	vst v1  }
0x3ab: {  	v1 =	vld [tilespmem:s18+$0x200];
	_ =	sdelay $0x4  }
0x3ac: {  	[tilespmem:s12+$0xFFFFFE00] =	vst v1  }
0x3ad: {  	v1 =	vld [tilespmem:s18+$0x210];
	_ =	sdelay $0x4  }
0x3ae: {  	[tilespmem:s12+$0xFFFFFE10] =	vst v1  }
0x3af: {  	v1 =	vld [tilespmem:s18+$0x220];
	_ =	sdelay $0x4  }
0x3b0: {  	[tilespmem:s12+$0xFFFFFE20] =	vst v1  }
0x3b1: {  	v1 =	vld [tilespmem:s18+$0x230];
	_ =	sdelay $0x4  }
0x3b2: {  	[tilespmem:s12+$0xFFFFFE30] =	vst v1  }
0x3b3: {  	v1 =	vld [tilespmem:s18+$0x240];
	_ =	sdelay $0x4  }
0x3b4: {  	[tilespmem:s12+$0xFFFFFE40] =	vst v1  }
0x3b5: {  	v1 =	vld [tilespmem:s18+$0x250];
	_ =	sdelay $0x1  }
0x3b6: {  	(v2sf) =	vpush v0, $0x5;
	_ =	sdelay $0x2  }
0x3b7: {  	[tilespmem:s12+$0xFFFFFE50] =	vst v1  }
0x3b8: {  	v1 =	vld [tilespmem:s18+$0x260];
	_ =	sdelay $0x4  }
0x3b9: {  	[tilespmem:s12+$0xFFFFFE60] =	vst v1  }
0x3ba: {  	v1 =	vld [tilespmem:s18+$0x270];
	_ =	sdelay $0x4  }
0x3bb: {  	s19 =	spop (v2sf);
	[tilespmem:s12+$0xFFFFFE70] =	vst v1  }
0x3bc: {  	v1 =	vld [tilespmem:s19+$0x200];
	_ =	sdelay $0x4  }
0x3bd: {  	[tilespmem:s12+$0xFFFFFE80] =	vst v1  }
0x3be: {  	v1 =	vld [tilespmem:s19+$0x210];
	_ =	sdelay $0x4  }
0x3bf: {  	[tilespmem:s12+$0xFFFFFE90] =	vst v1  }
0x3c0: {  	v1 =	vld [tilespmem:s19+$0x220];
	_ =	sdelay $0x4  }
0x3c1: {  	[tilespmem:s12+$0xFFFFFEA0] =	vst v1  }
0x3c2: {  	v1 =	vld [tilespmem:s19+$0x230];
	_ =	sdelay $0x4  }
0x3c3: {  	[tilespmem:s12+$0xFFFFFEB0] =	vst v1  }
0x3c4: {  	v1 =	vld [tilespmem:s19+$0x240];
	_ =	sdelay $0x4  }
0x3c5: {  	[tilespmem:s12+$0xFFFFFEC0] =	vst v1  }
0x3c6: {  	v1 =	vld [tilespmem:s19+$0x250];
	_ =	sdelay $0x1  }
0x3c7: {  	(v2sf) =	vpush v0, $0x6;
	_ =	sdelay $0x2  }
0x3c8: {  	[tilespmem:s12+$0xFFFFFED0] =	vst v1  }
0x3c9: {  	v1 =	vld [tilespmem:s19+$0x260];
	_ =	sdelay $0x4  }
0x3ca: {  	[tilespmem:s12+$0xFFFFFEE0] =	vst v1  }
0x3cb: {  	v1 =	vld [tilespmem:s19+$0x270];
	_ =	sdelay $0x4  }
0x3cc: {  	s20 =	spop (v2sf);
	[tilespmem:s12+$0xFFFFFEF0] =	vst v1  }
0x3cd: {  	v1 =	vld [tilespmem:s20+$0x200];
	_ =	sdelay $0x4  }
0x3ce: {  	[tilespmem:s12+$0xFFFFFF00] =	vst v1  }
0x3cf: {  	v1 =	vld [tilespmem:s20+$0x210];
	_ =	sdelay $0x4  }
0x3d0: {  	[tilespmem:s12+$0xFFFFFF10] =	vst v1  }
0x3d1: {  	v1 =	vld [tilespmem:s20+$0x220];
	_ =	sdelay $0x4  }
0x3d2: {  	[tilespmem:s12+$0xFFFFFF20] =	vst v1  }
0x3d3: {  	v1 =	vld [tilespmem:s20+$0x230];
	_ =	sdelay $0x4  }
0x3d4: {  	[tilespmem:s12+$0xFFFFFF30] =	vst v1  }
0x3d5: {  	v1 =	vld [tilespmem:s20+$0x240];
	_ =	sdelay $0x4  }
0x3d6: {  	[tilespmem:s12+$0xFFFFFF40] =	vst v1  }
0x3d7: {  	v1 =	vld [tilespmem:s20+$0x250];
	_ =	sdelay $0x1  }
0x3d8: {  	(v2sf) =	vpush v0, $0x7;
	_ =	sdelay $0x2  }
0x3d9: {  	[tilespmem:s12+$0xFFFFFF50] =	vst v1  }
0x3da: {  	v1 =	vld [tilespmem:s20+$0x260];
	_ =	sdelay $0x4  }
0x3db: {  	[tilespmem:s12+$0xFFFFFF60] =	vst v1  }
0x3dc: {  	v1 =	vld [tilespmem:s20+$0x270];
	_ =	sdelay $0x4  }
0x3dd: {  	s21 =	spop (v2sf);
	[tilespmem:s12+$0xFFFFFF70] =	vst v1  }
0x3de: {  	v1 =	vld [tilespmem:s21+$0x200];
	_ =	sdelay $0x4  }
0x3df: {  	[tilespmem:s12+$0xFFFFFF80] =	vst v1  }
0x3e0: {  	v1 =	vld [tilespmem:s21+$0x210];
	_ =	sdelay $0x4  }
0x3e1: {  	[tilespmem:s12+$0xFFFFFF90] =	vst v1  }
0x3e2: {  	v1 =	vld [tilespmem:s21+$0x220];
	_ =	sdelay $0x4  }
0x3e3: {  	[tilespmem:s12+$0xFFFFFFA0] =	vst v1  }
0x3e4: {  	v1 =	vld [tilespmem:s21+$0x230];
	_ =	sdelay $0x4  }
0x3e5: {  	[tilespmem:s12+$0xFFFFFFB0] =	vst v1  }
0x3e6: {  	v1 =	vld [tilespmem:s21+$0x240];
	_ =	sdelay $0x4  }
0x3e7: {  	[tilespmem:s12+$0xFFFFFFC0] =	vst v1  }
0x3e8: {  	v1 =	vld [tilespmem:s21+$0x250];
	_ =	sdelay $0x1  }
0x3e9: {  	(v2sf) =	vpush v0, $0x8;
	_ =	sdelay $0x2  }
0x3ea: {  	[tilespmem:s12+$0xFFFFFFD0] =	vst v1  }
0x3eb: {  	v1 =	vld [tilespmem:s21+$0x260];
	_ =	sdelay $0x4  }
0x3ec: {  	[tilespmem:s12+$0xFFFFFFE0] =	vst v1  }
0x3ed: {  	v1 =	vld [tilespmem:s21+$0x270];
	_ =	sdelay $0x4  }
0x3ee: {  	s22 =	spop (v2sf);
	[tilespmem:s12+$0xFFFFFFF0] =	vst v1  }
0x3ef: {  	v1 =	vld [tilespmem:s22+$0x200];
	_ =	sdelay $0x4  }
0x3f0: {  	[tilespmem:s12+$0x0] =	vst v1  }
0x3f1: {  	v1 =	vld [tilespmem:s22+$0x210];
	_ =	sdelay $0x4  }
0x3f2: {  	[tilespmem:s12+$0x10] =	vst v1  }
0x3f3: {  	v1 =	vld [tilespmem:s22+$0x220];
	_ =	sdelay $0x4  }
0x3f4: {  	[tilespmem:s12+$0x20] =	vst v1  }
0x3f5: {  	v1 =	vld [tilespmem:s22+$0x230];
	_ =	sdelay $0x4  }
0x3f6: {  	[tilespmem:s12+$0x30] =	vst v1  }
0x3f7: {  	v1 =	vld [tilespmem:s22+$0x240];
	_ =	sdelay $0x4  }
0x3f8: {  	[tilespmem:s12+$0x40] =	vst v1  }
0x3f9: {  	v1 =	vld [tilespmem:s22+$0x250];
	_ =	sdelay $0x1  }
0x3fa: {  	(v2sf) =	vpush v0, $0x9;
	_ =	sdelay $0x2  }
0x3fb: {  	[tilespmem:s12+$0x50] =	vst v1  }
0x3fc: {  	v1 =	vld [tilespmem:s22+$0x260];
	_ =	sdelay $0x4  }
0x3fd: {  	[tilespmem:s12+$0x60] =	vst v1  }
0x3fe: {  	v1 =	vld [tilespmem:s22+$0x270];
	_ =	sdelay $0x4  }
0x3ff: {  	s23 =	spop (v2sf);
	[tilespmem:s12+$0x70] =	vst v1  }
0x400: {  	v1 =	vld [tilespmem:s23+$0x200];
	_ =	sdelay $0x4  }
0x401: {  	[tilespmem:s12+$0x80] =	vst v1  }
0x402: {  	v1 =	vld [tilespmem:s23+$0x210];
	_ =	sdelay $0x4  }
0x403: {  	[tilespmem:s12+$0x90] =	vst v1  }
0x404: {  	v1 =	vld [tilespmem:s23+$0x220];
	_ =	sdelay $0x4  }
0x405: {  	[tilespmem:s12+$0xA0] =	vst v1  }
0x406: {  	v1 =	vld [tilespmem:s23+$0x230];
	_ =	sdelay $0x4  }
0x407: {  	[tilespmem:s12+$0xB0] =	vst v1  }
0x408: {  	v1 =	vld [tilespmem:s23+$0x240];
	_ =	sdelay $0x4  }
0x409: {  	[tilespmem:s12+$0xC0] =	vst v1  }
0x40a: {  	v1 =	vld [tilespmem:s23+$0x250];
	_ =	sdelay $0x1  }
0x40b: {  	(v2sf) =	vpush v0, $0xA;
	_ =	sdelay $0x2  }
0x40c: {  	[tilespmem:s12+$0xD0] =	vst v1  }
0x40d: {  	v1 =	vld [tilespmem:s23+$0x260];
	_ =	sdelay $0x4  }
0x40e: {  	[tilespmem:s12+$0xE0] =	vst v1  }
0x40f: {  	v1 =	vld [tilespmem:s23+$0x270];
	_ =	sdelay $0x4  }
0x410: {  	s24 =	spop (v2sf);
	[tilespmem:s12+$0xF0] =	vst v1  }
0x411: {  	v1 =	vld [tilespmem:s24+$0x200];
	_ =	sdelay $0x4  }
0x412: {  	[tilespmem:s12+$0x100] =	vst v1  }
0x413: {  	v1 =	vld [tilespmem:s24+$0x210];
	_ =	sdelay $0x4  }
0x414: {  	[tilespmem:s12+$0x110] =	vst v1  }
0x415: {  	v1 =	vld [tilespmem:s24+$0x220];
	_ =	sdelay $0x4  }
0x416: {  	[tilespmem:s12+$0x120] =	vst v1  }
0x417: {  	v1 =	vld [tilespmem:s24+$0x230];
	_ =	sdelay $0x4  }
0x418: {  	[tilespmem:s12+$0x130] =	vst v1  }
0x419: {  	v1 =	vld [tilespmem:s24+$0x240];
	_ =	sdelay $0x4  }
0x41a: {  	[tilespmem:s12+$0x140] =	vst v1  }
0x41b: {  	v1 =	vld [tilespmem:s24+$0x250];
	_ =	sdelay $0x1  }
0x41c: {  	(v2sf) =	vpush v0, $0xB;
	_ =	sdelay $0x2  }
0x41d: {  	[tilespmem:s12+$0x150] =	vst v1  }
0x41e: {  	v1 =	vld [tilespmem:s24+$0x260];
	_ =	sdelay $0x4  }
0x41f: {  	[tilespmem:s12+$0x160] =	vst v1  }
0x420: {  	v1 =	vld [tilespmem:s24+$0x270];
	_ =	sdelay $0x4  }
0x421: {  	s25 =	spop (v2sf);
	[tilespmem:s12+$0x170] =	vst v1  }
0x422: {  	v1 =	vld [tilespmem:s25+$0x200];
	_ =	sdelay $0x4  }
0x423: {  	[tilespmem:s12+$0x180] =	vst v1  }
0x424: {  	v1 =	vld [tilespmem:s25+$0x210];
	_ =	sdelay $0x4  }
0x425: {  	[tilespmem:s12+$0x190] =	vst v1  }
0x426: {  	v1 =	vld [tilespmem:s25+$0x220];
	_ =	sdelay $0x4  }
0x427: {  	[tilespmem:s12+$0x1A0] =	vst v1  }
0x428: {  	v1 =	vld [tilespmem:s25+$0x230];
	_ =	sdelay $0x4  }
0x429: {  	[tilespmem:s12+$0x1B0] =	vst v1  }
0x42a: {  	v1 =	vld [tilespmem:s25+$0x240];
	_ =	sdelay $0x4  }
0x42b: {  	[tilespmem:s12+$0x1C0] =	vst v1  }
0x42c: {  	v1 =	vld [tilespmem:s25+$0x250];
	_ =	sdelay $0x1  }
0x42d: {  	(v2sf) =	vpush v0, $0xC;
	_ =	sdelay $0x2  }
0x42e: {  	[tilespmem:s12+$0x1D0] =	vst v1  }
0x42f: {  	v1 =	vld [tilespmem:s25+$0x260];
	_ =	sdelay $0x4  }
0x430: {  	[tilespmem:s12+$0x1E0] =	vst v1  }
0x431: {  	v1 =	vld [tilespmem:s25+$0x270];
	_ =	sdelay $0x4  }
0x432: {  	s26 =	spop (v2sf);
	[tilespmem:s12+$0x1F0] =	vst v1  }
0x433: {  	v1 =	vld [tilespmem:s26+$0x200];
	_ =	sdelay $0x4  }
0x434: {  	[tilespmem:s12+$0x200] =	vst v1  }
0x435: {  	v1 =	vld [tilespmem:s26+$0x210];
	_ =	sdelay $0x4  }
0x436: {  	[tilespmem:s12+$0x210] =	vst v1  }
0x437: {  	v1 =	vld [tilespmem:s26+$0x220];
	_ =	sdelay $0x4  }
0x438: {  	[tilespmem:s12+$0x220] =	vst v1  }
0x439: {  	v1 =	vld [tilespmem:s26+$0x230];
	_ =	sdelay $0x4  }
0x43a: {  	[tilespmem:s12+$0x230] =	vst v1  }
0x43b: {  	v1 =	vld [tilespmem:s26+$0x240];
	_ =	sdelay $0x4  }
0x43c: {  	[tilespmem:s12+$0x240] =	vst v1  }
0x43d: {  	v1 =	vld [tilespmem:s26+$0x250];
	_ =	sdelay $0x1  }
0x43e: {  	(v2sf) =	vpush v0, $0xD;
	_ =	sdelay $0x2  }
0x43f: {  	[tilespmem:s12+$0x250] =	vst v1  }
0x440: {  	v1 =	vld [tilespmem:s26+$0x260];
	_ =	sdelay $0x4  }
0x441: {  	[tilespmem:s12+$0x260] =	vst v1  }
0x442: {  	v1 =	vld [tilespmem:s26+$0x270];
	_ =	sdelay $0x4  }
0x443: {  	s28 =	spop (v2sf);
	[tilespmem:s12+$0x270] =	vst v1  }
0x444: {  	v1 =	vld [tilespmem:s28+$0x200];
	_ =	sdelay $0x4  }
0x445: {  	[tilespmem:s12+$0x280] =	vst v1  }
0x446: {  	v1 =	vld [tilespmem:s28+$0x210];
	_ =	sdelay $0x4  }
0x447: {  	[tilespmem:s12+$0x290] =	vst v1  }
0x448: {  	v1 =	vld [tilespmem:s28+$0x220];
	_ =	sdelay $0x4  }
0x449: {  	[tilespmem:s12+$0x2A0] =	vst v1  }
0x44a: {  	v1 =	vld [tilespmem:s28+$0x230];
	_ =	sdelay $0x4  }
0x44b: {  	[tilespmem:s12+$0x2B0] =	vst v1  }
0x44c: {  	v1 =	vld [tilespmem:s28+$0x240];
	_ =	sdelay $0x4  }
0x44d: {  	[tilespmem:s12+$0x2C0] =	vst v1  }
0x44e: {  	v1 =	vld [tilespmem:s28+$0x250];
	_ =	sdelay $0x1  }
0x44f: {  	(v2sf) =	vpush v0, $0xE;
	_ =	sdelay $0x2  }
0x450: {  	[tilespmem:s12+$0x2D0] =	vst v1  }
0x451: {  	v1 =	vld [tilespmem:s28+$0x260];
	_ =	sdelay $0x4  }
0x452: {  	[tilespmem:s12+$0x2E0] =	vst v1  }
0x453: {  	v1 =	vld [tilespmem:s28+$0x270];
	_ =	sdelay $0x4  }
0x454: {  	s29 =	spop (v2sf);
	[tilespmem:s12+$0x2F0] =	vst v1  }
0x455: {  	v1 =	vld [tilespmem:s29+$0x200];
	_ =	sdelay $0x4  }
0x456: {  	[tilespmem:s12+$0x300] =	vst v1  }
0x457: {  	v1 =	vld [tilespmem:s29+$0x210];
	_ =	sdelay $0x4  }
0x458: {  	[tilespmem:s12+$0x310] =	vst v1  }
0x459: {  	v1 =	vld [tilespmem:s29+$0x220];
	_ =	sdelay $0x4  }
0x45a: {  	[tilespmem:s12+$0x320] =	vst v1  }
0x45b: {  	v1 =	vld [tilespmem:s29+$0x230];
	_ =	sdelay $0x4  }
0x45c: {  	[tilespmem:s12+$0x330] =	vst v1  }
0x45d: {  	v1 =	vld [tilespmem:s29+$0x240];
	_ =	sdelay $0x4  }
0x45e: {  	[tilespmem:s12+$0x340] =	vst v1  }
0x45f: {  	v1 =	vld [tilespmem:s29+$0x250];
	_ =	sdelay $0x1  }
0x460: {  	(v2sf) =	vpush v0, $0xF;
	_ =	sdelay $0x2  }
0x461: {  	[tilespmem:s12+$0x350] =	vst v1  }
0x462: {  	v63 =	vld [tilespmem:s29+$0x260];
	_ =	sdelay $0x4  }
0x463: {  	[tilespmem:s12+$0x360] =	vst v63  }
0x464: {  	v0 =	vld [tilespmem:s29+$0x270];
	_ =	sdelay $0x4  }
0x465: {  	s30 =	spop (v2sf);
	[tilespmem:s12+$0x370] =	vst v0  }
0x466: {  	v0 =	vld [tilespmem:s30+$0x200];
	_ =	sdelay $0x4  }
0x467: {  	[tilespmem:s12+$0x380] =	vst v0  }
0x468: {  	v0 =	vld [tilespmem:s30+$0x210];
	_ =	sdelay $0x4  }
0x469: {  	[tilespmem:s12+$0x390] =	vst v0  }
0x46a: {  	v0 =	vld [tilespmem:s30+$0x220];
	_ =	sdelay $0x4  }
0x46b: {  	[tilespmem:s12+$0x3A0] =	vst v0  }
0x46c: {  	v0 =	vld [tilespmem:s30+$0x230];
	_ =	sdelay $0x4  }
0x46d: {  	[tilespmem:s12+$0x3B0] =	vst v0  }
0x46e: {  	v0 =	vld [tilespmem:s30+$0x240];
	_ =	sdelay $0x4  }
0x46f: {  	[tilespmem:s12+$0x3C0] =	vst v0  }
0x470: {  	v0 =	vld [tilespmem:s30+$0x250];
	_ =	sdelay $0x4  }
0x471: {  	[tilespmem:s12+$0x3D0] =	vst v0  }
0x472: {  	v0 =	vld [tilespmem:s30+$0x260];
	_ =	sdelay $0x4  }
0x473: {  	[tilespmem:s12+$0x3E0] =	vst v0  }
0x474: {  	v0 =	vld [tilespmem:s30+$0x270];
	_ =	sdelay $0x3  }
0x475: {  	s31 =	simm.s32 $0x10  }
0x476: {  	s13 =	simm.s32 $0x20;
	s14 =	sand.u32 $0xF0, s31;
	[tilespmem:s12+$0x3F0] =	vst v0  }
.LBB2_4:
0x477: {  	p0 =	sne.s32 s13, $0xF0;
	v0 =	vld [tilespmem:s14+$0x100];
	_ =	sdelay $0x4  }
0x478: {  	v0 =	vshll.u32 v0, $0x7  }
0x479: {  	(v2sf) =	vpush v0, $0x0  }
0x47a: {  	(v2sf) =	vpush v0, $0x1  }
0x47b: {  	(v2sf) =	vpush v0, $0x2  }
0x47c: {  	(v2sf) =	vpush v0, $0x3  }
0x47d: {  	(v2sf) =	vpush v0, $0x4  }
0x47e: {  	(v2sf) =	vpush v0, $0x5  }
0x47f: {  	(v2sf) =	vpush v0, $0x6  }
0x480: {  	(v2sf) =	vpush v0, $0x7  }
0x481: {  	(v2sf) =	vpush v0, $0x8  }
0x482: {  	(v2sf) =	vpush v0, $0x9  }
0x483: {  	(v2sf) =	vpush v0, $0xA  }
0x484: {  	(v2sf) =	vpush v0, $0xB  }
0x485: {  	(v2sf) =	vpush v0, $0xC  }
0x486: {  	(v2sf) =	vpush v0, $0xD  }
0x487: {  	(v2sf) =	vpush v0, $0xE  }
0x488: {  	s30 =	spop (v2sf);
	(v2sf) =	vpush v0, $0xF  }
0x489: {  	v0 =	vld [tilespmem:s30+$0x200];
	s29 =	spop (v2sf)  }
0x48a: {  	s28 =	spop (v2sf)  }
0x48b: {  	s26 =	spop (v2sf)  }
0x48c: {  	s25 =	spop (v2sf)  }
0x48d: {  	s12 =	sadd.s32 $0x800, s12;
	s24 =	spop (v2sf)  }
0x48e: {  	[tilespmem:s12+$0xFFFFFC00] =	vst v0;
	s23 =	spop (v2sf)  }
0x48f: {  	v0 =	vld [tilespmem:s30+$0x210];
	s22 =	spop (v2sf)  }
0x490: {  	s21 =	spop (v2sf)  }
0x491: {  	s20 =	spop (v2sf)  }
0x492: {  	s19 =	spop (v2sf)  }
0x493: {  	s18 =	spop (v2sf)  }
0x494: {  	[tilespmem:s12+$0xFFFFFC10] =	vst v0;
	s17 =	spop (v2sf)  }
0x495: {  	v0 =	vld [tilespmem:s30+$0x220];
	s16 =	spop (v2sf)  }
0x496: {  	s15 =	spop (v2sf)  }
0x497: {  	s14 =	spop (v2sf);
	_ =	sdelay $0x2  }
0x498: {  	[tilespmem:s12+$0xFFFFFC20] =	vst v0  }
0x499: {  	v0 =	vld [tilespmem:s30+$0x230];
	_ =	sdelay $0x4  }
0x49a: {  	[tilespmem:s12+$0xFFFFFC30] =	vst v0  }
0x49b: {  	v0 =	vld [tilespmem:s30+$0x240];
	_ =	sdelay $0x4  }
0x49c: {  	[tilespmem:s12+$0xFFFFFC40] =	vst v0  }
0x49d: {  	v0 =	vld [tilespmem:s30+$0x250];
	_ =	sdelay $0x4  }
0x49e: {  	[tilespmem:s12+$0xFFFFFC50] =	vst v0  }
0x49f: {  	v0 =	vld [tilespmem:s30+$0x260];
	_ =	sdelay $0x4  }
0x4a0: {  	[tilespmem:s12+$0xFFFFFC60] =	vst v0  }
0x4a1: {  	v0 =	vld [tilespmem:s30+$0x270];
	_ =	sdelay $0x4  }
0x4a2: {  	[tilespmem:s12+$0xFFFFFC70] =	vst v0  }
0x4a3: {  	v0 =	vld [tilespmem:s29+$0x200];
	_ =	sdelay $0x4  }
0x4a4: {  	[tilespmem:s12+$0xFFFFFC80] =	vst v0  }
0x4a5: {  	v0 =	vld [tilespmem:s29+$0x210];
	_ =	sdelay $0x4  }
0x4a6: {  	[tilespmem:s12+$0xFFFFFC90] =	vst v0  }
0x4a7: {  	v0 =	vld [tilespmem:s29+$0x220];
	_ =	sdelay $0x4  }
0x4a8: {  	[tilespmem:s12+$0xFFFFFCA0] =	vst v0  }
0x4a9: {  	v0 =	vld [tilespmem:s29+$0x230];
	_ =	sdelay $0x4  }
0x4aa: {  	[tilespmem:s12+$0xFFFFFCB0] =	vst v0  }
0x4ab: {  	v0 =	vld [tilespmem:s29+$0x240];
	_ =	sdelay $0x4  }
0x4ac: {  	[tilespmem:s12+$0xFFFFFCC0] =	vst v0  }
0x4ad: {  	v0 =	vld [tilespmem:s29+$0x250];
	_ =	sdelay $0x4  }
0x4ae: {  	[tilespmem:s12+$0xFFFFFCD0] =	vst v0  }
0x4af: {  	v0 =	vld [tilespmem:s29+$0x260];
	_ =	sdelay $0x4  }
0x4b0: {  	[tilespmem:s12+$0xFFFFFCE0] =	vst v0  }
0x4b1: {  	v0 =	vld [tilespmem:s29+$0x270];
	_ =	sdelay $0x4  }
0x4b2: {  	[tilespmem:s12+$0xFFFFFCF0] =	vst v0  }
0x4b3: {  	v0 =	vld [tilespmem:s28+$0x200];
	_ =	sdelay $0x4  }
0x4b4: {  	[tilespmem:s12+$0xFFFFFD00] =	vst v0  }
0x4b5: {  	v0 =	vld [tilespmem:s28+$0x210];
	_ =	sdelay $0x4  }
0x4b6: {  	[tilespmem:s12+$0xFFFFFD10] =	vst v0  }
0x4b7: {  	v0 =	vld [tilespmem:s28+$0x220];
	_ =	sdelay $0x4  }
0x4b8: {  	[tilespmem:s12+$0xFFFFFD20] =	vst v0  }
0x4b9: {  	v0 =	vld [tilespmem:s28+$0x230];
	_ =	sdelay $0x4  }
0x4ba: {  	[tilespmem:s12+$0xFFFFFD30] =	vst v0  }
0x4bb: {  	v0 =	vld [tilespmem:s28+$0x240];
	_ =	sdelay $0x4  }
0x4bc: {  	[tilespmem:s12+$0xFFFFFD40] =	vst v0  }
0x4bd: {  	v0 =	vld [tilespmem:s28+$0x250];
	_ =	sdelay $0x4  }
0x4be: {  	[tilespmem:s12+$0xFFFFFD50] =	vst v0  }
0x4bf: {  	v0 =	vld [tilespmem:s28+$0x260];
	_ =	sdelay $0x4  }
0x4c0: {  	[tilespmem:s12+$0xFFFFFD60] =	vst v0  }
0x4c1: {  	v0 =	vld [tilespmem:s28+$0x270];
	_ =	sdelay $0x4  }
0x4c2: {  	[tilespmem:s12+$0xFFFFFD70] =	vst v0  }
0x4c3: {  	v0 =	vld [tilespmem:s26+$0x200];
	_ =	sdelay $0x4  }
0x4c4: {  	[tilespmem:s12+$0xFFFFFD80] =	vst v0  }
0x4c5: {  	v0 =	vld [tilespmem:s26+$0x210];
	_ =	sdelay $0x4  }
0x4c6: {  	[tilespmem:s12+$0xFFFFFD90] =	vst v0  }
0x4c7: {  	v0 =	vld [tilespmem:s26+$0x220];
	_ =	sdelay $0x4  }
0x4c8: {  	[tilespmem:s12+$0xFFFFFDA0] =	vst v0  }
0x4c9: {  	v0 =	vld [tilespmem:s26+$0x230];
	_ =	sdelay $0x4  }
0x4ca: {  	[tilespmem:s12+$0xFFFFFDB0] =	vst v0  }
0x4cb: {  	v0 =	vld [tilespmem:s26+$0x240];
	_ =	sdelay $0x4  }
0x4cc: {  	[tilespmem:s12+$0xFFFFFDC0] =	vst v0  }
0x4cd: {  	v0 =	vld [tilespmem:s26+$0x250];
	_ =	sdelay $0x4  }
0x4ce: {  	[tilespmem:s12+$0xFFFFFDD0] =	vst v0  }
0x4cf: {  	v0 =	vld [tilespmem:s26+$0x260];
	_ =	sdelay $0x4  }
0x4d0: {  	[tilespmem:s12+$0xFFFFFDE0] =	vst v0  }
0x4d1: {  	v0 =	vld [tilespmem:s26+$0x270];
	_ =	sdelay $0x4  }
0x4d2: {  	[tilespmem:s12+$0xFFFFFDF0] =	vst v0  }
0x4d3: {  	v0 =	vld [tilespmem:s25+$0x200];
	_ =	sdelay $0x4  }
0x4d4: {  	[tilespmem:s12+$0xFFFFFE00] =	vst v0  }
0x4d5: {  	v0 =	vld [tilespmem:s25+$0x210];
	_ =	sdelay $0x4  }
0x4d6: {  	[tilespmem:s12+$0xFFFFFE10] =	vst v0  }
0x4d7: {  	v0 =	vld [tilespmem:s25+$0x220];
	_ =	sdelay $0x4  }
0x4d8: {  	[tilespmem:s12+$0xFFFFFE20] =	vst v0  }
0x4d9: {  	v0 =	vld [tilespmem:s25+$0x230];
	_ =	sdelay $0x4  }
0x4da: {  	[tilespmem:s12+$0xFFFFFE30] =	vst v0  }
0x4db: {  	v0 =	vld [tilespmem:s25+$0x240];
	_ =	sdelay $0x4  }
0x4dc: {  	[tilespmem:s12+$0xFFFFFE40] =	vst v0  }
0x4dd: {  	v0 =	vld [tilespmem:s25+$0x250];
	_ =	sdelay $0x4  }
0x4de: {  	[tilespmem:s12+$0xFFFFFE50] =	vst v0  }
0x4df: {  	v0 =	vld [tilespmem:s25+$0x260];
	_ =	sdelay $0x4  }
0x4e0: {  	[tilespmem:s12+$0xFFFFFE60] =	vst v0  }
0x4e1: {  	v0 =	vld [tilespmem:s25+$0x270];
	_ =	sdelay $0x4  }
0x4e2: {  	[tilespmem:s12+$0xFFFFFE70] =	vst v0  }
0x4e3: {  	v0 =	vld [tilespmem:s24+$0x200];
	_ =	sdelay $0x4  }
0x4e4: {  	[tilespmem:s12+$0xFFFFFE80] =	vst v0  }
0x4e5: {  	v0 =	vld [tilespmem:s24+$0x210];
	_ =	sdelay $0x4  }
0x4e6: {  	[tilespmem:s12+$0xFFFFFE90] =	vst v0  }
0x4e7: {  	v0 =	vld [tilespmem:s24+$0x220];
	_ =	sdelay $0x4  }
0x4e8: {  	[tilespmem:s12+$0xFFFFFEA0] =	vst v0  }
0x4e9: {  	v0 =	vld [tilespmem:s24+$0x230];
	_ =	sdelay $0x4  }
0x4ea: {  	[tilespmem:s12+$0xFFFFFEB0] =	vst v0  }
0x4eb: {  	v0 =	vld [tilespmem:s24+$0x240];
	_ =	sdelay $0x4  }
0x4ec: {  	[tilespmem:s12+$0xFFFFFEC0] =	vst v0  }
0x4ed: {  	v0 =	vld [tilespmem:s24+$0x250];
	_ =	sdelay $0x4  }
0x4ee: {  	[tilespmem:s12+$0xFFFFFED0] =	vst v0  }
0x4ef: {  	v0 =	vld [tilespmem:s24+$0x260];
	_ =	sdelay $0x4  }
0x4f0: {  	[tilespmem:s12+$0xFFFFFEE0] =	vst v0  }
0x4f1: {  	v0 =	vld [tilespmem:s24+$0x270];
	_ =	sdelay $0x4  }
0x4f2: {  	[tilespmem:s12+$0xFFFFFEF0] =	vst v0  }
0x4f3: {  	v0 =	vld [tilespmem:s23+$0x200];
	_ =	sdelay $0x4  }
0x4f4: {  	[tilespmem:s12+$0xFFFFFF00] =	vst v0  }
0x4f5: {  	v0 =	vld [tilespmem:s23+$0x210];
	_ =	sdelay $0x4  }
0x4f6: {  	[tilespmem:s12+$0xFFFFFF10] =	vst v0  }
0x4f7: {  	v0 =	vld [tilespmem:s23+$0x220];
	_ =	sdelay $0x4  }
0x4f8: {  	[tilespmem:s12+$0xFFFFFF20] =	vst v0  }
0x4f9: {  	v0 =	vld [tilespmem:s23+$0x230];
	_ =	sdelay $0x4  }
0x4fa: {  	[tilespmem:s12+$0xFFFFFF30] =	vst v0  }
0x4fb: {  	v0 =	vld [tilespmem:s23+$0x240];
	_ =	sdelay $0x4  }
0x4fc: {  	[tilespmem:s12+$0xFFFFFF40] =	vst v0  }
0x4fd: {  	v0 =	vld [tilespmem:s23+$0x250];
	_ =	sdelay $0x4  }
0x4fe: {  	[tilespmem:s12+$0xFFFFFF50] =	vst v0  }
0x4ff: {  	v0 =	vld [tilespmem:s23+$0x260];
	_ =	sdelay $0x4  }
0x500: {  	[tilespmem:s12+$0xFFFFFF60] =	vst v0  }
0x501: {  	v0 =	vld [tilespmem:s23+$0x270];
	_ =	sdelay $0x4  }
0x502: {  	[tilespmem:s12+$0xFFFFFF70] =	vst v0  }
0x503: {  	v0 =	vld [tilespmem:s22+$0x200];
	_ =	sdelay $0x4  }
0x504: {  	[tilespmem:s12+$0xFFFFFF80] =	vst v0  }
0x505: {  	v0 =	vld [tilespmem:s22+$0x210];
	_ =	sdelay $0x4  }
0x506: {  	[tilespmem:s12+$0xFFFFFF90] =	vst v0  }
0x507: {  	v0 =	vld [tilespmem:s22+$0x220];
	_ =	sdelay $0x4  }
0x508: {  	[tilespmem:s12+$0xFFFFFFA0] =	vst v0  }
0x509: {  	v0 =	vld [tilespmem:s22+$0x230];
	_ =	sdelay $0x4  }
0x50a: {  	[tilespmem:s12+$0xFFFFFFB0] =	vst v0  }
0x50b: {  	v0 =	vld [tilespmem:s22+$0x240];
	_ =	sdelay $0x4  }
0x50c: {  	[tilespmem:s12+$0xFFFFFFC0] =	vst v0  }
0x50d: {  	v0 =	vld [tilespmem:s22+$0x250];
	_ =	sdelay $0x4  }
0x50e: {  	[tilespmem:s12+$0xFFFFFFD0] =	vst v0  }
0x50f: {  	v0 =	vld [tilespmem:s22+$0x260];
	_ =	sdelay $0x4  }
0x510: {  	[tilespmem:s12+$0xFFFFFFE0] =	vst v0  }
0x511: {  	v0 =	vld [tilespmem:s22+$0x270];
	_ =	sdelay $0x4  }
0x512: {  	[tilespmem:s12+$0xFFFFFFF0] =	vst v0  }
0x513: {  	v0 =	vld [tilespmem:s21+$0x200];
	_ =	sdelay $0x4  }
0x514: {  	[tilespmem:s12+$0x0] =	vst v0  }
0x515: {  	v0 =	vld [tilespmem:s21+$0x210];
	_ =	sdelay $0x4  }
0x516: {  	[tilespmem:s12+$0x10] =	vst v0  }
0x517: {  	v0 =	vld [tilespmem:s21+$0x220];
	_ =	sdelay $0x4  }
0x518: {  	[tilespmem:s12+$0x20] =	vst v0  }
0x519: {  	v0 =	vld [tilespmem:s21+$0x230];
	_ =	sdelay $0x4  }
0x51a: {  	[tilespmem:s12+$0x30] =	vst v0  }
0x51b: {  	v0 =	vld [tilespmem:s21+$0x240];
	_ =	sdelay $0x4  }
0x51c: {  	[tilespmem:s12+$0x40] =	vst v0  }
0x51d: {  	v0 =	vld [tilespmem:s21+$0x250];
	_ =	sdelay $0x4  }
0x51e: {  	[tilespmem:s12+$0x50] =	vst v0  }
0x51f: {  	v0 =	vld [tilespmem:s21+$0x260];
	_ =	sdelay $0x4  }
0x520: {  	[tilespmem:s12+$0x60] =	vst v0  }
0x521: {  	v0 =	vld [tilespmem:s21+$0x270];
	_ =	sdelay $0x4  }
0x522: {  	[tilespmem:s12+$0x70] =	vst v0  }
0x523: {  	v0 =	vld [tilespmem:s20+$0x200];
	_ =	sdelay $0x4  }
0x524: {  	[tilespmem:s12+$0x80] =	vst v0  }
0x525: {  	v0 =	vld [tilespmem:s20+$0x210];
	_ =	sdelay $0x4  }
0x526: {  	[tilespmem:s12+$0x90] =	vst v0  }
0x527: {  	v0 =	vld [tilespmem:s20+$0x220];
	_ =	sdelay $0x4  }
0x528: {  	[tilespmem:s12+$0xA0] =	vst v0  }
0x529: {  	v0 =	vld [tilespmem:s20+$0x230];
	_ =	sdelay $0x4  }
0x52a: {  	[tilespmem:s12+$0xB0] =	vst v0  }
0x52b: {  	v0 =	vld [tilespmem:s20+$0x240];
	_ =	sdelay $0x4  }
0x52c: {  	[tilespmem:s12+$0xC0] =	vst v0  }
0x52d: {  	v0 =	vld [tilespmem:s20+$0x250];
	_ =	sdelay $0x4  }
0x52e: {  	[tilespmem:s12+$0xD0] =	vst v0  }
0x52f: {  	v0 =	vld [tilespmem:s20+$0x260];
	_ =	sdelay $0x4  }
0x530: {  	[tilespmem:s12+$0xE0] =	vst v0  }
0x531: {  	v0 =	vld [tilespmem:s20+$0x270];
	_ =	sdelay $0x4  }
0x532: {  	[tilespmem:s12+$0xF0] =	vst v0  }
0x533: {  	v0 =	vld [tilespmem:s19+$0x200];
	_ =	sdelay $0x4  }
0x534: {  	[tilespmem:s12+$0x100] =	vst v0  }
0x535: {  	v0 =	vld [tilespmem:s19+$0x210];
	_ =	sdelay $0x4  }
0x536: {  	[tilespmem:s12+$0x110] =	vst v0  }
0x537: {  	v0 =	vld [tilespmem:s19+$0x220];
	_ =	sdelay $0x4  }
0x538: {  	[tilespmem:s12+$0x120] =	vst v0  }
0x539: {  	v0 =	vld [tilespmem:s19+$0x230];
	_ =	sdelay $0x4  }
0x53a: {  	[tilespmem:s12+$0x130] =	vst v0  }
0x53b: {  	v0 =	vld [tilespmem:s19+$0x240];
	_ =	sdelay $0x4  }
0x53c: {  	[tilespmem:s12+$0x140] =	vst v0  }
0x53d: {  	v0 =	vld [tilespmem:s19+$0x250];
	_ =	sdelay $0x4  }
0x53e: {  	[tilespmem:s12+$0x150] =	vst v0  }
0x53f: {  	v0 =	vld [tilespmem:s19+$0x260];
	_ =	sdelay $0x4  }
0x540: {  	[tilespmem:s12+$0x160] =	vst v0  }
0x541: {  	v0 =	vld [tilespmem:s19+$0x270];
	_ =	sdelay $0x4  }
0x542: {  	[tilespmem:s12+$0x170] =	vst v0  }
0x543: {  	v0 =	vld [tilespmem:s18+$0x200];
	_ =	sdelay $0x4  }
0x544: {  	[tilespmem:s12+$0x180] =	vst v0  }
0x545: {  	v0 =	vld [tilespmem:s18+$0x210];
	_ =	sdelay $0x4  }
0x546: {  	[tilespmem:s12+$0x190] =	vst v0  }
0x547: {  	v0 =	vld [tilespmem:s18+$0x220];
	_ =	sdelay $0x4  }
0x548: {  	[tilespmem:s12+$0x1A0] =	vst v0  }
0x549: {  	v0 =	vld [tilespmem:s18+$0x230];
	_ =	sdelay $0x4  }
0x54a: {  	[tilespmem:s12+$0x1B0] =	vst v0  }
0x54b: {  	v0 =	vld [tilespmem:s18+$0x240];
	_ =	sdelay $0x4  }
0x54c: {  	[tilespmem:s12+$0x1C0] =	vst v0  }
0x54d: {  	v0 =	vld [tilespmem:s18+$0x250];
	_ =	sdelay $0x4  }
0x54e: {  	[tilespmem:s12+$0x1D0] =	vst v0  }
0x54f: {  	v0 =	vld [tilespmem:s18+$0x260];
	_ =	sdelay $0x4  }
0x550: {  	[tilespmem:s12+$0x1E0] =	vst v0  }
0x551: {  	v0 =	vld [tilespmem:s18+$0x270];
	_ =	sdelay $0x4  }
0x552: {  	[tilespmem:s12+$0x1F0] =	vst v0  }
0x553: {  	v0 =	vld [tilespmem:s17+$0x200];
	_ =	sdelay $0x4  }
0x554: {  	[tilespmem:s12+$0x200] =	vst v0  }
0x555: {  	v0 =	vld [tilespmem:s17+$0x210];
	_ =	sdelay $0x4  }
0x556: {  	[tilespmem:s12+$0x210] =	vst v0  }
0x557: {  	v0 =	vld [tilespmem:s17+$0x220];
	_ =	sdelay $0x4  }
0x558: {  	[tilespmem:s12+$0x220] =	vst v0  }
0x559: {  	v0 =	vld [tilespmem:s17+$0x230];
	_ =	sdelay $0x4  }
0x55a: {  	[tilespmem:s12+$0x230] =	vst v0  }
0x55b: {  	v0 =	vld [tilespmem:s17+$0x240];
	_ =	sdelay $0x4  }
0x55c: {  	[tilespmem:s12+$0x240] =	vst v0  }
0x55d: {  	v0 =	vld [tilespmem:s17+$0x250];
	_ =	sdelay $0x4  }
0x55e: {  	[tilespmem:s12+$0x250] =	vst v0  }
0x55f: {  	v0 =	vld [tilespmem:s17+$0x260];
	_ =	sdelay $0x4  }
0x560: {  	[tilespmem:s12+$0x260] =	vst v0  }
0x561: {  	v0 =	vld [tilespmem:s17+$0x270];
	_ =	sdelay $0x4  }
0x562: {  	[tilespmem:s12+$0x270] =	vst v0  }
0x563: {  	v0 =	vld [tilespmem:s16+$0x200];
	_ =	sdelay $0x4  }
0x564: {  	[tilespmem:s12+$0x280] =	vst v0  }
0x565: {  	v0 =	vld [tilespmem:s16+$0x210];
	_ =	sdelay $0x4  }
0x566: {  	[tilespmem:s12+$0x290] =	vst v0  }
0x567: {  	v0 =	vld [tilespmem:s16+$0x220];
	_ =	sdelay $0x4  }
0x568: {  	[tilespmem:s12+$0x2A0] =	vst v0  }
0x569: {  	v0 =	vld [tilespmem:s16+$0x230];
	_ =	sdelay $0x4  }
0x56a: {  	[tilespmem:s12+$0x2B0] =	vst v0  }
0x56b: {  	v0 =	vld [tilespmem:s16+$0x240];
	_ =	sdelay $0x4  }
0x56c: {  	[tilespmem:s12+$0x2C0] =	vst v0  }
0x56d: {  	v0 =	vld [tilespmem:s16+$0x250];
	_ =	sdelay $0x4  }
0x56e: {  	[tilespmem:s12+$0x2D0] =	vst v0  }
0x56f: {  	v0 =	vld [tilespmem:s16+$0x260];
	_ =	sdelay $0x4  }
0x570: {  	[tilespmem:s12+$0x2E0] =	vst v0  }
0x571: {  	v0 =	vld [tilespmem:s16+$0x270];
	_ =	sdelay $0x4  }
0x572: {  	[tilespmem:s12+$0x2F0] =	vst v0  }
0x573: {  	v0 =	vld [tilespmem:s15+$0x200];
	_ =	sdelay $0x4  }
0x574: {  	[tilespmem:s12+$0x300] =	vst v0  }
0x575: {  	v0 =	vld [tilespmem:s15+$0x210];
	_ =	sdelay $0x4  }
0x576: {  	[tilespmem:s12+$0x310] =	vst v0  }
0x577: {  	v0 =	vld [tilespmem:s15+$0x220];
	_ =	sdelay $0x4  }
0x578: {  	[tilespmem:s12+$0x320] =	vst v0  }
0x579: {  	v0 =	vld [tilespmem:s15+$0x230];
	_ =	sdelay $0x4  }
0x57a: {  	[tilespmem:s12+$0x330] =	vst v0  }
0x57b: {  	v0 =	vld [tilespmem:s15+$0x240];
	_ =	sdelay $0x4  }
0x57c: {  	[tilespmem:s12+$0x340] =	vst v0  }
0x57d: {  	v0 =	vld [tilespmem:s15+$0x250];
	_ =	sdelay $0x4  }
0x57e: {  	[tilespmem:s12+$0x350] =	vst v0  }
0x57f: {  	v0 =	vld [tilespmem:s15+$0x260];
	_ =	sdelay $0x4  }
0x580: {  	[tilespmem:s12+$0x360] =	vst v0  }
0x581: {  	v0 =	vld [tilespmem:s15+$0x270];
	_ =	sdelay $0x4  }
0x582: {  	[tilespmem:s12+$0x370] =	vst v0  }
0x583: {  	v0 =	vld [tilespmem:s14+$0x200];
	_ =	sdelay $0x4  }
0x584: {  	[tilespmem:s12+$0x380] =	vst v0  }
0x585: {  	v0 =	vld [tilespmem:s14+$0x210];
	_ =	sdelay $0x4  }
0x586: {  	[tilespmem:s12+$0x390] =	vst v0  }
0x587: {  	v0 =	vld [tilespmem:s14+$0x220];
	_ =	sdelay $0x4  }
0x588: {  	[tilespmem:s12+$0x3A0] =	vst v0  }
0x589: {  	v0 =	vld [tilespmem:s14+$0x230];
	_ =	sdelay $0x4  }
0x58a: {  	[tilespmem:s12+$0x3B0] =	vst v0  }
0x58b: {  	v0 =	vld [tilespmem:s14+$0x240];
	_ =	sdelay $0x4  }
0x58c: {  	[tilespmem:s12+$0x3C0] =	vst v0  }
0x58d: {  	v0 =	vld [tilespmem:s14+$0x250];
	_ =	sdelay $0x4  }
0x58e: {  	[tilespmem:s12+$0x3D0] =	vst v0  }
0x58f: {  	v0 =	vld [tilespmem:s14+$0x260];
	_ =	sdelay $0x4  }
0x590: {  	[tilespmem:s12+$0x3E0] =	vst v0  }
0x591: {  	v0 =	vld [tilespmem:s14+$0x270]  }
.Ltmp1:
0x592: {  	(pc) =	sbr.rel @p0 .LBB2_4-.Ltmp1, $2  }
0x593: {  	_ =	sdelay $0x2  }
0x594: {  	s14 =	sand.u32 $0xF0, s13;
	s13 =	sadd.s32 $0x10, s13;
	[tilespmem:s12+$0x3F0] =	vst v0  }
0x595: {  	v0 =	vld [tilespmem:s14+$0x100];
	_ =	sdelay $0x4  }
0x596: {  	v0 =	vshll.u32 v0, $0x7  }
0x597: {  	(v2sf) =	vpush v0, $0x0;
	_ =	sdelay $0xe  }
0x598: {  	s13 =	spop (v2sf)  }
0x599: {  	v1 =	vld [tilespmem:s13+$0x200];
	_ =	sdelay $0x3  }
0x59a: {  	s12 =	sadd.s32 $0x800, s12  }
0x59b: {  	[tilespmem:s12+$0xFFFFFC00] =	vst v1  }
0x59c: {  	v1 =	vld [tilespmem:s13+$0x210];
	_ =	sdelay $0x4  }
0x59d: {  	[tilespmem:s12+$0xFFFFFC10] =	vst v1  }
0x59e: {  	v1 =	vld [tilespmem:s13+$0x220];
	_ =	sdelay $0x4  }
0x59f: {  	[tilespmem:s12+$0xFFFFFC20] =	vst v1  }
0x5a0: {  	v1 =	vld [tilespmem:s13+$0x230];
	_ =	sdelay $0x4  }
0x5a1: {  	[tilespmem:s12+$0xFFFFFC30] =	vst v1  }
0x5a2: {  	v1 =	vld [tilespmem:s13+$0x240];
	_ =	sdelay $0x4  }
0x5a3: {  	[tilespmem:s12+$0xFFFFFC40] =	vst v1  }
0x5a4: {  	v1 =	vld [tilespmem:s13+$0x250];
	_ =	sdelay $0x1  }
0x5a5: {  	(v2sf) =	vpush v0, $0x1;
	_ =	sdelay $0x2  }
0x5a6: {  	[tilespmem:s12+$0xFFFFFC50] =	vst v1  }
0x5a7: {  	v1 =	vld [tilespmem:s13+$0x260];
	_ =	sdelay $0x4  }
0x5a8: {  	[tilespmem:s12+$0xFFFFFC60] =	vst v1  }
0x5a9: {  	v1 =	vld [tilespmem:s13+$0x270];
	_ =	sdelay $0x4  }
0x5aa: {  	s16 =	spop (v2sf);
	[tilespmem:s12+$0xFFFFFC70] =	vst v1  }
0x5ab: {  	v1 =	vld [tilespmem:s16+$0x200];
	_ =	sdelay $0x4  }
0x5ac: {  	[tilespmem:s12+$0xFFFFFC80] =	vst v1  }
0x5ad: {  	v1 =	vld [tilespmem:s16+$0x210];
	_ =	sdelay $0x4  }
0x5ae: {  	[tilespmem:s12+$0xFFFFFC90] =	vst v1  }
0x5af: {  	v1 =	vld [tilespmem:s16+$0x220];
	_ =	sdelay $0x4  }
0x5b0: {  	[tilespmem:s12+$0xFFFFFCA0] =	vst v1  }
0x5b1: {  	v1 =	vld [tilespmem:s16+$0x230];
	_ =	sdelay $0x4  }
0x5b2: {  	[tilespmem:s12+$0xFFFFFCB0] =	vst v1  }
0x5b3: {  	v1 =	vld [tilespmem:s16+$0x240];
	_ =	sdelay $0x4  }
0x5b4: {  	[tilespmem:s12+$0xFFFFFCC0] =	vst v1  }
0x5b5: {  	v1 =	vld [tilespmem:s16+$0x250];
	_ =	sdelay $0x1  }
0x5b6: {  	(v2sf) =	vpush v0, $0x2;
	_ =	sdelay $0x2  }
0x5b7: {  	[tilespmem:s12+$0xFFFFFCD0] =	vst v1  }
0x5b8: {  	v1 =	vld [tilespmem:s16+$0x260];
	_ =	sdelay $0x4  }
0x5b9: {  	[tilespmem:s12+$0xFFFFFCE0] =	vst v1  }
0x5ba: {  	v1 =	vld [tilespmem:s16+$0x270];
	_ =	sdelay $0x4  }
0x5bb: {  	s17 =	spop (v2sf);
	[tilespmem:s12+$0xFFFFFCF0] =	vst v1  }
0x5bc: {  	v1 =	vld [tilespmem:s17+$0x200];
	_ =	sdelay $0x4  }
0x5bd: {  	[tilespmem:s12+$0xFFFFFD00] =	vst v1  }
0x5be: {  	v1 =	vld [tilespmem:s17+$0x210];
	_ =	sdelay $0x4  }
0x5bf: {  	[tilespmem:s12+$0xFFFFFD10] =	vst v1  }
0x5c0: {  	v1 =	vld [tilespmem:s17+$0x220];
	_ =	sdelay $0x4  }
0x5c1: {  	[tilespmem:s12+$0xFFFFFD20] =	vst v1  }
0x5c2: {  	v1 =	vld [tilespmem:s17+$0x230];
	_ =	sdelay $0x4  }
0x5c3: {  	[tilespmem:s12+$0xFFFFFD30] =	vst v1  }
0x5c4: {  	v1 =	vld [tilespmem:s17+$0x240];
	_ =	sdelay $0x4  }
0x5c5: {  	[tilespmem:s12+$0xFFFFFD40] =	vst v1  }
0x5c6: {  	v1 =	vld [tilespmem:s17+$0x250];
	_ =	sdelay $0x1  }
0x5c7: {  	(v2sf) =	vpush v0, $0x3;
	_ =	sdelay $0x2  }
0x5c8: {  	[tilespmem:s12+$0xFFFFFD50] =	vst v1  }
0x5c9: {  	v1 =	vld [tilespmem:s17+$0x260];
	_ =	sdelay $0x4  }
0x5ca: {  	[tilespmem:s12+$0xFFFFFD60] =	vst v1  }
0x5cb: {  	v1 =	vld [tilespmem:s17+$0x270];
	_ =	sdelay $0x4  }
0x5cc: {  	s18 =	spop (v2sf);
	[tilespmem:s12+$0xFFFFFD70] =	vst v1  }
0x5cd: {  	v1 =	vld [tilespmem:s18+$0x200];
	_ =	sdelay $0x4  }
0x5ce: {  	[tilespmem:s12+$0xFFFFFD80] =	vst v1  }
0x5cf: {  	v1 =	vld [tilespmem:s18+$0x210];
	_ =	sdelay $0x4  }
0x5d0: {  	[tilespmem:s12+$0xFFFFFD90] =	vst v1  }
0x5d1: {  	v1 =	vld [tilespmem:s18+$0x220];
	_ =	sdelay $0x4  }
0x5d2: {  	[tilespmem:s12+$0xFFFFFDA0] =	vst v1  }
0x5d3: {  	v1 =	vld [tilespmem:s18+$0x230];
	_ =	sdelay $0x4  }
0x5d4: {  	[tilespmem:s12+$0xFFFFFDB0] =	vst v1  }
0x5d5: {  	v1 =	vld [tilespmem:s18+$0x240];
	_ =	sdelay $0x4  }
0x5d6: {  	[tilespmem:s12+$0xFFFFFDC0] =	vst v1  }
0x5d7: {  	v1 =	vld [tilespmem:s18+$0x250];
	_ =	sdelay $0x1  }
0x5d8: {  	(v2sf) =	vpush v0, $0x4;
	_ =	sdelay $0x2  }
0x5d9: {  	[tilespmem:s12+$0xFFFFFDD0] =	vst v1  }
0x5da: {  	v1 =	vld [tilespmem:s18+$0x260];
	_ =	sdelay $0x4  }
0x5db: {  	[tilespmem:s12+$0xFFFFFDE0] =	vst v1  }
0x5dc: {  	v1 =	vld [tilespmem:s18+$0x270];
	_ =	sdelay $0x4  }
0x5dd: {  	s19 =	spop (v2sf);
	[tilespmem:s12+$0xFFFFFDF0] =	vst v1  }
0x5de: {  	v1 =	vld [tilespmem:s19+$0x200];
	_ =	sdelay $0x4  }
0x5df: {  	[tilespmem:s12+$0xFFFFFE00] =	vst v1  }
0x5e0: {  	v1 =	vld [tilespmem:s19+$0x210];
	_ =	sdelay $0x4  }
0x5e1: {  	[tilespmem:s12+$0xFFFFFE10] =	vst v1  }
0x5e2: {  	v1 =	vld [tilespmem:s19+$0x220];
	_ =	sdelay $0x4  }
0x5e3: {  	[tilespmem:s12+$0xFFFFFE20] =	vst v1  }
0x5e4: {  	v1 =	vld [tilespmem:s19+$0x230];
	_ =	sdelay $0x4  }
0x5e5: {  	[tilespmem:s12+$0xFFFFFE30] =	vst v1  }
0x5e6: {  	v1 =	vld [tilespmem:s19+$0x240];
	_ =	sdelay $0x4  }
0x5e7: {  	[tilespmem:s12+$0xFFFFFE40] =	vst v1  }
0x5e8: {  	v1 =	vld [tilespmem:s19+$0x250];
	_ =	sdelay $0x1  }
0x5e9: {  	(v2sf) =	vpush v0, $0x5;
	_ =	sdelay $0x2  }
0x5ea: {  	[tilespmem:s12+$0xFFFFFE50] =	vst v1  }
0x5eb: {  	v1 =	vld [tilespmem:s19+$0x260];
	_ =	sdelay $0x4  }
0x5ec: {  	[tilespmem:s12+$0xFFFFFE60] =	vst v1  }
0x5ed: {  	v1 =	vld [tilespmem:s19+$0x270];
	_ =	sdelay $0x4  }
0x5ee: {  	s20 =	spop (v2sf);
	[tilespmem:s12+$0xFFFFFE70] =	vst v1  }
0x5ef: {  	v1 =	vld [tilespmem:s20+$0x200];
	_ =	sdelay $0x4  }
0x5f0: {  	[tilespmem:s12+$0xFFFFFE80] =	vst v1  }
0x5f1: {  	v1 =	vld [tilespmem:s20+$0x210];
	_ =	sdelay $0x4  }
0x5f2: {  	[tilespmem:s12+$0xFFFFFE90] =	vst v1  }
0x5f3: {  	v1 =	vld [tilespmem:s20+$0x220];
	_ =	sdelay $0x4  }
0x5f4: {  	[tilespmem:s12+$0xFFFFFEA0] =	vst v1  }
0x5f5: {  	v1 =	vld [tilespmem:s20+$0x230];
	_ =	sdelay $0x4  }
0x5f6: {  	[tilespmem:s12+$0xFFFFFEB0] =	vst v1  }
0x5f7: {  	v1 =	vld [tilespmem:s20+$0x240];
	_ =	sdelay $0x4  }
0x5f8: {  	[tilespmem:s12+$0xFFFFFEC0] =	vst v1  }
0x5f9: {  	v1 =	vld [tilespmem:s20+$0x250];
	_ =	sdelay $0x1  }
0x5fa: {  	(v2sf) =	vpush v0, $0x6;
	_ =	sdelay $0x2  }
0x5fb: {  	[tilespmem:s12+$0xFFFFFED0] =	vst v1  }
0x5fc: {  	v1 =	vld [tilespmem:s20+$0x260];
	_ =	sdelay $0x4  }
0x5fd: {  	[tilespmem:s12+$0xFFFFFEE0] =	vst v1  }
0x5fe: {  	v1 =	vld [tilespmem:s20+$0x270];
	_ =	sdelay $0x4  }
0x5ff: {  	s21 =	spop (v2sf);
	[tilespmem:s12+$0xFFFFFEF0] =	vst v1  }
0x600: {  	v1 =	vld [tilespmem:s21+$0x200];
	_ =	sdelay $0x4  }
0x601: {  	[tilespmem:s12+$0xFFFFFF00] =	vst v1  }
0x602: {  	v1 =	vld [tilespmem:s21+$0x210];
	_ =	sdelay $0x4  }
0x603: {  	[tilespmem:s12+$0xFFFFFF10] =	vst v1  }
0x604: {  	v1 =	vld [tilespmem:s21+$0x220];
	_ =	sdelay $0x4  }
0x605: {  	[tilespmem:s12+$0xFFFFFF20] =	vst v1  }
0x606: {  	v1 =	vld [tilespmem:s21+$0x230];
	_ =	sdelay $0x4  }
0x607: {  	[tilespmem:s12+$0xFFFFFF30] =	vst v1  }
0x608: {  	v1 =	vld [tilespmem:s21+$0x240];
	_ =	sdelay $0x4  }
0x609: {  	[tilespmem:s12+$0xFFFFFF40] =	vst v1  }
0x60a: {  	v1 =	vld [tilespmem:s21+$0x250];
	_ =	sdelay $0x1  }
0x60b: {  	(v2sf) =	vpush v0, $0x7;
	_ =	sdelay $0x2  }
0x60c: {  	[tilespmem:s12+$0xFFFFFF50] =	vst v1  }
0x60d: {  	v1 =	vld [tilespmem:s21+$0x260];
	_ =	sdelay $0x4  }
0x60e: {  	[tilespmem:s12+$0xFFFFFF60] =	vst v1  }
0x60f: {  	v1 =	vld [tilespmem:s21+$0x270];
	_ =	sdelay $0x4  }
0x610: {  	s22 =	spop (v2sf);
	[tilespmem:s12+$0xFFFFFF70] =	vst v1  }
0x611: {  	v1 =	vld [tilespmem:s22+$0x200];
	_ =	sdelay $0x4  }
0x612: {  	[tilespmem:s12+$0xFFFFFF80] =	vst v1  }
0x613: {  	v1 =	vld [tilespmem:s22+$0x210];
	_ =	sdelay $0x4  }
0x614: {  	[tilespmem:s12+$0xFFFFFF90] =	vst v1  }
0x615: {  	v1 =	vld [tilespmem:s22+$0x220];
	_ =	sdelay $0x4  }
0x616: {  	[tilespmem:s12+$0xFFFFFFA0] =	vst v1  }
0x617: {  	v1 =	vld [tilespmem:s22+$0x230];
	_ =	sdelay $0x4  }
0x618: {  	[tilespmem:s12+$0xFFFFFFB0] =	vst v1  }
0x619: {  	v1 =	vld [tilespmem:s22+$0x240];
	_ =	sdelay $0x4  }
0x61a: {  	[tilespmem:s12+$0xFFFFFFC0] =	vst v1  }
0x61b: {  	v1 =	vld [tilespmem:s22+$0x250];
	_ =	sdelay $0x1  }
0x61c: {  	(v2sf) =	vpush v0, $0x8;
	_ =	sdelay $0x2  }
0x61d: {  	[tilespmem:s12+$0xFFFFFFD0] =	vst v1  }
0x61e: {  	v1 =	vld [tilespmem:s22+$0x260];
	_ =	sdelay $0x4  }
0x61f: {  	[tilespmem:s12+$0xFFFFFFE0] =	vst v1  }
0x620: {  	v1 =	vld [tilespmem:s22+$0x270];
	_ =	sdelay $0x4  }
0x621: {  	s23 =	spop (v2sf);
	[tilespmem:s12+$0xFFFFFFF0] =	vst v1  }
0x622: {  	v1 =	vld [tilespmem:s23+$0x200];
	_ =	sdelay $0x4  }
0x623: {  	[tilespmem:s12+$0x0] =	vst v1  }
0x624: {  	v1 =	vld [tilespmem:s23+$0x210];
	_ =	sdelay $0x4  }
0x625: {  	[tilespmem:s12+$0x10] =	vst v1  }
0x626: {  	v1 =	vld [tilespmem:s23+$0x220];
	_ =	sdelay $0x4  }
0x627: {  	[tilespmem:s12+$0x20] =	vst v1  }
0x628: {  	v1 =	vld [tilespmem:s23+$0x230];
	_ =	sdelay $0x4  }
0x629: {  	[tilespmem:s12+$0x30] =	vst v1  }
0x62a: {  	v1 =	vld [tilespmem:s23+$0x240];
	_ =	sdelay $0x4  }
0x62b: {  	[tilespmem:s12+$0x40] =	vst v1  }
0x62c: {  	v1 =	vld [tilespmem:s23+$0x250];
	_ =	sdelay $0x1  }
0x62d: {  	(v2sf) =	vpush v0, $0x9;
	_ =	sdelay $0x2  }
0x62e: {  	[tilespmem:s12+$0x50] =	vst v1  }
0x62f: {  	v1 =	vld [tilespmem:s23+$0x260];
	_ =	sdelay $0x4  }
0x630: {  	[tilespmem:s12+$0x60] =	vst v1  }
0x631: {  	v1 =	vld [tilespmem:s23+$0x270];
	_ =	sdelay $0x4  }
0x632: {  	s24 =	spop (v2sf);
	[tilespmem:s12+$0x70] =	vst v1  }
0x633: {  	v1 =	vld [tilespmem:s24+$0x200];
	_ =	sdelay $0x4  }
0x634: {  	[tilespmem:s12+$0x80] =	vst v1  }
0x635: {  	v1 =	vld [tilespmem:s24+$0x210];
	_ =	sdelay $0x4  }
0x636: {  	[tilespmem:s12+$0x90] =	vst v1  }
0x637: {  	v1 =	vld [tilespmem:s24+$0x220];
	_ =	sdelay $0x4  }
0x638: {  	[tilespmem:s12+$0xA0] =	vst v1  }
0x639: {  	v1 =	vld [tilespmem:s24+$0x230];
	_ =	sdelay $0x4  }
0x63a: {  	[tilespmem:s12+$0xB0] =	vst v1  }
0x63b: {  	v1 =	vld [tilespmem:s24+$0x240];
	_ =	sdelay $0x4  }
0x63c: {  	[tilespmem:s12+$0xC0] =	vst v1  }
0x63d: {  	v1 =	vld [tilespmem:s24+$0x250];
	_ =	sdelay $0x1  }
0x63e: {  	(v2sf) =	vpush v0, $0xA;
	_ =	sdelay $0x2  }
0x63f: {  	[tilespmem:s12+$0xD0] =	vst v1  }
0x640: {  	v1 =	vld [tilespmem:s24+$0x260];
	_ =	sdelay $0x4  }
0x641: {  	[tilespmem:s12+$0xE0] =	vst v1  }
0x642: {  	v1 =	vld [tilespmem:s24+$0x270];
	_ =	sdelay $0x4  }
0x643: {  	s25 =	spop (v2sf);
	[tilespmem:s12+$0xF0] =	vst v1  }
0x644: {  	v1 =	vld [tilespmem:s25+$0x200];
	_ =	sdelay $0x4  }
0x645: {  	[tilespmem:s12+$0x100] =	vst v1  }
0x646: {  	v1 =	vld [tilespmem:s25+$0x210];
	_ =	sdelay $0x4  }
0x647: {  	[tilespmem:s12+$0x110] =	vst v1  }
0x648: {  	v1 =	vld [tilespmem:s25+$0x220];
	_ =	sdelay $0x4  }
0x649: {  	[tilespmem:s12+$0x120] =	vst v1  }
0x64a: {  	v1 =	vld [tilespmem:s25+$0x230];
	_ =	sdelay $0x4  }
0x64b: {  	[tilespmem:s12+$0x130] =	vst v1  }
0x64c: {  	v1 =	vld [tilespmem:s25+$0x240];
	_ =	sdelay $0x4  }
0x64d: {  	[tilespmem:s12+$0x140] =	vst v1  }
0x64e: {  	v1 =	vld [tilespmem:s25+$0x250];
	_ =	sdelay $0x1  }
0x64f: {  	(v2sf) =	vpush v0, $0xB;
	_ =	sdelay $0x2  }
0x650: {  	[tilespmem:s12+$0x150] =	vst v1  }
0x651: {  	v1 =	vld [tilespmem:s25+$0x260];
	_ =	sdelay $0x4  }
0x652: {  	[tilespmem:s12+$0x160] =	vst v1  }
0x653: {  	v1 =	vld [tilespmem:s25+$0x270];
	_ =	sdelay $0x4  }
0x654: {  	s26 =	spop (v2sf);
	[tilespmem:s12+$0x170] =	vst v1  }
0x655: {  	v1 =	vld [tilespmem:s26+$0x200];
	_ =	sdelay $0x4  }
0x656: {  	[tilespmem:s12+$0x180] =	vst v1  }
0x657: {  	v1 =	vld [tilespmem:s26+$0x210];
	_ =	sdelay $0x4  }
0x658: {  	[tilespmem:s12+$0x190] =	vst v1  }
0x659: {  	v1 =	vld [tilespmem:s26+$0x220];
	_ =	sdelay $0x4  }
0x65a: {  	[tilespmem:s12+$0x1A0] =	vst v1  }
0x65b: {  	v1 =	vld [tilespmem:s26+$0x230];
	_ =	sdelay $0x4  }
0x65c: {  	[tilespmem:s12+$0x1B0] =	vst v1  }
0x65d: {  	v1 =	vld [tilespmem:s26+$0x240];
	_ =	sdelay $0x4  }
0x65e: {  	[tilespmem:s12+$0x1C0] =	vst v1  }
0x65f: {  	v1 =	vld [tilespmem:s26+$0x250];
	_ =	sdelay $0x1  }
0x660: {  	(v2sf) =	vpush v0, $0xC;
	_ =	sdelay $0x2  }
0x661: {  	[tilespmem:s12+$0x1D0] =	vst v1  }
0x662: {  	v1 =	vld [tilespmem:s26+$0x260];
	_ =	sdelay $0x4  }
0x663: {  	[tilespmem:s12+$0x1E0] =	vst v1  }
0x664: {  	v1 =	vld [tilespmem:s26+$0x270];
	_ =	sdelay $0x4  }
0x665: {  	s28 =	spop (v2sf);
	[tilespmem:s12+$0x1F0] =	vst v1  }
0x666: {  	v1 =	vld [tilespmem:s28+$0x200];
	_ =	sdelay $0x4  }
0x667: {  	[tilespmem:s12+$0x200] =	vst v1  }
0x668: {  	v1 =	vld [tilespmem:s28+$0x210];
	_ =	sdelay $0x4  }
0x669: {  	[tilespmem:s12+$0x210] =	vst v1  }
0x66a: {  	v1 =	vld [tilespmem:s28+$0x220];
	_ =	sdelay $0x4  }
0x66b: {  	[tilespmem:s12+$0x220] =	vst v1  }
0x66c: {  	v1 =	vld [tilespmem:s28+$0x230];
	_ =	sdelay $0x4  }
0x66d: {  	[tilespmem:s12+$0x230] =	vst v1  }
0x66e: {  	v1 =	vld [tilespmem:s28+$0x240];
	_ =	sdelay $0x4  }
0x66f: {  	[tilespmem:s12+$0x240] =	vst v1  }
0x670: {  	v1 =	vld [tilespmem:s28+$0x250];
	_ =	sdelay $0x1  }
0x671: {  	(v2sf) =	vpush v0, $0xD;
	_ =	sdelay $0x2  }
0x672: {  	[tilespmem:s12+$0x250] =	vst v1  }
0x673: {  	v1 =	vld [tilespmem:s28+$0x260];
	_ =	sdelay $0x4  }
0x674: {  	[tilespmem:s12+$0x260] =	vst v1  }
0x675: {  	v1 =	vld [tilespmem:s28+$0x270];
	_ =	sdelay $0x4  }
0x676: {  	s29 =	spop (v2sf);
	[tilespmem:s12+$0x270] =	vst v1  }
0x677: {  	v1 =	vld [tilespmem:s29+$0x200];
	_ =	sdelay $0x4  }
0x678: {  	[tilespmem:s12+$0x280] =	vst v1  }
0x679: {  	v1 =	vld [tilespmem:s29+$0x210];
	_ =	sdelay $0x4  }
0x67a: {  	[tilespmem:s12+$0x290] =	vst v1  }
0x67b: {  	v1 =	vld [tilespmem:s29+$0x220];
	_ =	sdelay $0x4  }
0x67c: {  	[tilespmem:s12+$0x2A0] =	vst v1  }
0x67d: {  	v1 =	vld [tilespmem:s29+$0x230];
	_ =	sdelay $0x4  }
0x67e: {  	[tilespmem:s12+$0x2B0] =	vst v1  }
0x67f: {  	v1 =	vld [tilespmem:s29+$0x240];
	_ =	sdelay $0x4  }
0x680: {  	[tilespmem:s12+$0x2C0] =	vst v1  }
0x681: {  	v1 =	vld [tilespmem:s29+$0x250];
	_ =	sdelay $0x1  }
0x682: {  	(v2sf) =	vpush v0, $0xE;
	_ =	sdelay $0x2  }
0x683: {  	[tilespmem:s12+$0x2D0] =	vst v1  }
0x684: {  	v1 =	vld [tilespmem:s29+$0x260];
	_ =	sdelay $0x4  }
0x685: {  	[tilespmem:s12+$0x2E0] =	vst v1  }
0x686: {  	v1 =	vld [tilespmem:s29+$0x270];
	_ =	sdelay $0x4  }
0x687: {  	s30 =	spop (v2sf);
	[tilespmem:s12+$0x2F0] =	vst v1  }
0x688: {  	v1 =	vld [tilespmem:s30+$0x200];
	_ =	sdelay $0x4  }
0x689: {  	[tilespmem:s12+$0x300] =	vst v1  }
0x68a: {  	v1 =	vld [tilespmem:s30+$0x210];
	_ =	sdelay $0x4  }
0x68b: {  	[tilespmem:s12+$0x310] =	vst v1  }
0x68c: {  	v1 =	vld [tilespmem:s30+$0x220];
	_ =	sdelay $0x4  }
0x68d: {  	[tilespmem:s12+$0x320] =	vst v1  }
0x68e: {  	v1 =	vld [tilespmem:s30+$0x230];
	_ =	sdelay $0x4  }
0x68f: {  	[tilespmem:s12+$0x330] =	vst v1  }
0x690: {  	v1 =	vld [tilespmem:s30+$0x240];
	_ =	sdelay $0x4  }
0x691: {  	[tilespmem:s12+$0x340] =	vst v1  }
0x692: {  	v1 =	vld [tilespmem:s30+$0x250];
	_ =	sdelay $0x1  }
0x693: {  	(v2sf) =	vpush v0, $0xF;
	_ =	sdelay $0x2  }
0x694: {  	[tilespmem:s12+$0x350] =	vst v1  }
0x695: {  	v63 =	vld [tilespmem:s30+$0x260];
	_ =	sdelay $0x4  }
0x696: {  	[tilespmem:s12+$0x360] =	vst v63  }
0x697: {  	v0 =	vld [tilespmem:s30+$0x270];
	_ =	sdelay $0x4  }
0x698: {  	s31 =	spop (v2sf);
	[tilespmem:s12+$0x370] =	vst v0  }
0x699: {  	v0 =	vld [tilespmem:s31+$0x200];
	_ =	sdelay $0x4  }
0x69a: {  	[tilespmem:s12+$0x380] =	vst v0  }
0x69b: {  	v0 =	vld [tilespmem:s31+$0x210];
	_ =	sdelay $0x4  }
0x69c: {  	[tilespmem:s12+$0x390] =	vst v0  }
0x69d: {  	v0 =	vld [tilespmem:s31+$0x220];
	_ =	sdelay $0x4  }
0x69e: {  	[tilespmem:s12+$0x3A0] =	vst v0  }
0x69f: {  	v0 =	vld [tilespmem:s31+$0x230];
	_ =	sdelay $0x4  }
0x6a0: {  	[tilespmem:s12+$0x3B0] =	vst v0  }
0x6a1: {  	v0 =	vld [tilespmem:s31+$0x240];
	_ =	sdelay $0x4  }
0x6a2: {  	[tilespmem:s12+$0x3C0] =	vst v0  }
0x6a3: {  	v0 =	vld [tilespmem:s31+$0x250];
	_ =	sdelay $0x4  }
0x6a4: {  	[tilespmem:s12+$0x3D0] =	vst v0  }
0x6a5: {  	v0 =	vld [tilespmem:s31+$0x260];
	_ =	sdelay $0x4  }
0x6a6: {  	[tilespmem:s12+$0x3E0] =	vst v0  }
0x6a7: {  	v0 =	vld [tilespmem:s31+$0x270];
	_ =	sdelay $0x2  }
0x6a8: {  	s11 =	sadd.s32 $0x1, s11  }
0x6a9: {  	p0 =	sne.s32 s11, s7  }
.Ltmp2:
0x6aa: {  	[tilespmem:s12+$0x3F0] =	vst v0;
	(pc) =	sbr.rel @p0 .LBB2_1-.Ltmp2, $4  }
0x6ab: {  	[hbm4b:s6+s3] =	stream.linear.scatter [tilespmem:s10], [sflag:$0x1], $0x8000, $0x38;
	[tilespmem:$0x8F00] =	vst v63  }
0x6ac: {  	_ =	swait.ge [sflag:s9], $0x8000  }
0x6ad: {  	[sflag:s9] =	ssyncset.done $0x0  }
0x6ae: {  	[sflag:s9] =	ssyncadd.s32 $0xFFFF8000  }
0x6af: {  	_ =	sfence.sel $0x180000  }
0x6b0: {  	[bflag:$0x0] =	sbarrier.arrive $0xFFFF  }
0x6b1: {  	p0 =	sne.s32 s1, $0x0;
	_ =	strace $0x90000047  }
0x6b2: {  	s0 =	sadd.s32 @!p0 $0x100000, s0;
	[bflag:$0x2] =	sbarrier.arrive $0xFFFF  }
0x6b3: {  	[sflag:s0] =	ssyncadd.tile.s32 @!p0 $0x1;
	_ =	shalt  }
.Lfunc_end2:
_tile_overlayer_lowered:
.L_overlay_start_2:
0x6b4: {  	(tag) =	ssettag $0x2  }
0x6b5: {  	s0 =	rddreg [dreg:$0x0];
	s2 =	stileid.u32  }
0x6b6: {  	s1 =	rddreg [dreg:$0x1];
	p0 =	sne.s32 s2, $0x0  }
0x6b7: {  	s3 =	rddreg [dreg:$0x2];
	[bflag:$0x3] =	sbarrier.arrive $0xFFFF;
	s2 =	simm.s32 @!p0 $0x1C01  }
0x6b8: {  	[timem:s3], [sflag:s2] =	dma.local @!p0 [hbm:s0], s1  }
0x6b9: {  	s0 =	simm.s32 @!p0 $0x1  }
0x6ba: {  	_ =	swait.ge @!p0 [sflag:s0], s1  }
0x6bb: {  	s1 =	ssub.s32 @!p0 $0x0, s1;
	[sflag:s0] =	ssyncset.done @!p0 $0x0  }
0x6bc: {  	[sflag:s0] =	ssyncadd.s32 @!p0 s1  }
0x6bd: {  	[bflag:$0x3] =	sbarrier.arrive $0xFFFF  }
0x6be: {  	_ =	shalt  }

</sc_bundles>
